<compile_context>
chip_gen: v7x
topology: tpu7x:2x2x1
jax: 0.10.2.dev20260603
libtpu: 0.0.44.dev20260713+nightly
codegen_flags: <defaults>
</compile_context>

<pallas_src>
import functools

import jax
import jax.numpy as jnp
import numpy as np
from jax.experimental import pallas as pl
from jax.experimental.pallas import tpu as pltpu

RATIOS = (0.5, 1.0, 2.0)
SCALES = (8, 16, 32)
FEAT_STRIDE = 16
IMG_H, IMG_W = 800, 800
N_PRE_NMS = 6000
N_POST_NMS = 300
NMS_THRESH = 0.7
MIN_SIZE = 16.0
A = len(RATIOS) * len(SCALES)
H = W = 50
K = H * W
NA = K * A
NA_PAD = 22528
NMS_N = 6144
NMS_B = 128
NMS_BLOCKS = NMS_N // NMS_B
ROIS_PAD = 304
NMS_S = 512


def _anchor_base():
    py = px = 8.0
    ab = np.zeros((A, 4), dtype=np.float32)
    for i, r in enumerate(RATIOS):
        for j, s in enumerate(SCALES):
            h = 16.0 * s * np.sqrt(r)
            w = 16.0 * s * np.sqrt(1.0 / r)
            k = i * len(SCALES) + j
            ab[k, :] = [py - h / 2.0, px - w / 2.0, py + h / 2.0, px + w / 2.0]
    return ab


def _all_anchors():
    ab = _anchor_base()
    sy = np.arange(0, H * FEAT_STRIDE, FEAT_STRIDE)
    sx = np.arange(0, W * FEAT_STRIDE, FEAT_STRIDE)
    sx, sy = np.meshgrid(sx, sy)
    shift = np.stack([sy.ravel(), sx.ravel(), sy.ravel(), sx.ravel()], axis=1).astype(np.float32)
    anchors = ab[None, :, :] + shift[:, None, :]
    return anchors.reshape(NA, 4).astype(np.float32)


_ANCHORS = _all_anchors()


def _head_body(xp_ref, w1_ref, b1_ref, wall_ref, ball_ref,
               locs_ref, scores_ref, fg_ref):
    h = pl.program_id(0)
    mid = jnp.zeros((W, 512), dtype=jnp.float32)
    for ky in range(3):
        row = xp_ref[pl.ds(h + ky, 1)].reshape(W + 2, 512).astype(jnp.bfloat16)
        for kx in range(3):
            xs = row[kx:kx + W, :]
            mid = mid + jnp.dot(xs, w1_ref[3 * ky + kx],
                                preferred_element_type=jnp.float32)
    mid = jnp.maximum(mid + b1_ref[0], 0.0)
    outall = jnp.dot(mid.astype(jnp.bfloat16), wall_ref[...],
                     preferred_element_type=jnp.float32) + ball_ref[0]
    locs_ref[0] = outall[:, :4 * A]
    scores_ref[0] = outall[:, 4 * A:6 * A]
    s0 = outall[:, 6 * A:7 * A]
    s1 = outall[:, 7 * A:8 * A]
    m = jnp.maximum(s0, s1)
    e0 = jnp.exp(s0 - m)
    e1 = jnp.exp(s1 - m)
    fg_ref[0] = e1 / (e0 + e1)


def _run_head(x, W1, b1, W_score, b_score, W_loc, b_loc):
    xp = jnp.pad(x[0].transpose(1, 2, 0), ((1, 1), (1, 1), (0, 0)))
    w1r = W1.transpose(2, 3, 1, 0).reshape(9, 512, 512).astype(jnp.bfloat16)
    wl = W_loc[:, :, 0, 0].T
    ws = W_score[:, :, 0, 0].T
    ws0 = ws[:, 0::2]
    ws1 = ws[:, 1::2]
    wall = jnp.concatenate([wl, ws, ws0, ws1], axis=1).astype(jnp.bfloat16)
    ball = jnp.concatenate(
        [b_loc, b_score, b_score[0::2], b_score[1::2]])[None, :]

    locs, scores, fg = pl.pallas_call(
        _head_body,
        grid=(H,),
        in_specs=[
            pl.BlockSpec((H + 2, W + 2, 512), lambda h: (0, 0, 0)),
            pl.BlockSpec((9, 512, 512), lambda h: (0, 0, 0)),
            pl.BlockSpec((1, 512), lambda h: (0, 0)),
            pl.BlockSpec((512, 8 * A), lambda h: (0, 0)),
            pl.BlockSpec((1, 8 * A), lambda h: (0, 0)),
        ],
        out_specs=[
            pl.BlockSpec((1, W, 4 * A), lambda h: (h, 0, 0)),
            pl.BlockSpec((1, W, 2 * A), lambda h: (h, 0, 0)),
            pl.BlockSpec((1, W, A), lambda h: (h, 0, 0)),
        ],
        out_shape=[
            jax.ShapeDtypeStruct((H, W, 4 * A), jnp.float32),
            jax.ShapeDtypeStruct((H, W, 2 * A), jnp.float32),
            jax.ShapeDtypeStruct((H, W, A), jnp.float32),
        ],
    )(xp, w1r, b1[None, :], wall, ball)
    return locs, scores, fg


def _decode_body(dy_ref, dx_ref, dh_ref, dw_ref, fg_ref,
                 ha_ref, wa_ref, cya_ref, cxa_ref,
                 y1_ref, x1_ref, y2_ref, x2_ref, sc_ref):
    ha = ha_ref[...]
    wa = wa_ref[...]
    ncy = dy_ref[...] * ha + cya_ref[...]
    ncx = dx_ref[...] * wa + cxa_ref[...]
    nh = jnp.exp(dh_ref[...]) * ha
    nw = jnp.exp(dw_ref[...]) * wa
    y1 = jnp.clip(ncy - 0.5 * nh, 0.0, float(IMG_H))
    x1 = jnp.clip(ncx - 0.5 * nw, 0.0, float(IMG_W))
    y2 = jnp.clip(ncy + 0.5 * nh, 0.0, float(IMG_H))
    x2 = jnp.clip(ncx + 0.5 * nw, 0.0, float(IMG_W))
    y1_ref[...] = y1
    x1_ref[...] = x1
    y2_ref[...] = y2
    x2_ref[...] = x2
    ok = ((y2 - y1) >= MIN_SIZE) & ((x2 - x1) >= MIN_SIZE)
    idx = jax.lax.broadcasted_iota(jnp.int32, (8, NA_PAD // 8), 0) * (NA_PAD // 8) \
        + jax.lax.broadcasted_iota(jnp.int32, (8, NA_PAD // 8), 1)
    ok = ok & (idx < NA)
    sc_ref[...] = jnp.where(ok, fg_ref[...], -jnp.inf)


def _run_decode(locs, fg):
    loc4 = locs.reshape(NA, 4)
    pad = NA_PAD - NA

    def shape8(v):
        return jnp.pad(v, (0, pad)).reshape(8, NA_PAD // 8)

    dy = shape8(loc4[:, 0])
    dx = shape8(loc4[:, 1])
    dh = shape8(loc4[:, 2])
    dw = shape8(loc4[:, 3])
    fgv = shape8(fg.reshape(NA))

    anc = _ANCHORS
    ha_n = anc[:, 2] - anc[:, 0]
    wa_n = anc[:, 3] - anc[:, 1]
    cya_n = anc[:, 0] + 0.5 * ha_n
    cxa_n = anc[:, 1] + 0.5 * wa_n
    consts = [shape8(jnp.asarray(v)) for v in (ha_n, wa_n, cya_n, cxa_n)]

    outs = pl.pallas_call(
        _decode_body,
        out_shape=[jax.ShapeDtypeStruct((8, NA_PAD // 8), jnp.float32)] * 5,
    )(dy, dx, dh, dw, fgv, *consts)
    return outs


def _lane_cumsum(v):
    n = v.shape[1]
    s = 1
    while s < n:
        shifted = jnp.concatenate(
            [jnp.zeros((1, s), v.dtype), v[:, :n - s]], axis=1)
        v = v + shifted
        s *= 2
    return v


def _nms_body(y1r_ref, x1r_ref, y2r_ref, x2r_ref,
              y1c_ref, x1c_ref, y2c_ref, x2c_ref,
              sout_ref, s_ref, tl_ref, act_ref, ar_ref):
    k = pl.program_id(0)
    lane = jax.lax.broadcasted_iota(jnp.int32, (1, NMS_B), 1)
    gcol = jax.lax.broadcasted_iota(jnp.int32, (1, NMS_N), 1)

    @pl.when(k == 0)
    def _init():
        s_ref[...] = jnp.zeros_like(s_ref)
        y1r = y1r_ref[...]
        x1r = x1r_ref[...]
        y2r = y2r_ref[...]
        x2r = x2r_ref[...]
        ar_ref[...] = (jnp.maximum(y2r - y1r, 0.0)
                       * jnp.maximum(x2r - x1r, 0.0))

    y1c = y1c_ref[pl.ds(k * NMS_B, NMS_B)]
    x1c = x1c_ref[pl.ds(k * NMS_B, NMS_B)]
    y2c = y2c_ref[pl.ds(k * NMS_B, NMS_B)]
    x2c = x2c_ref[pl.ds(k * NMS_B, NMS_B)]
    area_c = jnp.maximum(y2c - y1c, 0.0) * jnp.maximum(x2c - x1c, 0.0)

    def iou01(off, width):
        y1t = y1r_ref[:, pl.ds(off, width)]
        x1t = x1r_ref[:, pl.ds(off, width)]
        y2t = y2r_ref[:, pl.ds(off, width)]
        x2t = x2r_ref[:, pl.ds(off, width)]
        art = ar_ref[:, pl.ds(off, width)]
        ih = jnp.maximum(jnp.minimum(y2c, y2t) - jnp.maximum(y1c, y1t), 0.0)
        iw = jnp.maximum(jnp.minimum(x2c, x2t) - jnp.maximum(x1c, x1t), 0.0)
        inter = ih * iw
        iou = inter / (area_c + art - inter + 1e-9)
        return jnp.where(iou >= NMS_THRESH, 1.0, 0.0)

    tl_ref[...] = iou01(k * NMS_B, NMS_B)
    sb = s_ref[:, pl.ds(k * NMS_B, NMS_B)]
    for i in range(NMS_B):
        onehot = jnp.where(lane == i, 1.0, 0.0)
        s_i = jnp.sum(sb * onehot, axis=1, keepdims=True)
        active = 1.0 - s_i
        act_ref[pl.ds(i, 1), :] = active
        rowl = tl_ref[pl.ds(i, 1), :]
        contribl = rowl * jnp.where(lane > i, 1.0, 0.0) * active
        sb = jnp.maximum(sb, contribl)
    s_ref[:, pl.ds(k * NMS_B, NMS_B)] = sb

    act = act_ref[...]
    g_end = (k + 1) * NMS_B
    stripe_lane = jax.lax.broadcasted_iota(jnp.int32, (1, NMS_S), 1)

    def stripe_body(jt, _):
        off = pl.multiple_of(jt * NMS_S, NMS_S)
        colmask = jnp.where(off + stripe_lane >= g_end, 1.0, 0.0)
        masked = iou01(off, NMS_S) * act * colmask
        m = jnp.max(masked, axis=0, keepdims=True)
        s_ref[:, pl.ds(off, NMS_S)] = jnp.maximum(
            s_ref[:, pl.ds(off, NMS_S)], m)
        return 0

    jax.lax.fori_loop(((k + 1) * NMS_B) // NMS_S, NMS_N // NMS_S,
                      stripe_body, 0)

    @pl.when(k == NMS_BLOCKS - 1)
    def _emit():
        sout_ref[...] = s_ref[...]


def _select_body(s_ref, y1c_ref, x1c_ref, y2c_ref, x2c_ref, rois_ref):
    gcol = jax.lax.broadcasted_iota(jnp.int32, (1, NMS_N), 1)
    keep_eff = jnp.where(
        (s_ref[...] < 0.5) & (gcol < N_PRE_NMS), 1.0, 0.0)
    nk = _lane_cumsum(keep_eff)
    total = jnp.max(nk)
    gf = gcol.astype(jnp.float32)
    rank = jnp.where(keep_eff > 0.5, nk - 1.0, total + gf - nk)
    rank_i = rank.astype(jnp.int32)
    riota = jax.lax.broadcasted_iota(jnp.int32, (ROIS_PAD, 1), 0)
    oh = jnp.where(riota == rank_i, 1.0, 0.0)
    roimat = jnp.concatenate(
        [y1c_ref[...], x1c_ref[...], y2c_ref[...], x2c_ref[...]],
        axis=1)
    rois_ref[...] = jnp.dot(oh, roimat,
                            preferred_element_type=jnp.float32,
                            precision=jax.lax.Precision.HIGHEST)


def _run_nms(y1s, x1s, y2s, x2s):
    def rows(v):
        return v[None, :]

    def cols(v):
        return v.reshape(NMS_N, 1)

    cy1, cx1, cy2, cx2 = cols(y1s), cols(x1s), cols(y2s), cols(x2s)
    s = pl.pallas_call(
        _nms_body,
        grid=(NMS_BLOCKS,),
        in_specs=[pl.BlockSpec((1, NMS_N), lambda k: (0, 0))] * 4
        + [pl.BlockSpec((NMS_N, 1), lambda k: (0, 0))] * 4,
        out_specs=pl.BlockSpec((1, NMS_N), lambda k: (0, 0)),
        out_shape=jax.ShapeDtypeStruct((1, NMS_N), jnp.float32),
        scratch_shapes=[
            pltpu.VMEM((1, NMS_N), jnp.float32),
            pltpu.VMEM((NMS_B, NMS_B), jnp.float32),
            pltpu.VMEM((NMS_B, 1), jnp.float32),
            pltpu.VMEM((1, NMS_N), jnp.float32),
        ],
    )(rows(y1s), rows(x1s), rows(y2s), rows(x2s), cy1, cx1, cy2, cx2)
    rois = pl.pallas_call(
        _select_body,
        out_shape=jax.ShapeDtypeStruct((ROIS_PAD, 4), jnp.float32),
    )(s, cy1, cx1, cy2, cx2)
    return rois[:N_POST_NMS]


def kernel(x, W1, b1, W_score, b_score, W_loc, b_loc):
    locs, scores, fg = _run_head(x, W1, b1, W_score, b_score, W_loc, b_loc)
    rpn_locs = locs.reshape(1, NA, 4)
    rpn_scores = scores.reshape(1, NA, 2)

    y1, x1, y2, x2, sc = _run_decode(locs, fg)
    sc_flat = sc.reshape(NA_PAD)
    _, order = jax.lax.top_k(sc_flat, N_PRE_NMS)

    def g(v):
        return v.reshape(NA_PAD)[order]

    y1s, x1s, y2s, x2s = g(y1), g(x1), g(y2), g(x2)
    pad = NMS_N - N_PRE_NMS
    rois = _run_nms(jnp.pad(y1s, (0, pad)), jnp.pad(x1s, (0, pad)),
                    jnp.pad(y2s, (0, pad)), jnp.pad(x2s, (0, pad)))
    roi_indices = jnp.zeros((N_POST_NMS,), dtype=jnp.int32)
    anchors = jnp.asarray(_ANCHORS)
    return rpn_locs, rpn_scores, rois, roi_indices, anchors

# --- scband reference (transcript-rebuilt; emitter-appended) ---
"""Pipeline reference for scband-region-proposal-network-15874199126624 (READ-ONLY COPY).

The authoritative reference and input builder live on the scoring server;
editing this copy changes nothing except your own understanding.
"""

import jax, jax.numpy as jnp
import numpy as np

RATIOS = (0.5, 1.0, 2.0)
SCALES = (8, 16, 32)
FEAT_STRIDE = 16
IMG_H, IMG_W = 800, 800
N_PRE_NMS = 6000
N_POST_NMS = 300
NMS_THRESH = 0.7
MIN_SIZE = 16.0
A = len(RATIOS) * len(SCALES)


def generate_anchor_base(base_size=16, ratios=RATIOS, scales=SCALES):
    py = base_size / 2.0
    px = base_size / 2.0
    ab = np.zeros((len(ratios) * len(scales), 4), dtype=np.float32)
    for i, r in enumerate(ratios):
        for j, s in enumerate(scales):
            h = base_size * s * np.sqrt(r)
            w = base_size * s * np.sqrt(1.0 / r)
            k = i * len(scales) + j
            ab[k, :] = [py - h / 2.0, px - w / 2.0, py + h / 2.0, px + w / 2.0]
    return ab


def enumerate_shifted_anchors(anchor_base, feat_stride, H, W):
    sy = np.arange(0, H * feat_stride, feat_stride)
    sx = np.arange(0, W * feat_stride, feat_stride)
    sx, sy = np.meshgrid(sx, sy)
    shift = np.stack([sy.ravel(), sx.ravel(), sy.ravel(), sx.ravel()], axis=1).astype(np.float32)
    K = shift.shape[0]
    anchors = anchor_base[None, :, :] + shift[:, None, :]
    return anchors.reshape(K * anchor_base.shape[0], 4).astype(np.float32)


def conv2d(x, W, b, padding):
    y = jax.lax.conv_general_dilated(x, W, (1, 1), padding, dimension_numbers=('NCHW', 'OIHW', 'NCHW'))
    return y + b[None, :, None, None]


def loc2bbox(src, loc):
    h = src[:, 2] - src[:, 0]
    w = src[:, 3] - src[:, 1]
    cy = src[:, 0] + 0.5 * h
    cx = src[:, 1] + 0.5 * w
    dy, dx, dh, dw = loc[:, 0], loc[:, 1], loc[:, 2], loc[:, 3]
    ncy = dy * h + cy
    ncx = dx * w + cx
    nh = jnp.exp(dh) * h
    nw = jnp.exp(dw) * w
    return jnp.stack([ncy - 0.5 * nh, ncx - 0.5 * nw, ncy + 0.5 * nh, ncx + 0.5 * nw], axis=1)


def nms_keep(boxes, thresh):
    n = boxes.shape[0]
    idxs = jnp.arange(n)

    def body(i, keep):
        box = boxes[i]
        tl = jnp.maximum(box[:2], boxes[:, :2])
        br = jnp.minimum(box[2:], boxes[:, 2:])
        wh = jnp.maximum(br - tl, 0.0)
        inter = wh[:, 0] * wh[:, 1]
        area_a = jnp.maximum(box[2] - box[0], 0.0) * jnp.maximum(box[3] - box[1], 0.0)
        area_b = jnp.maximum(boxes[:, 2] - boxes[:, 0], 0.0) * jnp.maximum(boxes[:, 3] - boxes[:, 1], 0.0)
        iou = inter / (area_a + area_b - inter + 1e-9)
        suppress = (iou >= thresh) & (idxs > i) & keep[i]
        return keep & (~suppress)

    return jax.lax.fori_loop(0, n, body, jnp.ones((n,), dtype=bool))


def rpn_forward(x, W1, b1, W_score, b_score, W_loc, b_loc):
    N, C, H, W = x.shape
    mid = jax.nn.relu(conv2d(x, W1, b1, 'SAME'))
    rpn_locs = conv2d(mid, W_loc, b_loc, 'VALID')
    rpn_scores = conv2d(mid, W_score, b_score, 'VALID')
    rpn_locs = rpn_locs.transpose(0, 2, 3, 1).reshape(N, -1, 4)
    rpn_scores = rpn_scores.transpose(0, 2, 3, 1).reshape(N, H, W, A, 2)
    fg_scores = jax.nn.softmax(rpn_scores, axis=-1)[..., 1].reshape(N, -1)
    rpn_scores = rpn_scores.reshape(N, -1, 2)
    anchors = jnp.asarray(enumerate_shifted_anchors(generate_anchor_base(), FEAT_STRIDE, H, W))
    # proposal layer (batch element 0)
    roi = loc2bbox(anchors, rpn_locs[0])
    roi = jnp.stack([
        jnp.clip(roi[:, 0], 0.0, float(IMG_H)),
        jnp.clip(roi[:, 1], 0.0, float(IMG_W)),
        jnp.clip(roi[:, 2], 0.0, float(IMG_H)),
        jnp.clip(roi[:, 3], 0.0, float(IMG_W)),
    ], axis=1)
    hs = roi[:, 2] - roi[:, 0]
    ws = roi[:, 3] - roi[:, 1]
    score = jnp.where((hs >= MIN_SIZE) & (ws >= MIN_SIZE), fg_scores[0], -jnp.inf)
    order = jnp.argsort(-score)[:N_PRE_NMS]
    roi = roi[order]
    keep = nms_keep(jax.lax.stop_gradient(roi), NMS_THRESH)
    sel = jnp.argsort(jnp.where(keep, 0, 1))[:N_POST_NMS]
    rois = roi[sel]
    roi_indices = jnp.zeros((N_POST_NMS,), dtype=jnp.int32)
    return rpn_locs, rpn_scores, rois, roi_indices, anchors


def setup_inputs(seed: int = 0) -> dict:
    key = jax.random.key(seed)
    ks = jax.random.split(key, 4)
    C, MID = 512, 512
    x = jax.random.normal(ks[0], (1, C, 50, 50), dtype=jnp.float32)
    W1 = jax.random.normal(ks[1], (MID, C, 3, 3), dtype=jnp.float32) * 0.01
    b1 = jnp.zeros((MID,), dtype=jnp.float32)
    W_score = jax.random.normal(ks[2], (A * 2, MID, 1, 1), dtype=jnp.float32) * 0.01
    b_score = jnp.zeros((A * 2,), dtype=jnp.float32)
    W_loc = jax.random.normal(ks[3], (A * 4, MID, 1, 1), dtype=jnp.float32) * 0.01
    b_loc = jnp.zeros((A * 4,), dtype=jnp.float32)
    return {"x": x, "W1": W1, "b1": b1, "W_score": W_score, "b_score": b_score, "W_loc": W_loc, "b_loc": b_loc}


def reference(x, W1, b1, W_score, b_score, W_loc, b_loc):
    return rpn_forward(x, W1, b1, W_score, b_score, W_loc, b_loc)

if __name__ == "__main__":
    import jax
    _d = setup_inputs()
    print(jax.jit(kernel)(*tuple(_d.values())))

</pallas_src>

<mosaic_0001>
module attributes {stable_mosaic.version = 14 : i64} {
  func.func @_head_body(%arg0: i32, %arg1: memref<52x52x512xf32, #tpu.memory_space<vmem>>, %arg2: memref<9x512x512xbf16, #tpu.memory_space<vmem>>, %arg3: memref<1x512xf32, #tpu.memory_space<vmem>>, %arg4: memref<512x72xbf16, #tpu.memory_space<vmem>>, %arg5: memref<1x72xf32, #tpu.memory_space<vmem>>, %arg6: memref<1x50x36xf32, #tpu.memory_space<vmem>>, %arg7: memref<1x50x18xf32, #tpu.memory_space<vmem>>, %arg8: memref<1x50x9xf32, #tpu.memory_space<vmem>>) attributes {dimension_semantics = [#tpu.dimension_semantics<arbitrary>], iteration_bounds = array<i64: 50>, scalar_prefetch = 0 : i64, scratch_operands = 0 : i64, tpu.core_type = #tpu.core_type<tc>, window_params = [{pipeline_mode = #tpu.pipeline_mode<synchronous>, transform_indices = @transform_0, window_bounds = array<i64: 52, 52, 512>}, {pipeline_mode = #tpu.pipeline_mode<synchronous>, transform_indices = @transform_1, window_bounds = array<i64: 9, 512, 512>}, {pipeline_mode = #tpu.pipeline_mode<synchronous>, transform_indices = @transform_2, window_bounds = array<i64: 1, 512>}, {pipeline_mode = #tpu.pipeline_mode<synchronous>, transform_indices = @transform_3, window_bounds = array<i64: 512, 72>}, {pipeline_mode = #tpu.pipeline_mode<synchronous>, transform_indices = @transform_4, window_bounds = array<i64: 1, 72>}, {transform_indices = @transform_5, window_bounds = array<i64: 1, 50, 36>}, {transform_indices = @transform_6, window_bounds = array<i64: 1, 50, 18>}, {transform_indices = @transform_7, window_bounds = array<i64: 1, 50, 9>}]} {
    %broadcast_in_dim3A = arith.constant 0.000000e+00 : f32
    %broadcast_in_dim3A_0 = vector.broadcast %broadcast_in_dim3A : f32 to vector<50x512xf32>
    %add3A = arith.constant 0 : i32
    %add3A_1 = arith.addi %arg0, %add3A : i32
    %get3A = arith.index_cast %add3A_1 : i32 to index
    %get3A_2 = arith.constant 0 : index
    %get3A_3 = arith.constant 0 : index
    %get3A_4 = vector.load %arg1[%get3A, %get3A_2, %get3A_3] : memref<52x52x512xf32, #tpu.memory_space<vmem>>, vector<1x52x512xf32>
    %reshape3A = vector.shape_cast %get3A_4 : vector<1x52x512xf32> to vector<52x512xf32>
    %convert_element_type3A = arith.truncf %reshape3A : vector<52x512xf32> to vector<52x512xbf16>
    %slice3A = vector.extract_strided_slice %convert_element_type3A {offsets = [0, 0], sizes = [50, 512], strides = [1, 1]} : vector<52x512xbf16> to vector<50x512xbf16>
    %get3A_5 = arith.constant 0 : index
    %get3A_6 = arith.constant 0 : index
    %get3A_7 = arith.constant 0 : index
    %get3A_8 = vector.load %arg2[%get3A_5, %get3A_6, %get3A_7] : memref<9x512x512xbf16, #tpu.memory_space<vmem>>, vector<1x512x512xbf16>
    %get3A_9 = vector.shape_cast %get3A_8 : vector<1x512x512xbf16> to vector<512x512xbf16>
    %dot_general3A = arith.constant dense<0.000000e+00> : vector<50x512xf32>
    %dot_general3A_10 = tpu.matmul %slice3A, %get3A_9, %dot_general3A {dimension_numbers = #tpu.dot_dimension_numbers<[1], [0], [0], [1], [0, 0, 1, 1], [], []>, transpose_lhs_hint = false} : vector<50x512xbf16>, vector<512x512xbf16>, vector<50x512xf32> -> vector<50x512xf32>
    %add3A_11 = arith.addf %broadcast_in_dim3A_0, %dot_general3A_10 : vector<50x512xf32>
    %slice3A_12 = vector.extract_strided_slice %convert_element_type3A {offsets = [1, 0], sizes = [50, 512], strides = [1, 1]} : vector<52x512xbf16> to vector<50x512xbf16>
    %get3A_13 = arith.constant 1 : index
    %get3A_14 = arith.constant 0 : index
    %get3A_15 = arith.constant 0 : index
    %get3A_16 = vector.load %arg2[%get3A_13, %get3A_14, %get3A_15] : memref<9x512x512xbf16, #tpu.memory_space<vmem>>, vector<1x512x512xbf16>
    %get3A_17 = vector.shape_cast %get3A_16 : vector<1x512x512xbf16> to vector<512x512xbf16>
    %dot_general3A_18 = arith.constant dense<0.000000e+00> : vector<50x512xf32>
    %dot_general3A_19 = tpu.matmul %slice3A_12, %get3A_17, %dot_general3A_18 {dimension_numbers = #tpu.dot_dimension_numbers<[1], [0], [0], [1], [0, 0, 1, 1], [], []>, transpose_lhs_hint = false} : vector<50x512xbf16>, vector<512x512xbf16>, vector<50x512xf32> -> vector<50x512xf32>
    %add3A_20 = arith.addf %add3A_11, %dot_general3A_19 : vector<50x512xf32>
    %slice3A_21 = vector.extract_strided_slice %convert_element_type3A {offsets = [2, 0], sizes = [50, 512], strides = [1, 1]} : vector<52x512xbf16> to vector<50x512xbf16>
    %get3A_22 = arith.constant 2 : index
    %get3A_23 = arith.constant 0 : index
    %get3A_24 = arith.constant 0 : index
    %get3A_25 = vector.load %arg2[%get3A_22, %get3A_23, %get3A_24] : memref<9x512x512xbf16, #tpu.memory_space<vmem>>, vector<1x512x512xbf16>
    %get3A_26 = vector.shape_cast %get3A_25 : vector<1x512x512xbf16> to vector<512x512xbf16>
    %dot_general3A_27 = arith.constant dense<0.000000e+00> : vector<50x512xf32>
    %dot_general3A_28 = tpu.matmul %slice3A_21, %get3A_26, %dot_general3A_27 {dimension_numbers = #tpu.dot_dimension_numbers<[1], [0], [0], [1], [0, 0, 1, 1], [], []>, transpose_lhs_hint = false} : vector<50x512xbf16>, vector<512x512xbf16>, vector<50x512xf32> -> vector<50x512xf32>
    %add3A_29 = arith.addf %add3A_20, %dot_general3A_28 : vector<50x512xf32>
    %add3A_30 = arith.constant 1 : i32
    %add3A_31 = arith.addi %arg0, %add3A_30 : i32
    %get3A_32 = arith.index_cast %add3A_31 : i32 to index
    %get3A_33 = arith.constant 0 : index
    %get3A_34 = arith.constant 0 : index
    %get3A_35 = vector.load %arg1[%get3A_32, %get3A_33, %get3A_34] : memref<52x52x512xf32, #tpu.memory_space<vmem>>, vector<1x52x512xf32>
    %reshape3A_36 = vector.shape_cast %get3A_35 : vector<1x52x512xf32> to vector<52x512xf32>
    %convert_element_type3A_37 = arith.truncf %reshape3A_36 : vector<52x512xf32> to vector<52x512xbf16>
    %slice3A_38 = vector.extract_strided_slice %convert_element_type3A_37 {offsets = [0, 0], sizes = [50, 512], strides = [1, 1]} : vector<52x512xbf16> to vector<50x512xbf16>
    %get3A_39 = arith.constant 3 : index
    %get3A_40 = arith.constant 0 : index
    %get3A_41 = arith.constant 0 : index
    %get3A_42 = vector.load %arg2[%get3A_39, %get3A_40, %get3A_41] : memref<9x512x512xbf16, #tpu.memory_space<vmem>>, vector<1x512x512xbf16>
    %get3A_43 = vector.shape_cast %get3A_42 : vector<1x512x512xbf16> to vector<512x512xbf16>
    %dot_general3A_44 = arith.constant dense<0.000000e+00> : vector<50x512xf32>
    %dot_general3A_45 = tpu.matmul %slice3A_38, %get3A_43, %dot_general3A_44 {dimension_numbers = #tpu.dot_dimension_numbers<[1], [0], [0], [1], [0, 0, 1, 1], [], []>, transpose_lhs_hint = false} : vector<50x512xbf16>, vector<512x512xbf16>, vector<50x512xf32> -> vector<50x512xf32>
    %add3A_46 = arith.addf %add3A_29, %dot_general3A_45 : vector<50x512xf32>
    %slice3A_47 = vector.extract_strided_slice %convert_element_type3A_37 {offsets = [1, 0], sizes = [50, 512], strides = [1, 1]} : vector<52x512xbf16> to vector<50x512xbf16>
    %get3A_48 = arith.constant 4 : index
    %get3A_49 = arith.constant 0 : index
    %get3A_50 = arith.constant 0 : index
    %get3A_51 = vector.load %arg2[%get3A_48, %get3A_49, %get3A_50] : memref<9x512x512xbf16, #tpu.memory_space<vmem>>, vector<1x512x512xbf16>
    %get3A_52 = vector.shape_cast %get3A_51 : vector<1x512x512xbf16> to vector<512x512xbf16>
    %dot_general3A_53 = arith.constant dense<0.000000e+00> : vector<50x512xf32>
    %dot_general3A_54 = tpu.matmul %slice3A_47, %get3A_52, %dot_general3A_53 {dimension_numbers = #tpu.dot_dimension_numbers<[1], [0], [0], [1], [0, 0, 1, 1], [], []>, transpose_lhs_hint = false} : vector<50x512xbf16>, vector<512x512xbf16>, vector<50x512xf32> -> vector<50x512xf32>
    %add3A_55 = arith.addf %add3A_46, %dot_general3A_54 : vector<50x512xf32>
    %slice3A_56 = vector.extract_strided_slice %convert_element_type3A_37 {offsets = [2, 0], sizes = [50, 512], strides = [1, 1]} : vector<52x512xbf16> to vector<50x512xbf16>
    %get3A_57 = arith.constant 5 : index
    %get3A_58 = arith.constant 0 : index
    %get3A_59 = arith.constant 0 : index
    %get3A_60 = vector.load %arg2[%get3A_57, %get3A_58, %get3A_59] : memref<9x512x512xbf16, #tpu.memory_space<vmem>>, vector<1x512x512xbf16>
    %get3A_61 = vector.shape_cast %get3A_60 : vector<1x512x512xbf16> to vector<512x512xbf16>
    %dot_general3A_62 = arith.constant dense<0.000000e+00> : vector<50x512xf32>
    %dot_general3A_63 = tpu.matmul %slice3A_56, %get3A_61, %dot_general3A_62 {dimension_numbers = #tpu.dot_dimension_numbers<[1], [0], [0], [1], [0, 0, 1, 1], [], []>, transpose_lhs_hint = false} : vector<50x512xbf16>, vector<512x512xbf16>, vector<50x512xf32> -> vector<50x512xf32>
    %add3A_64 = arith.addf %add3A_55, %dot_general3A_63 : vector<50x512xf32>
    %add3A_65 = arith.constant 2 : i32
    %add3A_66 = arith.addi %arg0, %add3A_65 : i32
    %get3A_67 = arith.index_cast %add3A_66 : i32 to index
    %get3A_68 = arith.constant 0 : index
    %get3A_69 = arith.constant 0 : index
    %get3A_70 = vector.load %arg1[%get3A_67, %get3A_68, %get3A_69] : memref<52x52x512xf32, #tpu.memory_space<vmem>>, vector<1x52x512xf32>
    %reshape3A_71 = vector.shape_cast %get3A_70 : vector<1x52x512xf32> to vector<52x512xf32>
    %convert_element_type3A_72 = arith.truncf %reshape3A_71 : vector<52x512xf32> to vector<52x512xbf16>
    %slice3A_73 = vector.extract_strided_slice %convert_element_type3A_72 {offsets = [0, 0], sizes = [50, 512], strides = [1, 1]} : vector<52x512xbf16> to vector<50x512xbf16>
    %get3A_74 = arith.constant 6 : index
    %get3A_75 = arith.constant 0 : index
    %get3A_76 = arith.constant 0 : index
    %get3A_77 = vector.load %arg2[%get3A_74, %get3A_75, %get3A_76] : memref<9x512x512xbf16, #tpu.memory_space<vmem>>, vector<1x512x512xbf16>
    %get3A_78 = vector.shape_cast %get3A_77 : vector<1x512x512xbf16> to vector<512x512xbf16>
    %dot_general3A_79 = arith.constant dense<0.000000e+00> : vector<50x512xf32>
    %dot_general3A_80 = tpu.matmul %slice3A_73, %get3A_78, %dot_general3A_79 {dimension_numbers = #tpu.dot_dimension_numbers<[1], [0], [0], [1], [0, 0, 1, 1], [], []>, transpose_lhs_hint = false} : vector<50x512xbf16>, vector<512x512xbf16>, vector<50x512xf32> -> vector<50x512xf32>
    %add3A_81 = arith.addf %add3A_64, %dot_general3A_80 : vector<50x512xf32>
    %slice3A_82 = vector.extract_strided_slice %convert_element_type3A_72 {offsets = [1, 0], sizes = [50, 512], strides = [1, 1]} : vector<52x512xbf16> to vector<50x512xbf16>
    %get3A_83 = arith.constant 7 : index
    %get3A_84 = arith.constant 0 : index
    %get3A_85 = arith.constant 0 : index
    %get3A_86 = vector.load %arg2[%get3A_83, %get3A_84, %get3A_85] : memref<9x512x512xbf16, #tpu.memory_space<vmem>>, vector<1x512x512xbf16>
    %get3A_87 = vector.shape_cast %get3A_86 : vector<1x512x512xbf16> to vector<512x512xbf16>
    %dot_general3A_88 = arith.constant dense<0.000000e+00> : vector<50x512xf32>
    %dot_general3A_89 = tpu.matmul %slice3A_82, %get3A_87, %dot_general3A_88 {dimension_numbers = #tpu.dot_dimension_numbers<[1], [0], [0], [1], [0, 0, 1, 1], [], []>, transpose_lhs_hint = false} : vector<50x512xbf16>, vector<512x512xbf16>, vector<50x512xf32> -> vector<50x512xf32>
    %add3A_90 = arith.addf %add3A_81, %dot_general3A_89 : vector<50x512xf32>
    %slice3A_91 = vector.extract_strided_slice %convert_element_type3A_72 {offsets = [2, 0], sizes = [50, 512], strides = [1, 1]} : vector<52x512xbf16> to vector<50x512xbf16>
    %get3A_92 = arith.constant 8 : index
    %get3A_93 = arith.constant 0 : index
    %get3A_94 = arith.constant 0 : index
    %get3A_95 = vector.load %arg2[%get3A_92, %get3A_93, %get3A_94] : memref<9x512x512xbf16, #tpu.memory_space<vmem>>, vector<1x512x512xbf16>
    %get3A_96 = vector.shape_cast %get3A_95 : vector<1x512x512xbf16> to vector<512x512xbf16>
    %dot_general3A_97 = arith.constant dense<0.000000e+00> : vector<50x512xf32>
    %dot_general3A_98 = tpu.matmul %slice3A_91, %get3A_96, %dot_general3A_97 {dimension_numbers = #tpu.dot_dimension_numbers<[1], [0], [0], [1], [0, 0, 1, 1], [], []>, transpose_lhs_hint = false} : vector<50x512xbf16>, vector<512x512xbf16>, vector<50x512xf32> -> vector<50x512xf32>
    %add3A_99 = arith.addf %add3A_90, %dot_general3A_98 : vector<50x512xf32>
    %get3A_100 = arith.constant 0 : index
    %get3A_101 = arith.constant 0 : index
    %get3A_102 = vector.load %arg3[%get3A_100, %get3A_101] : memref<1x512xf32, #tpu.memory_space<vmem>>, vector<1x512xf32>
    %get3A_103 = vector.shape_cast %get3A_102 : vector<1x512xf32> to vector<512xf32>
    %broadcast_in_dim3A_104 = vector.shape_cast %get3A_103 : vector<512xf32> to vector<1x512xf32>
    %add3A_105 = vector.broadcast %broadcast_in_dim3A_104 : vector<1x512xf32> to vector<50x512xf32>
    %add3A_106 = arith.addf %add3A_99, %add3A_105 : vector<50x512xf32>
    %max3A = arith.constant 0.000000e+00 : f32
    %max3A_107 = vector.broadcast %max3A : f32 to vector<50x512xf32>
    %max3A_108 = arith.maximumf %add3A_106, %max3A_107 : vector<50x512xf32>
    %convert_element_type3A_109 = arith.truncf %max3A_108 : vector<50x512xf32> to vector<50x512xbf16>
    %get3A_110 = arith.constant 0 : index
    %get3A_111 = arith.constant 0 : index
    %get3A_112 = vector.load %arg4[%get3A_110, %get3A_111] : memref<512x72xbf16, #tpu.memory_space<vmem>>, vector<512x72xbf16>
    %dot_general3A_113 = arith.constant dense<0.000000e+00> : vector<50x72xf32>
    %dot_general3A_114 = tpu.matmul %convert_element_type3A_109, %get3A_112, %dot_general3A_113 {dimension_numbers = #tpu.dot_dimension_numbers<[1], [0], [0], [1], [0, 0, 1, 1], [], []>, transpose_lhs_hint = false} : vector<50x512xbf16>, vector<512x72xbf16>, vector<50x72xf32> -> vector<50x72xf32>
    %get3A_115 = arith.constant 0 : index
    %get3A_116 = arith.constant 0 : index
    %get3A_117 = vector.load %arg5[%get3A_115, %get3A_116] : memref<1x72xf32, #tpu.memory_space<vmem>>, vector<1x72xf32>
    %get3A_118 = vector.shape_cast %get3A_117 : vector<1x72xf32> to vector<72xf32>
    %broadcast_in_dim3A_119 = vector.shape_cast %get3A_118 : vector<72xf32> to vector<1x72xf32>
    %add3A_120 = vector.broadcast %broadcast_in_dim3A_119 : vector<1x72xf32> to vector<50x72xf32>
    %add3A_121 = arith.addf %dot_general3A_114, %add3A_120 : vector<50x72xf32>
    %slice3A_122 = vector.extract_strided_slice %add3A_121 {offsets = [0, 0], sizes = [50, 36], strides = [1, 1]} : vector<50x72xf32> to vector<50x36xf32>
    %swap3A = arith.constant 0 : index
    %swap3A_123 = arith.constant 0 : index
    %swap3A_124 = arith.constant 0 : index
    %swap3A_125 = vector.load %arg6[%swap3A, %swap3A_123, %swap3A_124] : memref<1x50x36xf32, #tpu.memory_space<vmem>>, vector<1x50x36xf32>
    %swap3A_126 = vector.shape_cast %swap3A_125 : vector<1x50x36xf32> to vector<50x36xf32>
    %swap3A_127 = vector.shape_cast %slice3A_122 : vector<50x36xf32> to vector<1x50x36xf32>
    tpu.vector_store %arg6[%swap3A, %swap3A_123, %swap3A_124], %swap3A_127 {strides = array<i32>} : memref<1x50x36xf32, #tpu.memory_space<vmem>>, vector<1x50x36xf32>,
    %slice3A_128 = vector.extract_strided_slice %add3A_121 {offsets = [0, 36], sizes = [50, 18], strides = [1, 1]} : vector<50x72xf32> to vector<50x18xf32>
    %swap3A_129 = arith.constant 0 : index
    %swap3A_130 = arith.constant 0 : index
    %swap3A_131 = arith.constant 0 : index
    %swap3A_132 = vector.load %arg7[%swap3A_129, %swap3A_130, %swap3A_131] : memref<1x50x18xf32, #tpu.memory_space<vmem>>, vector<1x50x18xf32>
    %swap3A_133 = vector.shape_cast %swap3A_132 : vector<1x50x18xf32> to vector<50x18xf32>
    %swap3A_134 = vector.shape_cast %slice3A_128 : vector<50x18xf32> to vector<1x50x18xf32>
    tpu.vector_store %arg7[%swap3A_129, %swap3A_130, %swap3A_131], %swap3A_134 {strides = array<i32>} : memref<1x50x18xf32, #tpu.memory_space<vmem>>, vector<1x50x18xf32>,
    %slice3A_135 = vector.extract_strided_slice %add3A_121 {offsets = [0, 54], sizes = [50, 9], strides = [1, 1]} : vector<50x72xf32> to vector<50x9xf32>
    %slice3A_136 = vector.extract_strided_slice %add3A_121 {offsets = [0, 63], sizes = [50, 9], strides = [1, 1]} : vector<50x72xf32> to vector<50x9xf32>
    %max3A_137 = arith.maximumf %slice3A_135, %slice3A_136 : vector<50x9xf32>
    %sub3A = arith.subf %slice3A_135, %max3A_137 : vector<50x9xf32>
    %exp3A = math.exp %sub3A : vector<50x9xf32>
    %sub3A_138 = arith.subf %slice3A_136, %max3A_137 : vector<50x9xf32>
    %exp3A_139 = math.exp %sub3A_138 : vector<50x9xf32>
    %add3A_140 = arith.addf %exp3A, %exp3A_139 : vector<50x9xf32>
    %div3A = arith.divf %exp3A_139, %add3A_140 : vector<50x9xf32>
    %swap3A_141 = arith.constant 0 : index
    %swap3A_142 = arith.constant 0 : index
    %swap3A_143 = arith.constant 0 : index
    %swap3A_144 = vector.load %arg8[%swap3A_141, %swap3A_142, %swap3A_143] : memref<1x50x9xf32, #tpu.memory_space<vmem>>, vector<1x50x9xf32>
    %swap3A_145 = vector.shape_cast %swap3A_144 : vector<1x50x9xf32> to vector<50x9xf32>
    %swap3A_146 = vector.shape_cast %div3A : vector<50x9xf32> to vector<1x50x9xf32>
    tpu.vector_store %arg8[%swap3A_141, %swap3A_142, %swap3A_143], %swap3A_146 {strides = array<i32>} : memref<1x50x9xf32, #tpu.memory_space<vmem>>, vector<1x50x9xf32>,
    return
  }
  func.func @transform_0(%arg0: i32) -> (i32, i32, i32) {
    %c0_i32 = arith.constant 0 : i32
    %c0_i32_0 = arith.constant 0 : i32
    %c0_i32_1 = arith.constant 0 : i32
    %c0_i32_2 = arith.constant 0 : i32
    return %c0_i32, %c0_i32_0, %c0_i32_1 : i32, i32, i32
  }
  func.func @transform_1(%arg0: i32) -> (i32, i32, i32) {
    %c0_i32 = arith.constant 0 : i32
    %c0_i32_0 = arith.constant 0 : i32
    %c0_i32_1 = arith.constant 0 : i32
    %c0_i32_2 = arith.constant 0 : i32
    return %c0_i32, %c0_i32_0, %c0_i32_1 : i32, i32, i32
  }
  func.func @transform_2(%arg0: i32) -> (i32, i32) {
    %c0_i32 = arith.constant 0 : i32
    %c0_i32_0 = arith.constant 0 : i32
    %c0_i32_1 = arith.constant 0 : i32
    return %c0_i32, %c0_i32_0 : i32, i32
  }
  func.func @transform_3(%arg0: i32) -> (i32, i32) {
    %c0_i32 = arith.constant 0 : i32
    %c0_i32_0 = arith.constant 0 : i32
    %c0_i32_1 = arith.constant 0 : i32
    return %c0_i32, %c0_i32_0 : i32, i32
  }
  func.func @transform_4(%arg0: i32) -> (i32, i32) {
    %c0_i32 = arith.constant 0 : i32
    %c0_i32_0 = arith.constant 0 : i32
    %c0_i32_1 = arith.constant 0 : i32
    return %c0_i32, %c0_i32_0 : i32, i32
  }
  func.func @transform_5(%arg0: i32) -> (i32, i32, i32) {
    %c0_i32 = arith.constant 0 : i32
    %c0_i32_0 = arith.constant 0 : i32
    %c0_i32_1 = arith.constant 0 : i32
    return %arg0, %c0_i32, %c0_i32_0 : i32, i32, i32
  }
  func.func @transform_6(%arg0: i32) -> (i32, i32, i32) {
    %c0_i32 = arith.constant 0 : i32
    %c0_i32_0 = arith.constant 0 : i32
    %c0_i32_1 = arith.constant 0 : i32
    return %arg0, %c0_i32, %c0_i32_0 : i32, i32, i32
  }
  func.func @transform_7(%arg0: i32) -> (i32, i32, i32) {
    %c0_i32 = arith.constant 0 : i32
    %c0_i32_0 = arith.constant 0 : i32
    %c0_i32_1 = arith.constant 0 : i32
    return %arg0, %c0_i32, %c0_i32_0 : i32, i32, i32
  }
}

module attributes {stable_mosaic.version = 14 : i64} {
  func.func @_decode_body(%arg0: memref<8x2816xf32, #tpu.memory_space<vmem>>, %arg1: memref<8x2816xf32, #tpu.memory_space<vmem>>, %arg2: memref<8x2816xf32, #tpu.memory_space<vmem>>, %arg3: memref<8x2816xf32, #tpu.memory_space<vmem>>, %arg4: memref<8x2816xf32, #tpu.memory_space<vmem>>, %arg5: memref<8x2816xf32, #tpu.memory_space<vmem>>, %arg6: memref<8x2816xf32, #tpu.memory_space<vmem>>, %arg7: memref<8x2816xf32, #tpu.memory_space<vmem>>, %arg8: memref<8x2816xf32, #tpu.memory_space<vmem>>, %arg9: memref<8x2816xf32, #tpu.memory_space<vmem>>, %arg10: memref<8x2816xf32, #tpu.memory_space<vmem>>, %arg11: memref<8x2816xf32, #tpu.memory_space<vmem>>, %arg12: memref<8x2816xf32, #tpu.memory_space<vmem>>, %arg13: memref<8x2816xf32, #tpu.memory_space<vmem>>) attributes {dimension_semantics = [], scalar_prefetch = 0 : i64, scratch_operands = 0 : i64, tpu.core_type = #tpu.core_type<tc>} {
    %get3A = arith.constant 0 : index
    %get3A_0 = arith.constant 0 : index
    %get3A_1 = vector.load %arg5[%get3A, %get3A_0] : memref<8x2816xf32, #tpu.memory_space<vmem>>, vector<8x2816xf32>
    %get3A_2 = arith.constant 0 : index
    %get3A_3 = arith.constant 0 : index
    %get3A_4 = vector.load %arg6[%get3A_2, %get3A_3] : memref<8x2816xf32, #tpu.memory_space<vmem>>, vector<8x2816xf32>
    %get3A_5 = arith.constant 0 : index
    %get3A_6 = arith.constant 0 : index
    %get3A_7 = vector.load %arg0[%get3A_5, %get3A_6] : memref<8x2816xf32, #tpu.memory_space<vmem>>, vector<8x2816xf32>
    %mul3A = arith.mulf %get3A_7, %get3A_1 : vector<8x2816xf32>
    %get3A_8 = arith.constant 0 : index
    %get3A_9 = arith.constant 0 : index
    %get3A_10 = vector.load %arg7[%get3A_8, %get3A_9] : memref<8x2816xf32, #tpu.memory_space<vmem>>, vector<8x2816xf32>
    %add3A = arith.addf %mul3A, %get3A_10 : vector<8x2816xf32>
    %get3A_11 = arith.constant 0 : index
    %get3A_12 = arith.constant 0 : index
    %get3A_13 = vector.load %arg1[%get3A_11, %get3A_12] : memref<8x2816xf32, #tpu.memory_space<vmem>>, vector<8x2816xf32>
    %mul3A_14 = arith.mulf %get3A_13, %get3A_4 : vector<8x2816xf32>
    %get3A_15 = arith.constant 0 : index
    %get3A_16 = arith.constant 0 : index
    %get3A_17 = vector.load %arg8[%get3A_15, %get3A_16] : memref<8x2816xf32, #tpu.memory_space<vmem>>, vector<8x2816xf32>
    %add3A_18 = arith.addf %mul3A_14, %get3A_17 : vector<8x2816xf32>
    %get3A_19 = arith.constant 0 : index
    %get3A_20 = arith.constant 0 : index
    %get3A_21 = vector.load %arg2[%get3A_19, %get3A_20] : memref<8x2816xf32, #tpu.memory_space<vmem>>, vector<8x2816xf32>
    %exp3A = math.exp %get3A_21 : vector<8x2816xf32>
    %mul3A_22 = arith.mulf %exp3A, %get3A_1 : vector<8x2816xf32>
    %get3A_23 = arith.constant 0 : index
    %get3A_24 = arith.constant 0 : index
    %get3A_25 = vector.load %arg3[%get3A_23, %get3A_24] : memref<8x2816xf32, #tpu.memory_space<vmem>>, vector<8x2816xf32>
    %exp3A_26 = math.exp %get3A_25 : vector<8x2816xf32>
    %mul3A_27 = arith.mulf %exp3A_26, %get3A_4 : vector<8x2816xf32>
    %mul3A_28 = arith.constant 5.000000e-01 : f32
    %mul3A_29 = vector.broadcast %mul3A_28 : f32 to vector<8x2816xf32>
    %mul3A_30 = arith.mulf %mul3A_29, %mul3A_22 : vector<8x2816xf32>
    %sub3A = arith.subf %add3A, %mul3A_30 : vector<8x2816xf32>
    %jit3A = arith.constant 0.000000e+00 : f32
    %jit3A_31 = arith.constant 8.000000e+02 : f32
    %max3A = vector.broadcast %jit3A : f32 to vector<8x2816xf32>
    %max3A_32 = arith.maximumf %max3A, %sub3A : vector<8x2816xf32>
    %min3A = vector.broadcast %jit3A_31 : f32 to vector<8x2816xf32>
    %min3A_33 = arith.minimumf %min3A, %max3A_32 : vector<8x2816xf32>
    %mul3A_34 = arith.constant 5.000000e-01 : f32
    %mul3A_35 = vector.broadcast %mul3A_34 : f32 to vector<8x2816xf32>
    %mul3A_36 = arith.mulf %mul3A_35, %mul3A_27 : vector<8x2816xf32>
    %sub3A_37 = arith.subf %add3A_18, %mul3A_36 : vector<8x2816xf32>
    %jit3A_38 = arith.constant 0.000000e+00 : f32
    %jit3A_39 = arith.constant 8.000000e+02 : f32
    %max3A_40 = vector.broadcast %jit3A_38 : f32 to vector<8x2816xf32>
    %max3A_41 = arith.maximumf %max3A_40, %sub3A_37 : vector<8x2816xf32>
    %min3A_42 = vector.broadcast %jit3A_39 : f32 to vector<8x2816xf32>
    %min3A_43 = arith.minimumf %min3A_42, %max3A_41 : vector<8x2816xf32>
    %mul3A_44 = arith.constant 5.000000e-01 : f32
    %mul3A_45 = vector.broadcast %mul3A_44 : f32 to vector<8x2816xf32>
    %mul3A_46 = arith.mulf %mul3A_45, %mul3A_22 : vector<8x2816xf32>
    %add3A_47 = arith.addf %add3A, %mul3A_46 : vector<8x2816xf32>
    %jit3A_48 = arith.constant 0.000000e+00 : f32
    %jit3A_49 = arith.constant 8.000000e+02 : f32
    %max3A_50 = vector.broadcast %jit3A_48 : f32 to vector<8x2816xf32>
    %max3A_51 = arith.maximumf %max3A_50, %add3A_47 : vector<8x2816xf32>
    %min3A_52 = vector.broadcast %jit3A_49 : f32 to vector<8x2816xf32>
    %min3A_53 = arith.minimumf %min3A_52, %max3A_51 : vector<8x2816xf32>
    %mul3A_54 = arith.constant 5.000000e-01 : f32
    %mul3A_55 = vector.broadcast %mul3A_54 : f32 to vector<8x2816xf32>
    %mul3A_56 = arith.mulf %mul3A_55, %mul3A_27 : vector<8x2816xf32>
    %add3A_57 = arith.addf %add3A_18, %mul3A_56 : vector<8x2816xf32>
    %jit3A_58 = arith.constant 0.000000e+00 : f32
    %jit3A_59 = arith.constant 8.000000e+02 : f32
    %max3A_60 = vector.broadcast %jit3A_58 : f32 to vector<8x2816xf32>
    %max3A_61 = arith.maximumf %max3A_60, %add3A_57 : vector<8x2816xf32>
    %min3A_62 = vector.broadcast %jit3A_59 : f32 to vector<8x2816xf32>
    %min3A_63 = arith.minimumf %min3A_62, %max3A_61 : vector<8x2816xf32>
    %swap3A = arith.constant 0 : index
    %swap3A_64 = arith.constant 0 : index
    %swap3A_65 = vector.load %arg9[%swap3A, %swap3A_64] : memref<8x2816xf32, #tpu.memory_space<vmem>>, vector<8x2816xf32>
    tpu.vector_store %arg9[%swap3A, %swap3A_64], %min3A_33 {strides = array<i32>} : memref<8x2816xf32, #tpu.memory_space<vmem>>, vector<8x2816xf32>,
    %swap3A_66 = arith.constant 0 : index
    %swap3A_67 = arith.constant 0 : index
    %swap3A_68 = vector.load %arg10[%swap3A_66, %swap3A_67] : memref<8x2816xf32, #tpu.memory_space<vmem>>, vector<8x2816xf32>
    tpu.vector_store %arg10[%swap3A_66, %swap3A_67], %min3A_43 {strides = array<i32>} : memref<8x2816xf32, #tpu.memory_space<vmem>>, vector<8x2816xf32>,
    %swap3A_69 = arith.constant 0 : index
    %swap3A_70 = arith.constant 0 : index
    %swap3A_71 = vector.load %arg11[%swap3A_69, %swap3A_70] : memref<8x2816xf32, #tpu.memory_space<vmem>>, vector<8x2816xf32>
    tpu.vector_store %arg11[%swap3A_69, %swap3A_70], %min3A_53 {strides = array<i32>} : memref<8x2816xf32, #tpu.memory_space<vmem>>, vector<8x2816xf32>,
    %swap3A_72 = arith.constant 0 : index
    %swap3A_73 = arith.constant 0 : index
    %swap3A_74 = vector.load %arg12[%swap3A_72, %swap3A_73] : memref<8x2816xf32, #tpu.memory_space<vmem>>, vector<8x2816xf32>
    tpu.vector_store %arg12[%swap3A_72, %swap3A_73], %min3A_63 {strides = array<i32>} : memref<8x2816xf32, #tpu.memory_space<vmem>>, vector<8x2816xf32>,
    %sub3A_75 = arith.subf %min3A_53, %min3A_33 : vector<8x2816xf32>
    %ge3A = arith.constant 1.600000e+01 : f32
    %ge3A_76 = vector.broadcast %ge3A : f32 to vector<8x2816xf32>
    %ge3A_77 = arith.cmpf oge, %sub3A_75, %ge3A_76 : vector<8x2816xf32>
    %sub3A_78 = arith.subf %min3A_63, %min3A_43 : vector<8x2816xf32>
    %ge3A_79 = arith.constant 1.600000e+01 : f32
    %ge3A_80 = vector.broadcast %ge3A_79 : f32 to vector<8x2816xf32>
    %ge3A_81 = arith.cmpf oge, %sub3A_78, %ge3A_80 : vector<8x2816xf32>
    %and3A = arith.andi %ge3A_77, %ge3A_81 : vector<8x2816xi1>
    %iota3A = tpu.iota {dimensions = array<i32: 0>} : vector<8x2816xi32>
    %mul3A_82 = arith.constant 2816 : i32
    %mul3A_83 = vector.broadcast %mul3A_82 : i32 to vector<8x2816xi32>
    %mul3A_84 = arith.muli %iota3A, %mul3A_83 : vector<8x2816xi32>
    %iota3A_85 = tpu.iota {dimensions = array<i32: 1>} : vector<8x2816xi32>
    %add3A_86 = arith.addi %mul3A_84, %iota3A_85 : vector<8x2816xi32>
    %lt3A = arith.constant 22500 : i32
    %lt3A_87 = vector.broadcast %lt3A : i32 to vector<8x2816xi32>
    %lt3A_88 = arith.cmpi slt, %add3A_86, %lt3A_87 : vector<8x2816xi32>
    %and3A_89 = arith.andi %and3A, %lt3A_88 : vector<8x2816xi1>
    %get3A_90 = arith.constant 0 : index
    %get3A_91 = arith.constant 0 : index
    %get3A_92 = vector.load %arg4[%get3A_90, %get3A_91] : memref<8x2816xf32, #tpu.memory_space<vmem>>, vector<8x2816xf32>
    %jit3A_93 = arith.constant 0xFF800000 : f32
    %broadcast_in_dim3A = vector.broadcast %jit3A_93 : f32 to vector<8x2816xf32>
    %select_n3A = arith.select %and3A_89, %get3A_92, %broadcast_in_dim3A : vector<8x2816xi1>, vector<8x2816xf32>
    %swap3A_94 = arith.constant 0 : index
    %swap3A_95 = arith.constant 0 : index
    %swap3A_96 = vector.load %arg13[%swap3A_94, %swap3A_95] : memref<8x2816xf32, #tpu.memory_space<vmem>>, vector<8x2816xf32>
    tpu.vector_store %arg13[%swap3A_94, %swap3A_95], %select_n3A {strides = array<i32>} : memref<8x2816xf32, #tpu.memory_space<vmem>>, vector<8x2816xf32>,
    return
  }
}

module attributes {stable_mosaic.version = 14 : i64} {
  func.func @_nms_body(%arg0: i32, %arg1: memref<1x6144xf32, #tpu.memory_space<vmem>>, %arg2: memref<1x6144xf32, #tpu.memory_space<vmem>>, %arg3: memref<1x6144xf32, #tpu.memory_space<vmem>>, %arg4: memref<1x6144xf32, #tpu.memory_space<vmem>>, %arg5: memref<6144x1xf32, #tpu.memory_space<vmem>>, %arg6: memref<6144x1xf32, #tpu.memory_space<vmem>>, %arg7: memref<6144x1xf32, #tpu.memory_space<vmem>>, %arg8: memref<6144x1xf32, #tpu.memory_space<vmem>>, %arg9: memref<1x6144xf32, #tpu.memory_space<vmem>>, %arg10: memref<1x6144xf32, #tpu.memory_space<vmem>>, %arg11: memref<128x128xf32, #tpu.memory_space<vmem>>, %arg12: memref<128x1xf32, #tpu.memory_space<vmem>>, %arg13: memref<1x6144xf32, #tpu.memory_space<vmem>>) attributes {dimension_semantics = [#tpu.dimension_semantics<arbitrary>], iteration_bounds = array<i64: 48>, scalar_prefetch = 0 : i64, scratch_operands = 4 : i64, tpu.core_type = #tpu.core_type<tc>, window_params = [{pipeline_mode = #tpu.pipeline_mode<synchronous>, transform_indices = @transform_0, window_bounds = array<i64: 1, 6144>}, {pipeline_mode = #tpu.pipeline_mode<synchronous>, transform_indices = @transform_1, window_bounds = array<i64: 1, 6144>}, {pipeline_mode = #tpu.pipeline_mode<synchronous>, transform_indices = @transform_2, window_bounds = array<i64: 1, 6144>}, {pipeline_mode = #tpu.pipeline_mode<synchronous>, transform_indices = @transform_3, window_bounds = array<i64: 1, 6144>}, {pipeline_mode = #tpu.pipeline_mode<synchronous>, transform_indices = @transform_4, window_bounds = array<i64: 6144, 1>}, {pipeline_mode = #tpu.pipeline_mode<synchronous>, transform_indices = @transform_5, window_bounds = array<i64: 6144, 1>}, {pipeline_mode = #tpu.pipeline_mode<synchronous>, transform_indices = @transform_6, window_bounds = array<i64: 6144, 1>}, {pipeline_mode = #tpu.pipeline_mode<synchronous>, transform_indices = @transform_7, window_bounds = array<i64: 6144, 1>}, {pipeline_mode = #tpu.pipeline_mode<synchronous>, transform_indices = @transform_8, window_bounds = array<i64: 1, 6144>}]} {
    %iota3A = tpu.iota {dimensions = array<i32: 1>} : vector<1x128xi32>
    %eq3A = arith.constant 0 : i32
    %eq3A_0 = arith.cmpi eq, %arg0, %eq3A : i32
    %convert_element_type3A = arith.extui %eq3A_0 : i1 to i32
    %cond3A = arith.constant 0 : i32
    %cond3A_1 = arith.cmpi ne, %convert_element_type3A, %cond3A : i32
    scf.if %cond3A_1 {
      %broadcast_in_dim3A_4356 = arith.constant 0.000000e+00 : f32
      %broadcast_in_dim3A_4357 = vector.broadcast %broadcast_in_dim3A_4356 : f32 to vector<1x6144xf32>
      %swap3A_4358 = arith.constant 0 : index
      %swap3A_4359 = arith.constant 0 : index
      %swap3A_4360 = vector.load %arg10[%swap3A_4358, %swap3A_4359] : memref<1x6144xf32, #tpu.memory_space<vmem>>, vector<1x6144xf32>
      tpu.vector_store %arg10[%swap3A_4358, %swap3A_4359], %broadcast_in_dim3A_4357 {strides = array<i32>} : memref<1x6144xf32, #tpu.memory_space<vmem>>, vector<1x6144xf32>,
      %get3A_4361 = arith.constant 0 : index
      %get3A_4362 = arith.constant 0 : index
      %get3A_4363 = vector.load %arg1[%get3A_4361, %get3A_4362] : memref<1x6144xf32, #tpu.memory_space<vmem>>, vector<1x6144xf32>
      %get3A_4364 = arith.constant 0 : index
      %get3A_4365 = arith.constant 0 : index
      %get3A_4366 = vector.load %arg2[%get3A_4364, %get3A_4365] : memref<1x6144xf32, #tpu.memory_space<vmem>>, vector<1x6144xf32>
      %get3A_4367 = arith.constant 0 : index
      %get3A_4368 = arith.constant 0 : index
      %get3A_4369 = vector.load %arg3[%get3A_4367, %get3A_4368] : memref<1x6144xf32, #tpu.memory_space<vmem>>, vector<1x6144xf32>
      %get3A_4370 = arith.constant 0 : index
      %get3A_4371 = arith.constant 0 : index
      %get3A_4372 = vector.load %arg4[%get3A_4370, %get3A_4371] : memref<1x6144xf32, #tpu.memory_space<vmem>>, vector<1x6144xf32>
      %sub3A_4373 = arith.subf %get3A_4369, %get3A_4363 : vector<1x6144xf32>
      %max3A_4374 = arith.constant 0.000000e+00 : f32
      %max3A_4375 = vector.broadcast %max3A_4374 : f32 to vector<1x6144xf32>
      %max3A_4376 = arith.maximumf %sub3A_4373, %max3A_4375 : vector<1x6144xf32>
      %sub3A_4377 = arith.subf %get3A_4372, %get3A_4366 : vector<1x6144xf32>
      %max3A_4378 = arith.constant 0.000000e+00 : f32
      %max3A_4379 = vector.broadcast %max3A_4378 : f32 to vector<1x6144xf32>
      %max3A_4380 = arith.maximumf %sub3A_4377, %max3A_4379 : vector<1x6144xf32>
      %mul3A_4381 = arith.mulf %max3A_4376, %max3A_4380 : vector<1x6144xf32>
      %swap3A_4382 = arith.constant 0 : index
      %swap3A_4383 = arith.constant 0 : index
      %swap3A_4384 = vector.load %arg13[%swap3A_4382, %swap3A_4383] : memref<1x6144xf32, #tpu.memory_space<vmem>>, vector<1x6144xf32>
      tpu.vector_store %arg13[%swap3A_4382, %swap3A_4383], %mul3A_4381 {strides = array<i32>} : memref<1x6144xf32, #tpu.memory_space<vmem>>, vector<1x6144xf32>,
    } else {
    }
    %mul3A = arith.constant 128 : i32
    %mul3A_2 = arith.muli %arg0, %mul3A : i32
    %get3A = arith.index_cast %mul3A_2 : i32 to index
    %get3A_3 = arith.constant 0 : index
    %get3A_4 = vector.load %arg5[%get3A, %get3A_3] : memref<6144x1xf32, #tpu.memory_space<vmem>>, vector<128x1xf32>
    %mul3A_5 = arith.constant 128 : i32
    %mul3A_6 = arith.muli %arg0, %mul3A_5 : i32
    %get3A_7 = arith.index_cast %mul3A_6 : i32 to index
    %get3A_8 = arith.constant 0 : index
    %get3A_9 = vector.load %arg6[%get3A_7, %get3A_8] : memref<6144x1xf32, #tpu.memory_space<vmem>>, vector<128x1xf32>
    %mul3A_10 = arith.constant 128 : i32
    %mul3A_11 = arith.muli %arg0, %mul3A_10 : i32
    %get3A_12 = arith.index_cast %mul3A_11 : i32 to index
    %get3A_13 = arith.constant 0 : index
    %get3A_14 = vector.load %arg7[%get3A_12, %get3A_13] : memref<6144x1xf32, #tpu.memory_space<vmem>>, vector<128x1xf32>
    %mul3A_15 = arith.constant 128 : i32
    %mul3A_16 = arith.muli %arg0, %mul3A_15 : i32
    %get3A_17 = arith.index_cast %mul3A_16 : i32 to index
    %get3A_18 = arith.constant 0 : index
    %get3A_19 = vector.load %arg8[%get3A_17, %get3A_18] : memref<6144x1xf32, #tpu.memory_space<vmem>>, vector<128x1xf32>
    %sub3A = arith.subf %get3A_14, %get3A_4 : vector<128x1xf32>
    %max3A = arith.constant 0.000000e+00 : f32
    %max3A_20 = vector.broadcast %max3A : f32 to vector<128x1xf32>
    %max3A_21 = arith.maximumf %sub3A, %max3A_20 : vector<128x1xf32>
    %sub3A_22 = arith.subf %get3A_19, %get3A_9 : vector<128x1xf32>
    %max3A_23 = arith.constant 0.000000e+00 : f32
    %max3A_24 = vector.broadcast %max3A_23 : f32 to vector<128x1xf32>
    %max3A_25 = arith.maximumf %sub3A_22, %max3A_24 : vector<128x1xf32>
    %mul3A_26 = arith.mulf %max3A_21, %max3A_25 : vector<128x1xf32>
    %mul3A_27 = arith.constant 128 : i32
    %mul3A_28 = arith.muli %arg0, %mul3A_27 : i32
    %get3A_29 = arith.constant 0 : index
    %get3A_30 = arith.index_cast %mul3A_28 : i32 to index
    %get3A_31 = vector.load %arg1[%get3A_29, %get3A_30] : memref<1x6144xf32, #tpu.memory_space<vmem>>, vector<1x128xf32>
    %get3A_32 = arith.constant 0 : index
    %get3A_33 = arith.index_cast %mul3A_28 : i32 to index
    %get3A_34 = vector.load %arg2[%get3A_32, %get3A_33] : memref<1x6144xf32, #tpu.memory_space<vmem>>, vector<1x128xf32>
    %get3A_35 = arith.constant 0 : index
    %get3A_36 = arith.index_cast %mul3A_28 : i32 to index
    %get3A_37 = vector.load %arg3[%get3A_35, %get3A_36] : memref<1x6144xf32, #tpu.memory_space<vmem>>, vector<1x128xf32>
    %get3A_38 = arith.constant 0 : index
    %get3A_39 = arith.index_cast %mul3A_28 : i32 to index
    %get3A_40 = vector.load %arg4[%get3A_38, %get3A_39] : memref<1x6144xf32, #tpu.memory_space<vmem>>, vector<1x128xf32>
    %get3A_41 = arith.constant 0 : index
    %get3A_42 = arith.index_cast %mul3A_28 : i32 to index
    %get3A_43 = vector.load %arg13[%get3A_41, %get3A_42] : memref<1x6144xf32, #tpu.memory_space<vmem>>, vector<1x128xf32>
    %min3A = vector.broadcast %get3A_14 : vector<128x1xf32> to vector<128x128xf32>
    %min3A_44 = vector.broadcast %get3A_37 : vector<1x128xf32> to vector<128x128xf32>
    %min3A_45 = arith.minimumf %min3A, %min3A_44 : vector<128x128xf32>
    %max3A_46 = vector.broadcast %get3A_4 : vector<128x1xf32> to vector<128x128xf32>
    %max3A_47 = vector.broadcast %get3A_31 : vector<1x128xf32> to vector<128x128xf32>
    %max3A_48 = arith.maximumf %max3A_46, %max3A_47 : vector<128x128xf32>
    %sub3A_49 = arith.subf %min3A_45, %max3A_48 : vector<128x128xf32>
    %max3A_50 = arith.constant 0.000000e+00 : f32
    %max3A_51 = vector.broadcast %max3A_50 : f32 to vector<128x128xf32>
    %max3A_52 = arith.maximumf %sub3A_49, %max3A_51 : vector<128x128xf32>
    %min3A_53 = vector.broadcast %get3A_19 : vector<128x1xf32> to vector<128x128xf32>
    %min3A_54 = vector.broadcast %get3A_40 : vector<1x128xf32> to vector<128x128xf32>
    %min3A_55 = arith.minimumf %min3A_53, %min3A_54 : vector<128x128xf32>
    %max3A_56 = vector.broadcast %get3A_9 : vector<128x1xf32> to vector<128x128xf32>
    %max3A_57 = vector.broadcast %get3A_34 : vector<1x128xf32> to vector<128x128xf32>
    %max3A_58 = arith.maximumf %max3A_56, %max3A_57 : vector<128x128xf32>
    %sub3A_59 = arith.subf %min3A_55, %max3A_58 : vector<128x128xf32>
    %max3A_60 = arith.constant 0.000000e+00 : f32
    %max3A_61 = vector.broadcast %max3A_60 : f32 to vector<128x128xf32>
    %max3A_62 = arith.maximumf %sub3A_59, %max3A_61 : vector<128x128xf32>
    %mul3A_63 = arith.mulf %max3A_52, %max3A_62 : vector<128x128xf32>
    %add3A = vector.broadcast %mul3A_26 : vector<128x1xf32> to vector<128x128xf32>
    %add3A_64 = vector.broadcast %get3A_43 : vector<1x128xf32> to vector<128x128xf32>
    %add3A_65 = arith.addf %add3A, %add3A_64 : vector<128x128xf32>
    %sub3A_66 = arith.subf %add3A_65, %mul3A_63 : vector<128x128xf32>
    %add3A_67 = arith.constant 9.99999971E-10 : f32
    %add3A_68 = vector.broadcast %add3A_67 : f32 to vector<128x128xf32>
    %add3A_69 = arith.addf %sub3A_66, %add3A_68 : vector<128x128xf32>
    %div3A = arith.divf %mul3A_63, %add3A_69 : vector<128x128xf32>
    %ge3A = arith.constant 0.699999988 : f32
    %ge3A_70 = vector.broadcast %ge3A : f32 to vector<128x128xf32>
    %ge3A_71 = arith.cmpf oge, %div3A, %ge3A_70 : vector<128x128xf32>
    %jit3A = arith.constant 1.000000e+00 : f32
    %jit3A_72 = arith.constant 0.000000e+00 : f32
    %broadcast_in_dim3A = vector.broadcast %jit3A : f32 to vector<128x128xf32>
    %broadcast_in_dim3A_73 = vector.broadcast %jit3A_72 : f32 to vector<128x128xf32>
    %select_n3A = arith.select %ge3A_71, %broadcast_in_dim3A, %broadcast_in_dim3A_73 : vector<128x128xi1>, vector<128x128xf32>
    %swap3A = arith.constant 0 : index
    %swap3A_74 = arith.constant 0 : index
    %swap3A_75 = vector.load %arg11[%swap3A, %swap3A_74] : memref<128x128xf32, #tpu.memory_space<vmem>>, vector<128x128xf32>
    tpu.vector_store %arg11[%swap3A, %swap3A_74], %select_n3A {strides = array<i32>} : memref<128x128xf32, #tpu.memory_space<vmem>>, vector<128x128xf32>,
    %mul3A_76 = arith.constant 128 : i32
    %mul3A_77 = arith.muli %arg0, %mul3A_76 : i32
    %get3A_78 = arith.constant 0 : index
    %get3A_79 = arith.index_cast %mul3A_77 : i32 to index
    %get3A_80 = vector.load %arg10[%get3A_78, %get3A_79] : memref<1x6144xf32, #tpu.memory_space<vmem>>, vector<1x128xf32>
    %eq3A_81 = arith.constant 0 : i32
    %eq3A_82 = vector.broadcast %eq3A_81 : i32 to vector<1x128xi32>
    %eq3A_83 = arith.cmpi eq, %iota3A, %eq3A_82 : vector<1x128xi32>
    %jit3A_84 = arith.constant 1.000000e+00 : f32
    %jit3A_85 = arith.constant 0.000000e+00 : f32
    %broadcast_in_dim3A_86 = vector.broadcast %jit3A_84 : f32 to vector<1x128xf32>
    %broadcast_in_dim3A_87 = vector.broadcast %jit3A_85 : f32 to vector<1x128xf32>
    %select_n3A_88 = arith.select %eq3A_83, %broadcast_in_dim3A_86, %broadcast_in_dim3A_87 : vector<1x128xi1>, vector<1x128xf32>
    %mul3A_89 = arith.mulf %get3A_80, %select_n3A_88 : vector<1x128xf32>
    %reduce_sum3A = arith.constant dense<0.000000e+00> : vector<1xf32>
    %reduce_sum3A_90 = vector.multi_reduction <add>, %mul3A_89, %reduce_sum3A [1] : vector<1x128xf32> to vector<1xf32>
    %broadcast_in_dim3A_91 = vector.shape_cast %reduce_sum3A_90 : vector<1xf32> to vector<1x1xf32>
    %sub3A_92 = arith.constant 1.000000e+00 : f32
    %sub3A_93 = vector.broadcast %sub3A_92 : f32 to vector<1x1xf32>
    %sub3A_94 = arith.subf %sub3A_93, %broadcast_in_dim3A_91 : vector<1x1xf32>
    %swap3A_95 = arith.constant 0 : index
    %swap3A_96 = arith.constant 0 : index
    %swap3A_97 = vector.load %arg12[%swap3A_95, %swap3A_96] : memref<128x1xf32, #tpu.memory_space<vmem>>, vector<1x1xf32>
    tpu.vector_store %arg12[%swap3A_95, %swap3A_96], %sub3A_94 {strides = array<i32>} : memref<128x1xf32, #tpu.memory_space<vmem>>, vector<1x1xf32>,
    %get3A_98 = arith.constant 0 : index
    %get3A_99 = arith.constant 0 : index
    %get3A_100 = vector.load %arg11[%get3A_98, %get3A_99] : memref<128x128xf32, #tpu.memory_space<vmem>>, vector<1x128xf32>
    %gt3A = arith.constant 0 : i32
    %gt3A_101 = vector.broadcast %gt3A : i32 to vector<1x128xi32>
    %gt3A_102 = arith.cmpi sgt, %iota3A, %gt3A_101 : vector<1x128xi32>
    %jit3A_103 = arith.constant 1.000000e+00 : f32
    %jit3A_104 = arith.constant 0.000000e+00 : f32
    %broadcast_in_dim3A_105 = vector.broadcast %jit3A_103 : f32 to vector<1x128xf32>
    %broadcast_in_dim3A_106 = vector.broadcast %jit3A_104 : f32 to vector<1x128xf32>
    %select_n3A_107 = arith.select %gt3A_102, %broadcast_in_dim3A_105, %broadcast_in_dim3A_106 : vector<1x128xi1>, vector<1x128xf32>
    %mul3A_108 = arith.mulf %get3A_100, %select_n3A_107 : vector<1x128xf32>
    %mul3A_109 = vector.broadcast %sub3A_94 : vector<1x1xf32> to vector<1x128xf32>
    %mul3A_110 = arith.mulf %mul3A_108, %mul3A_109 : vector<1x128xf32>
    %max3A_111 = arith.maximumf %get3A_80, %mul3A_110 : vector<1x128xf32>
    %eq3A_112 = arith.constant 1 : i32
    %eq3A_113 = vector.broadcast %eq3A_112 : i32 to vector<1x128xi32>
    %eq3A_114 = arith.cmpi eq, %iota3A, %eq3A_113 : vector<1x128xi32>
    %jit3A_115 = arith.constant 1.000000e+00 : f32
    %jit3A_116 = arith.constant 0.000000e+00 : f32
    %broadcast_in_dim3A_117 = vector.broadcast %jit3A_115 : f32 to vector<1x128xf32>
    %broadcast_in_dim3A_118 = vector.broadcast %jit3A_116 : f32 to vector<1x128xf32>
    %select_n3A_119 = arith.select %eq3A_114, %broadcast_in_dim3A_117, %broadcast_in_dim3A_118 : vector<1x128xi1>, vector<1x128xf32>
    %mul3A_120 = arith.mulf %max3A_111, %select_n3A_119 : vector<1x128xf32>
    %reduce_sum3A_121 = arith.constant dense<0.000000e+00> : vector<1xf32>
    %reduce_sum3A_122 = vector.multi_reduction <add>, %mul3A_120, %reduce_sum3A_121 [1] : vector<1x128xf32> to vector<1xf32>
    %broadcast_in_dim3A_123 = vector.shape_cast %reduce_sum3A_122 : vector<1xf32> to vector<1x1xf32>
    %sub3A_124 = arith.constant 1.000000e+00 : f32
    %sub3A_125 = vector.broadcast %sub3A_124 : f32 to vector<1x1xf32>
    %sub3A_126 = arith.subf %sub3A_125, %broadcast_in_dim3A_123 : vector<1x1xf32>
    %swap3A_127 = arith.constant 1 : index
    %swap3A_128 = arith.constant 0 : index
    %swap3A_129 = vector.load %arg12[%swap3A_127, %swap3A_128] : memref<128x1xf32, #tpu.memory_space<vmem>>, vector<1x1xf32>
    tpu.vector_store %arg12[%swap3A_127, %swap3A_128], %sub3A_126 {strides = array<i32>} : memref<128x1xf32, #tpu.memory_space<vmem>>, vector<1x1xf32>,
    %get3A_130 = arith.constant 1 : index
    %get3A_131 = arith.constant 0 : index
    %get3A_132 = vector.load %arg11[%get3A_130, %get3A_131] : memref<128x128xf32, #tpu.memory_space<vmem>>, vector<1x128xf32>
    %gt3A_133 = arith.constant 1 : i32
    %gt3A_134 = vector.broadcast %gt3A_133 : i32 to vector<1x128xi32>
    %gt3A_135 = arith.cmpi sgt, %iota3A, %gt3A_134 : vector<1x128xi32>
    %jit3A_136 = arith.constant 1.000000e+00 : f32
    %jit3A_137 = arith.constant 0.000000e+00 : f32
    %broadcast_in_dim3A_138 = vector.broadcast %jit3A_136 : f32 to vector<1x128xf32>
    %broadcast_in_dim3A_139 = vector.broadcast %jit3A_137 : f32 to vector<1x128xf32>
    %select_n3A_140 = arith.select %gt3A_135, %broadcast_in_dim3A_138, %broadcast_in_dim3A_139 : vector<1x128xi1>, vector<1x128xf32>
    %mul3A_141 = arith.mulf %get3A_132, %select_n3A_140 : vector<1x128xf32>
    %mul3A_142 = vector.broadcast %sub3A_126 : vector<1x1xf32> to vector<1x128xf32>
    %mul3A_143 = arith.mulf %mul3A_141, %mul3A_142 : vector<1x128xf32>
    %max3A_144 = arith.maximumf %max3A_111, %mul3A_143 : vector<1x128xf32>
    %eq3A_145 = arith.constant 2 : i32
    %eq3A_146 = vector.broadcast %eq3A_145 : i32 to vector<1x128xi32>
    %eq3A_147 = arith.cmpi eq, %iota3A, %eq3A_146 : vector<1x128xi32>
    %jit3A_148 = arith.constant 1.000000e+00 : f32
    %jit3A_149 = arith.constant 0.000000e+00 : f32
    %broadcast_in_dim3A_150 = vector.broadcast %jit3A_148 : f32 to vector<1x128xf32>
    %broadcast_in_dim3A_151 = vector.broadcast %jit3A_149 : f32 to vector<1x128xf32>
    %select_n3A_152 = arith.select %eq3A_147, %broadcast_in_dim3A_150, %broadcast_in_dim3A_151 : vector<1x128xi1>, vector<1x128xf32>
    %mul3A_153 = arith.mulf %max3A_144, %select_n3A_152 : vector<1x128xf32>
    %reduce_sum3A_154 = arith.constant dense<0.000000e+00> : vector<1xf32>
    %reduce_sum3A_155 = vector.multi_reduction <add>, %mul3A_153, %reduce_sum3A_154 [1] : vector<1x128xf32> to vector<1xf32>
    %broadcast_in_dim3A_156 = vector.shape_cast %reduce_sum3A_155 : vector<1xf32> to vector<1x1xf32>
    %sub3A_157 = arith.constant 1.000000e+00 : f32
    %sub3A_158 = vector.broadcast %sub3A_157 : f32 to vector<1x1xf32>
    %sub3A_159 = arith.subf %sub3A_158, %broadcast_in_dim3A_156 : vector<1x1xf32>
    %swap3A_160 = arith.constant 2 : index
    %swap3A_161 = arith.constant 0 : index
    %swap3A_162 = vector.load %arg12[%swap3A_160, %swap3A_161] : memref<128x1xf32, #tpu.memory_space<vmem>>, vector<1x1xf32>
    tpu.vector_store %arg12[%swap3A_160, %swap3A_161], %sub3A_159 {strides = array<i32>} : memref<128x1xf32, #tpu.memory_space<vmem>>, vector<1x1xf32>,
    %get3A_163 = arith.constant 2 : index
    %get3A_164 = arith.constant 0 : index
    %get3A_165 = vector.load %arg11[%get3A_163, %get3A_164] : memref<128x128xf32, #tpu.memory_space<vmem>>, vector<1x128xf32>
    %gt3A_166 = arith.constant 2 : i32
    %gt3A_167 = vector.broadcast %gt3A_166 : i32 to vector<1x128xi32>
    %gt3A_168 = arith.cmpi sgt, %iota3A, %gt3A_167 : vector<1x128xi32>
    %jit3A_169 = arith.constant 1.000000e+00 : f32
    %jit3A_170 = arith.constant 0.000000e+00 : f32
    %broadcast_in_dim3A_171 = vector.broadcast %jit3A_169 : f32 to vector<1x128xf32>
    %broadcast_in_dim3A_172 = vector.broadcast %jit3A_170 : f32 to vector<1x128xf32>
    %select_n3A_173 = arith.select %gt3A_168, %broadcast_in_dim3A_171, %broadcast_in_dim3A_172 : vector<1x128xi1>, vector<1x128xf32>
    %mul3A_174 = arith.mulf %get3A_165, %select_n3A_173 : vector<1x128xf32>
    %mul3A_175 = vector.broadcast %sub3A_159 : vector<1x1xf32> to vector<1x128xf32>
    %mul3A_176 = arith.mulf %mul3A_174, %mul3A_175 : vector<1x128xf32>
    %max3A_177 = arith.maximumf %max3A_144, %mul3A_176 : vector<1x128xf32>
    %eq3A_178 = arith.constant 3 : i32
    %eq3A_179 = vector.broadcast %eq3A_178 : i32 to vector<1x128xi32>
    %eq3A_180 = arith.cmpi eq, %iota3A, %eq3A_179 : vector<1x128xi32>
    %jit3A_181 = arith.constant 1.000000e+00 : f32
    %jit3A_182 = arith.constant 0.000000e+00 : f32
    %broadcast_in_dim3A_183 = vector.broadcast %jit3A_181 : f32 to vector<1x128xf32>
    %broadcast_in_dim3A_184 = vector.broadcast %jit3A_182 : f32 to vector<1x128xf32>
    %select_n3A_185 = arith.select %eq3A_180, %broadcast_in_dim3A_183, %broadcast_in_dim3A_184 : vector<1x128xi1>, vector<1x128xf32>
    %mul3A_186 = arith.mulf %max3A_177, %select_n3A_185 : vector<1x128xf32>
    %reduce_sum3A_187 = arith.constant dense<0.000000e+00> : vector<1xf32>
    %reduce_sum3A_188 = vector.multi_reduction <add>, %mul3A_186, %reduce_sum3A_187 [1] : vector<1x128xf32> to vector<1xf32>
    %broadcast_in_dim3A_189 = vector.shape_cast %reduce_sum3A_188 : vector<1xf32> to vector<1x1xf32>
    %sub3A_190 = arith.constant 1.000000e+00 : f32
    %sub3A_191 = vector.broadcast %sub3A_190 : f32 to vector<1x1xf32>
    %sub3A_192 = arith.subf %sub3A_191, %broadcast_in_dim3A_189 : vector<1x1xf32>
    %swap3A_193 = arith.constant 3 : index
    %swap3A_194 = arith.constant 0 : index
    %swap3A_195 = vector.load %arg12[%swap3A_193, %swap3A_194] : memref<128x1xf32, #tpu.memory_space<vmem>>, vector<1x1xf32>
    tpu.vector_store %arg12[%swap3A_193, %swap3A_194], %sub3A_192 {strides = array<i32>} : memref<128x1xf32, #tpu.memory_space<vmem>>, vector<1x1xf32>,
    %get3A_196 = arith.constant 3 : index
    %get3A_197 = arith.constant 0 : index
    %get3A_198 = vector.load %arg11[%get3A_196, %get3A_197] : memref<128x128xf32, #tpu.memory_space<vmem>>, vector<1x128xf32>
    %gt3A_199 = arith.constant 3 : i32
    %gt3A_200 = vector.broadcast %gt3A_199 : i32 to vector<1x128xi32>
    %gt3A_201 = arith.cmpi sgt, %iota3A, %gt3A_200 : vector<1x128xi32>
    %jit3A_202 = arith.constant 1.000000e+00 : f32
    %jit3A_203 = arith.constant 0.000000e+00 : f32
    %broadcast_in_dim3A_204 = vector.broadcast %jit3A_202 : f32 to vector<1x128xf32>
    %broadcast_in_dim3A_205 = vector.broadcast %jit3A_203 : f32 to vector<1x128xf32>
    %select_n3A_206 = arith.select %gt3A_201, %broadcast_in_dim3A_204, %broadcast_in_dim3A_205 : vector<1x128xi1>, vector<1x128xf32>
    %mul3A_207 = arith.mulf %get3A_198, %select_n3A_206 : vector<1x128xf32>
    %mul3A_208 = vector.broadcast %sub3A_192 : vector<1x1xf32> to vector<1x128xf32>
    %mul3A_209 = arith.mulf %mul3A_207, %mul3A_208 : vector<1x128xf32>
    %max3A_210 = arith.maximumf %max3A_177, %mul3A_209 : vector<1x128xf32>
    %eq3A_211 = arith.constant 4 : i32
    %eq3A_212 = vector.broadcast %eq3A_211 : i32 to vector<1x128xi32>
    %eq3A_213 = arith.cmpi eq, %iota3A, %eq3A_212 : vector<1x128xi32>
    %jit3A_214 = arith.constant 1.000000e+00 : f32
    %jit3A_215 = arith.constant 0.000000e+00 : f32
    %broadcast_in_dim3A_216 = vector.broadcast %jit3A_214 : f32 to vector<1x128xf32>
    %broadcast_in_dim3A_217 = vector.broadcast %jit3A_215 : f32 to vector<1x128xf32>
    %select_n3A_218 = arith.select %eq3A_213, %broadcast_in_dim3A_216, %broadcast_in_dim3A_217 : vector<1x128xi1>, vector<1x128xf32>
    %mul3A_219 = arith.mulf %max3A_210, %select_n3A_218 : vector<1x128xf32>
    %reduce_sum3A_220 = arith.constant dense<0.000000e+00> : vector<1xf32>
    %reduce_sum3A_221 = vector.multi_reduction <add>, %mul3A_219, %reduce_sum3A_220 [1] : vector<1x128xf32> to vector<1xf32>
    %broadcast_in_dim3A_222 = vector.shape_cast %reduce_sum3A_221 : vector<1xf32> to vector<1x1xf32>
    %sub3A_223 = arith.constant 1.000000e+00 : f32
    %sub3A_224 = vector.broadcast %sub3A_223 : f32 to vector<1x1xf32>
    %sub3A_225 = arith.subf %sub3A_224, %broadcast_in_dim3A_222 : vector<1x1xf32>
    %swap3A_226 = arith.constant 4 : index
    %swap3A_227 = arith.constant 0 : index
    %swap3A_228 = vector.load %arg12[%swap3A_226, %swap3A_227] : memref<128x1xf32, #tpu.memory_space<vmem>>, vector<1x1xf32>
    tpu.vector_store %arg12[%swap3A_226, %swap3A_227], %sub3A_225 {strides = array<i32>} : memref<128x1xf32, #tpu.memory_space<vmem>>, vector<1x1xf32>,
    %get3A_229 = arith.constant 4 : index
    %get3A_230 = arith.constant 0 : index
    %get3A_231 = vector.load %arg11[%get3A_229, %get3A_230] : memref<128x128xf32, #tpu.memory_space<vmem>>, vector<1x128xf32>
    %gt3A_232 = arith.constant 4 : i32
    %gt3A_233 = vector.broadcast %gt3A_232 : i32 to vector<1x128xi32>
    %gt3A_234 = arith.cmpi sgt, %iota3A, %gt3A_233 : vector<1x128xi32>
    %jit3A_235 = arith.constant 1.000000e+00 : f32
    %jit3A_236 = arith.constant 0.000000e+00 : f32
    %broadcast_in_dim3A_237 = vector.broadcast %jit3A_235 : f32 to vector<1x128xf32>
    %broadcast_in_dim3A_238 = vector.broadcast %jit3A_236 : f32 to vector<1x128xf32>
    %select_n3A_239 = arith.select %gt3A_234, %broadcast_in_dim3A_237, %broadcast_in_dim3A_238 : vector<1x128xi1>, vector<1x128xf32>
    %mul3A_240 = arith.mulf %get3A_231, %select_n3A_239 : vector<1x128xf32>
    %mul3A_241 = vector.broadcast %sub3A_225 : vector<1x1xf32> to vector<1x128xf32>
    %mul3A_242 = arith.mulf %mul3A_240, %mul3A_241 : vector<1x128xf32>
    %max3A_243 = arith.maximumf %max3A_210, %mul3A_242 : vector<1x128xf32>
    %eq3A_244 = arith.constant 5 : i32
    %eq3A_245 = vector.broadcast %eq3A_244 : i32 to vector<1x128xi32>
    %eq3A_246 = arith.cmpi eq, %iota3A, %eq3A_245 : vector<1x128xi32>
    %jit3A_247 = arith.constant 1.000000e+00 : f32
    %jit3A_248 = arith.constant 0.000000e+00 : f32
    %broadcast_in_dim3A_249 = vector.broadcast %jit3A_247 : f32 to vector<1x128xf32>
    %broadcast_in_dim3A_250 = vector.broadcast %jit3A_248 : f32 to vector<1x128xf32>
    %select_n3A_251 = arith.select %eq3A_246, %broadcast_in_dim3A_249, %broadcast_in_dim3A_250 : vector<1x128xi1>, vector<1x128xf32>
    %mul3A_252 = arith.mulf %max3A_243, %select_n3A_251 : vector<1x128xf32>
    %reduce_sum3A_253 = arith.constant dense<0.000000e+00> : vector<1xf32>
    %reduce_sum3A_254 = vector.multi_reduction <add>, %mul3A_252, %reduce_sum3A_253 [1] : vector<1x128xf32> to vector<1xf32>
    %broadcast_in_dim3A_255 = vector.shape_cast %reduce_sum3A_254 : vector<1xf32> to vector<1x1xf32>
    %sub3A_256 = arith.constant 1.000000e+00 : f32
    %sub3A_257 = vector.broadcast %sub3A_256 : f32 to vector<1x1xf32>
    %sub3A_258 = arith.subf %sub3A_257, %broadcast_in_dim3A_255 : vector<1x1xf32>
    %swap3A_259 = arith.constant 5 : index
    %swap3A_260 = arith.constant 0 : index
    %swap3A_261 = vector.load %arg12[%swap3A_259, %swap3A_260] : memref<128x1xf32, #tpu.memory_space<vmem>>, vector<1x1xf32>
    tpu.vector_store %arg12[%swap3A_259, %swap3A_260], %sub3A_258 {strides = array<i32>} : memref<128x1xf32, #tpu.memory_space<vmem>>, vector<1x1xf32>,
    %get3A_262 = arith.constant 5 : index
    %get3A_263 = arith.constant 0 : index
    %get3A_264 = vector.load %arg11[%get3A_262, %get3A_263] : memref<128x128xf32, #tpu.memory_space<vmem>>, vector<1x128xf32>
    %gt3A_265 = arith.constant 5 : i32
    %gt3A_266 = vector.broadcast %gt3A_265 : i32 to vector<1x128xi32>
    %gt3A_267 = arith.cmpi sgt, %iota3A, %gt3A_266 : vector<1x128xi32>
    %jit3A_268 = arith.constant 1.000000e+00 : f32
    %jit3A_269 = arith.constant 0.000000e+00 : f32
    %broadcast_in_dim3A_270 = vector.broadcast %jit3A_268 : f32 to vector<1x128xf32>
    %broadcast_in_dim3A_271 = vector.broadcast %jit3A_269 : f32 to vector<1x128xf32>
    %select_n3A_272 = arith.select %gt3A_267, %broadcast_in_dim3A_270, %broadcast_in_dim3A_271 : vector<1x128xi1>, vector<1x128xf32>
    %mul3A_273 = arith.mulf %get3A_264, %select_n3A_272 : vector<1x128xf32>
    %mul3A_274 = vector.broadcast %sub3A_258 : vector<1x1xf32> to vector<1x128xf32>
    %mul3A_275 = arith.mulf %mul3A_273, %mul3A_274 : vector<1x128xf32>
    %max3A_276 = arith.maximumf %max3A_243, %mul3A_275 : vector<1x128xf32>
    %eq3A_277 = arith.constant 6 : i32
    %eq3A_278 = vector.broadcast %eq3A_277 : i32 to vector<1x128xi32>
    %eq3A_279 = arith.cmpi eq, %iota3A, %eq3A_278 : vector<1x128xi32>
    %jit3A_280 = arith.constant 1.000000e+00 : f32
    %jit3A_281 = arith.constant 0.000000e+00 : f32
    %broadcast_in_dim3A_282 = vector.broadcast %jit3A_280 : f32 to vector<1x128xf32>
    %broadcast_in_dim3A_283 = vector.broadcast %jit3A_281 : f32 to vector<1x128xf32>
    %select_n3A_284 = arith.select %eq3A_279, %broadcast_in_dim3A_282, %broadcast_in_dim3A_283 : vector<1x128xi1>, vector<1x128xf32>
    %mul3A_285 = arith.mulf %max3A_276, %select_n3A_284 : vector<1x128xf32>
    %reduce_sum3A_286 = arith.constant dense<0.000000e+00> : vector<1xf32>
    %reduce_sum3A_287 = vector.multi_reduction <add>, %mul3A_285, %reduce_sum3A_286 [1] : vector<1x128xf32> to vector<1xf32>
    %broadcast_in_dim3A_288 = vector.shape_cast %reduce_sum3A_287 : vector<1xf32> to vector<1x1xf32>
    %sub3A_289 = arith.constant 1.000000e+00 : f32
    %sub3A_290 = vector.broadcast %sub3A_289 : f32 to vector<1x1xf32>
    %sub3A_291 = arith.subf %sub3A_290, %broadcast_in_dim3A_288 : vector<1x1xf32>
    %swap3A_292 = arith.constant 6 : index
    %swap3A_293 = arith.constant 0 : index
    %swap3A_294 = vector.load %arg12[%swap3A_292, %swap3A_293] : memref<128x1xf32, #tpu.memory_space<vmem>>, vector<1x1xf32>
    tpu.vector_store %arg12[%swap3A_292, %swap3A_293], %sub3A_291 {strides = array<i32>} : memref<128x1xf32, #tpu.memory_space<vmem>>, vector<1x1xf32>,
    %get3A_295 = arith.constant 6 : index
    %get3A_296 = arith.constant 0 : index
    %get3A_297 = vector.load %arg11[%get3A_295, %get3A_296] : memref<128x128xf32, #tpu.memory_space<vmem>>, vector<1x128xf32>
    %gt3A_298 = arith.constant 6 : i32
    %gt3A_299 = vector.broadcast %gt3A_298 : i32 to vector<1x128xi32>
    %gt3A_300 = arith.cmpi sgt, %iota3A, %gt3A_299 : vector<1x128xi32>
    %jit3A_301 = arith.constant 1.000000e+00 : f32
    %jit3A_302 = arith.constant 0.000000e+00 : f32
    %broadcast_in_dim3A_303 = vector.broadcast %jit3A_301 : f32 to vector<1x128xf32>
    %broadcast_in_dim3A_304 = vector.broadcast %jit3A_302 : f32 to vector<1x128xf32>
    %select_n3A_305 = arith.select %gt3A_300, %broadcast_in_dim3A_303, %broadcast_in_dim3A_304 : vector<1x128xi1>, vector<1x128xf32>
    %mul3A_306 = arith.mulf %get3A_297, %select_n3A_305 : vector<1x128xf32>
    %mul3A_307 = vector.broadcast %sub3A_291 : vector<1x1xf32> to vector<1x128xf32>
    %mul3A_308 = arith.mulf %mul3A_306, %mul3A_307 : vector<1x128xf32>
    %max3A_309 = arith.maximumf %max3A_276, %mul3A_308 : vector<1x128xf32>
    %eq3A_310 = arith.constant 7 : i32
    %eq3A_311 = vector.broadcast %eq3A_310 : i32 to vector<1x128xi32>
    %eq3A_312 = arith.cmpi eq, %iota3A, %eq3A_311 : vector<1x128xi32>
    %jit3A_313 = arith.constant 1.000000e+00 : f32
    %jit3A_314 = arith.constant 0.000000e+00 : f32
    %broadcast_in_dim3A_315 = vector.broadcast %jit3A_313 : f32 to vector<1x128xf32>
    %broadcast_in_dim3A_316 = vector.broadcast %jit3A_314 : f32 to vector<1x128xf32>
    %select_n3A_317 = arith.select %eq3A_312, %broadcast_in_dim3A_315, %broadcast_in_dim3A_316 : vector<1x128xi1>, vector<1x128xf32>
    %mul3A_318 = arith.mulf %max3A_309, %select_n3A_317 : vector<1x128xf32>
    %reduce_sum3A_319 = arith.constant dense<0.000000e+00> : vector<1xf32>
    %reduce_sum3A_320 = vector.multi_reduction <add>, %mul3A_318, %reduce_sum3A_319 [1] : vector<1x128xf32> to vector<1xf32>
    %broadcast_in_dim3A_321 = vector.shape_cast %reduce_sum3A_320 : vector<1xf32> to vector<1x1xf32>
    %sub3A_322 = arith.constant 1.000000e+00 : f32
    %sub3A_323 = vector.broadcast %sub3A_322 : f32 to vector<1x1xf32>
    %sub3A_324 = arith.subf %sub3A_323, %broadcast_in_dim3A_321 : vector<1x1xf32>
    %swap3A_325 = arith.constant 7 : index
    %swap3A_326 = arith.constant 0 : index
    %swap3A_327 = vector.load %arg12[%swap3A_325, %swap3A_326] : memref<128x1xf32, #tpu.memory_space<vmem>>, vector<1x1xf32>
    tpu.vector_store %arg12[%swap3A_325, %swap3A_326], %sub3A_324 {strides = array<i32>} : memref<128x1xf32, #tpu.memory_space<vmem>>, vector<1x1xf32>,
    %get3A_328 = arith.constant 7 : index
    %get3A_329 = arith.constant 0 : index
    %get3A_330 = vector.load %arg11[%get3A_328, %get3A_329] : memref<128x128xf32, #tpu.memory_space<vmem>>, vector<1x128xf32>
    %gt3A_331 = arith.constant 7 : i32
    %gt3A_332 = vector.broadcast %gt3A_331 : i32 to vector<1x128xi32>
    %gt3A_333 = arith.cmpi sgt, %iota3A, %gt3A_332 : vector<1x128xi32>
    %jit3A_334 = arith.constant 1.000000e+00 : f32
    %jit3A_335 = arith.constant 0.000000e+00 : f32
    %broadcast_in_dim3A_336 = vector.broadcast %jit3A_334 : f32 to vector<1x128xf32>
    %broadcast_in_dim3A_337 = vector.broadcast %jit3A_335 : f32 to vector<1x128xf32>
    %select_n3A_338 = arith.select %gt3A_333, %broadcast_in_dim3A_336, %broadcast_in_dim3A_337 : vector<1x128xi1>, vector<1x128xf32>
    %mul3A_339 = arith.mulf %get3A_330, %select_n3A_338 : vector<1x128xf32>
    %mul3A_340 = vector.broadcast %sub3A_324 : vector<1x1xf32> to vector<1x128xf32>
    %mul3A_341 = arith.mulf %mul3A_339, %mul3A_340 : vector<1x128xf32>
    %max3A_342 = arith.maximumf %max3A_309, %mul3A_341 : vector<1x128xf32>
    %eq3A_343 = arith.constant 8 : i32
    %eq3A_344 = vector.broadcast %eq3A_343 : i32 to vector<1x128xi32>
    %eq3A_345 = arith.cmpi eq, %iota3A, %eq3A_344 : vector<1x128xi32>
    %jit3A_346 = arith.constant 1.000000e+00 : f32
    %jit3A_347 = arith.constant 0.000000e+00 : f32
    %broadcast_in_dim3A_348 = vector.broadcast %jit3A_346 : f32 to vector<1x128xf32>
    %broadcast_in_dim3A_349 = vector.broadcast %jit3A_347 : f32 to vector<1x128xf32>
    %select_n3A_350 = arith.select %eq3A_345, %broadcast_in_dim3A_348, %broadcast_in_dim3A_349 : vector<1x128xi1>, vector<1x128xf32>
    %mul3A_351 = arith.mulf %max3A_342, %select_n3A_350 : vector<1x128xf32>
    %reduce_sum3A_352 = arith.constant dense<0.000000e+00> : vector<1xf32>
    %reduce_sum3A_353 = vector.multi_reduction <add>, %mul3A_351, %reduce_sum3A_352 [1] : vector<1x128xf32> to vector<1xf32>
    %broadcast_in_dim3A_354 = vector.shape_cast %reduce_sum3A_353 : vector<1xf32> to vector<1x1xf32>
    %sub3A_355 = arith.constant 1.000000e+00 : f32
    %sub3A_356 = vector.broadcast %sub3A_355 : f32 to vector<1x1xf32>
    %sub3A_357 = arith.subf %sub3A_356, %broadcast_in_dim3A_354 : vector<1x1xf32>
    %swap3A_358 = arith.constant 8 : index
    %swap3A_359 = arith.constant 0 : index
    %swap3A_360 = vector.load %arg12[%swap3A_358, %swap3A_359] : memref<128x1xf32, #tpu.memory_space<vmem>>, vector<1x1xf32>
    tpu.vector_store %arg12[%swap3A_358, %swap3A_359], %sub3A_357 {strides = array<i32>} : memref<128x1xf32, #tpu.memory_space<vmem>>, vector<1x1xf32>,
    %get3A_361 = arith.constant 8 : index
    %get3A_362 = arith.constant 0 : index
    %get3A_363 = vector.load %arg11[%get3A_361, %get3A_362] : memref<128x128xf32, #tpu.memory_space<vmem>>, vector<1x128xf32>
    %gt3A_364 = arith.constant 8 : i32
    %gt3A_365 = vector.broadcast %gt3A_364 : i32 to vector<1x128xi32>
    %gt3A_366 = arith.cmpi sgt, %iota3A, %gt3A_365 : vector<1x128xi32>
    %jit3A_367 = arith.constant 1.000000e+00 : f32
    %jit3A_368 = arith.constant 0.000000e+00 : f32
    %broadcast_in_dim3A_369 = vector.broadcast %jit3A_367 : f32 to vector<1x128xf32>
    %broadcast_in_dim3A_370 = vector.broadcast %jit3A_368 : f32 to vector<1x128xf32>
    %select_n3A_371 = arith.select %gt3A_366, %broadcast_in_dim3A_369, %broadcast_in_dim3A_370 : vector<1x128xi1>, vector<1x128xf32>
    %mul3A_372 = arith.mulf %get3A_363, %select_n3A_371 : vector<1x128xf32>
    %mul3A_373 = vector.broadcast %sub3A_357 : vector<1x1xf32> to vector<1x128xf32>
    %mul3A_374 = arith.mulf %mul3A_372, %mul3A_373 : vector<1x128xf32>
    %max3A_375 = arith.maximumf %max3A_342, %mul3A_374 : vector<1x128xf32>
    %eq3A_376 = arith.constant 9 : i32
    %eq3A_377 = vector.broadcast %eq3A_376 : i32 to vector<1x128xi32>
    %eq3A_378 = arith.cmpi eq, %iota3A, %eq3A_377 : vector<1x128xi32>
    %jit3A_379 = arith.constant 1.000000e+00 : f32
    %jit3A_380 = arith.constant 0.000000e+00 : f32
    %broadcast_in_dim3A_381 = vector.broadcast %jit3A_379 : f32 to vector<1x128xf32>
    %broadcast_in_dim3A_382 = vector.broadcast %jit3A_380 : f32 to vector<1x128xf32>
    %select_n3A_383 = arith.select %eq3A_378, %broadcast_in_dim3A_381, %broadcast_in_dim3A_382 : vector<1x128xi1>, vector<1x128xf32>
    %mul3A_384 = arith.mulf %max3A_375, %select_n3A_383 : vector<1x128xf32>
    %reduce_sum3A_385 = arith.constant dense<0.000000e+00> : vector<1xf32>
    %reduce_sum3A_386 = vector.multi_reduction <add>, %mul3A_384, %reduce_sum3A_385 [1] : vector<1x128xf32> to vector<1xf32>
    %broadcast_in_dim3A_387 = vector.shape_cast %reduce_sum3A_386 : vector<1xf32> to vector<1x1xf32>
    %sub3A_388 = arith.constant 1.000000e+00 : f32
    %sub3A_389 = vector.broadcast %sub3A_388 : f32 to vector<1x1xf32>
    %sub3A_390 = arith.subf %sub3A_389, %broadcast_in_dim3A_387 : vector<1x1xf32>
    %swap3A_391 = arith.constant 9 : index
    %swap3A_392 = arith.constant 0 : index
    %swap3A_393 = vector.load %arg12[%swap3A_391, %swap3A_392] : memref<128x1xf32, #tpu.memory_space<vmem>>, vector<1x1xf32>
    tpu.vector_store %arg12[%swap3A_391, %swap3A_392], %sub3A_390 {strides = array<i32>} : memref<128x1xf32, #tpu.memory_space<vmem>>, vector<1x1xf32>,
    %get3A_394 = arith.constant 9 : index
    %get3A_395 = arith.constant 0 : index
    %get3A_396 = vector.load %arg11[%get3A_394, %get3A_395] : memref<128x128xf32, #tpu.memory_space<vmem>>, vector<1x128xf32>
    %gt3A_397 = arith.constant 9 : i32
    %gt3A_398 = vector.broadcast %gt3A_397 : i32 to vector<1x128xi32>
    %gt3A_399 = arith.cmpi sgt, %iota3A, %gt3A_398 : vector<1x128xi32>
    %jit3A_400 = arith.constant 1.000000e+00 : f32
    %jit3A_401 = arith.constant 0.000000e+00 : f32
    %broadcast_in_dim3A_402 = vector.broadcast %jit3A_400 : f32 to vector<1x128xf32>
    %broadcast_in_dim3A_403 = vector.broadcast %jit3A_401 : f32 to vector<1x128xf32>
    %select_n3A_404 = arith.select %gt3A_399, %broadcast_in_dim3A_402, %broadcast_in_dim3A_403 : vector<1x128xi1>, vector<1x128xf32>
    %mul3A_405 = arith.mulf %get3A_396, %select_n3A_404 : vector<1x128xf32>
    %mul3A_406 = vector.broadcast %sub3A_390 : vector<1x1xf32> to vector<1x128xf32>
    %mul3A_407 = arith.mulf %mul3A_405, %mul3A_406 : vector<1x128xf32>
    %max3A_408 = arith.maximumf %max3A_375, %mul3A_407 : vector<1x128xf32>
    %eq3A_409 = arith.constant 10 : i32
    %eq3A_410 = vector.broadcast %eq3A_409 : i32 to vector<1x128xi32>
    %eq3A_411 = arith.cmpi eq, %iota3A, %eq3A_410 : vector<1x128xi32>
    %jit3A_412 = arith.constant 1.000000e+00 : f32
    %jit3A_413 = arith.constant 0.000000e+00 : f32
    %broadcast_in_dim3A_414 = vector.broadcast %jit3A_412 : f32 to vector<1x128xf32>
    %broadcast_in_dim3A_415 = vector.broadcast %jit3A_413 : f32 to vector<1x128xf32>
    %select_n3A_416 = arith.select %eq3A_411, %broadcast_in_dim3A_414, %broadcast_in_dim3A_415 : vector<1x128xi1>, vector<1x128xf32>
    %mul3A_417 = arith.mulf %max3A_408, %select_n3A_416 : vector<1x128xf32>
    %reduce_sum3A_418 = arith.constant dense<0.000000e+00> : vector<1xf32>
    %reduce_sum3A_419 = vector.multi_reduction <add>, %mul3A_417, %reduce_sum3A_418 [1] : vector<1x128xf32> to vector<1xf32>
    %broadcast_in_dim3A_420 = vector.shape_cast %reduce_sum3A_419 : vector<1xf32> to vector<1x1xf32>
    %sub3A_421 = arith.constant 1.000000e+00 : f32
    %sub3A_422 = vector.broadcast %sub3A_421 : f32 to vector<1x1xf32>
    %sub3A_423 = arith.subf %sub3A_422, %broadcast_in_dim3A_420 : vector<1x1xf32>
    %swap3A_424 = arith.constant 10 : index
    %swap3A_425 = arith.constant 0 : index
    %swap3A_426 = vector.load %arg12[%swap3A_424, %swap3A_425] : memref<128x1xf32, #tpu.memory_space<vmem>>, vector<1x1xf32>
    tpu.vector_store %arg12[%swap3A_424, %swap3A_425], %sub3A_423 {strides = array<i32>} : memref<128x1xf32, #tpu.memory_space<vmem>>, vector<1x1xf32>,
    %get3A_427 = arith.constant 10 : index
    %get3A_428 = arith.constant 0 : index
    %get3A_429 = vector.load %arg11[%get3A_427, %get3A_428] : memref<128x128xf32, #tpu.memory_space<vmem>>, vector<1x128xf32>
    %gt3A_430 = arith.constant 10 : i32
    %gt3A_431 = vector.broadcast %gt3A_430 : i32 to vector<1x128xi32>
    %gt3A_432 = arith.cmpi sgt, %iota3A, %gt3A_431 : vector<1x128xi32>
    %jit3A_433 = arith.constant 1.000000e+00 : f32
    %jit3A_434 = arith.constant 0.000000e+00 : f32
    %broadcast_in_dim3A_435 = vector.broadcast %jit3A_433 : f32 to vector<1x128xf32>
    %broadcast_in_dim3A_436 = vector.broadcast %jit3A_434 : f32 to vector<1x128xf32>
    %select_n3A_437 = arith.select %gt3A_432, %broadcast_in_dim3A_435, %broadcast_in_dim3A_436 : vector<1x128xi1>, vector<1x128xf32>
    %mul3A_438 = arith.mulf %get3A_429, %select_n3A_437 : vector<1x128xf32>
    %mul3A_439 = vector.broadcast %sub3A_423 : vector<1x1xf32> to vector<1x128xf32>
    %mul3A_440 = arith.mulf %mul3A_438, %mul3A_439 : vector<1x128xf32>
    %max3A_441 = arith.maximumf %max3A_408, %mul3A_440 : vector<1x128xf32>
    %eq3A_442 = arith.constant 11 : i32
    %eq3A_443 = vector.broadcast %eq3A_442 : i32 to vector<1x128xi32>
    %eq3A_444 = arith.cmpi eq, %iota3A, %eq3A_443 : vector<1x128xi32>
    %jit3A_445 = arith.constant 1.000000e+00 : f32
    %jit3A_446 = arith.constant 0.000000e+00 : f32
    %broadcast_in_dim3A_447 = vector.broadcast %jit3A_445 : f32 to vector<1x128xf32>
    %broadcast_in_dim3A_448 = vector.broadcast %jit3A_446 : f32 to vector<1x128xf32>
    %select_n3A_449 = arith.select %eq3A_444, %broadcast_in_dim3A_447, %broadcast_in_dim3A_448 : vector<1x128xi1>, vector<1x128xf32>
    %mul3A_450 = arith.mulf %max3A_441, %select_n3A_449 : vector<1x128xf32>
    %reduce_sum3A_451 = arith.constant dense<0.000000e+00> : vector<1xf32>
    %reduce_sum3A_452 = vector.multi_reduction <add>, %mul3A_450, %reduce_sum3A_451 [1] : vector<1x128xf32> to vector<1xf32>
    %broadcast_in_dim3A_453 = vector.shape_cast %reduce_sum3A_452 : vector<1xf32> to vector<1x1xf32>
    %sub3A_454 = arith.constant 1.000000e+00 : f32
    %sub3A_455 = vector.broadcast %sub3A_454 : f32 to vector<1x1xf32>
    %sub3A_456 = arith.subf %sub3A_455, %broadcast_in_dim3A_453 : vector<1x1xf32>
    %swap3A_457 = arith.constant 11 : index
    %swap3A_458 = arith.constant 0 : index
    %swap3A_459 = vector.load %arg12[%swap3A_457, %swap3A_458] : memref<128x1xf32, #tpu.memory_space<vmem>>, vector<1x1xf32>
    tpu.vector_store %arg12[%swap3A_457, %swap3A_458], %sub3A_456 {strides = array<i32>} : memref<128x1xf32, #tpu.memory_space<vmem>>, vector<1x1xf32>,
    %get3A_460 = arith.constant 11 : index
    %get3A_461 = arith.constant 0 : index
    %get3A_462 = vector.load %arg11[%get3A_460, %get3A_461] : memref<128x128xf32, #tpu.memory_space<vmem>>, vector<1x128xf32>
    %gt3A_463 = arith.constant 11 : i32
    %gt3A_464 = vector.broadcast %gt3A_463 : i32 to vector<1x128xi32>
    %gt3A_465 = arith.cmpi sgt, %iota3A, %gt3A_464 : vector<1x128xi32>
    %jit3A_466 = arith.constant 1.000000e+00 : f32
    %jit3A_467 = arith.constant 0.000000e+00 : f32
    %broadcast_in_dim3A_468 = vector.broadcast %jit3A_466 : f32 to vector<1x128xf32>
    %broadcast_in_dim3A_469 = vector.broadcast %jit3A_467 : f32 to vector<1x128xf32>
    %select_n3A_470 = arith.select %gt3A_465, %broadcast_in_dim3A_468, %broadcast_in_dim3A_469 : vector<1x128xi1>, vector<1x128xf32>
    %mul3A_471 = arith.mulf %get3A_462, %select_n3A_470 : vector<1x128xf32>
    %mul3A_472 = vector.broadcast %sub3A_456 : vector<1x1xf32> to vector<1x128xf32>
    %mul3A_473 = arith.mulf %mul3A_471, %mul3A_472 : vector<1x128xf32>
    %max3A_474 = arith.maximumf %max3A_441, %mul3A_473 : vector<1x128xf32>
    %eq3A_475 = arith.constant 12 : i32
    %eq3A_476 = vector.broadcast %eq3A_475 : i32 to vector<1x128xi32>
    %eq3A_477 = arith.cmpi eq, %iota3A, %eq3A_476 : vector<1x128xi32>
    %jit3A_478 = arith.constant 1.000000e+00 : f32
    %jit3A_479 = arith.constant 0.000000e+00 : f32
    %broadcast_in_dim3A_480 = vector.broadcast %jit3A_478 : f32 to vector<1x128xf32>
    %broadcast_in_dim3A_481 = vector.broadcast %jit3A_479 : f32 to vector<1x128xf32>
    %select_n3A_482 = arith.select %eq3A_477, %broadcast_in_dim3A_480, %broadcast_in_dim3A_481 : vector<1x128xi1>, vector<1x128xf32>
    %mul3A_483 = arith.mulf %max3A_474, %select_n3A_482 : vector<1x128xf32>
    %reduce_sum3A_484 = arith.constant dense<0.000000e+00> : vector<1xf32>
    %reduce_sum3A_485 = vector.multi_reduction <add>, %mul3A_483, %reduce_sum3A_484 [1] : vector<1x128xf32> to vector<1xf32>
    %broadcast_in_dim3A_486 = vector.shape_cast %reduce_sum3A_485 : vector<1xf32> to vector<1x1xf32>
    %sub3A_487 = arith.constant 1.000000e+00 : f32
    %sub3A_488 = vector.broadcast %sub3A_487 : f32 to vector<1x1xf32>
    %sub3A_489 = arith.subf %sub3A_488, %broadcast_in_dim3A_486 : vector<1x1xf32>
    %swap3A_490 = arith.constant 12 : index
    %swap3A_491 = arith.constant 0 : index
    %swap3A_492 = vector.load %arg12[%swap3A_490, %swap3A_491] : memref<128x1xf32, #tpu.memory_space<vmem>>, vector<1x1xf32>
    tpu.vector_store %arg12[%swap3A_490, %swap3A_491], %sub3A_489 {strides = array<i32>} : memref<128x1xf32, #tpu.memory_space<vmem>>, vector<1x1xf32>,
    %get3A_493 = arith.constant 12 : index
    %get3A_494 = arith.constant 0 : index
    %get3A_495 = vector.load %arg11[%get3A_493, %get3A_494] : memref<128x128xf32, #tpu.memory_space<vmem>>, vector<1x128xf32>
    %gt3A_496 = arith.constant 12 : i32
    %gt3A_497 = vector.broadcast %gt3A_496 : i32 to vector<1x128xi32>
    %gt3A_498 = arith.cmpi sgt, %iota3A, %gt3A_497 : vector<1x128xi32>
    %jit3A_499 = arith.constant 1.000000e+00 : f32
    %jit3A_500 = arith.constant 0.000000e+00 : f32
    %broadcast_in_dim3A_501 = vector.broadcast %jit3A_499 : f32 to vector<1x128xf32>
    %broadcast_in_dim3A_502 = vector.broadcast %jit3A_500 : f32 to vector<1x128xf32>
    %select_n3A_503 = arith.select %gt3A_498, %broadcast_in_dim3A_501, %broadcast_in_dim3A_502 : vector<1x128xi1>, vector<1x128xf32>
    %mul3A_504 = arith.mulf %get3A_495, %select_n3A_503 : vector<1x128xf32>
    %mul3A_505 = vector.broadcast %sub3A_489 : vector<1x1xf32> to vector<1x128xf32>
    %mul3A_506 = arith.mulf %mul3A_504, %mul3A_505 : vector<1x128xf32>
    %max3A_507 = arith.maximumf %max3A_474, %mul3A_506 : vector<1x128xf32>
    %eq3A_508 = arith.constant 13 : i32
    %eq3A_509 = vector.broadcast %eq3A_508 : i32 to vector<1x128xi32>
    %eq3A_510 = arith.cmpi eq, %iota3A, %eq3A_509 : vector<1x128xi32>
    %jit3A_511 = arith.constant 1.000000e+00 : f32
    %jit3A_512 = arith.constant 0.000000e+00 : f32
    %broadcast_in_dim3A_513 = vector.broadcast %jit3A_511 : f32 to vector<1x128xf32>
    %broadcast_in_dim3A_514 = vector.broadcast %jit3A_512 : f32 to vector<1x128xf32>
    %select_n3A_515 = arith.select %eq3A_510, %broadcast_in_dim3A_513, %broadcast_in_dim3A_514 : vector<1x128xi1>, vector<1x128xf32>
    %mul3A_516 = arith.mulf %max3A_507, %select_n3A_515 : vector<1x128xf32>
    %reduce_sum3A_517 = arith.constant dense<0.000000e+00> : vector<1xf32>
    %reduce_sum3A_518 = vector.multi_reduction <add>, %mul3A_516, %reduce_sum3A_517 [1] : vector<1x128xf32> to vector<1xf32>
    %broadcast_in_dim3A_519 = vector.shape_cast %reduce_sum3A_518 : vector<1xf32> to vector<1x1xf32>
    %sub3A_520 = arith.constant 1.000000e+00 : f32
    %sub3A_521 = vector.broadcast %sub3A_520 : f32 to vector<1x1xf32>
    %sub3A_522 = arith.subf %sub3A_521, %broadcast_in_dim3A_519 : vector<1x1xf32>
    %swap3A_523 = arith.constant 13 : index
    %swap3A_524 = arith.constant 0 : index
    %swap3A_525 = vector.load %arg12[%swap3A_523, %swap3A_524] : memref<128x1xf32, #tpu.memory_space<vmem>>, vector<1x1xf32>
    tpu.vector_store %arg12[%swap3A_523, %swap3A_524], %sub3A_522 {strides = array<i32>} : memref<128x1xf32, #tpu.memory_space<vmem>>, vector<1x1xf32>,
    %get3A_526 = arith.constant 13 : index
    %get3A_527 = arith.constant 0 : index
    %get3A_528 = vector.load %arg11[%get3A_526, %get3A_527] : memref<128x128xf32, #tpu.memory_space<vmem>>, vector<1x128xf32>
    %gt3A_529 = arith.constant 13 : i32
    %gt3A_530 = vector.broadcast %gt3A_529 : i32 to vector<1x128xi32>
    %gt3A_531 = arith.cmpi sgt, %iota3A, %gt3A_530 : vector<1x128xi32>
    %jit3A_532 = arith.constant 1.000000e+00 : f32
    %jit3A_533 = arith.constant 0.000000e+00 : f32
    %broadcast_in_dim3A_534 = vector.broadcast %jit3A_532 : f32 to vector<1x128xf32>
    %broadcast_in_dim3A_535 = vector.broadcast %jit3A_533 : f32 to vector<1x128xf32>
    %select_n3A_536 = arith.select %gt3A_531, %broadcast_in_dim3A_534, %broadcast_in_dim3A_535 : vector<1x128xi1>, vector<1x128xf32>
    %mul3A_537 = arith.mulf %get3A_528, %select_n3A_536 : vector<1x128xf32>
    %mul3A_538 = vector.broadcast %sub3A_522 : vector<1x1xf32> to vector<1x128xf32>
    %mul3A_539 = arith.mulf %mul3A_537, %mul3A_538 : vector<1x128xf32>
    %max3A_540 = arith.maximumf %max3A_507, %mul3A_539 : vector<1x128xf32>
    %eq3A_541 = arith.constant 14 : i32
    %eq3A_542 = vector.broadcast %eq3A_541 : i32 to vector<1x128xi32>
    %eq3A_543 = arith.cmpi eq, %iota3A, %eq3A_542 : vector<1x128xi32>
    %jit3A_544 = arith.constant 1.000000e+00 : f32
    %jit3A_545 = arith.constant 0.000000e+00 : f32
    %broadcast_in_dim3A_546 = vector.broadcast %jit3A_544 : f32 to vector<1x128xf32>
    %broadcast_in_dim3A_547 = vector.broadcast %jit3A_545 : f32 to vector<1x128xf32>
    %select_n3A_548 = arith.select %eq3A_543, %broadcast_in_dim3A_546, %broadcast_in_dim3A_547 : vector<1x128xi1>, vector<1x128xf32>
    %mul3A_549 = arith.mulf %max3A_540, %select_n3A_548 : vector<1x128xf32>
    %reduce_sum3A_550 = arith.constant dense<0.000000e+00> : vector<1xf32>
    %reduce_sum3A_551 = vector.multi_reduction <add>, %mul3A_549, %reduce_sum3A_550 [1] : vector<1x128xf32> to vector<1xf32>
    %broadcast_in_dim3A_552 = vector.shape_cast %reduce_sum3A_551 : vector<1xf32> to vector<1x1xf32>
    %sub3A_553 = arith.constant 1.000000e+00 : f32
    %sub3A_554 = vector.broadcast %sub3A_553 : f32 to vector<1x1xf32>
    %sub3A_555 = arith.subf %sub3A_554, %broadcast_in_dim3A_552 : vector<1x1xf32>
    %swap3A_556 = arith.constant 14 : index
    %swap3A_557 = arith.constant 0 : index
    %swap3A_558 = vector.load %arg12[%swap3A_556, %swap3A_557] : memref<128x1xf32, #tpu.memory_space<vmem>>, vector<1x1xf32>
    tpu.vector_store %arg12[%swap3A_556, %swap3A_557], %sub3A_555 {strides = array<i32>} : memref<128x1xf32, #tpu.memory_space<vmem>>, vector<1x1xf32>,
    %get3A_559 = arith.constant 14 : index
    %get3A_560 = arith.constant 0 : index
    %get3A_561 = vector.load %arg11[%get3A_559, %get3A_560] : memref<128x128xf32, #tpu.memory_space<vmem>>, vector<1x128xf32>
    %gt3A_562 = arith.constant 14 : i32
    %gt3A_563 = vector.broadcast %gt3A_562 : i32 to vector<1x128xi32>
    %gt3A_564 = arith.cmpi sgt, %iota3A, %gt3A_563 : vector<1x128xi32>
    %jit3A_565 = arith.constant 1.000000e+00 : f32
    %jit3A_566 = arith.constant 0.000000e+00 : f32
    %broadcast_in_dim3A_567 = vector.broadcast %jit3A_565 : f32 to vector<1x128xf32>
    %broadcast_in_dim3A_568 = vector.broadcast %jit3A_566 : f32 to vector<1x128xf32>
    %select_n3A_569 = arith.select %gt3A_564, %broadcast_in_dim3A_567, %broadcast_in_dim3A_568 : vector<1x128xi1>, vector<1x128xf32>
    %mul3A_570 = arith.mulf %get3A_561, %select_n3A_569 : vector<1x128xf32>
    %mul3A_571 = vector.broadcast %sub3A_555 : vector<1x1xf32> to vector<1x128xf32>
    %mul3A_572 = arith.mulf %mul3A_570, %mul3A_571 : vector<1x128xf32>
    %max3A_573 = arith.maximumf %max3A_540, %mul3A_572 : vector<1x128xf32>
    %eq3A_574 = arith.constant 15 : i32
    %eq3A_575 = vector.broadcast %eq3A_574 : i32 to vector<1x128xi32>
    %eq3A_576 = arith.cmpi eq, %iota3A, %eq3A_575 : vector<1x128xi32>
    %jit3A_577 = arith.constant 1.000000e+00 : f32
    %jit3A_578 = arith.constant 0.000000e+00 : f32
    %broadcast_in_dim3A_579 = vector.broadcast %jit3A_577 : f32 to vector<1x128xf32>
    %broadcast_in_dim3A_580 = vector.broadcast %jit3A_578 : f32 to vector<1x128xf32>
    %select_n3A_581 = arith.select %eq3A_576, %broadcast_in_dim3A_579, %broadcast_in_dim3A_580 : vector<1x128xi1>, vector<1x128xf32>
    %mul3A_582 = arith.mulf %max3A_573, %select_n3A_581 : vector<1x128xf32>
    %reduce_sum3A_583 = arith.constant dense<0.000000e+00> : vector<1xf32>
    %reduce_sum3A_584 = vector.multi_reduction <add>, %mul3A_582, %reduce_sum3A_583 [1] : vector<1x128xf32> to vector<1xf32>
    %broadcast_in_dim3A_585 = vector.shape_cast %reduce_sum3A_584 : vector<1xf32> to vector<1x1xf32>
    %sub3A_586 = arith.constant 1.000000e+00 : f32
    %sub3A_587 = vector.broadcast %sub3A_586 : f32 to vector<1x1xf32>
    %sub3A_588 = arith.subf %sub3A_587, %broadcast_in_dim3A_585 : vector<1x1xf32>
    %swap3A_589 = arith.constant 15 : index
    %swap3A_590 = arith.constant 0 : index
    %swap3A_591 = vector.load %arg12[%swap3A_589, %swap3A_590] : memref<128x1xf32, #tpu.memory_space<vmem>>, vector<1x1xf32>
    tpu.vector_store %arg12[%swap3A_589, %swap3A_590], %sub3A_588 {strides = array<i32>} : memref<128x1xf32, #tpu.memory_space<vmem>>, vector<1x1xf32>,
    %get3A_592 = arith.constant 15 : index
    %get3A_593 = arith.constant 0 : index
    %get3A_594 = vector.load %arg11[%get3A_592, %get3A_593] : memref<128x128xf32, #tpu.memory_space<vmem>>, vector<1x128xf32>
    %gt3A_595 = arith.constant 15 : i32
    %gt3A_596 = vector.broadcast %gt3A_595 : i32 to vector<1x128xi32>
    %gt3A_597 = arith.cmpi sgt, %iota3A, %gt3A_596 : vector<1x128xi32>
    %jit3A_598 = arith.constant 1.000000e+00 : f32
    %jit3A_599 = arith.constant 0.000000e+00 : f32
    %broadcast_in_dim3A_600 = vector.broadcast %jit3A_598 : f32 to vector<1x128xf32>
    %broadcast_in_dim3A_601 = vector.broadcast %jit3A_599 : f32 to vector<1x128xf32>
    %select_n3A_602 = arith.select %gt3A_597, %broadcast_in_dim3A_600, %broadcast_in_dim3A_601 : vector<1x128xi1>, vector<1x128xf32>
    %mul3A_603 = arith.mulf %get3A_594, %select_n3A_602 : vector<1x128xf32>
    %mul3A_604 = vector.broadcast %sub3A_588 : vector<1x1xf32> to vector<1x128xf32>
    %mul3A_605 = arith.mulf %mul3A_603, %mul3A_604 : vector<1x128xf32>
    %max3A_606 = arith.maximumf %max3A_573, %mul3A_605 : vector<1x128xf32>
    %eq3A_607 = arith.constant 16 : i32
    %eq3A_608 = vector.broadcast %eq3A_607 : i32 to vector<1x128xi32>
    %eq3A_609 = arith.cmpi eq, %iota3A, %eq3A_608 : vector<1x128xi32>
    %jit3A_610 = arith.constant 1.000000e+00 : f32
    %jit3A_611 = arith.constant 0.000000e+00 : f32
    %broadcast_in_dim3A_612 = vector.broadcast %jit3A_610 : f32 to vector<1x128xf32>
    %broadcast_in_dim3A_613 = vector.broadcast %jit3A_611 : f32 to vector<1x128xf32>
    %select_n3A_614 = arith.select %eq3A_609, %broadcast_in_dim3A_612, %broadcast_in_dim3A_613 : vector<1x128xi1>, vector<1x128xf32>
    %mul3A_615 = arith.mulf %max3A_606, %select_n3A_614 : vector<1x128xf32>
    %reduce_sum3A_616 = arith.constant dense<0.000000e+00> : vector<1xf32>
    %reduce_sum3A_617 = vector.multi_reduction <add>, %mul3A_615, %reduce_sum3A_616 [1] : vector<1x128xf32> to vector<1xf32>
    %broadcast_in_dim3A_618 = vector.shape_cast %reduce_sum3A_617 : vector<1xf32> to vector<1x1xf32>
    %sub3A_619 = arith.constant 1.000000e+00 : f32
    %sub3A_620 = vector.broadcast %sub3A_619 : f32 to vector<1x1xf32>
    %sub3A_621 = arith.subf %sub3A_620, %broadcast_in_dim3A_618 : vector<1x1xf32>
    %swap3A_622 = arith.constant 16 : index
    %swap3A_623 = arith.constant 0 : index
    %swap3A_624 = vector.load %arg12[%swap3A_622, %swap3A_623] : memref<128x1xf32, #tpu.memory_space<vmem>>, vector<1x1xf32>
    tpu.vector_store %arg12[%swap3A_622, %swap3A_623], %sub3A_621 {strides = array<i32>} : memref<128x1xf32, #tpu.memory_space<vmem>>, vector<1x1xf32>,
    %get3A_625 = arith.constant 16 : index
    %get3A_626 = arith.constant 0 : index
    %get3A_627 = vector.load %arg11[%get3A_625, %get3A_626] : memref<128x128xf32, #tpu.memory_space<vmem>>, vector<1x128xf32>
    %gt3A_628 = arith.constant 16 : i32
    %gt3A_629 = vector.broadcast %gt3A_628 : i32 to vector<1x128xi32>
    %gt3A_630 = arith.cmpi sgt, %iota3A, %gt3A_629 : vector<1x128xi32>
    %jit3A_631 = arith.constant 1.000000e+00 : f32
    %jit3A_632 = arith.constant 0.000000e+00 : f32
    %broadcast_in_dim3A_633 = vector.broadcast %jit3A_631 : f32 to vector<1x128xf32>
    %broadcast_in_dim3A_634 = vector.broadcast %jit3A_632 : f32 to vector<1x128xf32>
    %select_n3A_635 = arith.select %gt3A_630, %broadcast_in_dim3A_633, %broadcast_in_dim3A_634 : vector<1x128xi1>, vector<1x128xf32>
    %mul3A_636 = arith.mulf %get3A_627, %select_n3A_635 : vector<1x128xf32>
    %mul3A_637 = vector.broadcast %sub3A_621 : vector<1x1xf32> to vector<1x128xf32>
    %mul3A_638 = arith.mulf %mul3A_636, %mul3A_637 : vector<1x128xf32>
    %max3A_639 = arith.maximumf %max3A_606, %mul3A_638 : vector<1x128xf32>
    %eq3A_640 = arith.constant 17 : i32
    %eq3A_641 = vector.broadcast %eq3A_640 : i32 to vector<1x128xi32>
    %eq3A_642 = arith.cmpi eq, %iota3A, %eq3A_641 : vector<1x128xi32>
    %jit3A_643 = arith.constant 1.000000e+00 : f32
    %jit3A_644 = arith.constant 0.000000e+00 : f32
    %broadcast_in_dim3A_645 = vector.broadcast %jit3A_643 : f32 to vector<1x128xf32>
    %broadcast_in_dim3A_646 = vector.broadcast %jit3A_644 : f32 to vector<1x128xf32>
    %select_n3A_647 = arith.select %eq3A_642, %broadcast_in_dim3A_645, %broadcast_in_dim3A_646 : vector<1x128xi1>, vector<1x128xf32>
    %mul3A_648 = arith.mulf %max3A_639, %select_n3A_647 : vector<1x128xf32>
    %reduce_sum3A_649 = arith.constant dense<0.000000e+00> : vector<1xf32>
    %reduce_sum3A_650 = vector.multi_reduction <add>, %mul3A_648, %reduce_sum3A_649 [1] : vector<1x128xf32> to vector<1xf32>
    %broadcast_in_dim3A_651 = vector.shape_cast %reduce_sum3A_650 : vector<1xf32> to vector<1x1xf32>
    %sub3A_652 = arith.constant 1.000000e+00 : f32
    %sub3A_653 = vector.broadcast %sub3A_652 : f32 to vector<1x1xf32>
    %sub3A_654 = arith.subf %sub3A_653, %broadcast_in_dim3A_651 : vector<1x1xf32>
    %swap3A_655 = arith.constant 17 : index
    %swap3A_656 = arith.constant 0 : index
    %swap3A_657 = vector.load %arg12[%swap3A_655, %swap3A_656] : memref<128x1xf32, #tpu.memory_space<vmem>>, vector<1x1xf32>
    tpu.vector_store %arg12[%swap3A_655, %swap3A_656], %sub3A_654 {strides = array<i32>} : memref<128x1xf32, #tpu.memory_space<vmem>>, vector<1x1xf32>,
    %get3A_658 = arith.constant 17 : index
    %get3A_659 = arith.constant 0 : index
    %get3A_660 = vector.load %arg11[%get3A_658, %get3A_659] : memref<128x128xf32, #tpu.memory_space<vmem>>, vector<1x128xf32>
    %gt3A_661 = arith.constant 17 : i32
    %gt3A_662 = vector.broadcast %gt3A_661 : i32 to vector<1x128xi32>
    %gt3A_663 = arith.cmpi sgt, %iota3A, %gt3A_662 : vector<1x128xi32>
    %jit3A_664 = arith.constant 1.000000e+00 : f32
    %jit3A_665 = arith.constant 0.000000e+00 : f32
    %broadcast_in_dim3A_666 = vector.broadcast %jit3A_664 : f32 to vector<1x128xf32>
    %broadcast_in_dim3A_667 = vector.broadcast %jit3A_665 : f32 to vector<1x128xf32>
    %select_n3A_668 = arith.select %gt3A_663, %broadcast_in_dim3A_666, %broadcast_in_dim3A_667 : vector<1x128xi1>, vector<1x128xf32>
    %mul3A_669 = arith.mulf %get3A_660, %select_n3A_668 : vector<1x128xf32>
    %mul3A_670 = vector.broadcast %sub3A_654 : vector<1x1xf32> to vector<1x128xf32>
    %mul3A_671 = arith.mulf %mul3A_669, %mul3A_670 : vector<1x128xf32>
    %max3A_672 = arith.maximumf %max3A_639, %mul3A_671 : vector<1x128xf32>
    %eq3A_673 = arith.constant 18 : i32
    %eq3A_674 = vector.broadcast %eq3A_673 : i32 to vector<1x128xi32>
    %eq3A_675 = arith.cmpi eq, %iota3A, %eq3A_674 : vector<1x128xi32>
    %jit3A_676 = arith.constant 1.000000e+00 : f32
    %jit3A_677 = arith.constant 0.000000e+00 : f32
    %broadcast_in_dim3A_678 = vector.broadcast %jit3A_676 : f32 to vector<1x128xf32>
    %broadcast_in_dim3A_679 = vector.broadcast %jit3A_677 : f32 to vector<1x128xf32>
    %select_n3A_680 = arith.select %eq3A_675, %broadcast_in_dim3A_678, %broadcast_in_dim3A_679 : vector<1x128xi1>, vector<1x128xf32>
    %mul3A_681 = arith.mulf %max3A_672, %select_n3A_680 : vector<1x128xf32>
    %reduce_sum3A_682 = arith.constant dense<0.000000e+00> : vector<1xf32>
    %reduce_sum3A_683 = vector.multi_reduction <add>, %mul3A_681, %reduce_sum3A_682 [1] : vector<1x128xf32> to vector<1xf32>
    %broadcast_in_dim3A_684 = vector.shape_cast %reduce_sum3A_683 : vector<1xf32> to vector<1x1xf32>
    %sub3A_685 = arith.constant 1.000000e+00 : f32
    %sub3A_686 = vector.broadcast %sub3A_685 : f32 to vector<1x1xf32>
    %sub3A_687 = arith.subf %sub3A_686, %broadcast_in_dim3A_684 : vector<1x1xf32>
    %swap3A_688 = arith.constant 18 : index
    %swap3A_689 = arith.constant 0 : index
    %swap3A_690 = vector.load %arg12[%swap3A_688, %swap3A_689] : memref<128x1xf32, #tpu.memory_space<vmem>>, vector<1x1xf32>
    tpu.vector_store %arg12[%swap3A_688, %swap3A_689], %sub3A_687 {strides = array<i32>} : memref<128x1xf32, #tpu.memory_space<vmem>>, vector<1x1xf32>,
    %get3A_691 = arith.constant 18 : index
    %get3A_692 = arith.constant 0 : index
    %get3A_693 = vector.load %arg11[%get3A_691, %get3A_692] : memref<128x128xf32, #tpu.memory_space<vmem>>, vector<1x128xf32>
    %gt3A_694 = arith.constant 18 : i32
    %gt3A_695 = vector.broadcast %gt3A_694 : i32 to vector<1x128xi32>
    %gt3A_696 = arith.cmpi sgt, %iota3A, %gt3A_695 : vector<1x128xi32>
    %jit3A_697 = arith.constant 1.000000e+00 : f32
    %jit3A_698 = arith.constant 0.000000e+00 : f32
    %broadcast_in_dim3A_699 = vector.broadcast %jit3A_697 : f32 to vector<1x128xf32>
    %broadcast_in_dim3A_700 = vector.broadcast %jit3A_698 : f32 to vector<1x128xf32>
    %select_n3A_701 = arith.select %gt3A_696, %broadcast_in_dim3A_699, %broadcast_in_dim3A_700 : vector<1x128xi1>, vector<1x128xf32>
    %mul3A_702 = arith.mulf %get3A_693, %select_n3A_701 : vector<1x128xf32>
    %mul3A_703 = vector.broadcast %sub3A_687 : vector<1x1xf32> to vector<1x128xf32>
    %mul3A_704 = arith.mulf %mul3A_702, %mul3A_703 : vector<1x128xf32>
    %max3A_705 = arith.maximumf %max3A_672, %mul3A_704 : vector<1x128xf32>
    %eq3A_706 = arith.constant 19 : i32
    %eq3A_707 = vector.broadcast %eq3A_706 : i32 to vector<1x128xi32>
    %eq3A_708 = arith.cmpi eq, %iota3A, %eq3A_707 : vector<1x128xi32>
    %jit3A_709 = arith.constant 1.000000e+00 : f32
    %jit3A_710 = arith.constant 0.000000e+00 : f32
    %broadcast_in_dim3A_711 = vector.broadcast %jit3A_709 : f32 to vector<1x128xf32>
    %broadcast_in_dim3A_712 = vector.broadcast %jit3A_710 : f32 to vector<1x128xf32>
    %select_n3A_713 = arith.select %eq3A_708, %broadcast_in_dim3A_711, %broadcast_in_dim3A_712 : vector<1x128xi1>, vector<1x128xf32>
    %mul3A_714 = arith.mulf %max3A_705, %select_n3A_713 : vector<1x128xf32>
    %reduce_sum3A_715 = arith.constant dense<0.000000e+00> : vector<1xf32>
    %reduce_sum3A_716 = vector.multi_reduction <add>, %mul3A_714, %reduce_sum3A_715 [1] : vector<1x128xf32> to vector<1xf32>
    %broadcast_in_dim3A_717 = vector.shape_cast %reduce_sum3A_716 : vector<1xf32> to vector<1x1xf32>
    %sub3A_718 = arith.constant 1.000000e+00 : f32
    %sub3A_719 = vector.broadcast %sub3A_718 : f32 to vector<1x1xf32>
    %sub3A_720 = arith.subf %sub3A_719, %broadcast_in_dim3A_717 : vector<1x1xf32>
    %swap3A_721 = arith.constant 19 : index
    %swap3A_722 = arith.constant 0 : index
    %swap3A_723 = vector.load %arg12[%swap3A_721, %swap3A_722] : memref<128x1xf32, #tpu.memory_space<vmem>>, vector<1x1xf32>
    tpu.vector_store %arg12[%swap3A_721, %swap3A_722], %sub3A_720 {strides = array<i32>} : memref<128x1xf32, #tpu.memory_space<vmem>>, vector<1x1xf32>,
    %get3A_724 = arith.constant 19 : index
    %get3A_725 = arith.constant 0 : index
    %get3A_726 = vector.load %arg11[%get3A_724, %get3A_725] : memref<128x128xf32, #tpu.memory_space<vmem>>, vector<1x128xf32>
    %gt3A_727 = arith.constant 19 : i32
    %gt3A_728 = vector.broadcast %gt3A_727 : i32 to vector<1x128xi32>
    %gt3A_729 = arith.cmpi sgt, %iota3A, %gt3A_728 : vector<1x128xi32>
    %jit3A_730 = arith.constant 1.000000e+00 : f32
    %jit3A_731 = arith.constant 0.000000e+00 : f32
    %broadcast_in_dim3A_732 = vector.broadcast %jit3A_730 : f32 to vector<1x128xf32>
    %broadcast_in_dim3A_733 = vector.broadcast %jit3A_731 : f32 to vector<1x128xf32>
    %select_n3A_734 = arith.select %gt3A_729, %broadcast_in_dim3A_732, %broadcast_in_dim3A_733 : vector<1x128xi1>, vector<1x128xf32>
    %mul3A_735 = arith.mulf %get3A_726, %select_n3A_734 : vector<1x128xf32>
    %mul3A_736 = vector.broadcast %sub3A_720 : vector<1x1xf32> to vector<1x128xf32>
    %mul3A_737 = arith.mulf %mul3A_735, %mul3A_736 : vector<1x128xf32>
    %max3A_738 = arith.maximumf %max3A_705, %mul3A_737 : vector<1x128xf32>
    %eq3A_739 = arith.constant 20 : i32
    %eq3A_740 = vector.broadcast %eq3A_739 : i32 to vector<1x128xi32>
    %eq3A_741 = arith.cmpi eq, %iota3A, %eq3A_740 : vector<1x128xi32>
    %jit3A_742 = arith.constant 1.000000e+00 : f32
    %jit3A_743 = arith.constant 0.000000e+00 : f32
    %broadcast_in_dim3A_744 = vector.broadcast %jit3A_742 : f32 to vector<1x128xf32>
    %broadcast_in_dim3A_745 = vector.broadcast %jit3A_743 : f32 to vector<1x128xf32>
    %select_n3A_746 = arith.select %eq3A_741, %broadcast_in_dim3A_744, %broadcast_in_dim3A_745 : vector<1x128xi1>, vector<1x128xf32>
    %mul3A_747 = arith.mulf %max3A_738, %select_n3A_746 : vector<1x128xf32>
    %reduce_sum3A_748 = arith.constant dense<0.000000e+00> : vector<1xf32>
    %reduce_sum3A_749 = vector.multi_reduction <add>, %mul3A_747, %reduce_sum3A_748 [1] : vector<1x128xf32> to vector<1xf32>
    %broadcast_in_dim3A_750 = vector.shape_cast %reduce_sum3A_749 : vector<1xf32> to vector<1x1xf32>
    %sub3A_751 = arith.constant 1.000000e+00 : f32
    %sub3A_752 = vector.broadcast %sub3A_751 : f32 to vector<1x1xf32>
    %sub3A_753 = arith.subf %sub3A_752, %broadcast_in_dim3A_750 : vector<1x1xf32>
    %swap3A_754 = arith.constant 20 : index
    %swap3A_755 = arith.constant 0 : index
    %swap3A_756 = vector.load %arg12[%swap3A_754, %swap3A_755] : memref<128x1xf32, #tpu.memory_space<vmem>>, vector<1x1xf32>
    tpu.vector_store %arg12[%swap3A_754, %swap3A_755], %sub3A_753 {strides = array<i32>} : memref<128x1xf32, #tpu.memory_space<vmem>>, vector<1x1xf32>,
    %get3A_757 = arith.constant 20 : index
    %get3A_758 = arith.constant 0 : index
    %get3A_759 = vector.load %arg11[%get3A_757, %get3A_758] : memref<128x128xf32, #tpu.memory_space<vmem>>, vector<1x128xf32>
    %gt3A_760 = arith.constant 20 : i32
    %gt3A_761 = vector.broadcast %gt3A_760 : i32 to vector<1x128xi32>
    %gt3A_762 = arith.cmpi sgt, %iota3A, %gt3A_761 : vector<1x128xi32>
    %jit3A_763 = arith.constant 1.000000e+00 : f32
    %jit3A_764 = arith.constant 0.000000e+00 : f32
    %broadcast_in_dim3A_765 = vector.broadcast %jit3A_763 : f32 to vector<1x128xf32>
    %broadcast_in_dim3A_766 = vector.broadcast %jit3A_764 : f32 to vector<1x128xf32>
    %select_n3A_767 = arith.select %gt3A_762, %broadcast_in_dim3A_765, %broadcast_in_dim3A_766 : vector<1x128xi1>, vector<1x128xf32>
    %mul3A_768 = arith.mulf %get3A_759, %select_n3A_767 : vector<1x128xf32>
    %mul3A_769 = vector.broadcast %sub3A_753 : vector<1x1xf32> to vector<1x128xf32>
    %mul3A_770 = arith.mulf %mul3A_768, %mul3A_769 : vector<1x128xf32>
    %max3A_771 = arith.maximumf %max3A_738, %mul3A_770 : vector<1x128xf32>
    %eq3A_772 = arith.constant 21 : i32
    %eq3A_773 = vector.broadcast %eq3A_772 : i32 to vector<1x128xi32>
    %eq3A_774 = arith.cmpi eq, %iota3A, %eq3A_773 : vector<1x128xi32>
    %jit3A_775 = arith.constant 1.000000e+00 : f32
    %jit3A_776 = arith.constant 0.000000e+00 : f32
    %broadcast_in_dim3A_777 = vector.broadcast %jit3A_775 : f32 to vector<1x128xf32>
    %broadcast_in_dim3A_778 = vector.broadcast %jit3A_776 : f32 to vector<1x128xf32>
    %select_n3A_779 = arith.select %eq3A_774, %broadcast_in_dim3A_777, %broadcast_in_dim3A_778 : vector<1x128xi1>, vector<1x128xf32>
    %mul3A_780 = arith.mulf %max3A_771, %select_n3A_779 : vector<1x128xf32>
    %reduce_sum3A_781 = arith.constant dense<0.000000e+00> : vector<1xf32>
    %reduce_sum3A_782 = vector.multi_reduction <add>, %mul3A_780, %reduce_sum3A_781 [1] : vector<1x128xf32> to vector<1xf32>
    %broadcast_in_dim3A_783 = vector.shape_cast %reduce_sum3A_782 : vector<1xf32> to vector<1x1xf32>
    %sub3A_784 = arith.constant 1.000000e+00 : f32
    %sub3A_785 = vector.broadcast %sub3A_784 : f32 to vector<1x1xf32>
    %sub3A_786 = arith.subf %sub3A_785, %broadcast_in_dim3A_783 : vector<1x1xf32>
    %swap3A_787 = arith.constant 21 : index
    %swap3A_788 = arith.constant 0 : index
    %swap3A_789 = vector.load %arg12[%swap3A_787, %swap3A_788] : memref<128x1xf32, #tpu.memory_space<vmem>>, vector<1x1xf32>
    tpu.vector_store %arg12[%swap3A_787, %swap3A_788], %sub3A_786 {strides = array<i32>} : memref<128x1xf32, #tpu.memory_space<vmem>>, vector<1x1xf32>,
    %get3A_790 = arith.constant 21 : index
    %get3A_791 = arith.constant 0 : index
    %get3A_792 = vector.load %arg11[%get3A_790, %get3A_791] : memref<128x128xf32, #tpu.memory_space<vmem>>, vector<1x128xf32>
    %gt3A_793 = arith.constant 21 : i32
    %gt3A_794 = vector.broadcast %gt3A_793 : i32 to vector<1x128xi32>
    %gt3A_795 = arith.cmpi sgt, %iota3A, %gt3A_794 : vector<1x128xi32>
    %jit3A_796 = arith.constant 1.000000e+00 : f32
    %jit3A_797 = arith.constant 0.000000e+00 : f32
    %broadcast_in_dim3A_798 = vector.broadcast %jit3A_796 : f32 to vector<1x128xf32>
    %broadcast_in_dim3A_799 = vector.broadcast %jit3A_797 : f32 to vector<1x128xf32>
    %select_n3A_800 = arith.select %gt3A_795, %broadcast_in_dim3A_798, %broadcast_in_dim3A_799 : vector<1x128xi1>, vector<1x128xf32>
    %mul3A_801 = arith.mulf %get3A_792, %select_n3A_800 : vector<1x128xf32>
    %mul3A_802 = vector.broadcast %sub3A_786 : vector<1x1xf32> to vector<1x128xf32>
    %mul3A_803 = arith.mulf %mul3A_801, %mul3A_802 : vector<1x128xf32>
    %max3A_804 = arith.maximumf %max3A_771, %mul3A_803 : vector<1x128xf32>
    %eq3A_805 = arith.constant 22 : i32
    %eq3A_806 = vector.broadcast %eq3A_805 : i32 to vector<1x128xi32>
    %eq3A_807 = arith.cmpi eq, %iota3A, %eq3A_806 : vector<1x128xi32>
    %jit3A_808 = arith.constant 1.000000e+00 : f32
    %jit3A_809 = arith.constant 0.000000e+00 : f32
    %broadcast_in_dim3A_810 = vector.broadcast %jit3A_808 : f32 to vector<1x128xf32>
    %broadcast_in_dim3A_811 = vector.broadcast %jit3A_809 : f32 to vector<1x128xf32>
    %select_n3A_812 = arith.select %eq3A_807, %broadcast_in_dim3A_810, %broadcast_in_dim3A_811 : vector<1x128xi1>, vector<1x128xf32>
    %mul3A_813 = arith.mulf %max3A_804, %select_n3A_812 : vector<1x128xf32>
    %reduce_sum3A_814 = arith.constant dense<0.000000e+00> : vector<1xf32>
    %reduce_sum3A_815 = vector.multi_reduction <add>, %mul3A_813, %reduce_sum3A_814 [1] : vector<1x128xf32> to vector<1xf32>
    %broadcast_in_dim3A_816 = vector.shape_cast %reduce_sum3A_815 : vector<1xf32> to vector<1x1xf32>
    %sub3A_817 = arith.constant 1.000000e+00 : f32
    %sub3A_818 = vector.broadcast %sub3A_817 : f32 to vector<1x1xf32>
    %sub3A_819 = arith.subf %sub3A_818, %broadcast_in_dim3A_816 : vector<1x1xf32>
    %swap3A_820 = arith.constant 22 : index
    %swap3A_821 = arith.constant 0 : index
    %swap3A_822 = vector.load %arg12[%swap3A_820, %swap3A_821] : memref<128x1xf32, #tpu.memory_space<vmem>>, vector<1x1xf32>
    tpu.vector_store %arg12[%swap3A_820, %swap3A_821], %sub3A_819 {strides = array<i32>} : memref<128x1xf32, #tpu.memory_space<vmem>>, vector<1x1xf32>,
    %get3A_823 = arith.constant 22 : index
    %get3A_824 = arith.constant 0 : index
    %get3A_825 = vector.load %arg11[%get3A_823, %get3A_824] : memref<128x128xf32, #tpu.memory_space<vmem>>, vector<1x128xf32>
    %gt3A_826 = arith.constant 22 : i32
    %gt3A_827 = vector.broadcast %gt3A_826 : i32 to vector<1x128xi32>
    %gt3A_828 = arith.cmpi sgt, %iota3A, %gt3A_827 : vector<1x128xi32>
    %jit3A_829 = arith.constant 1.000000e+00 : f32
    %jit3A_830 = arith.constant 0.000000e+00 : f32
    %broadcast_in_dim3A_831 = vector.broadcast %jit3A_829 : f32 to vector<1x128xf32>
    %broadcast_in_dim3A_832 = vector.broadcast %jit3A_830 : f32 to vector<1x128xf32>
    %select_n3A_833 = arith.select %gt3A_828, %broadcast_in_dim3A_831, %broadcast_in_dim3A_832 : vector<1x128xi1>, vector<1x128xf32>
    %mul3A_834 = arith.mulf %get3A_825, %select_n3A_833 : vector<1x128xf32>
    %mul3A_835 = vector.broadcast %sub3A_819 : vector<1x1xf32> to vector<1x128xf32>
    %mul3A_836 = arith.mulf %mul3A_834, %mul3A_835 : vector<1x128xf32>
    %max3A_837 = arith.maximumf %max3A_804, %mul3A_836 : vector<1x128xf32>
    %eq3A_838 = arith.constant 23 : i32
    %eq3A_839 = vector.broadcast %eq3A_838 : i32 to vector<1x128xi32>
    %eq3A_840 = arith.cmpi eq, %iota3A, %eq3A_839 : vector<1x128xi32>
    %jit3A_841 = arith.constant 1.000000e+00 : f32
    %jit3A_842 = arith.constant 0.000000e+00 : f32
    %broadcast_in_dim3A_843 = vector.broadcast %jit3A_841 : f32 to vector<1x128xf32>
    %broadcast_in_dim3A_844 = vector.broadcast %jit3A_842 : f32 to vector<1x128xf32>
    %select_n3A_845 = arith.select %eq3A_840, %broadcast_in_dim3A_843, %broadcast_in_dim3A_844 : vector<1x128xi1>, vector<1x128xf32>
    %mul3A_846 = arith.mulf %max3A_837, %select_n3A_845 : vector<1x128xf32>
    %reduce_sum3A_847 = arith.constant dense<0.000000e+00> : vector<1xf32>
    %reduce_sum3A_848 = vector.multi_reduction <add>, %mul3A_846, %reduce_sum3A_847 [1] : vector<1x128xf32> to vector<1xf32>
    %broadcast_in_dim3A_849 = vector.shape_cast %reduce_sum3A_848 : vector<1xf32> to vector<1x1xf32>
    %sub3A_850 = arith.constant 1.000000e+00 : f32
    %sub3A_851 = vector.broadcast %sub3A_850 : f32 to vector<1x1xf32>
    %sub3A_852 = arith.subf %sub3A_851, %broadcast_in_dim3A_849 : vector<1x1xf32>
    %swap3A_853 = arith.constant 23 : index
    %swap3A_854 = arith.constant 0 : index
    %swap3A_855 = vector.load %arg12[%swap3A_853, %swap3A_854] : memref<128x1xf32, #tpu.memory_space<vmem>>, vector<1x1xf32>
    tpu.vector_store %arg12[%swap3A_853, %swap3A_854], %sub3A_852 {strides = array<i32>} : memref<128x1xf32, #tpu.memory_space<vmem>>, vector<1x1xf32>,
    %get3A_856 = arith.constant 23 : index
    %get3A_857 = arith.constant 0 : index
    %get3A_858 = vector.load %arg11[%get3A_856, %get3A_857] : memref<128x128xf32, #tpu.memory_space<vmem>>, vector<1x128xf32>
    %gt3A_859 = arith.constant 23 : i32
    %gt3A_860 = vector.broadcast %gt3A_859 : i32 to vector<1x128xi32>
    %gt3A_861 = arith.cmpi sgt, %iota3A, %gt3A_860 : vector<1x128xi32>
    %jit3A_862 = arith.constant 1.000000e+00 : f32
    %jit3A_863 = arith.constant 0.000000e+00 : f32
    %broadcast_in_dim3A_864 = vector.broadcast %jit3A_862 : f32 to vector<1x128xf32>
    %broadcast_in_dim3A_865 = vector.broadcast %jit3A_863 : f32 to vector<1x128xf32>
    %select_n3A_866 = arith.select %gt3A_861, %broadcast_in_dim3A_864, %broadcast_in_dim3A_865 : vector<1x128xi1>, vector<1x128xf32>
    %mul3A_867 = arith.mulf %get3A_858, %select_n3A_866 : vector<1x128xf32>
    %mul3A_868 = vector.broadcast %sub3A_852 : vector<1x1xf32> to vector<1x128xf32>
    %mul3A_869 = arith.mulf %mul3A_867, %mul3A_868 : vector<1x128xf32>
    %max3A_870 = arith.maximumf %max3A_837, %mul3A_869 : vector<1x128xf32>
    %eq3A_871 = arith.constant 24 : i32
    %eq3A_872 = vector.broadcast %eq3A_871 : i32 to vector<1x128xi32>
    %eq3A_873 = arith.cmpi eq, %iota3A, %eq3A_872 : vector<1x128xi32>
    %jit3A_874 = arith.constant 1.000000e+00 : f32
    %jit3A_875 = arith.constant 0.000000e+00 : f32
    %broadcast_in_dim3A_876 = vector.broadcast %jit3A_874 : f32 to vector<1x128xf32>
    %broadcast_in_dim3A_877 = vector.broadcast %jit3A_875 : f32 to vector<1x128xf32>
    %select_n3A_878 = arith.select %eq3A_873, %broadcast_in_dim3A_876, %broadcast_in_dim3A_877 : vector<1x128xi1>, vector<1x128xf32>
    %mul3A_879 = arith.mulf %max3A_870, %select_n3A_878 : vector<1x128xf32>
    %reduce_sum3A_880 = arith.constant dense<0.000000e+00> : vector<1xf32>
    %reduce_sum3A_881 = vector.multi_reduction <add>, %mul3A_879, %reduce_sum3A_880 [1] : vector<1x128xf32> to vector<1xf32>
    %broadcast_in_dim3A_882 = vector.shape_cast %reduce_sum3A_881 : vector<1xf32> to vector<1x1xf32>
    %sub3A_883 = arith.constant 1.000000e+00 : f32
    %sub3A_884 = vector.broadcast %sub3A_883 : f32 to vector<1x1xf32>
    %sub3A_885 = arith.subf %sub3A_884, %broadcast_in_dim3A_882 : vector<1x1xf32>
    %swap3A_886 = arith.constant 24 : index
    %swap3A_887 = arith.constant 0 : index
    %swap3A_888 = vector.load %arg12[%swap3A_886, %swap3A_887] : memref<128x1xf32, #tpu.memory_space<vmem>>, vector<1x1xf32>
    tpu.vector_store %arg12[%swap3A_886, %swap3A_887], %sub3A_885 {strides = array<i32>} : memref<128x1xf32, #tpu.memory_space<vmem>>, vector<1x1xf32>,
    %get3A_889 = arith.constant 24 : index
    %get3A_890 = arith.constant 0 : index
    %get3A_891 = vector.load %arg11[%get3A_889, %get3A_890] : memref<128x128xf32, #tpu.memory_space<vmem>>, vector<1x128xf32>
    %gt3A_892 = arith.constant 24 : i32
    %gt3A_893 = vector.broadcast %gt3A_892 : i32 to vector<1x128xi32>
    %gt3A_894 = arith.cmpi sgt, %iota3A, %gt3A_893 : vector<1x128xi32>
    %jit3A_895 = arith.constant 1.000000e+00 : f32
    %jit3A_896 = arith.constant 0.000000e+00 : f32
    %broadcast_in_dim3A_897 = vector.broadcast %jit3A_895 : f32 to vector<1x128xf32>
    %broadcast_in_dim3A_898 = vector.broadcast %jit3A_896 : f32 to vector<1x128xf32>
    %select_n3A_899 = arith.select %gt3A_894, %broadcast_in_dim3A_897, %broadcast_in_dim3A_898 : vector<1x128xi1>, vector<1x128xf32>
    %mul3A_900 = arith.mulf %get3A_891, %select_n3A_899 : vector<1x128xf32>
    %mul3A_901 = vector.broadcast %sub3A_885 : vector<1x1xf32> to vector<1x128xf32>
    %mul3A_902 = arith.mulf %mul3A_900, %mul3A_901 : vector<1x128xf32>
    %max3A_903 = arith.maximumf %max3A_870, %mul3A_902 : vector<1x128xf32>
    %eq3A_904 = arith.constant 25 : i32
    %eq3A_905 = vector.broadcast %eq3A_904 : i32 to vector<1x128xi32>
    %eq3A_906 = arith.cmpi eq, %iota3A, %eq3A_905 : vector<1x128xi32>
    %jit3A_907 = arith.constant 1.000000e+00 : f32
    %jit3A_908 = arith.constant 0.000000e+00 : f32
    %broadcast_in_dim3A_909 = vector.broadcast %jit3A_907 : f32 to vector<1x128xf32>
    %broadcast_in_dim3A_910 = vector.broadcast %jit3A_908 : f32 to vector<1x128xf32>
    %select_n3A_911 = arith.select %eq3A_906, %broadcast_in_dim3A_909, %broadcast_in_dim3A_910 : vector<1x128xi1>, vector<1x128xf32>
    %mul3A_912 = arith.mulf %max3A_903, %select_n3A_911 : vector<1x128xf32>
    %reduce_sum3A_913 = arith.constant dense<0.000000e+00> : vector<1xf32>
    %reduce_sum3A_914 = vector.multi_reduction <add>, %mul3A_912, %reduce_sum3A_913 [1] : vector<1x128xf32> to vector<1xf32>
    %broadcast_in_dim3A_915 = vector.shape_cast %reduce_sum3A_914 : vector<1xf32> to vector<1x1xf32>
    %sub3A_916 = arith.constant 1.000000e+00 : f32
    %sub3A_917 = vector.broadcast %sub3A_916 : f32 to vector<1x1xf32>
    %sub3A_918 = arith.subf %sub3A_917, %broadcast_in_dim3A_915 : vector<1x1xf32>
    %swap3A_919 = arith.constant 25 : index
    %swap3A_920 = arith.constant 0 : index
    %swap3A_921 = vector.load %arg12[%swap3A_919, %swap3A_920] : memref<128x1xf32, #tpu.memory_space<vmem>>, vector<1x1xf32>
    tpu.vector_store %arg12[%swap3A_919, %swap3A_920], %sub3A_918 {strides = array<i32>} : memref<128x1xf32, #tpu.memory_space<vmem>>, vector<1x1xf32>,
    %get3A_922 = arith.constant 25 : index
    %get3A_923 = arith.constant 0 : index
    %get3A_924 = vector.load %arg11[%get3A_922, %get3A_923] : memref<128x128xf32, #tpu.memory_space<vmem>>, vector<1x128xf32>
    %gt3A_925 = arith.constant 25 : i32
    %gt3A_926 = vector.broadcast %gt3A_925 : i32 to vector<1x128xi32>
    %gt3A_927 = arith.cmpi sgt, %iota3A, %gt3A_926 : vector<1x128xi32>
    %jit3A_928 = arith.constant 1.000000e+00 : f32
    %jit3A_929 = arith.constant 0.000000e+00 : f32
    %broadcast_in_dim3A_930 = vector.broadcast %jit3A_928 : f32 to vector<1x128xf32>
    %broadcast_in_dim3A_931 = vector.broadcast %jit3A_929 : f32 to vector<1x128xf32>
    %select_n3A_932 = arith.select %gt3A_927, %broadcast_in_dim3A_930, %broadcast_in_dim3A_931 : vector<1x128xi1>, vector<1x128xf32>
    %mul3A_933 = arith.mulf %get3A_924, %select_n3A_932 : vector<1x128xf32>
    %mul3A_934 = vector.broadcast %sub3A_918 : vector<1x1xf32> to vector<1x128xf32>
    %mul3A_935 = arith.mulf %mul3A_933, %mul3A_934 : vector<1x128xf32>
    %max3A_936 = arith.maximumf %max3A_903, %mul3A_935 : vector<1x128xf32>
    %eq3A_937 = arith.constant 26 : i32
    %eq3A_938 = vector.broadcast %eq3A_937 : i32 to vector<1x128xi32>
    %eq3A_939 = arith.cmpi eq, %iota3A, %eq3A_938 : vector<1x128xi32>
    %jit3A_940 = arith.constant 1.000000e+00 : f32
    %jit3A_941 = arith.constant 0.000000e+00 : f32
    %broadcast_in_dim3A_942 = vector.broadcast %jit3A_940 : f32 to vector<1x128xf32>
    %broadcast_in_dim3A_943 = vector.broadcast %jit3A_941 : f32 to vector<1x128xf32>
    %select_n3A_944 = arith.select %eq3A_939, %broadcast_in_dim3A_942, %broadcast_in_dim3A_943 : vector<1x128xi1>, vector<1x128xf32>
    %mul3A_945 = arith.mulf %max3A_936, %select_n3A_944 : vector<1x128xf32>
    %reduce_sum3A_946 = arith.constant dense<0.000000e+00> : vector<1xf32>
    %reduce_sum3A_947 = vector.multi_reduction <add>, %mul3A_945, %reduce_sum3A_946 [1] : vector<1x128xf32> to vector<1xf32>
    %broadcast_in_dim3A_948 = vector.shape_cast %reduce_sum3A_947 : vector<1xf32> to vector<1x1xf32>
    %sub3A_949 = arith.constant 1.000000e+00 : f32
    %sub3A_950 = vector.broadcast %sub3A_949 : f32 to vector<1x1xf32>
    %sub3A_951 = arith.subf %sub3A_950, %broadcast_in_dim3A_948 : vector<1x1xf32>
    %swap3A_952 = arith.constant 26 : index
    %swap3A_953 = arith.constant 0 : index
    %swap3A_954 = vector.load %arg12[%swap3A_952, %swap3A_953] : memref<128x1xf32, #tpu.memory_space<vmem>>, vector<1x1xf32>
    tpu.vector_store %arg12[%swap3A_952, %swap3A_953], %sub3A_951 {strides = array<i32>} : memref<128x1xf32, #tpu.memory_space<vmem>>, vector<1x1xf32>,
    %get3A_955 = arith.constant 26 : index
    %get3A_956 = arith.constant 0 : index
    %get3A_957 = vector.load %arg11[%get3A_955, %get3A_956] : memref<128x128xf32, #tpu.memory_space<vmem>>, vector<1x128xf32>
    %gt3A_958 = arith.constant 26 : i32
    %gt3A_959 = vector.broadcast %gt3A_958 : i32 to vector<1x128xi32>
    %gt3A_960 = arith.cmpi sgt, %iota3A, %gt3A_959 : vector<1x128xi32>
    %jit3A_961 = arith.constant 1.000000e+00 : f32
    %jit3A_962 = arith.constant 0.000000e+00 : f32
    %broadcast_in_dim3A_963 = vector.broadcast %jit3A_961 : f32 to vector<1x128xf32>
    %broadcast_in_dim3A_964 = vector.broadcast %jit3A_962 : f32 to vector<1x128xf32>
    %select_n3A_965 = arith.select %gt3A_960, %broadcast_in_dim3A_963, %broadcast_in_dim3A_964 : vector<1x128xi1>, vector<1x128xf32>
    %mul3A_966 = arith.mulf %get3A_957, %select_n3A_965 : vector<1x128xf32>
    %mul3A_967 = vector.broadcast %sub3A_951 : vector<1x1xf32> to vector<1x128xf32>
    %mul3A_968 = arith.mulf %mul3A_966, %mul3A_967 : vector<1x128xf32>
    %max3A_969 = arith.maximumf %max3A_936, %mul3A_968 : vector<1x128xf32>
    %eq3A_970 = arith.constant 27 : i32
    %eq3A_971 = vector.broadcast %eq3A_970 : i32 to vector<1x128xi32>
    %eq3A_972 = arith.cmpi eq, %iota3A, %eq3A_971 : vector<1x128xi32>
    %jit3A_973 = arith.constant 1.000000e+00 : f32
    %jit3A_974 = arith.constant 0.000000e+00 : f32
    %broadcast_in_dim3A_975 = vector.broadcast %jit3A_973 : f32 to vector<1x128xf32>
    %broadcast_in_dim3A_976 = vector.broadcast %jit3A_974 : f32 to vector<1x128xf32>
    %select_n3A_977 = arith.select %eq3A_972, %broadcast_in_dim3A_975, %broadcast_in_dim3A_976 : vector<1x128xi1>, vector<1x128xf32>
    %mul3A_978 = arith.mulf %max3A_969, %select_n3A_977 : vector<1x128xf32>
    %reduce_sum3A_979 = arith.constant dense<0.000000e+00> : vector<1xf32>
    %reduce_sum3A_980 = vector.multi_reduction <add>, %mul3A_978, %reduce_sum3A_979 [1] : vector<1x128xf32> to vector<1xf32>
    %broadcast_in_dim3A_981 = vector.shape_cast %reduce_sum3A_980 : vector<1xf32> to vector<1x1xf32>
    %sub3A_982 = arith.constant 1.000000e+00 : f32
    %sub3A_983 = vector.broadcast %sub3A_982 : f32 to vector<1x1xf32>
    %sub3A_984 = arith.subf %sub3A_983, %broadcast_in_dim3A_981 : vector<1x1xf32>
    %swap3A_985 = arith.constant 27 : index
    %swap3A_986 = arith.constant 0 : index
    %swap3A_987 = vector.load %arg12[%swap3A_985, %swap3A_986] : memref<128x1xf32, #tpu.memory_space<vmem>>, vector<1x1xf32>
    tpu.vector_store %arg12[%swap3A_985, %swap3A_986], %sub3A_984 {strides = array<i32>} : memref<128x1xf32, #tpu.memory_space<vmem>>, vector<1x1xf32>,
    %get3A_988 = arith.constant 27 : index
    %get3A_989 = arith.constant 0 : index
    %get3A_990 = vector.load %arg11[%get3A_988, %get3A_989] : memref<128x128xf32, #tpu.memory_space<vmem>>, vector<1x128xf32>
    %gt3A_991 = arith.constant 27 : i32
    %gt3A_992 = vector.broadcast %gt3A_991 : i32 to vector<1x128xi32>
    %gt3A_993 = arith.cmpi sgt, %iota3A, %gt3A_992 : vector<1x128xi32>
    %jit3A_994 = arith.constant 1.000000e+00 : f32
    %jit3A_995 = arith.constant 0.000000e+00 : f32
    %broadcast_in_dim3A_996 = vector.broadcast %jit3A_994 : f32 to vector<1x128xf32>
    %broadcast_in_dim3A_997 = vector.broadcast %jit3A_995 : f32 to vector<1x128xf32>
    %select_n3A_998 = arith.select %gt3A_993, %broadcast_in_dim3A_996, %broadcast_in_dim3A_997 : vector<1x128xi1>, vector<1x128xf32>
    %mul3A_999 = arith.mulf %get3A_990, %select_n3A_998 : vector<1x128xf32>
    %mul3A_1000 = vector.broadcast %sub3A_984 : vector<1x1xf32> to vector<1x128xf32>
    %mul3A_1001 = arith.mulf %mul3A_999, %mul3A_1000 : vector<1x128xf32>
    %max3A_1002 = arith.maximumf %max3A_969, %mul3A_1001 : vector<1x128xf32>
    %eq3A_1003 = arith.constant 28 : i32
    %eq3A_1004 = vector.broadcast %eq3A_1003 : i32 to vector<1x128xi32>
    %eq3A_1005 = arith.cmpi eq, %iota3A, %eq3A_1004 : vector<1x128xi32>
    %jit3A_1006 = arith.constant 1.000000e+00 : f32
    %jit3A_1007 = arith.constant 0.000000e+00 : f32
    %broadcast_in_dim3A_1008 = vector.broadcast %jit3A_1006 : f32 to vector<1x128xf32>
    %broadcast_in_dim3A_1009 = vector.broadcast %jit3A_1007 : f32 to vector<1x128xf32>
    %select_n3A_1010 = arith.select %eq3A_1005, %broadcast_in_dim3A_1008, %broadcast_in_dim3A_1009 : vector<1x128xi1>, vector<1x128xf32>
    %mul3A_1011 = arith.mulf %max3A_1002, %select_n3A_1010 : vector<1x128xf32>
    %reduce_sum3A_1012 = arith.constant dense<0.000000e+00> : vector<1xf32>
    %reduce_sum3A_1013 = vector.multi_reduction <add>, %mul3A_1011, %reduce_sum3A_1012 [1] : vector<1x128xf32> to vector<1xf32>
    %broadcast_in_dim3A_1014 = vector.shape_cast %reduce_sum3A_1013 : vector<1xf32> to vector<1x1xf32>
    %sub3A_1015 = arith.constant 1.000000e+00 : f32
    %sub3A_1016 = vector.broadcast %sub3A_1015 : f32 to vector<1x1xf32>
    %sub3A_1017 = arith.subf %sub3A_1016, %broadcast_in_dim3A_1014 : vector<1x1xf32>
    %swap3A_1018 = arith.constant 28 : index
    %swap3A_1019 = arith.constant 0 : index
    %swap3A_1020 = vector.load %arg12[%swap3A_1018, %swap3A_1019] : memref<128x1xf32, #tpu.memory_space<vmem>>, vector<1x1xf32>
    tpu.vector_store %arg12[%swap3A_1018, %swap3A_1019], %sub3A_1017 {strides = array<i32>} : memref<128x1xf32, #tpu.memory_space<vmem>>, vector<1x1xf32>,
    %get3A_1021 = arith.constant 28 : index
    %get3A_1022 = arith.constant 0 : index
    %get3A_1023 = vector.load %arg11[%get3A_1021, %get3A_1022] : memref<128x128xf32, #tpu.memory_space<vmem>>, vector<1x128xf32>
    %gt3A_1024 = arith.constant 28 : i32
    %gt3A_1025 = vector.broadcast %gt3A_1024 : i32 to vector<1x128xi32>
    %gt3A_1026 = arith.cmpi sgt, %iota3A, %gt3A_1025 : vector<1x128xi32>
    %jit3A_1027 = arith.constant 1.000000e+00 : f32
    %jit3A_1028 = arith.constant 0.000000e+00 : f32
    %broadcast_in_dim3A_1029 = vector.broadcast %jit3A_1027 : f32 to vector<1x128xf32>
    %broadcast_in_dim3A_1030 = vector.broadcast %jit3A_1028 : f32 to vector<1x128xf32>
    %select_n3A_1031 = arith.select %gt3A_1026, %broadcast_in_dim3A_1029, %broadcast_in_dim3A_1030 : vector<1x128xi1>, vector<1x128xf32>
    %mul3A_1032 = arith.mulf %get3A_1023, %select_n3A_1031 : vector<1x128xf32>
    %mul3A_1033 = vector.broadcast %sub3A_1017 : vector<1x1xf32> to vector<1x128xf32>
    %mul3A_1034 = arith.mulf %mul3A_1032, %mul3A_1033 : vector<1x128xf32>
    %max3A_1035 = arith.maximumf %max3A_1002, %mul3A_1034 : vector<1x128xf32>
    %eq3A_1036 = arith.constant 29 : i32
    %eq3A_1037 = vector.broadcast %eq3A_1036 : i32 to vector<1x128xi32>
    %eq3A_1038 = arith.cmpi eq, %iota3A, %eq3A_1037 : vector<1x128xi32>
    %jit3A_1039 = arith.constant 1.000000e+00 : f32
    %jit3A_1040 = arith.constant 0.000000e+00 : f32
    %broadcast_in_dim3A_1041 = vector.broadcast %jit3A_1039 : f32 to vector<1x128xf32>
    %broadcast_in_dim3A_1042 = vector.broadcast %jit3A_1040 : f32 to vector<1x128xf32>
    %select_n3A_1043 = arith.select %eq3A_1038, %broadcast_in_dim3A_1041, %broadcast_in_dim3A_1042 : vector<1x128xi1>, vector<1x128xf32>
    %mul3A_1044 = arith.mulf %max3A_1035, %select_n3A_1043 : vector<1x128xf32>
    %reduce_sum3A_1045 = arith.constant dense<0.000000e+00> : vector<1xf32>
    %reduce_sum3A_1046 = vector.multi_reduction <add>, %mul3A_1044, %reduce_sum3A_1045 [1] : vector<1x128xf32> to vector<1xf32>
    %broadcast_in_dim3A_1047 = vector.shape_cast %reduce_sum3A_1046 : vector<1xf32> to vector<1x1xf32>
    %sub3A_1048 = arith.constant 1.000000e+00 : f32
    %sub3A_1049 = vector.broadcast %sub3A_1048 : f32 to vector<1x1xf32>
    %sub3A_1050 = arith.subf %sub3A_1049, %broadcast_in_dim3A_1047 : vector<1x1xf32>
    %swap3A_1051 = arith.constant 29 : index
    %swap3A_1052 = arith.constant 0 : index
    %swap3A_1053 = vector.load %arg12[%swap3A_1051, %swap3A_1052] : memref<128x1xf32, #tpu.memory_space<vmem>>, vector<1x1xf32>
    tpu.vector_store %arg12[%swap3A_1051, %swap3A_1052], %sub3A_1050 {strides = array<i32>} : memref<128x1xf32, #tpu.memory_space<vmem>>, vector<1x1xf32>,
    %get3A_1054 = arith.constant 29 : index
    %get3A_1055 = arith.constant 0 : index
    %get3A_1056 = vector.load %arg11[%get3A_1054, %get3A_1055] : memref<128x128xf32, #tpu.memory_space<vmem>>, vector<1x128xf32>
    %gt3A_1057 = arith.constant 29 : i32
    %gt3A_1058 = vector.broadcast %gt3A_1057 : i32 to vector<1x128xi32>
    %gt3A_1059 = arith.cmpi sgt, %iota3A, %gt3A_1058 : vector<1x128xi32>
    %jit3A_1060 = arith.constant 1.000000e+00 : f32
    %jit3A_1061 = arith.constant 0.000000e+00 : f32
    %broadcast_in_dim3A_1062 = vector.broadcast %jit3A_1060 : f32 to vector<1x128xf32>
    %broadcast_in_dim3A_1063 = vector.broadcast %jit3A_1061 : f32 to vector<1x128xf32>
    %select_n3A_1064 = arith.select %gt3A_1059, %broadcast_in_dim3A_1062, %broadcast_in_dim3A_1063 : vector<1x128xi1>, vector<1x128xf32>
    %mul3A_1065 = arith.mulf %get3A_1056, %select_n3A_1064 : vector<1x128xf32>
    %mul3A_1066 = vector.broadcast %sub3A_1050 : vector<1x1xf32> to vector<1x128xf32>
    %mul3A_1067 = arith.mulf %mul3A_1065, %mul3A_1066 : vector<1x128xf32>
    %max3A_1068 = arith.maximumf %max3A_1035, %mul3A_1067 : vector<1x128xf32>
    %eq3A_1069 = arith.constant 30 : i32
    %eq3A_1070 = vector.broadcast %eq3A_1069 : i32 to vector<1x128xi32>
    %eq3A_1071 = arith.cmpi eq, %iota3A, %eq3A_1070 : vector<1x128xi32>
    %jit3A_1072 = arith.constant 1.000000e+00 : f32
    %jit3A_1073 = arith.constant 0.000000e+00 : f32
    %broadcast_in_dim3A_1074 = vector.broadcast %jit3A_1072 : f32 to vector<1x128xf32>
    %broadcast_in_dim3A_1075 = vector.broadcast %jit3A_1073 : f32 to vector<1x128xf32>
    %select_n3A_1076 = arith.select %eq3A_1071, %broadcast_in_dim3A_1074, %broadcast_in_dim3A_1075 : vector<1x128xi1>, vector<1x128xf32>
    %mul3A_1077 = arith.mulf %max3A_1068, %select_n3A_1076 : vector<1x128xf32>
    %reduce_sum3A_1078 = arith.constant dense<0.000000e+00> : vector<1xf32>
    %reduce_sum3A_1079 = vector.multi_reduction <add>, %mul3A_1077, %reduce_sum3A_1078 [1] : vector<1x128xf32> to vector<1xf32>
    %broadcast_in_dim3A_1080 = vector.shape_cast %reduce_sum3A_1079 : vector<1xf32> to vector<1x1xf32>
    %sub3A_1081 = arith.constant 1.000000e+00 : f32
    %sub3A_1082 = vector.broadcast %sub3A_1081 : f32 to vector<1x1xf32>
    %sub3A_1083 = arith.subf %sub3A_1082, %broadcast_in_dim3A_1080 : vector<1x1xf32>
    %swap3A_1084 = arith.constant 30 : index
    %swap3A_1085 = arith.constant 0 : index
    %swap3A_1086 = vector.load %arg12[%swap3A_1084, %swap3A_1085] : memref<128x1xf32, #tpu.memory_space<vmem>>, vector<1x1xf32>
    tpu.vector_store %arg12[%swap3A_1084, %swap3A_1085], %sub3A_1083 {strides = array<i32>} : memref<128x1xf32, #tpu.memory_space<vmem>>, vector<1x1xf32>,
    %get3A_1087 = arith.constant 30 : index
    %get3A_1088 = arith.constant 0 : index
    %get3A_1089 = vector.load %arg11[%get3A_1087, %get3A_1088] : memref<128x128xf32, #tpu.memory_space<vmem>>, vector<1x128xf32>
    %gt3A_1090 = arith.constant 30 : i32
    %gt3A_1091 = vector.broadcast %gt3A_1090 : i32 to vector<1x128xi32>
    %gt3A_1092 = arith.cmpi sgt, %iota3A, %gt3A_1091 : vector<1x128xi32>
    %jit3A_1093 = arith.constant 1.000000e+00 : f32
    %jit3A_1094 = arith.constant 0.000000e+00 : f32
    %broadcast_in_dim3A_1095 = vector.broadcast %jit3A_1093 : f32 to vector<1x128xf32>
    %broadcast_in_dim3A_1096 = vector.broadcast %jit3A_1094 : f32 to vector<1x128xf32>
    %select_n3A_1097 = arith.select %gt3A_1092, %broadcast_in_dim3A_1095, %broadcast_in_dim3A_1096 : vector<1x128xi1>, vector<1x128xf32>
    %mul3A_1098 = arith.mulf %get3A_1089, %select_n3A_1097 : vector<1x128xf32>
    %mul3A_1099 = vector.broadcast %sub3A_1083 : vector<1x1xf32> to vector<1x128xf32>
    %mul3A_1100 = arith.mulf %mul3A_1098, %mul3A_1099 : vector<1x128xf32>
    %max3A_1101 = arith.maximumf %max3A_1068, %mul3A_1100 : vector<1x128xf32>
    %eq3A_1102 = arith.constant 31 : i32
    %eq3A_1103 = vector.broadcast %eq3A_1102 : i32 to vector<1x128xi32>
    %eq3A_1104 = arith.cmpi eq, %iota3A, %eq3A_1103 : vector<1x128xi32>
    %jit3A_1105 = arith.constant 1.000000e+00 : f32
    %jit3A_1106 = arith.constant 0.000000e+00 : f32
    %broadcast_in_dim3A_1107 = vector.broadcast %jit3A_1105 : f32 to vector<1x128xf32>
    %broadcast_in_dim3A_1108 = vector.broadcast %jit3A_1106 : f32 to vector<1x128xf32>
    %select_n3A_1109 = arith.select %eq3A_1104, %broadcast_in_dim3A_1107, %broadcast_in_dim3A_1108 : vector<1x128xi1>, vector<1x128xf32>
    %mul3A_1110 = arith.mulf %max3A_1101, %select_n3A_1109 : vector<1x128xf32>
    %reduce_sum3A_1111 = arith.constant dense<0.000000e+00> : vector<1xf32>
    %reduce_sum3A_1112 = vector.multi_reduction <add>, %mul3A_1110, %reduce_sum3A_1111 [1] : vector<1x128xf32> to vector<1xf32>
    %broadcast_in_dim3A_1113 = vector.shape_cast %reduce_sum3A_1112 : vector<1xf32> to vector<1x1xf32>
    %sub3A_1114 = arith.constant 1.000000e+00 : f32
    %sub3A_1115 = vector.broadcast %sub3A_1114 : f32 to vector<1x1xf32>
    %sub3A_1116 = arith.subf %sub3A_1115, %broadcast_in_dim3A_1113 : vector<1x1xf32>
    %swap3A_1117 = arith.constant 31 : index
    %swap3A_1118 = arith.constant 0 : index
    %swap3A_1119 = vector.load %arg12[%swap3A_1117, %swap3A_1118] : memref<128x1xf32, #tpu.memory_space<vmem>>, vector<1x1xf32>
    tpu.vector_store %arg12[%swap3A_1117, %swap3A_1118], %sub3A_1116 {strides = array<i32>} : memref<128x1xf32, #tpu.memory_space<vmem>>, vector<1x1xf32>,
    %get3A_1120 = arith.constant 31 : index
    %get3A_1121 = arith.constant 0 : index
    %get3A_1122 = vector.load %arg11[%get3A_1120, %get3A_1121] : memref<128x128xf32, #tpu.memory_space<vmem>>, vector<1x128xf32>
    %gt3A_1123 = arith.constant 31 : i32
    %gt3A_1124 = vector.broadcast %gt3A_1123 : i32 to vector<1x128xi32>
    %gt3A_1125 = arith.cmpi sgt, %iota3A, %gt3A_1124 : vector<1x128xi32>
    %jit3A_1126 = arith.constant 1.000000e+00 : f32
    %jit3A_1127 = arith.constant 0.000000e+00 : f32
    %broadcast_in_dim3A_1128 = vector.broadcast %jit3A_1126 : f32 to vector<1x128xf32>
    %broadcast_in_dim3A_1129 = vector.broadcast %jit3A_1127 : f32 to vector<1x128xf32>
    %select_n3A_1130 = arith.select %gt3A_1125, %broadcast_in_dim3A_1128, %broadcast_in_dim3A_1129 : vector<1x128xi1>, vector<1x128xf32>
    %mul3A_1131 = arith.mulf %get3A_1122, %select_n3A_1130 : vector<1x128xf32>
    %mul3A_1132 = vector.broadcast %sub3A_1116 : vector<1x1xf32> to vector<1x128xf32>
    %mul3A_1133 = arith.mulf %mul3A_1131, %mul3A_1132 : vector<1x128xf32>
    %max3A_1134 = arith.maximumf %max3A_1101, %mul3A_1133 : vector<1x128xf32>
    %eq3A_1135 = arith.constant 32 : i32
    %eq3A_1136 = vector.broadcast %eq3A_1135 : i32 to vector<1x128xi32>
    %eq3A_1137 = arith.cmpi eq, %iota3A, %eq3A_1136 : vector<1x128xi32>
    %jit3A_1138 = arith.constant 1.000000e+00 : f32
    %jit3A_1139 = arith.constant 0.000000e+00 : f32
    %broadcast_in_dim3A_1140 = vector.broadcast %jit3A_1138 : f32 to vector<1x128xf32>
    %broadcast_in_dim3A_1141 = vector.broadcast %jit3A_1139 : f32 to vector<1x128xf32>
    %select_n3A_1142 = arith.select %eq3A_1137, %broadcast_in_dim3A_1140, %broadcast_in_dim3A_1141 : vector<1x128xi1>, vector<1x128xf32>
    %mul3A_1143 = arith.mulf %max3A_1134, %select_n3A_1142 : vector<1x128xf32>
    %reduce_sum3A_1144 = arith.constant dense<0.000000e+00> : vector<1xf32>
    %reduce_sum3A_1145 = vector.multi_reduction <add>, %mul3A_1143, %reduce_sum3A_1144 [1] : vector<1x128xf32> to vector<1xf32>
    %broadcast_in_dim3A_1146 = vector.shape_cast %reduce_sum3A_1145 : vector<1xf32> to vector<1x1xf32>
    %sub3A_1147 = arith.constant 1.000000e+00 : f32
    %sub3A_1148 = vector.broadcast %sub3A_1147 : f32 to vector<1x1xf32>
    %sub3A_1149 = arith.subf %sub3A_1148, %broadcast_in_dim3A_1146 : vector<1x1xf32>
    %swap3A_1150 = arith.constant 32 : index
    %swap3A_1151 = arith.constant 0 : index
    %swap3A_1152 = vector.load %arg12[%swap3A_1150, %swap3A_1151] : memref<128x1xf32, #tpu.memory_space<vmem>>, vector<1x1xf32>
    tpu.vector_store %arg12[%swap3A_1150, %swap3A_1151], %sub3A_1149 {strides = array<i32>} : memref<128x1xf32, #tpu.memory_space<vmem>>, vector<1x1xf32>,
    %get3A_1153 = arith.constant 32 : index
    %get3A_1154 = arith.constant 0 : index
    %get3A_1155 = vector.load %arg11[%get3A_1153, %get3A_1154] : memref<128x128xf32, #tpu.memory_space<vmem>>, vector<1x128xf32>
    %gt3A_1156 = arith.constant 32 : i32
    %gt3A_1157 = vector.broadcast %gt3A_1156 : i32 to vector<1x128xi32>
    %gt3A_1158 = arith.cmpi sgt, %iota3A, %gt3A_1157 : vector<1x128xi32>
    %jit3A_1159 = arith.constant 1.000000e+00 : f32
    %jit3A_1160 = arith.constant 0.000000e+00 : f32
    %broadcast_in_dim3A_1161 = vector.broadcast %jit3A_1159 : f32 to vector<1x128xf32>
    %broadcast_in_dim3A_1162 = vector.broadcast %jit3A_1160 : f32 to vector<1x128xf32>
    %select_n3A_1163 = arith.select %gt3A_1158, %broadcast_in_dim3A_1161, %broadcast_in_dim3A_1162 : vector<1x128xi1>, vector<1x128xf32>
    %mul3A_1164 = arith.mulf %get3A_1155, %select_n3A_1163 : vector<1x128xf32>
    %mul3A_1165 = vector.broadcast %sub3A_1149 : vector<1x1xf32> to vector<1x128xf32>
    %mul3A_1166 = arith.mulf %mul3A_1164, %mul3A_1165 : vector<1x128xf32>
    %max3A_1167 = arith.maximumf %max3A_1134, %mul3A_1166 : vector<1x128xf32>
    %eq3A_1168 = arith.constant 33 : i32
    %eq3A_1169 = vector.broadcast %eq3A_1168 : i32 to vector<1x128xi32>
    %eq3A_1170 = arith.cmpi eq, %iota3A, %eq3A_1169 : vector<1x128xi32>
    %jit3A_1171 = arith.constant 1.000000e+00 : f32
    %jit3A_1172 = arith.constant 0.000000e+00 : f32
    %broadcast_in_dim3A_1173 = vector.broadcast %jit3A_1171 : f32 to vector<1x128xf32>
    %broadcast_in_dim3A_1174 = vector.broadcast %jit3A_1172 : f32 to vector<1x128xf32>
    %select_n3A_1175 = arith.select %eq3A_1170, %broadcast_in_dim3A_1173, %broadcast_in_dim3A_1174 : vector<1x128xi1>, vector<1x128xf32>
    %mul3A_1176 = arith.mulf %max3A_1167, %select_n3A_1175 : vector<1x128xf32>
    %reduce_sum3A_1177 = arith.constant dense<0.000000e+00> : vector<1xf32>
    %reduce_sum3A_1178 = vector.multi_reduction <add>, %mul3A_1176, %reduce_sum3A_1177 [1] : vector<1x128xf32> to vector<1xf32>
    %broadcast_in_dim3A_1179 = vector.shape_cast %reduce_sum3A_1178 : vector<1xf32> to vector<1x1xf32>
    %sub3A_1180 = arith.constant 1.000000e+00 : f32
    %sub3A_1181 = vector.broadcast %sub3A_1180 : f32 to vector<1x1xf32>
    %sub3A_1182 = arith.subf %sub3A_1181, %broadcast_in_dim3A_1179 : vector<1x1xf32>
    %swap3A_1183 = arith.constant 33 : index
    %swap3A_1184 = arith.constant 0 : index
    %swap3A_1185 = vector.load %arg12[%swap3A_1183, %swap3A_1184] : memref<128x1xf32, #tpu.memory_space<vmem>>, vector<1x1xf32>
    tpu.vector_store %arg12[%swap3A_1183, %swap3A_1184], %sub3A_1182 {strides = array<i32>} : memref<128x1xf32, #tpu.memory_space<vmem>>, vector<1x1xf32>,
    %get3A_1186 = arith.constant 33 : index
    %get3A_1187 = arith.constant 0 : index
    %get3A_1188 = vector.load %arg11[%get3A_1186, %get3A_1187] : memref<128x128xf32, #tpu.memory_space<vmem>>, vector<1x128xf32>
    %gt3A_1189 = arith.constant 33 : i32
    %gt3A_1190 = vector.broadcast %gt3A_1189 : i32 to vector<1x128xi32>
    %gt3A_1191 = arith.cmpi sgt, %iota3A, %gt3A_1190 : vector<1x128xi32>
    %jit3A_1192 = arith.constant 1.000000e+00 : f32
    %jit3A_1193 = arith.constant 0.000000e+00 : f32
    %broadcast_in_dim3A_1194 = vector.broadcast %jit3A_1192 : f32 to vector<1x128xf32>
    %broadcast_in_dim3A_1195 = vector.broadcast %jit3A_1193 : f32 to vector<1x128xf32>
    %select_n3A_1196 = arith.select %gt3A_1191, %broadcast_in_dim3A_1194, %broadcast_in_dim3A_1195 : vector<1x128xi1>, vector<1x128xf32>
    %mul3A_1197 = arith.mulf %get3A_1188, %select_n3A_1196 : vector<1x128xf32>
    %mul3A_1198 = vector.broadcast %sub3A_1182 : vector<1x1xf32> to vector<1x128xf32>
    %mul3A_1199 = arith.mulf %mul3A_1197, %mul3A_1198 : vector<1x128xf32>
    %max3A_1200 = arith.maximumf %max3A_1167, %mul3A_1199 : vector<1x128xf32>
    %eq3A_1201 = arith.constant 34 : i32
    %eq3A_1202 = vector.broadcast %eq3A_1201 : i32 to vector<1x128xi32>
    %eq3A_1203 = arith.cmpi eq, %iota3A, %eq3A_1202 : vector<1x128xi32>
    %jit3A_1204 = arith.constant 1.000000e+00 : f32
    %jit3A_1205 = arith.constant 0.000000e+00 : f32
    %broadcast_in_dim3A_1206 = vector.broadcast %jit3A_1204 : f32 to vector<1x128xf32>
    %broadcast_in_dim3A_1207 = vector.broadcast %jit3A_1205 : f32 to vector<1x128xf32>
    %select_n3A_1208 = arith.select %eq3A_1203, %broadcast_in_dim3A_1206, %broadcast_in_dim3A_1207 : vector<1x128xi1>, vector<1x128xf32>
    %mul3A_1209 = arith.mulf %max3A_1200, %select_n3A_1208 : vector<1x128xf32>
    %reduce_sum3A_1210 = arith.constant dense<0.000000e+00> : vector<1xf32>
    %reduce_sum3A_1211 = vector.multi_reduction <add>, %mul3A_1209, %reduce_sum3A_1210 [1] : vector<1x128xf32> to vector<1xf32>
    %broadcast_in_dim3A_1212 = vector.shape_cast %reduce_sum3A_1211 : vector<1xf32> to vector<1x1xf32>
    %sub3A_1213 = arith.constant 1.000000e+00 : f32
    %sub3A_1214 = vector.broadcast %sub3A_1213 : f32 to vector<1x1xf32>
    %sub3A_1215 = arith.subf %sub3A_1214, %broadcast_in_dim3A_1212 : vector<1x1xf32>
    %swap3A_1216 = arith.constant 34 : index
    %swap3A_1217 = arith.constant 0 : index
    %swap3A_1218 = vector.load %arg12[%swap3A_1216, %swap3A_1217] : memref<128x1xf32, #tpu.memory_space<vmem>>, vector<1x1xf32>
    tpu.vector_store %arg12[%swap3A_1216, %swap3A_1217], %sub3A_1215 {strides = array<i32>} : memref<128x1xf32, #tpu.memory_space<vmem>>, vector<1x1xf32>,
    %get3A_1219 = arith.constant 34 : index
    %get3A_1220 = arith.constant 0 : index
    %get3A_1221 = vector.load %arg11[%get3A_1219, %get3A_1220] : memref<128x128xf32, #tpu.memory_space<vmem>>, vector<1x128xf32>
    %gt3A_1222 = arith.constant 34 : i32
    %gt3A_1223 = vector.broadcast %gt3A_1222 : i32 to vector<1x128xi32>
    %gt3A_1224 = arith.cmpi sgt, %iota3A, %gt3A_1223 : vector<1x128xi32>
    %jit3A_1225 = arith.constant 1.000000e+00 : f32
    %jit3A_1226 = arith.constant 0.000000e+00 : f32
    %broadcast_in_dim3A_1227 = vector.broadcast %jit3A_1225 : f32 to vector<1x128xf32>
    %broadcast_in_dim3A_1228 = vector.broadcast %jit3A_1226 : f32 to vector<1x128xf32>
    %select_n3A_1229 = arith.select %gt3A_1224, %broadcast_in_dim3A_1227, %broadcast_in_dim3A_1228 : vector<1x128xi1>, vector<1x128xf32>
    %mul3A_1230 = arith.mulf %get3A_1221, %select_n3A_1229 : vector<1x128xf32>
    %mul3A_1231 = vector.broadcast %sub3A_1215 : vector<1x1xf32> to vector<1x128xf32>
    %mul3A_1232 = arith.mulf %mul3A_1230, %mul3A_1231 : vector<1x128xf32>
    %max3A_1233 = arith.maximumf %max3A_1200, %mul3A_1232 : vector<1x128xf32>
    %eq3A_1234 = arith.constant 35 : i32
    %eq3A_1235 = vector.broadcast %eq3A_1234 : i32 to vector<1x128xi32>
    %eq3A_1236 = arith.cmpi eq, %iota3A, %eq3A_1235 : vector<1x128xi32>
    %jit3A_1237 = arith.constant 1.000000e+00 : f32
    %jit3A_1238 = arith.constant 0.000000e+00 : f32
    %broadcast_in_dim3A_1239 = vector.broadcast %jit3A_1237 : f32 to vector<1x128xf32>
    %broadcast_in_dim3A_1240 = vector.broadcast %jit3A_1238 : f32 to vector<1x128xf32>
    %select_n3A_1241 = arith.select %eq3A_1236, %broadcast_in_dim3A_1239, %broadcast_in_dim3A_1240 : vector<1x128xi1>, vector<1x128xf32>
    %mul3A_1242 = arith.mulf %max3A_1233, %select_n3A_1241 : vector<1x128xf32>
    %reduce_sum3A_1243 = arith.constant dense<0.000000e+00> : vector<1xf32>
    %reduce_sum3A_1244 = vector.multi_reduction <add>, %mul3A_1242, %reduce_sum3A_1243 [1] : vector<1x128xf32> to vector<1xf32>
    %broadcast_in_dim3A_1245 = vector.shape_cast %reduce_sum3A_1244 : vector<1xf32> to vector<1x1xf32>
    %sub3A_1246 = arith.constant 1.000000e+00 : f32
    %sub3A_1247 = vector.broadcast %sub3A_1246 : f32 to vector<1x1xf32>
    %sub3A_1248 = arith.subf %sub3A_1247, %broadcast_in_dim3A_1245 : vector<1x1xf32>
    %swap3A_1249 = arith.constant 35 : index
    %swap3A_1250 = arith.constant 0 : index
    %swap3A_1251 = vector.load %arg12[%swap3A_1249, %swap3A_1250] : memref<128x1xf32, #tpu.memory_space<vmem>>, vector<1x1xf32>
    tpu.vector_store %arg12[%swap3A_1249, %swap3A_1250], %sub3A_1248 {strides = array<i32>} : memref<128x1xf32, #tpu.memory_space<vmem>>, vector<1x1xf32>,
    %get3A_1252 = arith.constant 35 : index
    %get3A_1253 = arith.constant 0 : index
    %get3A_1254 = vector.load %arg11[%get3A_1252, %get3A_1253] : memref<128x128xf32, #tpu.memory_space<vmem>>, vector<1x128xf32>
    %gt3A_1255 = arith.constant 35 : i32
    %gt3A_1256 = vector.broadcast %gt3A_1255 : i32 to vector<1x128xi32>
    %gt3A_1257 = arith.cmpi sgt, %iota3A, %gt3A_1256 : vector<1x128xi32>
    %jit3A_1258 = arith.constant 1.000000e+00 : f32
    %jit3A_1259 = arith.constant 0.000000e+00 : f32
    %broadcast_in_dim3A_1260 = vector.broadcast %jit3A_1258 : f32 to vector<1x128xf32>
    %broadcast_in_dim3A_1261 = vector.broadcast %jit3A_1259 : f32 to vector<1x128xf32>
    %select_n3A_1262 = arith.select %gt3A_1257, %broadcast_in_dim3A_1260, %broadcast_in_dim3A_1261 : vector<1x128xi1>, vector<1x128xf32>
    %mul3A_1263 = arith.mulf %get3A_1254, %select_n3A_1262 : vector<1x128xf32>
    %mul3A_1264 = vector.broadcast %sub3A_1248 : vector<1x1xf32> to vector<1x128xf32>
    %mul3A_1265 = arith.mulf %mul3A_1263, %mul3A_1264 : vector<1x128xf32>
    %max3A_1266 = arith.maximumf %max3A_1233, %mul3A_1265 : vector<1x128xf32>
    %eq3A_1267 = arith.constant 36 : i32
    %eq3A_1268 = vector.broadcast %eq3A_1267 : i32 to vector<1x128xi32>
    %eq3A_1269 = arith.cmpi eq, %iota3A, %eq3A_1268 : vector<1x128xi32>
    %jit3A_1270 = arith.constant 1.000000e+00 : f32
    %jit3A_1271 = arith.constant 0.000000e+00 : f32
    %broadcast_in_dim3A_1272 = vector.broadcast %jit3A_1270 : f32 to vector<1x128xf32>
    %broadcast_in_dim3A_1273 = vector.broadcast %jit3A_1271 : f32 to vector<1x128xf32>
    %select_n3A_1274 = arith.select %eq3A_1269, %broadcast_in_dim3A_1272, %broadcast_in_dim3A_1273 : vector<1x128xi1>, vector<1x128xf32>
    %mul3A_1275 = arith.mulf %max3A_1266, %select_n3A_1274 : vector<1x128xf32>
    %reduce_sum3A_1276 = arith.constant dense<0.000000e+00> : vector<1xf32>
    %reduce_sum3A_1277 = vector.multi_reduction <add>, %mul3A_1275, %reduce_sum3A_1276 [1] : vector<1x128xf32> to vector<1xf32>
    %broadcast_in_dim3A_1278 = vector.shape_cast %reduce_sum3A_1277 : vector<1xf32> to vector<1x1xf32>
    %sub3A_1279 = arith.constant 1.000000e+00 : f32
    %sub3A_1280 = vector.broadcast %sub3A_1279 : f32 to vector<1x1xf32>
    %sub3A_1281 = arith.subf %sub3A_1280, %broadcast_in_dim3A_1278 : vector<1x1xf32>
    %swap3A_1282 = arith.constant 36 : index
    %swap3A_1283 = arith.constant 0 : index
    %swap3A_1284 = vector.load %arg12[%swap3A_1282, %swap3A_1283] : memref<128x1xf32, #tpu.memory_space<vmem>>, vector<1x1xf32>
    tpu.vector_store %arg12[%swap3A_1282, %swap3A_1283], %sub3A_1281 {strides = array<i32>} : memref<128x1xf32, #tpu.memory_space<vmem>>, vector<1x1xf32>,
    %get3A_1285 = arith.constant 36 : index
    %get3A_1286 = arith.constant 0 : index
    %get3A_1287 = vector.load %arg11[%get3A_1285, %get3A_1286] : memref<128x128xf32, #tpu.memory_space<vmem>>, vector<1x128xf32>
    %gt3A_1288 = arith.constant 36 : i32
    %gt3A_1289 = vector.broadcast %gt3A_1288 : i32 to vector<1x128xi32>
    %gt3A_1290 = arith.cmpi sgt, %iota3A, %gt3A_1289 : vector<1x128xi32>
    %jit3A_1291 = arith.constant 1.000000e+00 : f32
    %jit3A_1292 = arith.constant 0.000000e+00 : f32
    %broadcast_in_dim3A_1293 = vector.broadcast %jit3A_1291 : f32 to vector<1x128xf32>
    %broadcast_in_dim3A_1294 = vector.broadcast %jit3A_1292 : f32 to vector<1x128xf32>
    %select_n3A_1295 = arith.select %gt3A_1290, %broadcast_in_dim3A_1293, %broadcast_in_dim3A_1294 : vector<1x128xi1>, vector<1x128xf32>
    %mul3A_1296 = arith.mulf %get3A_1287, %select_n3A_1295 : vector<1x128xf32>
    %mul3A_1297 = vector.broadcast %sub3A_1281 : vector<1x1xf32> to vector<1x128xf32>
    %mul3A_1298 = arith.mulf %mul3A_1296, %mul3A_1297 : vector<1x128xf32>
    %max3A_1299 = arith.maximumf %max3A_1266, %mul3A_1298 : vector<1x128xf32>
    %eq3A_1300 = arith.constant 37 : i32
    %eq3A_1301 = vector.broadcast %eq3A_1300 : i32 to vector<1x128xi32>
    %eq3A_1302 = arith.cmpi eq, %iota3A, %eq3A_1301 : vector<1x128xi32>
    %jit3A_1303 = arith.constant 1.000000e+00 : f32
    %jit3A_1304 = arith.constant 0.000000e+00 : f32
    %broadcast_in_dim3A_1305 = vector.broadcast %jit3A_1303 : f32 to vector<1x128xf32>
    %broadcast_in_dim3A_1306 = vector.broadcast %jit3A_1304 : f32 to vector<1x128xf32>
    %select_n3A_1307 = arith.select %eq3A_1302, %broadcast_in_dim3A_1305, %broadcast_in_dim3A_1306 : vector<1x128xi1>, vector<1x128xf32>
    %mul3A_1308 = arith.mulf %max3A_1299, %select_n3A_1307 : vector<1x128xf32>
    %reduce_sum3A_1309 = arith.constant dense<0.000000e+00> : vector<1xf32>
    %reduce_sum3A_1310 = vector.multi_reduction <add>, %mul3A_1308, %reduce_sum3A_1309 [1] : vector<1x128xf32> to vector<1xf32>
    %broadcast_in_dim3A_1311 = vector.shape_cast %reduce_sum3A_1310 : vector<1xf32> to vector<1x1xf32>
    %sub3A_1312 = arith.constant 1.000000e+00 : f32
    %sub3A_1313 = vector.broadcast %sub3A_1312 : f32 to vector<1x1xf32>
    %sub3A_1314 = arith.subf %sub3A_1313, %broadcast_in_dim3A_1311 : vector<1x1xf32>
    %swap3A_1315 = arith.constant 37 : index
    %swap3A_1316 = arith.constant 0 : index
    %swap3A_1317 = vector.load %arg12[%swap3A_1315, %swap3A_1316] : memref<128x1xf32, #tpu.memory_space<vmem>>, vector<1x1xf32>
    tpu.vector_store %arg12[%swap3A_1315, %swap3A_1316], %sub3A_1314 {strides = array<i32>} : memref<128x1xf32, #tpu.memory_space<vmem>>, vector<1x1xf32>,
    %get3A_1318 = arith.constant 37 : index
    %get3A_1319 = arith.constant 0 : index
    %get3A_1320 = vector.load %arg11[%get3A_1318, %get3A_1319] : memref<128x128xf32, #tpu.memory_space<vmem>>, vector<1x128xf32>
    %gt3A_1321 = arith.constant 37 : i32
    %gt3A_1322 = vector.broadcast %gt3A_1321 : i32 to vector<1x128xi32>
    %gt3A_1323 = arith.cmpi sgt, %iota3A, %gt3A_1322 : vector<1x128xi32>
    %jit3A_1324 = arith.constant 1.000000e+00 : f32
    %jit3A_1325 = arith.constant 0.000000e+00 : f32
    %broadcast_in_dim3A_1326 = vector.broadcast %jit3A_1324 : f32 to vector<1x128xf32>
    %broadcast_in_dim3A_1327 = vector.broadcast %jit3A_1325 : f32 to vector<1x128xf32>
    %select_n3A_1328 = arith.select %gt3A_1323, %broadcast_in_dim3A_1326, %broadcast_in_dim3A_1327 : vector<1x128xi1>, vector<1x128xf32>
    %mul3A_1329 = arith.mulf %get3A_1320, %select_n3A_1328 : vector<1x128xf32>
    %mul3A_1330 = vector.broadcast %sub3A_1314 : vector<1x1xf32> to vector<1x128xf32>
    %mul3A_1331 = arith.mulf %mul3A_1329, %mul3A_1330 : vector<1x128xf32>
    %max3A_1332 = arith.maximumf %max3A_1299, %mul3A_1331 : vector<1x128xf32>
    %eq3A_1333 = arith.constant 38 : i32
    %eq3A_1334 = vector.broadcast %eq3A_1333 : i32 to vector<1x128xi32>
    %eq3A_1335 = arith.cmpi eq, %iota3A, %eq3A_1334 : vector<1x128xi32>
    %jit3A_1336 = arith.constant 1.000000e+00 : f32
    %jit3A_1337 = arith.constant 0.000000e+00 : f32
    %broadcast_in_dim3A_1338 = vector.broadcast %jit3A_1336 : f32 to vector<1x128xf32>
    %broadcast_in_dim3A_1339 = vector.broadcast %jit3A_1337 : f32 to vector<1x128xf32>
    %select_n3A_1340 = arith.select %eq3A_1335, %broadcast_in_dim3A_1338, %broadcast_in_dim3A_1339 : vector<1x128xi1>, vector<1x128xf32>
    %mul3A_1341 = arith.mulf %max3A_1332, %select_n3A_1340 : vector<1x128xf32>
    %reduce_sum3A_1342 = arith.constant dense<0.000000e+00> : vector<1xf32>
    %reduce_sum3A_1343 = vector.multi_reduction <add>, %mul3A_1341, %reduce_sum3A_1342 [1] : vector<1x128xf32> to vector<1xf32>
    %broadcast_in_dim3A_1344 = vector.shape_cast %reduce_sum3A_1343 : vector<1xf32> to vector<1x1xf32>
    %sub3A_1345 = arith.constant 1.000000e+00 : f32
    %sub3A_1346 = vector.broadcast %sub3A_1345 : f32 to vector<1x1xf32>
    %sub3A_1347 = arith.subf %sub3A_1346, %broadcast_in_dim3A_1344 : vector<1x1xf32>
    %swap3A_1348 = arith.constant 38 : index
    %swap3A_1349 = arith.constant 0 : index
    %swap3A_1350 = vector.load %arg12[%swap3A_1348, %swap3A_1349] : memref<128x1xf32, #tpu.memory_space<vmem>>, vector<1x1xf32>
    tpu.vector_store %arg12[%swap3A_1348, %swap3A_1349], %sub3A_1347 {strides = array<i32>} : memref<128x1xf32, #tpu.memory_space<vmem>>, vector<1x1xf32>,
    %get3A_1351 = arith.constant 38 : index
    %get3A_1352 = arith.constant 0 : index
    %get3A_1353 = vector.load %arg11[%get3A_1351, %get3A_1352] : memref<128x128xf32, #tpu.memory_space<vmem>>, vector<1x128xf32>
    %gt3A_1354 = arith.constant 38 : i32
    %gt3A_1355 = vector.broadcast %gt3A_1354 : i32 to vector<1x128xi32>
    %gt3A_1356 = arith.cmpi sgt, %iota3A, %gt3A_1355 : vector<1x128xi32>
    %jit3A_1357 = arith.constant 1.000000e+00 : f32
    %jit3A_1358 = arith.constant 0.000000e+00 : f32
    %broadcast_in_dim3A_1359 = vector.broadcast %jit3A_1357 : f32 to vector<1x128xf32>
    %broadcast_in_dim3A_1360 = vector.broadcast %jit3A_1358 : f32 to vector<1x128xf32>
    %select_n3A_1361 = arith.select %gt3A_1356, %broadcast_in_dim3A_1359, %broadcast_in_dim3A_1360 : vector<1x128xi1>, vector<1x128xf32>
    %mul3A_1362 = arith.mulf %get3A_1353, %select_n3A_1361 : vector<1x128xf32>
    %mul3A_1363 = vector.broadcast %sub3A_1347 : vector<1x1xf32> to vector<1x128xf32>
    %mul3A_1364 = arith.mulf %mul3A_1362, %mul3A_1363 : vector<1x128xf32>
    %max3A_1365 = arith.maximumf %max3A_1332, %mul3A_1364 : vector<1x128xf32>
    %eq3A_1366 = arith.constant 39 : i32
    %eq3A_1367 = vector.broadcast %eq3A_1366 : i32 to vector<1x128xi32>
    %eq3A_1368 = arith.cmpi eq, %iota3A, %eq3A_1367 : vector<1x128xi32>
    %jit3A_1369 = arith.constant 1.000000e+00 : f32
    %jit3A_1370 = arith.constant 0.000000e+00 : f32
    %broadcast_in_dim3A_1371 = vector.broadcast %jit3A_1369 : f32 to vector<1x128xf32>
    %broadcast_in_dim3A_1372 = vector.broadcast %jit3A_1370 : f32 to vector<1x128xf32>
    %select_n3A_1373 = arith.select %eq3A_1368, %broadcast_in_dim3A_1371, %broadcast_in_dim3A_1372 : vector<1x128xi1>, vector<1x128xf32>
    %mul3A_1374 = arith.mulf %max3A_1365, %select_n3A_1373 : vector<1x128xf32>
    %reduce_sum3A_1375 = arith.constant dense<0.000000e+00> : vector<1xf32>
    %reduce_sum3A_1376 = vector.multi_reduction <add>, %mul3A_1374, %reduce_sum3A_1375 [1] : vector<1x128xf32> to vector<1xf32>
    %broadcast_in_dim3A_1377 = vector.shape_cast %reduce_sum3A_1376 : vector<1xf32> to vector<1x1xf32>
    %sub3A_1378 = arith.constant 1.000000e+00 : f32
    %sub3A_1379 = vector.broadcast %sub3A_1378 : f32 to vector<1x1xf32>
    %sub3A_1380 = arith.subf %sub3A_1379, %broadcast_in_dim3A_1377 : vector<1x1xf32>
    %swap3A_1381 = arith.constant 39 : index
    %swap3A_1382 = arith.constant 0 : index
    %swap3A_1383 = vector.load %arg12[%swap3A_1381, %swap3A_1382] : memref<128x1xf32, #tpu.memory_space<vmem>>, vector<1x1xf32>
    tpu.vector_store %arg12[%swap3A_1381, %swap3A_1382], %sub3A_1380 {strides = array<i32>} : memref<128x1xf32, #tpu.memory_space<vmem>>, vector<1x1xf32>,
    %get3A_1384 = arith.constant 39 : index
    %get3A_1385 = arith.constant 0 : index
    %get3A_1386 = vector.load %arg11[%get3A_1384, %get3A_1385] : memref<128x128xf32, #tpu.memory_space<vmem>>, vector<1x128xf32>
    %gt3A_1387 = arith.constant 39 : i32
    %gt3A_1388 = vector.broadcast %gt3A_1387 : i32 to vector<1x128xi32>
    %gt3A_1389 = arith.cmpi sgt, %iota3A, %gt3A_1388 : vector<1x128xi32>
    %jit3A_1390 = arith.constant 1.000000e+00 : f32
    %jit3A_1391 = arith.constant 0.000000e+00 : f32
    %broadcast_in_dim3A_1392 = vector.broadcast %jit3A_1390 : f32 to vector<1x128xf32>
    %broadcast_in_dim3A_1393 = vector.broadcast %jit3A_1391 : f32 to vector<1x128xf32>
    %select_n3A_1394 = arith.select %gt3A_1389, %broadcast_in_dim3A_1392, %broadcast_in_dim3A_1393 : vector<1x128xi1>, vector<1x128xf32>
    %mul3A_1395 = arith.mulf %get3A_1386, %select_n3A_1394 : vector<1x128xf32>
    %mul3A_1396 = vector.broadcast %sub3A_1380 : vector<1x1xf32> to vector<1x128xf32>
    %mul3A_1397 = arith.mulf %mul3A_1395, %mul3A_1396 : vector<1x128xf32>
    %max3A_1398 = arith.maximumf %max3A_1365, %mul3A_1397 : vector<1x128xf32>
    %eq3A_1399 = arith.constant 40 : i32
    %eq3A_1400 = vector.broadcast %eq3A_1399 : i32 to vector<1x128xi32>
    %eq3A_1401 = arith.cmpi eq, %iota3A, %eq3A_1400 : vector<1x128xi32>
    %jit3A_1402 = arith.constant 1.000000e+00 : f32
    %jit3A_1403 = arith.constant 0.000000e+00 : f32
    %broadcast_in_dim3A_1404 = vector.broadcast %jit3A_1402 : f32 to vector<1x128xf32>
    %broadcast_in_dim3A_1405 = vector.broadcast %jit3A_1403 : f32 to vector<1x128xf32>
    %select_n3A_1406 = arith.select %eq3A_1401, %broadcast_in_dim3A_1404, %broadcast_in_dim3A_1405 : vector<1x128xi1>, vector<1x128xf32>
    %mul3A_1407 = arith.mulf %max3A_1398, %select_n3A_1406 : vector<1x128xf32>
    %reduce_sum3A_1408 = arith.constant dense<0.000000e+00> : vector<1xf32>
    %reduce_sum3A_1409 = vector.multi_reduction <add>, %mul3A_1407, %reduce_sum3A_1408 [1] : vector<1x128xf32> to vector<1xf32>
    %broadcast_in_dim3A_1410 = vector.shape_cast %reduce_sum3A_1409 : vector<1xf32> to vector<1x1xf32>
    %sub3A_1411 = arith.constant 1.000000e+00 : f32
    %sub3A_1412 = vector.broadcast %sub3A_1411 : f32 to vector<1x1xf32>
    %sub3A_1413 = arith.subf %sub3A_1412, %broadcast_in_dim3A_1410 : vector<1x1xf32>
    %swap3A_1414 = arith.constant 40 : index
    %swap3A_1415 = arith.constant 0 : index
    %swap3A_1416 = vector.load %arg12[%swap3A_1414, %swap3A_1415] : memref<128x1xf32, #tpu.memory_space<vmem>>, vector<1x1xf32>
    tpu.vector_store %arg12[%swap3A_1414, %swap3A_1415], %sub3A_1413 {strides = array<i32>} : memref<128x1xf32, #tpu.memory_space<vmem>>, vector<1x1xf32>,
    %get3A_1417 = arith.constant 40 : index
    %get3A_1418 = arith.constant 0 : index
    %get3A_1419 = vector.load %arg11[%get3A_1417, %get3A_1418] : memref<128x128xf32, #tpu.memory_space<vmem>>, vector<1x128xf32>
    %gt3A_1420 = arith.constant 40 : i32
    %gt3A_1421 = vector.broadcast %gt3A_1420 : i32 to vector<1x128xi32>
    %gt3A_1422 = arith.cmpi sgt, %iota3A, %gt3A_1421 : vector<1x128xi32>
    %jit3A_1423 = arith.constant 1.000000e+00 : f32
    %jit3A_1424 = arith.constant 0.000000e+00 : f32
    %broadcast_in_dim3A_1425 = vector.broadcast %jit3A_1423 : f32 to vector<1x128xf32>
    %broadcast_in_dim3A_1426 = vector.broadcast %jit3A_1424 : f32 to vector<1x128xf32>
    %select_n3A_1427 = arith.select %gt3A_1422, %broadcast_in_dim3A_1425, %broadcast_in_dim3A_1426 : vector<1x128xi1>, vector<1x128xf32>
    %mul3A_1428 = arith.mulf %get3A_1419, %select_n3A_1427 : vector<1x128xf32>
    %mul3A_1429 = vector.broadcast %sub3A_1413 : vector<1x1xf32> to vector<1x128xf32>
    %mul3A_1430 = arith.mulf %mul3A_1428, %mul3A_1429 : vector<1x128xf32>
    %max3A_1431 = arith.maximumf %max3A_1398, %mul3A_1430 : vector<1x128xf32>
    %eq3A_1432 = arith.constant 41 : i32
    %eq3A_1433 = vector.broadcast %eq3A_1432 : i32 to vector<1x128xi32>
    %eq3A_1434 = arith.cmpi eq, %iota3A, %eq3A_1433 : vector<1x128xi32>
    %jit3A_1435 = arith.constant 1.000000e+00 : f32
    %jit3A_1436 = arith.constant 0.000000e+00 : f32
    %broadcast_in_dim3A_1437 = vector.broadcast %jit3A_1435 : f32 to vector<1x128xf32>
    %broadcast_in_dim3A_1438 = vector.broadcast %jit3A_1436 : f32 to vector<1x128xf32>
    %select_n3A_1439 = arith.select %eq3A_1434, %broadcast_in_dim3A_1437, %broadcast_in_dim3A_1438 : vector<1x128xi1>, vector<1x128xf32>
    %mul3A_1440 = arith.mulf %max3A_1431, %select_n3A_1439 : vector<1x128xf32>
    %reduce_sum3A_1441 = arith.constant dense<0.000000e+00> : vector<1xf32>
    %reduce_sum3A_1442 = vector.multi_reduction <add>, %mul3A_1440, %reduce_sum3A_1441 [1] : vector<1x128xf32> to vector<1xf32>
    %broadcast_in_dim3A_1443 = vector.shape_cast %reduce_sum3A_1442 : vector<1xf32> to vector<1x1xf32>
    %sub3A_1444 = arith.constant 1.000000e+00 : f32
    %sub3A_1445 = vector.broadcast %sub3A_1444 : f32 to vector<1x1xf32>
    %sub3A_1446 = arith.subf %sub3A_1445, %broadcast_in_dim3A_1443 : vector<1x1xf32>
    %swap3A_1447 = arith.constant 41 : index
    %swap3A_1448 = arith.constant 0 : index
    %swap3A_1449 = vector.load %arg12[%swap3A_1447, %swap3A_1448] : memref<128x1xf32, #tpu.memory_space<vmem>>, vector<1x1xf32>
    tpu.vector_store %arg12[%swap3A_1447, %swap3A_1448], %sub3A_1446 {strides = array<i32>} : memref<128x1xf32, #tpu.memory_space<vmem>>, vector<1x1xf32>,
    %get3A_1450 = arith.constant 41 : index
    %get3A_1451 = arith.constant 0 : index
    %get3A_1452 = vector.load %arg11[%get3A_1450, %get3A_1451] : memref<128x128xf32, #tpu.memory_space<vmem>>, vector<1x128xf32>
    %gt3A_1453 = arith.constant 41 : i32
    %gt3A_1454 = vector.broadcast %gt3A_1453 : i32 to vector<1x128xi32>
    %gt3A_1455 = arith.cmpi sgt, %iota3A, %gt3A_1454 : vector<1x128xi32>
    %jit3A_1456 = arith.constant 1.000000e+00 : f32
    %jit3A_1457 = arith.constant 0.000000e+00 : f32
    %broadcast_in_dim3A_1458 = vector.broadcast %jit3A_1456 : f32 to vector<1x128xf32>
    %broadcast_in_dim3A_1459 = vector.broadcast %jit3A_1457 : f32 to vector<1x128xf32>
    %select_n3A_1460 = arith.select %gt3A_1455, %broadcast_in_dim3A_1458, %broadcast_in_dim3A_1459 : vector<1x128xi1>, vector<1x128xf32>
    %mul3A_1461 = arith.mulf %get3A_1452, %select_n3A_1460 : vector<1x128xf32>
    %mul3A_1462 = vector.broadcast %sub3A_1446 : vector<1x1xf32> to vector<1x128xf32>
    %mul3A_1463 = arith.mulf %mul3A_1461, %mul3A_1462 : vector<1x128xf32>
    %max3A_1464 = arith.maximumf %max3A_1431, %mul3A_1463 : vector<1x128xf32>
    %eq3A_1465 = arith.constant 42 : i32
    %eq3A_1466 = vector.broadcast %eq3A_1465 : i32 to vector<1x128xi32>
    %eq3A_1467 = arith.cmpi eq, %iota3A, %eq3A_1466 : vector<1x128xi32>
    %jit3A_1468 = arith.constant 1.000000e+00 : f32
    %jit3A_1469 = arith.constant 0.000000e+00 : f32
    %broadcast_in_dim3A_1470 = vector.broadcast %jit3A_1468 : f32 to vector<1x128xf32>
    %broadcast_in_dim3A_1471 = vector.broadcast %jit3A_1469 : f32 to vector<1x128xf32>
    %select_n3A_1472 = arith.select %eq3A_1467, %broadcast_in_dim3A_1470, %broadcast_in_dim3A_1471 : vector<1x128xi1>, vector<1x128xf32>
    %mul3A_1473 = arith.mulf %max3A_1464, %select_n3A_1472 : vector<1x128xf32>
    %reduce_sum3A_1474 = arith.constant dense<0.000000e+00> : vector<1xf32>
    %reduce_sum3A_1475 = vector.multi_reduction <add>, %mul3A_1473, %reduce_sum3A_1474 [1] : vector<1x128xf32> to vector<1xf32>
    %broadcast_in_dim3A_1476 = vector.shape_cast %reduce_sum3A_1475 : vector<1xf32> to vector<1x1xf32>
    %sub3A_1477 = arith.constant 1.000000e+00 : f32
    %sub3A_1478 = vector.broadcast %sub3A_1477 : f32 to vector<1x1xf32>
    %sub3A_1479 = arith.subf %sub3A_1478, %broadcast_in_dim3A_1476 : vector<1x1xf32>
    %swap3A_1480 = arith.constant 42 : index
    %swap3A_1481 = arith.constant 0 : index
    %swap3A_1482 = vector.load %arg12[%swap3A_1480, %swap3A_1481] : memref<128x1xf32, #tpu.memory_space<vmem>>, vector<1x1xf32>
    tpu.vector_store %arg12[%swap3A_1480, %swap3A_1481], %sub3A_1479 {strides = array<i32>} : memref<128x1xf32, #tpu.memory_space<vmem>>, vector<1x1xf32>,
    %get3A_1483 = arith.constant 42 : index
    %get3A_1484 = arith.constant 0 : index
    %get3A_1485 = vector.load %arg11[%get3A_1483, %get3A_1484] : memref<128x128xf32, #tpu.memory_space<vmem>>, vector<1x128xf32>
    %gt3A_1486 = arith.constant 42 : i32
    %gt3A_1487 = vector.broadcast %gt3A_1486 : i32 to vector<1x128xi32>
    %gt3A_1488 = arith.cmpi sgt, %iota3A, %gt3A_1487 : vector<1x128xi32>
    %jit3A_1489 = arith.constant 1.000000e+00 : f32
    %jit3A_1490 = arith.constant 0.000000e+00 : f32
    %broadcast_in_dim3A_1491 = vector.broadcast %jit3A_1489 : f32 to vector<1x128xf32>
    %broadcast_in_dim3A_1492 = vector.broadcast %jit3A_1490 : f32 to vector<1x128xf32>
    %select_n3A_1493 = arith.select %gt3A_1488, %broadcast_in_dim3A_1491, %broadcast_in_dim3A_1492 : vector<1x128xi1>, vector<1x128xf32>
    %mul3A_1494 = arith.mulf %get3A_1485, %select_n3A_1493 : vector<1x128xf32>
    %mul3A_1495 = vector.broadcast %sub3A_1479 : vector<1x1xf32> to vector<1x128xf32>
    %mul3A_1496 = arith.mulf %mul3A_1494, %mul3A_1495 : vector<1x128xf32>
    %max3A_1497 = arith.maximumf %max3A_1464, %mul3A_1496 : vector<1x128xf32>
    %eq3A_1498 = arith.constant 43 : i32
    %eq3A_1499 = vector.broadcast %eq3A_1498 : i32 to vector<1x128xi32>
    %eq3A_1500 = arith.cmpi eq, %iota3A, %eq3A_1499 : vector<1x128xi32>
    %jit3A_1501 = arith.constant 1.000000e+00 : f32
    %jit3A_1502 = arith.constant 0.000000e+00 : f32
    %broadcast_in_dim3A_1503 = vector.broadcast %jit3A_1501 : f32 to vector<1x128xf32>
    %broadcast_in_dim3A_1504 = vector.broadcast %jit3A_1502 : f32 to vector<1x128xf32>
    %select_n3A_1505 = arith.select %eq3A_1500, %broadcast_in_dim3A_1503, %broadcast_in_dim3A_1504 : vector<1x128xi1>, vector<1x128xf32>
    %mul3A_1506 = arith.mulf %max3A_1497, %select_n3A_1505 : vector<1x128xf32>
    %reduce_sum3A_1507 = arith.constant dense<0.000000e+00> : vector<1xf32>
    %reduce_sum3A_1508 = vector.multi_reduction <add>, %mul3A_1506, %reduce_sum3A_1507 [1] : vector<1x128xf32> to vector<1xf32>
    %broadcast_in_dim3A_1509 = vector.shape_cast %reduce_sum3A_1508 : vector<1xf32> to vector<1x1xf32>
    %sub3A_1510 = arith.constant 1.000000e+00 : f32
    %sub3A_1511 = vector.broadcast %sub3A_1510 : f32 to vector<1x1xf32>
    %sub3A_1512 = arith.subf %sub3A_1511, %broadcast_in_dim3A_1509 : vector<1x1xf32>
    %swap3A_1513 = arith.constant 43 : index
    %swap3A_1514 = arith.constant 0 : index
    %swap3A_1515 = vector.load %arg12[%swap3A_1513, %swap3A_1514] : memref<128x1xf32, #tpu.memory_space<vmem>>, vector<1x1xf32>
    tpu.vector_store %arg12[%swap3A_1513, %swap3A_1514], %sub3A_1512 {strides = array<i32>} : memref<128x1xf32, #tpu.memory_space<vmem>>, vector<1x1xf32>,
    %get3A_1516 = arith.constant 43 : index
    %get3A_1517 = arith.constant 0 : index
    %get3A_1518 = vector.load %arg11[%get3A_1516, %get3A_1517] : memref<128x128xf32, #tpu.memory_space<vmem>>, vector<1x128xf32>
    %gt3A_1519 = arith.constant 43 : i32
    %gt3A_1520 = vector.broadcast %gt3A_1519 : i32 to vector<1x128xi32>
    %gt3A_1521 = arith.cmpi sgt, %iota3A, %gt3A_1520 : vector<1x128xi32>
    %jit3A_1522 = arith.constant 1.000000e+00 : f32
    %jit3A_1523 = arith.constant 0.000000e+00 : f32
    %broadcast_in_dim3A_1524 = vector.broadcast %jit3A_1522 : f32 to vector<1x128xf32>
    %broadcast_in_dim3A_1525 = vector.broadcast %jit3A_1523 : f32 to vector<1x128xf32>
    %select_n3A_1526 = arith.select %gt3A_1521, %broadcast_in_dim3A_1524, %broadcast_in_dim3A_1525 : vector<1x128xi1>, vector<1x128xf32>
    %mul3A_1527 = arith.mulf %get3A_1518, %select_n3A_1526 : vector<1x128xf32>
    %mul3A_1528 = vector.broadcast %sub3A_1512 : vector<1x1xf32> to vector<1x128xf32>
    %mul3A_1529 = arith.mulf %mul3A_1527, %mul3A_1528 : vector<1x128xf32>
    %max3A_1530 = arith.maximumf %max3A_1497, %mul3A_1529 : vector<1x128xf32>
    %eq3A_1531 = arith.constant 44 : i32
    %eq3A_1532 = vector.broadcast %eq3A_1531 : i32 to vector<1x128xi32>
    %eq3A_1533 = arith.cmpi eq, %iota3A, %eq3A_1532 : vector<1x128xi32>
    %jit3A_1534 = arith.constant 1.000000e+00 : f32
    %jit3A_1535 = arith.constant 0.000000e+00 : f32
    %broadcast_in_dim3A_1536 = vector.broadcast %jit3A_1534 : f32 to vector<1x128xf32>
    %broadcast_in_dim3A_1537 = vector.broadcast %jit3A_1535 : f32 to vector<1x128xf32>
    %select_n3A_1538 = arith.select %eq3A_1533, %broadcast_in_dim3A_1536, %broadcast_in_dim3A_1537 : vector<1x128xi1>, vector<1x128xf32>
    %mul3A_1539 = arith.mulf %max3A_1530, %select_n3A_1538 : vector<1x128xf32>
    %reduce_sum3A_1540 = arith.constant dense<0.000000e+00> : vector<1xf32>
    %reduce_sum3A_1541 = vector.multi_reduction <add>, %mul3A_1539, %reduce_sum3A_1540 [1] : vector<1x128xf32> to vector<1xf32>
    %broadcast_in_dim3A_1542 = vector.shape_cast %reduce_sum3A_1541 : vector<1xf32> to vector<1x1xf32>
    %sub3A_1543 = arith.constant 1.000000e+00 : f32
    %sub3A_1544 = vector.broadcast %sub3A_1543 : f32 to vector<1x1xf32>
    %sub3A_1545 = arith.subf %sub3A_1544, %broadcast_in_dim3A_1542 : vector<1x1xf32>
    %swap3A_1546 = arith.constant 44 : index
    %swap3A_1547 = arith.constant 0 : index
    %swap3A_1548 = vector.load %arg12[%swap3A_1546, %swap3A_1547] : memref<128x1xf32, #tpu.memory_space<vmem>>, vector<1x1xf32>
    tpu.vector_store %arg12[%swap3A_1546, %swap3A_1547], %sub3A_1545 {strides = array<i32>} : memref<128x1xf32, #tpu.memory_space<vmem>>, vector<1x1xf32>,
    %get3A_1549 = arith.constant 44 : index
    %get3A_1550 = arith.constant 0 : index
    %get3A_1551 = vector.load %arg11[%get3A_1549, %get3A_1550] : memref<128x128xf32, #tpu.memory_space<vmem>>, vector<1x128xf32>
    %gt3A_1552 = arith.constant 44 : i32
    %gt3A_1553 = vector.broadcast %gt3A_1552 : i32 to vector<1x128xi32>
    %gt3A_1554 = arith.cmpi sgt, %iota3A, %gt3A_1553 : vector<1x128xi32>
    %jit3A_1555 = arith.constant 1.000000e+00 : f32
    %jit3A_1556 = arith.constant 0.000000e+00 : f32
    %broadcast_in_dim3A_1557 = vector.broadcast %jit3A_1555 : f32 to vector<1x128xf32>
    %broadcast_in_dim3A_1558 = vector.broadcast %jit3A_1556 : f32 to vector<1x128xf32>
    %select_n3A_1559 = arith.select %gt3A_1554, %broadcast_in_dim3A_1557, %broadcast_in_dim3A_1558 : vector<1x128xi1>, vector<1x128xf32>
    %mul3A_1560 = arith.mulf %get3A_1551, %select_n3A_1559 : vector<1x128xf32>
    %mul3A_1561 = vector.broadcast %sub3A_1545 : vector<1x1xf32> to vector<1x128xf32>
    %mul3A_1562 = arith.mulf %mul3A_1560, %mul3A_1561 : vector<1x128xf32>
    %max3A_1563 = arith.maximumf %max3A_1530, %mul3A_1562 : vector<1x128xf32>
    %eq3A_1564 = arith.constant 45 : i32
    %eq3A_1565 = vector.broadcast %eq3A_1564 : i32 to vector<1x128xi32>
    %eq3A_1566 = arith.cmpi eq, %iota3A, %eq3A_1565 : vector<1x128xi32>
    %jit3A_1567 = arith.constant 1.000000e+00 : f32
    %jit3A_1568 = arith.constant 0.000000e+00 : f32
    %broadcast_in_dim3A_1569 = vector.broadcast %jit3A_1567 : f32 to vector<1x128xf32>
    %broadcast_in_dim3A_1570 = vector.broadcast %jit3A_1568 : f32 to vector<1x128xf32>
    %select_n3A_1571 = arith.select %eq3A_1566, %broadcast_in_dim3A_1569, %broadcast_in_dim3A_1570 : vector<1x128xi1>, vector<1x128xf32>
    %mul3A_1572 = arith.mulf %max3A_1563, %select_n3A_1571 : vector<1x128xf32>
    %reduce_sum3A_1573 = arith.constant dense<0.000000e+00> : vector<1xf32>
    %reduce_sum3A_1574 = vector.multi_reduction <add>, %mul3A_1572, %reduce_sum3A_1573 [1] : vector<1x128xf32> to vector<1xf32>
    %broadcast_in_dim3A_1575 = vector.shape_cast %reduce_sum3A_1574 : vector<1xf32> to vector<1x1xf32>
    %sub3A_1576 = arith.constant 1.000000e+00 : f32
    %sub3A_1577 = vector.broadcast %sub3A_1576 : f32 to vector<1x1xf32>
    %sub3A_1578 = arith.subf %sub3A_1577, %broadcast_in_dim3A_1575 : vector<1x1xf32>
    %swap3A_1579 = arith.constant 45 : index
    %swap3A_1580 = arith.constant 0 : index
    %swap3A_1581 = vector.load %arg12[%swap3A_1579, %swap3A_1580] : memref<128x1xf32, #tpu.memory_space<vmem>>, vector<1x1xf32>
    tpu.vector_store %arg12[%swap3A_1579, %swap3A_1580], %sub3A_1578 {strides = array<i32>} : memref<128x1xf32, #tpu.memory_space<vmem>>, vector<1x1xf32>,
    %get3A_1582 = arith.constant 45 : index
    %get3A_1583 = arith.constant 0 : index
    %get3A_1584 = vector.load %arg11[%get3A_1582, %get3A_1583] : memref<128x128xf32, #tpu.memory_space<vmem>>, vector<1x128xf32>
    %gt3A_1585 = arith.constant 45 : i32
    %gt3A_1586 = vector.broadcast %gt3A_1585 : i32 to vector<1x128xi32>
    %gt3A_1587 = arith.cmpi sgt, %iota3A, %gt3A_1586 : vector<1x128xi32>
    %jit3A_1588 = arith.constant 1.000000e+00 : f32
    %jit3A_1589 = arith.constant 0.000000e+00 : f32
    %broadcast_in_dim3A_1590 = vector.broadcast %jit3A_1588 : f32 to vector<1x128xf32>
    %broadcast_in_dim3A_1591 = vector.broadcast %jit3A_1589 : f32 to vector<1x128xf32>
    %select_n3A_1592 = arith.select %gt3A_1587, %broadcast_in_dim3A_1590, %broadcast_in_dim3A_1591 : vector<1x128xi1>, vector<1x128xf32>
    %mul3A_1593 = arith.mulf %get3A_1584, %select_n3A_1592 : vector<1x128xf32>
    %mul3A_1594 = vector.broadcast %sub3A_1578 : vector<1x1xf32> to vector<1x128xf32>
    %mul3A_1595 = arith.mulf %mul3A_1593, %mul3A_1594 : vector<1x128xf32>
    %max3A_1596 = arith.maximumf %max3A_1563, %mul3A_1595 : vector<1x128xf32>
    %eq3A_1597 = arith.constant 46 : i32
    %eq3A_1598 = vector.broadcast %eq3A_1597 : i32 to vector<1x128xi32>
    %eq3A_1599 = arith.cmpi eq, %iota3A, %eq3A_1598 : vector<1x128xi32>
    %jit3A_1600 = arith.constant 1.000000e+00 : f32
    %jit3A_1601 = arith.constant 0.000000e+00 : f32
    %broadcast_in_dim3A_1602 = vector.broadcast %jit3A_1600 : f32 to vector<1x128xf32>
    %broadcast_in_dim3A_1603 = vector.broadcast %jit3A_1601 : f32 to vector<1x128xf32>
    %select_n3A_1604 = arith.select %eq3A_1599, %broadcast_in_dim3A_1602, %broadcast_in_dim3A_1603 : vector<1x128xi1>, vector<1x128xf32>
    %mul3A_1605 = arith.mulf %max3A_1596, %select_n3A_1604 : vector<1x128xf32>
    %reduce_sum3A_1606 = arith.constant dense<0.000000e+00> : vector<1xf32>
    %reduce_sum3A_1607 = vector.multi_reduction <add>, %mul3A_1605, %reduce_sum3A_1606 [1] : vector<1x128xf32> to vector<1xf32>
    %broadcast_in_dim3A_1608 = vector.shape_cast %reduce_sum3A_1607 : vector<1xf32> to vector<1x1xf32>
    %sub3A_1609 = arith.constant 1.000000e+00 : f32
    %sub3A_1610 = vector.broadcast %sub3A_1609 : f32 to vector<1x1xf32>
    %sub3A_1611 = arith.subf %sub3A_1610, %broadcast_in_dim3A_1608 : vector<1x1xf32>
    %swap3A_1612 = arith.constant 46 : index
    %swap3A_1613 = arith.constant 0 : index
    %swap3A_1614 = vector.load %arg12[%swap3A_1612, %swap3A_1613] : memref<128x1xf32, #tpu.memory_space<vmem>>, vector<1x1xf32>
    tpu.vector_store %arg12[%swap3A_1612, %swap3A_1613], %sub3A_1611 {strides = array<i32>} : memref<128x1xf32, #tpu.memory_space<vmem>>, vector<1x1xf32>,
    %get3A_1615 = arith.constant 46 : index
    %get3A_1616 = arith.constant 0 : index
    %get3A_1617 = vector.load %arg11[%get3A_1615, %get3A_1616] : memref<128x128xf32, #tpu.memory_space<vmem>>, vector<1x128xf32>
    %gt3A_1618 = arith.constant 46 : i32
    %gt3A_1619 = vector.broadcast %gt3A_1618 : i32 to vector<1x128xi32>
    %gt3A_1620 = arith.cmpi sgt, %iota3A, %gt3A_1619 : vector<1x128xi32>
    %jit3A_1621 = arith.constant 1.000000e+00 : f32
    %jit3A_1622 = arith.constant 0.000000e+00 : f32
    %broadcast_in_dim3A_1623 = vector.broadcast %jit3A_1621 : f32 to vector<1x128xf32>
    %broadcast_in_dim3A_1624 = vector.broadcast %jit3A_1622 : f32 to vector<1x128xf32>
    %select_n3A_1625 = arith.select %gt3A_1620, %broadcast_in_dim3A_1623, %broadcast_in_dim3A_1624 : vector<1x128xi1>, vector<1x128xf32>
    %mul3A_1626 = arith.mulf %get3A_1617, %select_n3A_1625 : vector<1x128xf32>
    %mul3A_1627 = vector.broadcast %sub3A_1611 : vector<1x1xf32> to vector<1x128xf32>
    %mul3A_1628 = arith.mulf %mul3A_1626, %mul3A_1627 : vector<1x128xf32>
    %max3A_1629 = arith.maximumf %max3A_1596, %mul3A_1628 : vector<1x128xf32>
    %eq3A_1630 = arith.constant 47 : i32
    %eq3A_1631 = vector.broadcast %eq3A_1630 : i32 to vector<1x128xi32>
    %eq3A_1632 = arith.cmpi eq, %iota3A, %eq3A_1631 : vector<1x128xi32>
    %jit3A_1633 = arith.constant 1.000000e+00 : f32
    %jit3A_1634 = arith.constant 0.000000e+00 : f32
    %broadcast_in_dim3A_1635 = vector.broadcast %jit3A_1633 : f32 to vector<1x128xf32>
    %broadcast_in_dim3A_1636 = vector.broadcast %jit3A_1634 : f32 to vector<1x128xf32>
    %select_n3A_1637 = arith.select %eq3A_1632, %broadcast_in_dim3A_1635, %broadcast_in_dim3A_1636 : vector<1x128xi1>, vector<1x128xf32>
    %mul3A_1638 = arith.mulf %max3A_1629, %select_n3A_1637 : vector<1x128xf32>
    %reduce_sum3A_1639 = arith.constant dense<0.000000e+00> : vector<1xf32>
    %reduce_sum3A_1640 = vector.multi_reduction <add>, %mul3A_1638, %reduce_sum3A_1639 [1] : vector<1x128xf32> to vector<1xf32>
    %broadcast_in_dim3A_1641 = vector.shape_cast %reduce_sum3A_1640 : vector<1xf32> to vector<1x1xf32>
    %sub3A_1642 = arith.constant 1.000000e+00 : f32
    %sub3A_1643 = vector.broadcast %sub3A_1642 : f32 to vector<1x1xf32>
    %sub3A_1644 = arith.subf %sub3A_1643, %broadcast_in_dim3A_1641 : vector<1x1xf32>
    %swap3A_1645 = arith.constant 47 : index
    %swap3A_1646 = arith.constant 0 : index
    %swap3A_1647 = vector.load %arg12[%swap3A_1645, %swap3A_1646] : memref<128x1xf32, #tpu.memory_space<vmem>>, vector<1x1xf32>
    tpu.vector_store %arg12[%swap3A_1645, %swap3A_1646], %sub3A_1644 {strides = array<i32>} : memref<128x1xf32, #tpu.memory_space<vmem>>, vector<1x1xf32>,
    %get3A_1648 = arith.constant 47 : index
    %get3A_1649 = arith.constant 0 : index
    %get3A_1650 = vector.load %arg11[%get3A_1648, %get3A_1649] : memref<128x128xf32, #tpu.memory_space<vmem>>, vector<1x128xf32>
    %gt3A_1651 = arith.constant 47 : i32
    %gt3A_1652 = vector.broadcast %gt3A_1651 : i32 to vector<1x128xi32>
    %gt3A_1653 = arith.cmpi sgt, %iota3A, %gt3A_1652 : vector<1x128xi32>
    %jit3A_1654 = arith.constant 1.000000e+00 : f32
    %jit3A_1655 = arith.constant 0.000000e+00 : f32
    %broadcast_in_dim3A_1656 = vector.broadcast %jit3A_1654 : f32 to vector<1x128xf32>
    %broadcast_in_dim3A_1657 = vector.broadcast %jit3A_1655 : f32 to vector<1x128xf32>
    %select_n3A_1658 = arith.select %gt3A_1653, %broadcast_in_dim3A_1656, %broadcast_in_dim3A_1657 : vector<1x128xi1>, vector<1x128xf32>
    %mul3A_1659 = arith.mulf %get3A_1650, %select_n3A_1658 : vector<1x128xf32>
    %mul3A_1660 = vector.broadcast %sub3A_1644 : vector<1x1xf32> to vector<1x128xf32>
    %mul3A_1661 = arith.mulf %mul3A_1659, %mul3A_1660 : vector<1x128xf32>
    %max3A_1662 = arith.maximumf %max3A_1629, %mul3A_1661 : vector<1x128xf32>
    %eq3A_1663 = arith.constant 48 : i32
    %eq3A_1664 = vector.broadcast %eq3A_1663 : i32 to vector<1x128xi32>
    %eq3A_1665 = arith.cmpi eq, %iota3A, %eq3A_1664 : vector<1x128xi32>
    %jit3A_1666 = arith.constant 1.000000e+00 : f32
    %jit3A_1667 = arith.constant 0.000000e+00 : f32
    %broadcast_in_dim3A_1668 = vector.broadcast %jit3A_1666 : f32 to vector<1x128xf32>
    %broadcast_in_dim3A_1669 = vector.broadcast %jit3A_1667 : f32 to vector<1x128xf32>
    %select_n3A_1670 = arith.select %eq3A_1665, %broadcast_in_dim3A_1668, %broadcast_in_dim3A_1669 : vector<1x128xi1>, vector<1x128xf32>
    %mul3A_1671 = arith.mulf %max3A_1662, %select_n3A_1670 : vector<1x128xf32>
    %reduce_sum3A_1672 = arith.constant dense<0.000000e+00> : vector<1xf32>
    %reduce_sum3A_1673 = vector.multi_reduction <add>, %mul3A_1671, %reduce_sum3A_1672 [1] : vector<1x128xf32> to vector<1xf32>
    %broadcast_in_dim3A_1674 = vector.shape_cast %reduce_sum3A_1673 : vector<1xf32> to vector<1x1xf32>
    %sub3A_1675 = arith.constant 1.000000e+00 : f32
    %sub3A_1676 = vector.broadcast %sub3A_1675 : f32 to vector<1x1xf32>
    %sub3A_1677 = arith.subf %sub3A_1676, %broadcast_in_dim3A_1674 : vector<1x1xf32>
    %swap3A_1678 = arith.constant 48 : index
    %swap3A_1679 = arith.constant 0 : index
    %swap3A_1680 = vector.load %arg12[%swap3A_1678, %swap3A_1679] : memref<128x1xf32, #tpu.memory_space<vmem>>, vector<1x1xf32>
    tpu.vector_store %arg12[%swap3A_1678, %swap3A_1679], %sub3A_1677 {strides = array<i32>} : memref<128x1xf32, #tpu.memory_space<vmem>>, vector<1x1xf32>,
    %get3A_1681 = arith.constant 48 : index
    %get3A_1682 = arith.constant 0 : index
    %get3A_1683 = vector.load %arg11[%get3A_1681, %get3A_1682] : memref<128x128xf32, #tpu.memory_space<vmem>>, vector<1x128xf32>
    %gt3A_1684 = arith.constant 48 : i32
    %gt3A_1685 = vector.broadcast %gt3A_1684 : i32 to vector<1x128xi32>
    %gt3A_1686 = arith.cmpi sgt, %iota3A, %gt3A_1685 : vector<1x128xi32>
    %jit3A_1687 = arith.constant 1.000000e+00 : f32
    %jit3A_1688 = arith.constant 0.000000e+00 : f32
    %broadcast_in_dim3A_1689 = vector.broadcast %jit3A_1687 : f32 to vector<1x128xf32>
    %broadcast_in_dim3A_1690 = vector.broadcast %jit3A_1688 : f32 to vector<1x128xf32>
    %select_n3A_1691 = arith.select %gt3A_1686, %broadcast_in_dim3A_1689, %broadcast_in_dim3A_1690 : vector<1x128xi1>, vector<1x128xf32>
    %mul3A_1692 = arith.mulf %get3A_1683, %select_n3A_1691 : vector<1x128xf32>
    %mul3A_1693 = vector.broadcast %sub3A_1677 : vector<1x1xf32> to vector<1x128xf32>
    %mul3A_1694 = arith.mulf %mul3A_1692, %mul3A_1693 : vector<1x128xf32>
    %max3A_1695 = arith.maximumf %max3A_1662, %mul3A_1694 : vector<1x128xf32>
    %eq3A_1696 = arith.constant 49 : i32
    %eq3A_1697 = vector.broadcast %eq3A_1696 : i32 to vector<1x128xi32>
    %eq3A_1698 = arith.cmpi eq, %iota3A, %eq3A_1697 : vector<1x128xi32>
    %jit3A_1699 = arith.constant 1.000000e+00 : f32
    %jit3A_1700 = arith.constant 0.000000e+00 : f32
    %broadcast_in_dim3A_1701 = vector.broadcast %jit3A_1699 : f32 to vector<1x128xf32>
    %broadcast_in_dim3A_1702 = vector.broadcast %jit3A_1700 : f32 to vector<1x128xf32>
    %select_n3A_1703 = arith.select %eq3A_1698, %broadcast_in_dim3A_1701, %broadcast_in_dim3A_1702 : vector<1x128xi1>, vector<1x128xf32>
    %mul3A_1704 = arith.mulf %max3A_1695, %select_n3A_1703 : vector<1x128xf32>
    %reduce_sum3A_1705 = arith.constant dense<0.000000e+00> : vector<1xf32>
    %reduce_sum3A_1706 = vector.multi_reduction <add>, %mul3A_1704, %reduce_sum3A_1705 [1] : vector<1x128xf32> to vector<1xf32>
    %broadcast_in_dim3A_1707 = vector.shape_cast %reduce_sum3A_1706 : vector<1xf32> to vector<1x1xf32>
    %sub3A_1708 = arith.constant 1.000000e+00 : f32
    %sub3A_1709 = vector.broadcast %sub3A_1708 : f32 to vector<1x1xf32>
    %sub3A_1710 = arith.subf %sub3A_1709, %broadcast_in_dim3A_1707 : vector<1x1xf32>
    %swap3A_1711 = arith.constant 49 : index
    %swap3A_1712 = arith.constant 0 : index
    %swap3A_1713 = vector.load %arg12[%swap3A_1711, %swap3A_1712] : memref<128x1xf32, #tpu.memory_space<vmem>>, vector<1x1xf32>
    tpu.vector_store %arg12[%swap3A_1711, %swap3A_1712], %sub3A_1710 {strides = array<i32>} : memref<128x1xf32, #tpu.memory_space<vmem>>, vector<1x1xf32>,
    %get3A_1714 = arith.constant 49 : index
    %get3A_1715 = arith.constant 0 : index
    %get3A_1716 = vector.load %arg11[%get3A_1714, %get3A_1715] : memref<128x128xf32, #tpu.memory_space<vmem>>, vector<1x128xf32>
    %gt3A_1717 = arith.constant 49 : i32
    %gt3A_1718 = vector.broadcast %gt3A_1717 : i32 to vector<1x128xi32>
    %gt3A_1719 = arith.cmpi sgt, %iota3A, %gt3A_1718 : vector<1x128xi32>
    %jit3A_1720 = arith.constant 1.000000e+00 : f32
    %jit3A_1721 = arith.constant 0.000000e+00 : f32
    %broadcast_in_dim3A_1722 = vector.broadcast %jit3A_1720 : f32 to vector<1x128xf32>
    %broadcast_in_dim3A_1723 = vector.broadcast %jit3A_1721 : f32 to vector<1x128xf32>
    %select_n3A_1724 = arith.select %gt3A_1719, %broadcast_in_dim3A_1722, %broadcast_in_dim3A_1723 : vector<1x128xi1>, vector<1x128xf32>
    %mul3A_1725 = arith.mulf %get3A_1716, %select_n3A_1724 : vector<1x128xf32>
    %mul3A_1726 = vector.broadcast %sub3A_1710 : vector<1x1xf32> to vector<1x128xf32>
    %mul3A_1727 = arith.mulf %mul3A_1725, %mul3A_1726 : vector<1x128xf32>
    %max3A_1728 = arith.maximumf %max3A_1695, %mul3A_1727 : vector<1x128xf32>
    %eq3A_1729 = arith.constant 50 : i32
    %eq3A_1730 = vector.broadcast %eq3A_1729 : i32 to vector<1x128xi32>
    %eq3A_1731 = arith.cmpi eq, %iota3A, %eq3A_1730 : vector<1x128xi32>
    %jit3A_1732 = arith.constant 1.000000e+00 : f32
    %jit3A_1733 = arith.constant 0.000000e+00 : f32
    %broadcast_in_dim3A_1734 = vector.broadcast %jit3A_1732 : f32 to vector<1x128xf32>
    %broadcast_in_dim3A_1735 = vector.broadcast %jit3A_1733 : f32 to vector<1x128xf32>
    %select_n3A_1736 = arith.select %eq3A_1731, %broadcast_in_dim3A_1734, %broadcast_in_dim3A_1735 : vector<1x128xi1>, vector<1x128xf32>
    %mul3A_1737 = arith.mulf %max3A_1728, %select_n3A_1736 : vector<1x128xf32>
    %reduce_sum3A_1738 = arith.constant dense<0.000000e+00> : vector<1xf32>
    %reduce_sum3A_1739 = vector.multi_reduction <add>, %mul3A_1737, %reduce_sum3A_1738 [1] : vector<1x128xf32> to vector<1xf32>
    %broadcast_in_dim3A_1740 = vector.shape_cast %reduce_sum3A_1739 : vector<1xf32> to vector<1x1xf32>
    %sub3A_1741 = arith.constant 1.000000e+00 : f32
    %sub3A_1742 = vector.broadcast %sub3A_1741 : f32 to vector<1x1xf32>
    %sub3A_1743 = arith.subf %sub3A_1742, %broadcast_in_dim3A_1740 : vector<1x1xf32>
    %swap3A_1744 = arith.constant 50 : index
    %swap3A_1745 = arith.constant 0 : index
    %swap3A_1746 = vector.load %arg12[%swap3A_1744, %swap3A_1745] : memref<128x1xf32, #tpu.memory_space<vmem>>, vector<1x1xf32>
    tpu.vector_store %arg12[%swap3A_1744, %swap3A_1745], %sub3A_1743 {strides = array<i32>} : memref<128x1xf32, #tpu.memory_space<vmem>>, vector<1x1xf32>,
    %get3A_1747 = arith.constant 50 : index
    %get3A_1748 = arith.constant 0 : index
    %get3A_1749 = vector.load %arg11[%get3A_1747, %get3A_1748] : memref<128x128xf32, #tpu.memory_space<vmem>>, vector<1x128xf32>
    %gt3A_1750 = arith.constant 50 : i32
    %gt3A_1751 = vector.broadcast %gt3A_1750 : i32 to vector<1x128xi32>
    %gt3A_1752 = arith.cmpi sgt, %iota3A, %gt3A_1751 : vector<1x128xi32>
    %jit3A_1753 = arith.constant 1.000000e+00 : f32
    %jit3A_1754 = arith.constant 0.000000e+00 : f32
    %broadcast_in_dim3A_1755 = vector.broadcast %jit3A_1753 : f32 to vector<1x128xf32>
    %broadcast_in_dim3A_1756 = vector.broadcast %jit3A_1754 : f32 to vector<1x128xf32>
    %select_n3A_1757 = arith.select %gt3A_1752, %broadcast_in_dim3A_1755, %broadcast_in_dim3A_1756 : vector<1x128xi1>, vector<1x128xf32>
    %mul3A_1758 = arith.mulf %get3A_1749, %select_n3A_1757 : vector<1x128xf32>
    %mul3A_1759 = vector.broadcast %sub3A_1743 : vector<1x1xf32> to vector<1x128xf32>
    %mul3A_1760 = arith.mulf %mul3A_1758, %mul3A_1759 : vector<1x128xf32>
    %max3A_1761 = arith.maximumf %max3A_1728, %mul3A_1760 : vector<1x128xf32>
    %eq3A_1762 = arith.constant 51 : i32
    %eq3A_1763 = vector.broadcast %eq3A_1762 : i32 to vector<1x128xi32>
    %eq3A_1764 = arith.cmpi eq, %iota3A, %eq3A_1763 : vector<1x128xi32>
    %jit3A_1765 = arith.constant 1.000000e+00 : f32
    %jit3A_1766 = arith.constant 0.000000e+00 : f32
    %broadcast_in_dim3A_1767 = vector.broadcast %jit3A_1765 : f32 to vector<1x128xf32>
    %broadcast_in_dim3A_1768 = vector.broadcast %jit3A_1766 : f32 to vector<1x128xf32>
    %select_n3A_1769 = arith.select %eq3A_1764, %broadcast_in_dim3A_1767, %broadcast_in_dim3A_1768 : vector<1x128xi1>, vector<1x128xf32>
    %mul3A_1770 = arith.mulf %max3A_1761, %select_n3A_1769 : vector<1x128xf32>
    %reduce_sum3A_1771 = arith.constant dense<0.000000e+00> : vector<1xf32>
    %reduce_sum3A_1772 = vector.multi_reduction <add>, %mul3A_1770, %reduce_sum3A_1771 [1] : vector<1x128xf32> to vector<1xf32>
    %broadcast_in_dim3A_1773 = vector.shape_cast %reduce_sum3A_1772 : vector<1xf32> to vector<1x1xf32>
    %sub3A_1774 = arith.constant 1.000000e+00 : f32
    %sub3A_1775 = vector.broadcast %sub3A_1774 : f32 to vector<1x1xf32>
    %sub3A_1776 = arith.subf %sub3A_1775, %broadcast_in_dim3A_1773 : vector<1x1xf32>
    %swap3A_1777 = arith.constant 51 : index
    %swap3A_1778 = arith.constant 0 : index
    %swap3A_1779 = vector.load %arg12[%swap3A_1777, %swap3A_1778] : memref<128x1xf32, #tpu.memory_space<vmem>>, vector<1x1xf32>
    tpu.vector_store %arg12[%swap3A_1777, %swap3A_1778], %sub3A_1776 {strides = array<i32>} : memref<128x1xf32, #tpu.memory_space<vmem>>, vector<1x1xf32>,
    %get3A_1780 = arith.constant 51 : index
    %get3A_1781 = arith.constant 0 : index
    %get3A_1782 = vector.load %arg11[%get3A_1780, %get3A_1781] : memref<128x128xf32, #tpu.memory_space<vmem>>, vector<1x128xf32>
    %gt3A_1783 = arith.constant 51 : i32
    %gt3A_1784 = vector.broadcast %gt3A_1783 : i32 to vector<1x128xi32>
    %gt3A_1785 = arith.cmpi sgt, %iota3A, %gt3A_1784 : vector<1x128xi32>
    %jit3A_1786 = arith.constant 1.000000e+00 : f32
    %jit3A_1787 = arith.constant 0.000000e+00 : f32
    %broadcast_in_dim3A_1788 = vector.broadcast %jit3A_1786 : f32 to vector<1x128xf32>
    %broadcast_in_dim3A_1789 = vector.broadcast %jit3A_1787 : f32 to vector<1x128xf32>
    %select_n3A_1790 = arith.select %gt3A_1785, %broadcast_in_dim3A_1788, %broadcast_in_dim3A_1789 : vector<1x128xi1>, vector<1x128xf32>
    %mul3A_1791 = arith.mulf %get3A_1782, %select_n3A_1790 : vector<1x128xf32>
    %mul3A_1792 = vector.broadcast %sub3A_1776 : vector<1x1xf32> to vector<1x128xf32>
    %mul3A_1793 = arith.mulf %mul3A_1791, %mul3A_1792 : vector<1x128xf32>
    %max3A_1794 = arith.maximumf %max3A_1761, %mul3A_1793 : vector<1x128xf32>
    %eq3A_1795 = arith.constant 52 : i32
    %eq3A_1796 = vector.broadcast %eq3A_1795 : i32 to vector<1x128xi32>
    %eq3A_1797 = arith.cmpi eq, %iota3A, %eq3A_1796 : vector<1x128xi32>
    %jit3A_1798 = arith.constant 1.000000e+00 : f32
    %jit3A_1799 = arith.constant 0.000000e+00 : f32
    %broadcast_in_dim3A_1800 = vector.broadcast %jit3A_1798 : f32 to vector<1x128xf32>
    %broadcast_in_dim3A_1801 = vector.broadcast %jit3A_1799 : f32 to vector<1x128xf32>
    %select_n3A_1802 = arith.select %eq3A_1797, %broadcast_in_dim3A_1800, %broadcast_in_dim3A_1801 : vector<1x128xi1>, vector<1x128xf32>
    %mul3A_1803 = arith.mulf %max3A_1794, %select_n3A_1802 : vector<1x128xf32>
    %reduce_sum3A_1804 = arith.constant dense<0.000000e+00> : vector<1xf32>
    %reduce_sum3A_1805 = vector.multi_reduction <add>, %mul3A_1803, %reduce_sum3A_1804 [1] : vector<1x128xf32> to vector<1xf32>
    %broadcast_in_dim3A_1806 = vector.shape_cast %reduce_sum3A_1805 : vector<1xf32> to vector<1x1xf32>
    %sub3A_1807 = arith.constant 1.000000e+00 : f32
    %sub3A_1808 = vector.broadcast %sub3A_1807 : f32 to vector<1x1xf32>
    %sub3A_1809 = arith.subf %sub3A_1808, %broadcast_in_dim3A_1806 : vector<1x1xf32>
    %swap3A_1810 = arith.constant 52 : index
    %swap3A_1811 = arith.constant 0 : index
    %swap3A_1812 = vector.load %arg12[%swap3A_1810, %swap3A_1811] : memref<128x1xf32, #tpu.memory_space<vmem>>, vector<1x1xf32>
    tpu.vector_store %arg12[%swap3A_1810, %swap3A_1811], %sub3A_1809 {strides = array<i32>} : memref<128x1xf32, #tpu.memory_space<vmem>>, vector<1x1xf32>,
    %get3A_1813 = arith.constant 52 : index
    %get3A_1814 = arith.constant 0 : index
    %get3A_1815 = vector.load %arg11[%get3A_1813, %get3A_1814] : memref<128x128xf32, #tpu.memory_space<vmem>>, vector<1x128xf32>
    %gt3A_1816 = arith.constant 52 : i32
    %gt3A_1817 = vector.broadcast %gt3A_1816 : i32 to vector<1x128xi32>
    %gt3A_1818 = arith.cmpi sgt, %iota3A, %gt3A_1817 : vector<1x128xi32>
    %jit3A_1819 = arith.constant 1.000000e+00 : f32
    %jit3A_1820 = arith.constant 0.000000e+00 : f32
    %broadcast_in_dim3A_1821 = vector.broadcast %jit3A_1819 : f32 to vector<1x128xf32>
    %broadcast_in_dim3A_1822 = vector.broadcast %jit3A_1820 : f32 to vector<1x128xf32>
    %select_n3A_1823 = arith.select %gt3A_1818, %broadcast_in_dim3A_1821, %broadcast_in_dim3A_1822 : vector<1x128xi1>, vector<1x128xf32>
    %mul3A_1824 = arith.mulf %get3A_1815, %select_n3A_1823 : vector<1x128xf32>
    %mul3A_1825 = vector.broadcast %sub3A_1809 : vector<1x1xf32> to vector<1x128xf32>
    %mul3A_1826 = arith.mulf %mul3A_1824, %mul3A_1825 : vector<1x128xf32>
    %max3A_1827 = arith.maximumf %max3A_1794, %mul3A_1826 : vector<1x128xf32>
    %eq3A_1828 = arith.constant 53 : i32
    %eq3A_1829 = vector.broadcast %eq3A_1828 : i32 to vector<1x128xi32>
    %eq3A_1830 = arith.cmpi eq, %iota3A, %eq3A_1829 : vector<1x128xi32>
    %jit3A_1831 = arith.constant 1.000000e+00 : f32
    %jit3A_1832 = arith.constant 0.000000e+00 : f32
    %broadcast_in_dim3A_1833 = vector.broadcast %jit3A_1831 : f32 to vector<1x128xf32>
    %broadcast_in_dim3A_1834 = vector.broadcast %jit3A_1832 : f32 to vector<1x128xf32>
    %select_n3A_1835 = arith.select %eq3A_1830, %broadcast_in_dim3A_1833, %broadcast_in_dim3A_1834 : vector<1x128xi1>, vector<1x128xf32>
    %mul3A_1836 = arith.mulf %max3A_1827, %select_n3A_1835 : vector<1x128xf32>
    %reduce_sum3A_1837 = arith.constant dense<0.000000e+00> : vector<1xf32>
    %reduce_sum3A_1838 = vector.multi_reduction <add>, %mul3A_1836, %reduce_sum3A_1837 [1] : vector<1x128xf32> to vector<1xf32>
    %broadcast_in_dim3A_1839 = vector.shape_cast %reduce_sum3A_1838 : vector<1xf32> to vector<1x1xf32>
    %sub3A_1840 = arith.constant 1.000000e+00 : f32
    %sub3A_1841 = vector.broadcast %sub3A_1840 : f32 to vector<1x1xf32>
    %sub3A_1842 = arith.subf %sub3A_1841, %broadcast_in_dim3A_1839 : vector<1x1xf32>
    %swap3A_1843 = arith.constant 53 : index
    %swap3A_1844 = arith.constant 0 : index
    %swap3A_1845 = vector.load %arg12[%swap3A_1843, %swap3A_1844] : memref<128x1xf32, #tpu.memory_space<vmem>>, vector<1x1xf32>
    tpu.vector_store %arg12[%swap3A_1843, %swap3A_1844], %sub3A_1842 {strides = array<i32>} : memref<128x1xf32, #tpu.memory_space<vmem>>, vector<1x1xf32>,
    %get3A_1846 = arith.constant 53 : index
    %get3A_1847 = arith.constant 0 : index
    %get3A_1848 = vector.load %arg11[%get3A_1846, %get3A_1847] : memref<128x128xf32, #tpu.memory_space<vmem>>, vector<1x128xf32>
    %gt3A_1849 = arith.constant 53 : i32
    %gt3A_1850 = vector.broadcast %gt3A_1849 : i32 to vector<1x128xi32>
    %gt3A_1851 = arith.cmpi sgt, %iota3A, %gt3A_1850 : vector<1x128xi32>
    %jit3A_1852 = arith.constant 1.000000e+00 : f32
    %jit3A_1853 = arith.constant 0.000000e+00 : f32
    %broadcast_in_dim3A_1854 = vector.broadcast %jit3A_1852 : f32 to vector<1x128xf32>
    %broadcast_in_dim3A_1855 = vector.broadcast %jit3A_1853 : f32 to vector<1x128xf32>
    %select_n3A_1856 = arith.select %gt3A_1851, %broadcast_in_dim3A_1854, %broadcast_in_dim3A_1855 : vector<1x128xi1>, vector<1x128xf32>
    %mul3A_1857 = arith.mulf %get3A_1848, %select_n3A_1856 : vector<1x128xf32>
    %mul3A_1858 = vector.broadcast %sub3A_1842 : vector<1x1xf32> to vector<1x128xf32>
    %mul3A_1859 = arith.mulf %mul3A_1857, %mul3A_1858 : vector<1x128xf32>
    %max3A_1860 = arith.maximumf %max3A_1827, %mul3A_1859 : vector<1x128xf32>
    %eq3A_1861 = arith.constant 54 : i32
    %eq3A_1862 = vector.broadcast %eq3A_1861 : i32 to vector<1x128xi32>
    %eq3A_1863 = arith.cmpi eq, %iota3A, %eq3A_1862 : vector<1x128xi32>
    %jit3A_1864 = arith.constant 1.000000e+00 : f32
    %jit3A_1865 = arith.constant 0.000000e+00 : f32
    %broadcast_in_dim3A_1866 = vector.broadcast %jit3A_1864 : f32 to vector<1x128xf32>
    %broadcast_in_dim3A_1867 = vector.broadcast %jit3A_1865 : f32 to vector<1x128xf32>
    %select_n3A_1868 = arith.select %eq3A_1863, %broadcast_in_dim3A_1866, %broadcast_in_dim3A_1867 : vector<1x128xi1>, vector<1x128xf32>
    %mul3A_1869 = arith.mulf %max3A_1860, %select_n3A_1868 : vector<1x128xf32>
    %reduce_sum3A_1870 = arith.constant dense<0.000000e+00> : vector<1xf32>
    %reduce_sum3A_1871 = vector.multi_reduction <add>, %mul3A_1869, %reduce_sum3A_1870 [1] : vector<1x128xf32> to vector<1xf32>
    %broadcast_in_dim3A_1872 = vector.shape_cast %reduce_sum3A_1871 : vector<1xf32> to vector<1x1xf32>
    %sub3A_1873 = arith.constant 1.000000e+00 : f32
    %sub3A_1874 = vector.broadcast %sub3A_1873 : f32 to vector<1x1xf32>
    %sub3A_1875 = arith.subf %sub3A_1874, %broadcast_in_dim3A_1872 : vector<1x1xf32>
    %swap3A_1876 = arith.constant 54 : index
    %swap3A_1877 = arith.constant 0 : index
    %swap3A_1878 = vector.load %arg12[%swap3A_1876, %swap3A_1877] : memref<128x1xf32, #tpu.memory_space<vmem>>, vector<1x1xf32>
    tpu.vector_store %arg12[%swap3A_1876, %swap3A_1877], %sub3A_1875 {strides = array<i32>} : memref<128x1xf32, #tpu.memory_space<vmem>>, vector<1x1xf32>,
    %get3A_1879 = arith.constant 54 : index
    %get3A_1880 = arith.constant 0 : index
    %get3A_1881 = vector.load %arg11[%get3A_1879, %get3A_1880] : memref<128x128xf32, #tpu.memory_space<vmem>>, vector<1x128xf32>
    %gt3A_1882 = arith.constant 54 : i32
    %gt3A_1883 = vector.broadcast %gt3A_1882 : i32 to vector<1x128xi32>
    %gt3A_1884 = arith.cmpi sgt, %iota3A, %gt3A_1883 : vector<1x128xi32>
    %jit3A_1885 = arith.constant 1.000000e+00 : f32
    %jit3A_1886 = arith.constant 0.000000e+00 : f32
    %broadcast_in_dim3A_1887 = vector.broadcast %jit3A_1885 : f32 to vector<1x128xf32>
    %broadcast_in_dim3A_1888 = vector.broadcast %jit3A_1886 : f32 to vector<1x128xf32>
    %select_n3A_1889 = arith.select %gt3A_1884, %broadcast_in_dim3A_1887, %broadcast_in_dim3A_1888 : vector<1x128xi1>, vector<1x128xf32>
    %mul3A_1890 = arith.mulf %get3A_1881, %select_n3A_1889 : vector<1x128xf32>
    %mul3A_1891 = vector.broadcast %sub3A_1875 : vector<1x1xf32> to vector<1x128xf32>
    %mul3A_1892 = arith.mulf %mul3A_1890, %mul3A_1891 : vector<1x128xf32>
    %max3A_1893 = arith.maximumf %max3A_1860, %mul3A_1892 : vector<1x128xf32>
    %eq3A_1894 = arith.constant 55 : i32
    %eq3A_1895 = vector.broadcast %eq3A_1894 : i32 to vector<1x128xi32>
    %eq3A_1896 = arith.cmpi eq, %iota3A, %eq3A_1895 : vector<1x128xi32>
    %jit3A_1897 = arith.constant 1.000000e+00 : f32
    %jit3A_1898 = arith.constant 0.000000e+00 : f32
    %broadcast_in_dim3A_1899 = vector.broadcast %jit3A_1897 : f32 to vector<1x128xf32>
    %broadcast_in_dim3A_1900 = vector.broadcast %jit3A_1898 : f32 to vector<1x128xf32>
    %select_n3A_1901 = arith.select %eq3A_1896, %broadcast_in_dim3A_1899, %broadcast_in_dim3A_1900 : vector<1x128xi1>, vector<1x128xf32>
    %mul3A_1902 = arith.mulf %max3A_1893, %select_n3A_1901 : vector<1x128xf32>
    %reduce_sum3A_1903 = arith.constant dense<0.000000e+00> : vector<1xf32>
    %reduce_sum3A_1904 = vector.multi_reduction <add>, %mul3A_1902, %reduce_sum3A_1903 [1] : vector<1x128xf32> to vector<1xf32>
    %broadcast_in_dim3A_1905 = vector.shape_cast %reduce_sum3A_1904 : vector<1xf32> to vector<1x1xf32>
    %sub3A_1906 = arith.constant 1.000000e+00 : f32
    %sub3A_1907 = vector.broadcast %sub3A_1906 : f32 to vector<1x1xf32>
    %sub3A_1908 = arith.subf %sub3A_1907, %broadcast_in_dim3A_1905 : vector<1x1xf32>
    %swap3A_1909 = arith.constant 55 : index
    %swap3A_1910 = arith.constant 0 : index
    %swap3A_1911 = vector.load %arg12[%swap3A_1909, %swap3A_1910] : memref<128x1xf32, #tpu.memory_space<vmem>>, vector<1x1xf32>
    tpu.vector_store %arg12[%swap3A_1909, %swap3A_1910], %sub3A_1908 {strides = array<i32>} : memref<128x1xf32, #tpu.memory_space<vmem>>, vector<1x1xf32>,
    %get3A_1912 = arith.constant 55 : index
    %get3A_1913 = arith.constant 0 : index
    %get3A_1914 = vector.load %arg11[%get3A_1912, %get3A_1913] : memref<128x128xf32, #tpu.memory_space<vmem>>, vector<1x128xf32>
    %gt3A_1915 = arith.constant 55 : i32
    %gt3A_1916 = vector.broadcast %gt3A_1915 : i32 to vector<1x128xi32>
    %gt3A_1917 = arith.cmpi sgt, %iota3A, %gt3A_1916 : vector<1x128xi32>
    %jit3A_1918 = arith.constant 1.000000e+00 : f32
    %jit3A_1919 = arith.constant 0.000000e+00 : f32
    %broadcast_in_dim3A_1920 = vector.broadcast %jit3A_1918 : f32 to vector<1x128xf32>
    %broadcast_in_dim3A_1921 = vector.broadcast %jit3A_1919 : f32 to vector<1x128xf32>
    %select_n3A_1922 = arith.select %gt3A_1917, %broadcast_in_dim3A_1920, %broadcast_in_dim3A_1921 : vector<1x128xi1>, vector<1x128xf32>
    %mul3A_1923 = arith.mulf %get3A_1914, %select_n3A_1922 : vector<1x128xf32>
    %mul3A_1924 = vector.broadcast %sub3A_1908 : vector<1x1xf32> to vector<1x128xf32>
    %mul3A_1925 = arith.mulf %mul3A_1923, %mul3A_1924 : vector<1x128xf32>
    %max3A_1926 = arith.maximumf %max3A_1893, %mul3A_1925 : vector<1x128xf32>
    %eq3A_1927 = arith.constant 56 : i32
    %eq3A_1928 = vector.broadcast %eq3A_1927 : i32 to vector<1x128xi32>
    %eq3A_1929 = arith.cmpi eq, %iota3A, %eq3A_1928 : vector<1x128xi32>
    %jit3A_1930 = arith.constant 1.000000e+00 : f32
    %jit3A_1931 = arith.constant 0.000000e+00 : f32
    %broadcast_in_dim3A_1932 = vector.broadcast %jit3A_1930 : f32 to vector<1x128xf32>
    %broadcast_in_dim3A_1933 = vector.broadcast %jit3A_1931 : f32 to vector<1x128xf32>
    %select_n3A_1934 = arith.select %eq3A_1929, %broadcast_in_dim3A_1932, %broadcast_in_dim3A_1933 : vector<1x128xi1>, vector<1x128xf32>
    %mul3A_1935 = arith.mulf %max3A_1926, %select_n3A_1934 : vector<1x128xf32>
    %reduce_sum3A_1936 = arith.constant dense<0.000000e+00> : vector<1xf32>
    %reduce_sum3A_1937 = vector.multi_reduction <add>, %mul3A_1935, %reduce_sum3A_1936 [1] : vector<1x128xf32> to vector<1xf32>
    %broadcast_in_dim3A_1938 = vector.shape_cast %reduce_sum3A_1937 : vector<1xf32> to vector<1x1xf32>
    %sub3A_1939 = arith.constant 1.000000e+00 : f32
    %sub3A_1940 = vector.broadcast %sub3A_1939 : f32 to vector<1x1xf32>
    %sub3A_1941 = arith.subf %sub3A_1940, %broadcast_in_dim3A_1938 : vector<1x1xf32>
    %swap3A_1942 = arith.constant 56 : index
    %swap3A_1943 = arith.constant 0 : index
    %swap3A_1944 = vector.load %arg12[%swap3A_1942, %swap3A_1943] : memref<128x1xf32, #tpu.memory_space<vmem>>, vector<1x1xf32>
    tpu.vector_store %arg12[%swap3A_1942, %swap3A_1943], %sub3A_1941 {strides = array<i32>} : memref<128x1xf32, #tpu.memory_space<vmem>>, vector<1x1xf32>,
    %get3A_1945 = arith.constant 56 : index
    %get3A_1946 = arith.constant 0 : index
    %get3A_1947 = vector.load %arg11[%get3A_1945, %get3A_1946] : memref<128x128xf32, #tpu.memory_space<vmem>>, vector<1x128xf32>
    %gt3A_1948 = arith.constant 56 : i32
    %gt3A_1949 = vector.broadcast %gt3A_1948 : i32 to vector<1x128xi32>
    %gt3A_1950 = arith.cmpi sgt, %iota3A, %gt3A_1949 : vector<1x128xi32>
    %jit3A_1951 = arith.constant 1.000000e+00 : f32
    %jit3A_1952 = arith.constant 0.000000e+00 : f32
    %broadcast_in_dim3A_1953 = vector.broadcast %jit3A_1951 : f32 to vector<1x128xf32>
    %broadcast_in_dim3A_1954 = vector.broadcast %jit3A_1952 : f32 to vector<1x128xf32>
    %select_n3A_1955 = arith.select %gt3A_1950, %broadcast_in_dim3A_1953, %broadcast_in_dim3A_1954 : vector<1x128xi1>, vector<1x128xf32>
    %mul3A_1956 = arith.mulf %get3A_1947, %select_n3A_1955 : vector<1x128xf32>
    %mul3A_1957 = vector.broadcast %sub3A_1941 : vector<1x1xf32> to vector<1x128xf32>
    %mul3A_1958 = arith.mulf %mul3A_1956, %mul3A_1957 : vector<1x128xf32>
    %max3A_1959 = arith.maximumf %max3A_1926, %mul3A_1958 : vector<1x128xf32>
    %eq3A_1960 = arith.constant 57 : i32
    %eq3A_1961 = vector.broadcast %eq3A_1960 : i32 to vector<1x128xi32>
    %eq3A_1962 = arith.cmpi eq, %iota3A, %eq3A_1961 : vector<1x128xi32>
    %jit3A_1963 = arith.constant 1.000000e+00 : f32
    %jit3A_1964 = arith.constant 0.000000e+00 : f32
    %broadcast_in_dim3A_1965 = vector.broadcast %jit3A_1963 : f32 to vector<1x128xf32>
    %broadcast_in_dim3A_1966 = vector.broadcast %jit3A_1964 : f32 to vector<1x128xf32>
    %select_n3A_1967 = arith.select %eq3A_1962, %broadcast_in_dim3A_1965, %broadcast_in_dim3A_1966 : vector<1x128xi1>, vector<1x128xf32>
    %mul3A_1968 = arith.mulf %max3A_1959, %select_n3A_1967 : vector<1x128xf32>
    %reduce_sum3A_1969 = arith.constant dense<0.000000e+00> : vector<1xf32>
    %reduce_sum3A_1970 = vector.multi_reduction <add>, %mul3A_1968, %reduce_sum3A_1969 [1] : vector<1x128xf32> to vector<1xf32>
    %broadcast_in_dim3A_1971 = vector.shape_cast %reduce_sum3A_1970 : vector<1xf32> to vector<1x1xf32>
    %sub3A_1972 = arith.constant 1.000000e+00 : f32
    %sub3A_1973 = vector.broadcast %sub3A_1972 : f32 to vector<1x1xf32>
    %sub3A_1974 = arith.subf %sub3A_1973, %broadcast_in_dim3A_1971 : vector<1x1xf32>
    %swap3A_1975 = arith.constant 57 : index
    %swap3A_1976 = arith.constant 0 : index
    %swap3A_1977 = vector.load %arg12[%swap3A_1975, %swap3A_1976] : memref<128x1xf32, #tpu.memory_space<vmem>>, vector<1x1xf32>
    tpu.vector_store %arg12[%swap3A_1975, %swap3A_1976], %sub3A_1974 {strides = array<i32>} : memref<128x1xf32, #tpu.memory_space<vmem>>, vector<1x1xf32>,
    %get3A_1978 = arith.constant 57 : index
    %get3A_1979 = arith.constant 0 : index
    %get3A_1980 = vector.load %arg11[%get3A_1978, %get3A_1979] : memref<128x128xf32, #tpu.memory_space<vmem>>, vector<1x128xf32>
    %gt3A_1981 = arith.constant 57 : i32
    %gt3A_1982 = vector.broadcast %gt3A_1981 : i32 to vector<1x128xi32>
    %gt3A_1983 = arith.cmpi sgt, %iota3A, %gt3A_1982 : vector<1x128xi32>
    %jit3A_1984 = arith.constant 1.000000e+00 : f32
    %jit3A_1985 = arith.constant 0.000000e+00 : f32
    %broadcast_in_dim3A_1986 = vector.broadcast %jit3A_1984 : f32 to vector<1x128xf32>
    %broadcast_in_dim3A_1987 = vector.broadcast %jit3A_1985 : f32 to vector<1x128xf32>
    %select_n3A_1988 = arith.select %gt3A_1983, %broadcast_in_dim3A_1986, %broadcast_in_dim3A_1987 : vector<1x128xi1>, vector<1x128xf32>
    %mul3A_1989 = arith.mulf %get3A_1980, %select_n3A_1988 : vector<1x128xf32>
    %mul3A_1990 = vector.broadcast %sub3A_1974 : vector<1x1xf32> to vector<1x128xf32>
    %mul3A_1991 = arith.mulf %mul3A_1989, %mul3A_1990 : vector<1x128xf32>
    %max3A_1992 = arith.maximumf %max3A_1959, %mul3A_1991 : vector<1x128xf32>
    %eq3A_1993 = arith.constant 58 : i32
    %eq3A_1994 = vector.broadcast %eq3A_1993 : i32 to vector<1x128xi32>
    %eq3A_1995 = arith.cmpi eq, %iota3A, %eq3A_1994 : vector<1x128xi32>
    %jit3A_1996 = arith.constant 1.000000e+00 : f32
    %jit3A_1997 = arith.constant 0.000000e+00 : f32
    %broadcast_in_dim3A_1998 = vector.broadcast %jit3A_1996 : f32 to vector<1x128xf32>
    %broadcast_in_dim3A_1999 = vector.broadcast %jit3A_1997 : f32 to vector<1x128xf32>
    %select_n3A_2000 = arith.select %eq3A_1995, %broadcast_in_dim3A_1998, %broadcast_in_dim3A_1999 : vector<1x128xi1>, vector<1x128xf32>
    %mul3A_2001 = arith.mulf %max3A_1992, %select_n3A_2000 : vector<1x128xf32>
    %reduce_sum3A_2002 = arith.constant dense<0.000000e+00> : vector<1xf32>
    %reduce_sum3A_2003 = vector.multi_reduction <add>, %mul3A_2001, %reduce_sum3A_2002 [1] : vector<1x128xf32> to vector<1xf32>
    %broadcast_in_dim3A_2004 = vector.shape_cast %reduce_sum3A_2003 : vector<1xf32> to vector<1x1xf32>
    %sub3A_2005 = arith.constant 1.000000e+00 : f32
    %sub3A_2006 = vector.broadcast %sub3A_2005 : f32 to vector<1x1xf32>
    %sub3A_2007 = arith.subf %sub3A_2006, %broadcast_in_dim3A_2004 : vector<1x1xf32>
    %swap3A_2008 = arith.constant 58 : index
    %swap3A_2009 = arith.constant 0 : index
    %swap3A_2010 = vector.load %arg12[%swap3A_2008, %swap3A_2009] : memref<128x1xf32, #tpu.memory_space<vmem>>, vector<1x1xf32>
    tpu.vector_store %arg12[%swap3A_2008, %swap3A_2009], %sub3A_2007 {strides = array<i32>} : memref<128x1xf32, #tpu.memory_space<vmem>>, vector<1x1xf32>,
    %get3A_2011 = arith.constant 58 : index
    %get3A_2012 = arith.constant 0 : index
    %get3A_2013 = vector.load %arg11[%get3A_2011, %get3A_2012] : memref<128x128xf32, #tpu.memory_space<vmem>>, vector<1x128xf32>
    %gt3A_2014 = arith.constant 58 : i32
    %gt3A_2015 = vector.broadcast %gt3A_2014 : i32 to vector<1x128xi32>
    %gt3A_2016 = arith.cmpi sgt, %iota3A, %gt3A_2015 : vector<1x128xi32>
    %jit3A_2017 = arith.constant 1.000000e+00 : f32
    %jit3A_2018 = arith.constant 0.000000e+00 : f32
    %broadcast_in_dim3A_2019 = vector.broadcast %jit3A_2017 : f32 to vector<1x128xf32>
    %broadcast_in_dim3A_2020 = vector.broadcast %jit3A_2018 : f32 to vector<1x128xf32>
    %select_n3A_2021 = arith.select %gt3A_2016, %broadcast_in_dim3A_2019, %broadcast_in_dim3A_2020 : vector<1x128xi1>, vector<1x128xf32>
    %mul3A_2022 = arith.mulf %get3A_2013, %select_n3A_2021 : vector<1x128xf32>
    %mul3A_2023 = vector.broadcast %sub3A_2007 : vector<1x1xf32> to vector<1x128xf32>
    %mul3A_2024 = arith.mulf %mul3A_2022, %mul3A_2023 : vector<1x128xf32>
    %max3A_2025 = arith.maximumf %max3A_1992, %mul3A_2024 : vector<1x128xf32>
    %eq3A_2026 = arith.constant 59 : i32
    %eq3A_2027 = vector.broadcast %eq3A_2026 : i32 to vector<1x128xi32>
    %eq3A_2028 = arith.cmpi eq, %iota3A, %eq3A_2027 : vector<1x128xi32>
    %jit3A_2029 = arith.constant 1.000000e+00 : f32
    %jit3A_2030 = arith.constant 0.000000e+00 : f32
    %broadcast_in_dim3A_2031 = vector.broadcast %jit3A_2029 : f32 to vector<1x128xf32>
    %broadcast_in_dim3A_2032 = vector.broadcast %jit3A_2030 : f32 to vector<1x128xf32>
    %select_n3A_2033 = arith.select %eq3A_2028, %broadcast_in_dim3A_2031, %broadcast_in_dim3A_2032 : vector<1x128xi1>, vector<1x128xf32>
    %mul3A_2034 = arith.mulf %max3A_2025, %select_n3A_2033 : vector<1x128xf32>
    %reduce_sum3A_2035 = arith.constant dense<0.000000e+00> : vector<1xf32>
    %reduce_sum3A_2036 = vector.multi_reduction <add>, %mul3A_2034, %reduce_sum3A_2035 [1] : vector<1x128xf32> to vector<1xf32>
    %broadcast_in_dim3A_2037 = vector.shape_cast %reduce_sum3A_2036 : vector<1xf32> to vector<1x1xf32>
    %sub3A_2038 = arith.constant 1.000000e+00 : f32
    %sub3A_2039 = vector.broadcast %sub3A_2038 : f32 to vector<1x1xf32>
    %sub3A_2040 = arith.subf %sub3A_2039, %broadcast_in_dim3A_2037 : vector<1x1xf32>
    %swap3A_2041 = arith.constant 59 : index
    %swap3A_2042 = arith.constant 0 : index
    %swap3A_2043 = vector.load %arg12[%swap3A_2041, %swap3A_2042] : memref<128x1xf32, #tpu.memory_space<vmem>>, vector<1x1xf32>
    tpu.vector_store %arg12[%swap3A_2041, %swap3A_2042], %sub3A_2040 {strides = array<i32>} : memref<128x1xf32, #tpu.memory_space<vmem>>, vector<1x1xf32>,
    %get3A_2044 = arith.constant 59 : index
    %get3A_2045 = arith.constant 0 : index
    %get3A_2046 = vector.load %arg11[%get3A_2044, %get3A_2045] : memref<128x128xf32, #tpu.memory_space<vmem>>, vector<1x128xf32>
    %gt3A_2047 = arith.constant 59 : i32
    %gt3A_2048 = vector.broadcast %gt3A_2047 : i32 to vector<1x128xi32>
    %gt3A_2049 = arith.cmpi sgt, %iota3A, %gt3A_2048 : vector<1x128xi32>
    %jit3A_2050 = arith.constant 1.000000e+00 : f32
    %jit3A_2051 = arith.constant 0.000000e+00 : f32
    %broadcast_in_dim3A_2052 = vector.broadcast %jit3A_2050 : f32 to vector<1x128xf32>
    %broadcast_in_dim3A_2053 = vector.broadcast %jit3A_2051 : f32 to vector<1x128xf32>
    %select_n3A_2054 = arith.select %gt3A_2049, %broadcast_in_dim3A_2052, %broadcast_in_dim3A_2053 : vector<1x128xi1>, vector<1x128xf32>
    %mul3A_2055 = arith.mulf %get3A_2046, %select_n3A_2054 : vector<1x128xf32>
    %mul3A_2056 = vector.broadcast %sub3A_2040 : vector<1x1xf32> to vector<1x128xf32>
    %mul3A_2057 = arith.mulf %mul3A_2055, %mul3A_2056 : vector<1x128xf32>
    %max3A_2058 = arith.maximumf %max3A_2025, %mul3A_2057 : vector<1x128xf32>
    %eq3A_2059 = arith.constant 60 : i32
    %eq3A_2060 = vector.broadcast %eq3A_2059 : i32 to vector<1x128xi32>
    %eq3A_2061 = arith.cmpi eq, %iota3A, %eq3A_2060 : vector<1x128xi32>
    %jit3A_2062 = arith.constant 1.000000e+00 : f32
    %jit3A_2063 = arith.constant 0.000000e+00 : f32
    %broadcast_in_dim3A_2064 = vector.broadcast %jit3A_2062 : f32 to vector<1x128xf32>
    %broadcast_in_dim3A_2065 = vector.broadcast %jit3A_2063 : f32 to vector<1x128xf32>
    %select_n3A_2066 = arith.select %eq3A_2061, %broadcast_in_dim3A_2064, %broadcast_in_dim3A_2065 : vector<1x128xi1>, vector<1x128xf32>
    %mul3A_2067 = arith.mulf %max3A_2058, %select_n3A_2066 : vector<1x128xf32>
    %reduce_sum3A_2068 = arith.constant dense<0.000000e+00> : vector<1xf32>
    %reduce_sum3A_2069 = vector.multi_reduction <add>, %mul3A_2067, %reduce_sum3A_2068 [1] : vector<1x128xf32> to vector<1xf32>
    %broadcast_in_dim3A_2070 = vector.shape_cast %reduce_sum3A_2069 : vector<1xf32> to vector<1x1xf32>
    %sub3A_2071 = arith.constant 1.000000e+00 : f32
    %sub3A_2072 = vector.broadcast %sub3A_2071 : f32 to vector<1x1xf32>
    %sub3A_2073 = arith.subf %sub3A_2072, %broadcast_in_dim3A_2070 : vector<1x1xf32>
    %swap3A_2074 = arith.constant 60 : index
    %swap3A_2075 = arith.constant 0 : index
    %swap3A_2076 = vector.load %arg12[%swap3A_2074, %swap3A_2075] : memref<128x1xf32, #tpu.memory_space<vmem>>, vector<1x1xf32>
    tpu.vector_store %arg12[%swap3A_2074, %swap3A_2075], %sub3A_2073 {strides = array<i32>} : memref<128x1xf32, #tpu.memory_space<vmem>>, vector<1x1xf32>,
    %get3A_2077 = arith.constant 60 : index
    %get3A_2078 = arith.constant 0 : index
    %get3A_2079 = vector.load %arg11[%get3A_2077, %get3A_2078] : memref<128x128xf32, #tpu.memory_space<vmem>>, vector<1x128xf32>
    %gt3A_2080 = arith.constant 60 : i32
    %gt3A_2081 = vector.broadcast %gt3A_2080 : i32 to vector<1x128xi32>
    %gt3A_2082 = arith.cmpi sgt, %iota3A, %gt3A_2081 : vector<1x128xi32>
    %jit3A_2083 = arith.constant 1.000000e+00 : f32
    %jit3A_2084 = arith.constant 0.000000e+00 : f32
    %broadcast_in_dim3A_2085 = vector.broadcast %jit3A_2083 : f32 to vector<1x128xf32>
    %broadcast_in_dim3A_2086 = vector.broadcast %jit3A_2084 : f32 to vector<1x128xf32>
    %select_n3A_2087 = arith.select %gt3A_2082, %broadcast_in_dim3A_2085, %broadcast_in_dim3A_2086 : vector<1x128xi1>, vector<1x128xf32>
    %mul3A_2088 = arith.mulf %get3A_2079, %select_n3A_2087 : vector<1x128xf32>
    %mul3A_2089 = vector.broadcast %sub3A_2073 : vector<1x1xf32> to vector<1x128xf32>
    %mul3A_2090 = arith.mulf %mul3A_2088, %mul3A_2089 : vector<1x128xf32>
    %max3A_2091 = arith.maximumf %max3A_2058, %mul3A_2090 : vector<1x128xf32>
    %eq3A_2092 = arith.constant 61 : i32
    %eq3A_2093 = vector.broadcast %eq3A_2092 : i32 to vector<1x128xi32>
    %eq3A_2094 = arith.cmpi eq, %iota3A, %eq3A_2093 : vector<1x128xi32>
    %jit3A_2095 = arith.constant 1.000000e+00 : f32
    %jit3A_2096 = arith.constant 0.000000e+00 : f32
    %broadcast_in_dim3A_2097 = vector.broadcast %jit3A_2095 : f32 to vector<1x128xf32>
    %broadcast_in_dim3A_2098 = vector.broadcast %jit3A_2096 : f32 to vector<1x128xf32>
    %select_n3A_2099 = arith.select %eq3A_2094, %broadcast_in_dim3A_2097, %broadcast_in_dim3A_2098 : vector<1x128xi1>, vector<1x128xf32>
    %mul3A_2100 = arith.mulf %max3A_2091, %select_n3A_2099 : vector<1x128xf32>
    %reduce_sum3A_2101 = arith.constant dense<0.000000e+00> : vector<1xf32>
    %reduce_sum3A_2102 = vector.multi_reduction <add>, %mul3A_2100, %reduce_sum3A_2101 [1] : vector<1x128xf32> to vector<1xf32>
    %broadcast_in_dim3A_2103 = vector.shape_cast %reduce_sum3A_2102 : vector<1xf32> to vector<1x1xf32>
    %sub3A_2104 = arith.constant 1.000000e+00 : f32
    %sub3A_2105 = vector.broadcast %sub3A_2104 : f32 to vector<1x1xf32>
    %sub3A_2106 = arith.subf %sub3A_2105, %broadcast_in_dim3A_2103 : vector<1x1xf32>
    %swap3A_2107 = arith.constant 61 : index
    %swap3A_2108 = arith.constant 0 : index
    %swap3A_2109 = vector.load %arg12[%swap3A_2107, %swap3A_2108] : memref<128x1xf32, #tpu.memory_space<vmem>>, vector<1x1xf32>
    tpu.vector_store %arg12[%swap3A_2107, %swap3A_2108], %sub3A_2106 {strides = array<i32>} : memref<128x1xf32, #tpu.memory_space<vmem>>, vector<1x1xf32>,
    %get3A_2110 = arith.constant 61 : index
    %get3A_2111 = arith.constant 0 : index
    %get3A_2112 = vector.load %arg11[%get3A_2110, %get3A_2111] : memref<128x128xf32, #tpu.memory_space<vmem>>, vector<1x128xf32>
    %gt3A_2113 = arith.constant 61 : i32
    %gt3A_2114 = vector.broadcast %gt3A_2113 : i32 to vector<1x128xi32>
    %gt3A_2115 = arith.cmpi sgt, %iota3A, %gt3A_2114 : vector<1x128xi32>
    %jit3A_2116 = arith.constant 1.000000e+00 : f32
    %jit3A_2117 = arith.constant 0.000000e+00 : f32
    %broadcast_in_dim3A_2118 = vector.broadcast %jit3A_2116 : f32 to vector<1x128xf32>
    %broadcast_in_dim3A_2119 = vector.broadcast %jit3A_2117 : f32 to vector<1x128xf32>
    %select_n3A_2120 = arith.select %gt3A_2115, %broadcast_in_dim3A_2118, %broadcast_in_dim3A_2119 : vector<1x128xi1>, vector<1x128xf32>
    %mul3A_2121 = arith.mulf %get3A_2112, %select_n3A_2120 : vector<1x128xf32>
    %mul3A_2122 = vector.broadcast %sub3A_2106 : vector<1x1xf32> to vector<1x128xf32>
    %mul3A_2123 = arith.mulf %mul3A_2121, %mul3A_2122 : vector<1x128xf32>
    %max3A_2124 = arith.maximumf %max3A_2091, %mul3A_2123 : vector<1x128xf32>
    %eq3A_2125 = arith.constant 62 : i32
    %eq3A_2126 = vector.broadcast %eq3A_2125 : i32 to vector<1x128xi32>
    %eq3A_2127 = arith.cmpi eq, %iota3A, %eq3A_2126 : vector<1x128xi32>
    %jit3A_2128 = arith.constant 1.000000e+00 : f32
    %jit3A_2129 = arith.constant 0.000000e+00 : f32
    %broadcast_in_dim3A_2130 = vector.broadcast %jit3A_2128 : f32 to vector<1x128xf32>
    %broadcast_in_dim3A_2131 = vector.broadcast %jit3A_2129 : f32 to vector<1x128xf32>
    %select_n3A_2132 = arith.select %eq3A_2127, %broadcast_in_dim3A_2130, %broadcast_in_dim3A_2131 : vector<1x128xi1>, vector<1x128xf32>
    %mul3A_2133 = arith.mulf %max3A_2124, %select_n3A_2132 : vector<1x128xf32>
    %reduce_sum3A_2134 = arith.constant dense<0.000000e+00> : vector<1xf32>
    %reduce_sum3A_2135 = vector.multi_reduction <add>, %mul3A_2133, %reduce_sum3A_2134 [1] : vector<1x128xf32> to vector<1xf32>
    %broadcast_in_dim3A_2136 = vector.shape_cast %reduce_sum3A_2135 : vector<1xf32> to vector<1x1xf32>
    %sub3A_2137 = arith.constant 1.000000e+00 : f32
    %sub3A_2138 = vector.broadcast %sub3A_2137 : f32 to vector<1x1xf32>
    %sub3A_2139 = arith.subf %sub3A_2138, %broadcast_in_dim3A_2136 : vector<1x1xf32>
    %swap3A_2140 = arith.constant 62 : index
    %swap3A_2141 = arith.constant 0 : index
    %swap3A_2142 = vector.load %arg12[%swap3A_2140, %swap3A_2141] : memref<128x1xf32, #tpu.memory_space<vmem>>, vector<1x1xf32>
    tpu.vector_store %arg12[%swap3A_2140, %swap3A_2141], %sub3A_2139 {strides = array<i32>} : memref<128x1xf32, #tpu.memory_space<vmem>>, vector<1x1xf32>,
    %get3A_2143 = arith.constant 62 : index
    %get3A_2144 = arith.constant 0 : index
    %get3A_2145 = vector.load %arg11[%get3A_2143, %get3A_2144] : memref<128x128xf32, #tpu.memory_space<vmem>>, vector<1x128xf32>
    %gt3A_2146 = arith.constant 62 : i32
    %gt3A_2147 = vector.broadcast %gt3A_2146 : i32 to vector<1x128xi32>
    %gt3A_2148 = arith.cmpi sgt, %iota3A, %gt3A_2147 : vector<1x128xi32>
    %jit3A_2149 = arith.constant 1.000000e+00 : f32
    %jit3A_2150 = arith.constant 0.000000e+00 : f32
    %broadcast_in_dim3A_2151 = vector.broadcast %jit3A_2149 : f32 to vector<1x128xf32>
    %broadcast_in_dim3A_2152 = vector.broadcast %jit3A_2150 : f32 to vector<1x128xf32>
    %select_n3A_2153 = arith.select %gt3A_2148, %broadcast_in_dim3A_2151, %broadcast_in_dim3A_2152 : vector<1x128xi1>, vector<1x128xf32>
    %mul3A_2154 = arith.mulf %get3A_2145, %select_n3A_2153 : vector<1x128xf32>
    %mul3A_2155 = vector.broadcast %sub3A_2139 : vector<1x1xf32> to vector<1x128xf32>
    %mul3A_2156 = arith.mulf %mul3A_2154, %mul3A_2155 : vector<1x128xf32>
    %max3A_2157 = arith.maximumf %max3A_2124, %mul3A_2156 : vector<1x128xf32>
    %eq3A_2158 = arith.constant 63 : i32
    %eq3A_2159 = vector.broadcast %eq3A_2158 : i32 to vector<1x128xi32>
    %eq3A_2160 = arith.cmpi eq, %iota3A, %eq3A_2159 : vector<1x128xi32>
    %jit3A_2161 = arith.constant 1.000000e+00 : f32
    %jit3A_2162 = arith.constant 0.000000e+00 : f32
    %broadcast_in_dim3A_2163 = vector.broadcast %jit3A_2161 : f32 to vector<1x128xf32>
    %broadcast_in_dim3A_2164 = vector.broadcast %jit3A_2162 : f32 to vector<1x128xf32>
    %select_n3A_2165 = arith.select %eq3A_2160, %broadcast_in_dim3A_2163, %broadcast_in_dim3A_2164 : vector<1x128xi1>, vector<1x128xf32>
    %mul3A_2166 = arith.mulf %max3A_2157, %select_n3A_2165 : vector<1x128xf32>
    %reduce_sum3A_2167 = arith.constant dense<0.000000e+00> : vector<1xf32>
    %reduce_sum3A_2168 = vector.multi_reduction <add>, %mul3A_2166, %reduce_sum3A_2167 [1] : vector<1x128xf32> to vector<1xf32>
    %broadcast_in_dim3A_2169 = vector.shape_cast %reduce_sum3A_2168 : vector<1xf32> to vector<1x1xf32>
    %sub3A_2170 = arith.constant 1.000000e+00 : f32
    %sub3A_2171 = vector.broadcast %sub3A_2170 : f32 to vector<1x1xf32>
    %sub3A_2172 = arith.subf %sub3A_2171, %broadcast_in_dim3A_2169 : vector<1x1xf32>
    %swap3A_2173 = arith.constant 63 : index
    %swap3A_2174 = arith.constant 0 : index
    %swap3A_2175 = vector.load %arg12[%swap3A_2173, %swap3A_2174] : memref<128x1xf32, #tpu.memory_space<vmem>>, vector<1x1xf32>
    tpu.vector_store %arg12[%swap3A_2173, %swap3A_2174], %sub3A_2172 {strides = array<i32>} : memref<128x1xf32, #tpu.memory_space<vmem>>, vector<1x1xf32>,
    %get3A_2176 = arith.constant 63 : index
    %get3A_2177 = arith.constant 0 : index
    %get3A_2178 = vector.load %arg11[%get3A_2176, %get3A_2177] : memref<128x128xf32, #tpu.memory_space<vmem>>, vector<1x128xf32>
    %gt3A_2179 = arith.constant 63 : i32
    %gt3A_2180 = vector.broadcast %gt3A_2179 : i32 to vector<1x128xi32>
    %gt3A_2181 = arith.cmpi sgt, %iota3A, %gt3A_2180 : vector<1x128xi32>
    %jit3A_2182 = arith.constant 1.000000e+00 : f32
    %jit3A_2183 = arith.constant 0.000000e+00 : f32
    %broadcast_in_dim3A_2184 = vector.broadcast %jit3A_2182 : f32 to vector<1x128xf32>
    %broadcast_in_dim3A_2185 = vector.broadcast %jit3A_2183 : f32 to vector<1x128xf32>
    %select_n3A_2186 = arith.select %gt3A_2181, %broadcast_in_dim3A_2184, %broadcast_in_dim3A_2185 : vector<1x128xi1>, vector<1x128xf32>
    %mul3A_2187 = arith.mulf %get3A_2178, %select_n3A_2186 : vector<1x128xf32>
    %mul3A_2188 = vector.broadcast %sub3A_2172 : vector<1x1xf32> to vector<1x128xf32>
    %mul3A_2189 = arith.mulf %mul3A_2187, %mul3A_2188 : vector<1x128xf32>
    %max3A_2190 = arith.maximumf %max3A_2157, %mul3A_2189 : vector<1x128xf32>
    %eq3A_2191 = arith.constant 64 : i32
    %eq3A_2192 = vector.broadcast %eq3A_2191 : i32 to vector<1x128xi32>
    %eq3A_2193 = arith.cmpi eq, %iota3A, %eq3A_2192 : vector<1x128xi32>
    %jit3A_2194 = arith.constant 1.000000e+00 : f32
    %jit3A_2195 = arith.constant 0.000000e+00 : f32
    %broadcast_in_dim3A_2196 = vector.broadcast %jit3A_2194 : f32 to vector<1x128xf32>
    %broadcast_in_dim3A_2197 = vector.broadcast %jit3A_2195 : f32 to vector<1x128xf32>
    %select_n3A_2198 = arith.select %eq3A_2193, %broadcast_in_dim3A_2196, %broadcast_in_dim3A_2197 : vector<1x128xi1>, vector<1x128xf32>
    %mul3A_2199 = arith.mulf %max3A_2190, %select_n3A_2198 : vector<1x128xf32>
    %reduce_sum3A_2200 = arith.constant dense<0.000000e+00> : vector<1xf32>
    %reduce_sum3A_2201 = vector.multi_reduction <add>, %mul3A_2199, %reduce_sum3A_2200 [1] : vector<1x128xf32> to vector<1xf32>
    %broadcast_in_dim3A_2202 = vector.shape_cast %reduce_sum3A_2201 : vector<1xf32> to vector<1x1xf32>
    %sub3A_2203 = arith.constant 1.000000e+00 : f32
    %sub3A_2204 = vector.broadcast %sub3A_2203 : f32 to vector<1x1xf32>
    %sub3A_2205 = arith.subf %sub3A_2204, %broadcast_in_dim3A_2202 : vector<1x1xf32>
    %swap3A_2206 = arith.constant 64 : index
    %swap3A_2207 = arith.constant 0 : index
    %swap3A_2208 = vector.load %arg12[%swap3A_2206, %swap3A_2207] : memref<128x1xf32, #tpu.memory_space<vmem>>, vector<1x1xf32>
    tpu.vector_store %arg12[%swap3A_2206, %swap3A_2207], %sub3A_2205 {strides = array<i32>} : memref<128x1xf32, #tpu.memory_space<vmem>>, vector<1x1xf32>,
    %get3A_2209 = arith.constant 64 : index
    %get3A_2210 = arith.constant 0 : index
    %get3A_2211 = vector.load %arg11[%get3A_2209, %get3A_2210] : memref<128x128xf32, #tpu.memory_space<vmem>>, vector<1x128xf32>
    %gt3A_2212 = arith.constant 64 : i32
    %gt3A_2213 = vector.broadcast %gt3A_2212 : i32 to vector<1x128xi32>
    %gt3A_2214 = arith.cmpi sgt, %iota3A, %gt3A_2213 : vector<1x128xi32>
    %jit3A_2215 = arith.constant 1.000000e+00 : f32
    %jit3A_2216 = arith.constant 0.000000e+00 : f32
    %broadcast_in_dim3A_2217 = vector.broadcast %jit3A_2215 : f32 to vector<1x128xf32>
    %broadcast_in_dim3A_2218 = vector.broadcast %jit3A_2216 : f32 to vector<1x128xf32>
    %select_n3A_2219 = arith.select %gt3A_2214, %broadcast_in_dim3A_2217, %broadcast_in_dim3A_2218 : vector<1x128xi1>, vector<1x128xf32>
    %mul3A_2220 = arith.mulf %get3A_2211, %select_n3A_2219 : vector<1x128xf32>
    %mul3A_2221 = vector.broadcast %sub3A_2205 : vector<1x1xf32> to vector<1x128xf32>
    %mul3A_2222 = arith.mulf %mul3A_2220, %mul3A_2221 : vector<1x128xf32>
    %max3A_2223 = arith.maximumf %max3A_2190, %mul3A_2222 : vector<1x128xf32>
    %eq3A_2224 = arith.constant 65 : i32
    %eq3A_2225 = vector.broadcast %eq3A_2224 : i32 to vector<1x128xi32>
    %eq3A_2226 = arith.cmpi eq, %iota3A, %eq3A_2225 : vector<1x128xi32>
    %jit3A_2227 = arith.constant 1.000000e+00 : f32
    %jit3A_2228 = arith.constant 0.000000e+00 : f32
    %broadcast_in_dim3A_2229 = vector.broadcast %jit3A_2227 : f32 to vector<1x128xf32>
    %broadcast_in_dim3A_2230 = vector.broadcast %jit3A_2228 : f32 to vector<1x128xf32>
    %select_n3A_2231 = arith.select %eq3A_2226, %broadcast_in_dim3A_2229, %broadcast_in_dim3A_2230 : vector<1x128xi1>, vector<1x128xf32>
    %mul3A_2232 = arith.mulf %max3A_2223, %select_n3A_2231 : vector<1x128xf32>
    %reduce_sum3A_2233 = arith.constant dense<0.000000e+00> : vector<1xf32>
    %reduce_sum3A_2234 = vector.multi_reduction <add>, %mul3A_2232, %reduce_sum3A_2233 [1] : vector<1x128xf32> to vector<1xf32>
    %broadcast_in_dim3A_2235 = vector.shape_cast %reduce_sum3A_2234 : vector<1xf32> to vector<1x1xf32>
    %sub3A_2236 = arith.constant 1.000000e+00 : f32
    %sub3A_2237 = vector.broadcast %sub3A_2236 : f32 to vector<1x1xf32>
    %sub3A_2238 = arith.subf %sub3A_2237, %broadcast_in_dim3A_2235 : vector<1x1xf32>
    %swap3A_2239 = arith.constant 65 : index
    %swap3A_2240 = arith.constant 0 : index
    %swap3A_2241 = vector.load %arg12[%swap3A_2239, %swap3A_2240] : memref<128x1xf32, #tpu.memory_space<vmem>>, vector<1x1xf32>
    tpu.vector_store %arg12[%swap3A_2239, %swap3A_2240], %sub3A_2238 {strides = array<i32>} : memref<128x1xf32, #tpu.memory_space<vmem>>, vector<1x1xf32>,
    %get3A_2242 = arith.constant 65 : index
    %get3A_2243 = arith.constant 0 : index
    %get3A_2244 = vector.load %arg11[%get3A_2242, %get3A_2243] : memref<128x128xf32, #tpu.memory_space<vmem>>, vector<1x128xf32>
    %gt3A_2245 = arith.constant 65 : i32
    %gt3A_2246 = vector.broadcast %gt3A_2245 : i32 to vector<1x128xi32>
    %gt3A_2247 = arith.cmpi sgt, %iota3A, %gt3A_2246 : vector<1x128xi32>
    %jit3A_2248 = arith.constant 1.000000e+00 : f32
    %jit3A_2249 = arith.constant 0.000000e+00 : f32
    %broadcast_in_dim3A_2250 = vector.broadcast %jit3A_2248 : f32 to vector<1x128xf32>
    %broadcast_in_dim3A_2251 = vector.broadcast %jit3A_2249 : f32 to vector<1x128xf32>
    %select_n3A_2252 = arith.select %gt3A_2247, %broadcast_in_dim3A_2250, %broadcast_in_dim3A_2251 : vector<1x128xi1>, vector<1x128xf32>
    %mul3A_2253 = arith.mulf %get3A_2244, %select_n3A_2252 : vector<1x128xf32>
    %mul3A_2254 = vector.broadcast %sub3A_2238 : vector<1x1xf32> to vector<1x128xf32>
    %mul3A_2255 = arith.mulf %mul3A_2253, %mul3A_2254 : vector<1x128xf32>
    %max3A_2256 = arith.maximumf %max3A_2223, %mul3A_2255 : vector<1x128xf32>
    %eq3A_2257 = arith.constant 66 : i32
    %eq3A_2258 = vector.broadcast %eq3A_2257 : i32 to vector<1x128xi32>
    %eq3A_2259 = arith.cmpi eq, %iota3A, %eq3A_2258 : vector<1x128xi32>
    %jit3A_2260 = arith.constant 1.000000e+00 : f32
    %jit3A_2261 = arith.constant 0.000000e+00 : f32
    %broadcast_in_dim3A_2262 = vector.broadcast %jit3A_2260 : f32 to vector<1x128xf32>
    %broadcast_in_dim3A_2263 = vector.broadcast %jit3A_2261 : f32 to vector<1x128xf32>
    %select_n3A_2264 = arith.select %eq3A_2259, %broadcast_in_dim3A_2262, %broadcast_in_dim3A_2263 : vector<1x128xi1>, vector<1x128xf32>
    %mul3A_2265 = arith.mulf %max3A_2256, %select_n3A_2264 : vector<1x128xf32>
    %reduce_sum3A_2266 = arith.constant dense<0.000000e+00> : vector<1xf32>
    %reduce_sum3A_2267 = vector.multi_reduction <add>, %mul3A_2265, %reduce_sum3A_2266 [1] : vector<1x128xf32> to vector<1xf32>
    %broadcast_in_dim3A_2268 = vector.shape_cast %reduce_sum3A_2267 : vector<1xf32> to vector<1x1xf32>
    %sub3A_2269 = arith.constant 1.000000e+00 : f32
    %sub3A_2270 = vector.broadcast %sub3A_2269 : f32 to vector<1x1xf32>
    %sub3A_2271 = arith.subf %sub3A_2270, %broadcast_in_dim3A_2268 : vector<1x1xf32>
    %swap3A_2272 = arith.constant 66 : index
    %swap3A_2273 = arith.constant 0 : index
    %swap3A_2274 = vector.load %arg12[%swap3A_2272, %swap3A_2273] : memref<128x1xf32, #tpu.memory_space<vmem>>, vector<1x1xf32>
    tpu.vector_store %arg12[%swap3A_2272, %swap3A_2273], %sub3A_2271 {strides = array<i32>} : memref<128x1xf32, #tpu.memory_space<vmem>>, vector<1x1xf32>,
    %get3A_2275 = arith.constant 66 : index
    %get3A_2276 = arith.constant 0 : index
    %get3A_2277 = vector.load %arg11[%get3A_2275, %get3A_2276] : memref<128x128xf32, #tpu.memory_space<vmem>>, vector<1x128xf32>
    %gt3A_2278 = arith.constant 66 : i32
    %gt3A_2279 = vector.broadcast %gt3A_2278 : i32 to vector<1x128xi32>
    %gt3A_2280 = arith.cmpi sgt, %iota3A, %gt3A_2279 : vector<1x128xi32>
    %jit3A_2281 = arith.constant 1.000000e+00 : f32
    %jit3A_2282 = arith.constant 0.000000e+00 : f32
    %broadcast_in_dim3A_2283 = vector.broadcast %jit3A_2281 : f32 to vector<1x128xf32>
    %broadcast_in_dim3A_2284 = vector.broadcast %jit3A_2282 : f32 to vector<1x128xf32>
    %select_n3A_2285 = arith.select %gt3A_2280, %broadcast_in_dim3A_2283, %broadcast_in_dim3A_2284 : vector<1x128xi1>, vector<1x128xf32>
    %mul3A_2286 = arith.mulf %get3A_2277, %select_n3A_2285 : vector<1x128xf32>
    %mul3A_2287 = vector.broadcast %sub3A_2271 : vector<1x1xf32> to vector<1x128xf32>
    %mul3A_2288 = arith.mulf %mul3A_2286, %mul3A_2287 : vector<1x128xf32>
    %max3A_2289 = arith.maximumf %max3A_2256, %mul3A_2288 : vector<1x128xf32>
    %eq3A_2290 = arith.constant 67 : i32
    %eq3A_2291 = vector.broadcast %eq3A_2290 : i32 to vector<1x128xi32>
    %eq3A_2292 = arith.cmpi eq, %iota3A, %eq3A_2291 : vector<1x128xi32>
    %jit3A_2293 = arith.constant 1.000000e+00 : f32
    %jit3A_2294 = arith.constant 0.000000e+00 : f32
    %broadcast_in_dim3A_2295 = vector.broadcast %jit3A_2293 : f32 to vector<1x128xf32>
    %broadcast_in_dim3A_2296 = vector.broadcast %jit3A_2294 : f32 to vector<1x128xf32>
    %select_n3A_2297 = arith.select %eq3A_2292, %broadcast_in_dim3A_2295, %broadcast_in_dim3A_2296 : vector<1x128xi1>, vector<1x128xf32>
    %mul3A_2298 = arith.mulf %max3A_2289, %select_n3A_2297 : vector<1x128xf32>
    %reduce_sum3A_2299 = arith.constant dense<0.000000e+00> : vector<1xf32>
    %reduce_sum3A_2300 = vector.multi_reduction <add>, %mul3A_2298, %reduce_sum3A_2299 [1] : vector<1x128xf32> to vector<1xf32>
    %broadcast_in_dim3A_2301 = vector.shape_cast %reduce_sum3A_2300 : vector<1xf32> to vector<1x1xf32>
    %sub3A_2302 = arith.constant 1.000000e+00 : f32
    %sub3A_2303 = vector.broadcast %sub3A_2302 : f32 to vector<1x1xf32>
    %sub3A_2304 = arith.subf %sub3A_2303, %broadcast_in_dim3A_2301 : vector<1x1xf32>
    %swap3A_2305 = arith.constant 67 : index
    %swap3A_2306 = arith.constant 0 : index
    %swap3A_2307 = vector.load %arg12[%swap3A_2305, %swap3A_2306] : memref<128x1xf32, #tpu.memory_space<vmem>>, vector<1x1xf32>
    tpu.vector_store %arg12[%swap3A_2305, %swap3A_2306], %sub3A_2304 {strides = array<i32>} : memref<128x1xf32, #tpu.memory_space<vmem>>, vector<1x1xf32>,
    %get3A_2308 = arith.constant 67 : index
    %get3A_2309 = arith.constant 0 : index
    %get3A_2310 = vector.load %arg11[%get3A_2308, %get3A_2309] : memref<128x128xf32, #tpu.memory_space<vmem>>, vector<1x128xf32>
    %gt3A_2311 = arith.constant 67 : i32
    %gt3A_2312 = vector.broadcast %gt3A_2311 : i32 to vector<1x128xi32>
    %gt3A_2313 = arith.cmpi sgt, %iota3A, %gt3A_2312 : vector<1x128xi32>
    %jit3A_2314 = arith.constant 1.000000e+00 : f32
    %jit3A_2315 = arith.constant 0.000000e+00 : f32
    %broadcast_in_dim3A_2316 = vector.broadcast %jit3A_2314 : f32 to vector<1x128xf32>
    %broadcast_in_dim3A_2317 = vector.broadcast %jit3A_2315 : f32 to vector<1x128xf32>
    %select_n3A_2318 = arith.select %gt3A_2313, %broadcast_in_dim3A_2316, %broadcast_in_dim3A_2317 : vector<1x128xi1>, vector<1x128xf32>
    %mul3A_2319 = arith.mulf %get3A_2310, %select_n3A_2318 : vector<1x128xf32>
    %mul3A_2320 = vector.broadcast %sub3A_2304 : vector<1x1xf32> to vector<1x128xf32>
    %mul3A_2321 = arith.mulf %mul3A_2319, %mul3A_2320 : vector<1x128xf32>
    %max3A_2322 = arith.maximumf %max3A_2289, %mul3A_2321 : vector<1x128xf32>
    %eq3A_2323 = arith.constant 68 : i32
    %eq3A_2324 = vector.broadcast %eq3A_2323 : i32 to vector<1x128xi32>
    %eq3A_2325 = arith.cmpi eq, %iota3A, %eq3A_2324 : vector<1x128xi32>
    %jit3A_2326 = arith.constant 1.000000e+00 : f32
    %jit3A_2327 = arith.constant 0.000000e+00 : f32
    %broadcast_in_dim3A_2328 = vector.broadcast %jit3A_2326 : f32 to vector<1x128xf32>
    %broadcast_in_dim3A_2329 = vector.broadcast %jit3A_2327 : f32 to vector<1x128xf32>
    %select_n3A_2330 = arith.select %eq3A_2325, %broadcast_in_dim3A_2328, %broadcast_in_dim3A_2329 : vector<1x128xi1>, vector<1x128xf32>
    %mul3A_2331 = arith.mulf %max3A_2322, %select_n3A_2330 : vector<1x128xf32>
    %reduce_sum3A_2332 = arith.constant dense<0.000000e+00> : vector<1xf32>
    %reduce_sum3A_2333 = vector.multi_reduction <add>, %mul3A_2331, %reduce_sum3A_2332 [1] : vector<1x128xf32> to vector<1xf32>
    %broadcast_in_dim3A_2334 = vector.shape_cast %reduce_sum3A_2333 : vector<1xf32> to vector<1x1xf32>
    %sub3A_2335 = arith.constant 1.000000e+00 : f32
    %sub3A_2336 = vector.broadcast %sub3A_2335 : f32 to vector<1x1xf32>
    %sub3A_2337 = arith.subf %sub3A_2336, %broadcast_in_dim3A_2334 : vector<1x1xf32>
    %swap3A_2338 = arith.constant 68 : index
    %swap3A_2339 = arith.constant 0 : index
    %swap3A_2340 = vector.load %arg12[%swap3A_2338, %swap3A_2339] : memref<128x1xf32, #tpu.memory_space<vmem>>, vector<1x1xf32>
    tpu.vector_store %arg12[%swap3A_2338, %swap3A_2339], %sub3A_2337 {strides = array<i32>} : memref<128x1xf32, #tpu.memory_space<vmem>>, vector<1x1xf32>,
    %get3A_2341 = arith.constant 68 : index
    %get3A_2342 = arith.constant 0 : index
    %get3A_2343 = vector.load %arg11[%get3A_2341, %get3A_2342] : memref<128x128xf32, #tpu.memory_space<vmem>>, vector<1x128xf32>
    %gt3A_2344 = arith.constant 68 : i32
    %gt3A_2345 = vector.broadcast %gt3A_2344 : i32 to vector<1x128xi32>
    %gt3A_2346 = arith.cmpi sgt, %iota3A, %gt3A_2345 : vector<1x128xi32>
    %jit3A_2347 = arith.constant 1.000000e+00 : f32
    %jit3A_2348 = arith.constant 0.000000e+00 : f32
    %broadcast_in_dim3A_2349 = vector.broadcast %jit3A_2347 : f32 to vector<1x128xf32>
    %broadcast_in_dim3A_2350 = vector.broadcast %jit3A_2348 : f32 to vector<1x128xf32>
    %select_n3A_2351 = arith.select %gt3A_2346, %broadcast_in_dim3A_2349, %broadcast_in_dim3A_2350 : vector<1x128xi1>, vector<1x128xf32>
    %mul3A_2352 = arith.mulf %get3A_2343, %select_n3A_2351 : vector<1x128xf32>
    %mul3A_2353 = vector.broadcast %sub3A_2337 : vector<1x1xf32> to vector<1x128xf32>
    %mul3A_2354 = arith.mulf %mul3A_2352, %mul3A_2353 : vector<1x128xf32>
    %max3A_2355 = arith.maximumf %max3A_2322, %mul3A_2354 : vector<1x128xf32>
    %eq3A_2356 = arith.constant 69 : i32
    %eq3A_2357 = vector.broadcast %eq3A_2356 : i32 to vector<1x128xi32>
    %eq3A_2358 = arith.cmpi eq, %iota3A, %eq3A_2357 : vector<1x128xi32>
    %jit3A_2359 = arith.constant 1.000000e+00 : f32
    %jit3A_2360 = arith.constant 0.000000e+00 : f32
    %broadcast_in_dim3A_2361 = vector.broadcast %jit3A_2359 : f32 to vector<1x128xf32>
    %broadcast_in_dim3A_2362 = vector.broadcast %jit3A_2360 : f32 to vector<1x128xf32>
    %select_n3A_2363 = arith.select %eq3A_2358, %broadcast_in_dim3A_2361, %broadcast_in_dim3A_2362 : vector<1x128xi1>, vector<1x128xf32>
    %mul3A_2364 = arith.mulf %max3A_2355, %select_n3A_2363 : vector<1x128xf32>
    %reduce_sum3A_2365 = arith.constant dense<0.000000e+00> : vector<1xf32>
    %reduce_sum3A_2366 = vector.multi_reduction <add>, %mul3A_2364, %reduce_sum3A_2365 [1] : vector<1x128xf32> to vector<1xf32>
    %broadcast_in_dim3A_2367 = vector.shape_cast %reduce_sum3A_2366 : vector<1xf32> to vector<1x1xf32>
    %sub3A_2368 = arith.constant 1.000000e+00 : f32
    %sub3A_2369 = vector.broadcast %sub3A_2368 : f32 to vector<1x1xf32>
    %sub3A_2370 = arith.subf %sub3A_2369, %broadcast_in_dim3A_2367 : vector<1x1xf32>
    %swap3A_2371 = arith.constant 69 : index
    %swap3A_2372 = arith.constant 0 : index
    %swap3A_2373 = vector.load %arg12[%swap3A_2371, %swap3A_2372] : memref<128x1xf32, #tpu.memory_space<vmem>>, vector<1x1xf32>
    tpu.vector_store %arg12[%swap3A_2371, %swap3A_2372], %sub3A_2370 {strides = array<i32>} : memref<128x1xf32, #tpu.memory_space<vmem>>, vector<1x1xf32>,
    %get3A_2374 = arith.constant 69 : index
    %get3A_2375 = arith.constant 0 : index
    %get3A_2376 = vector.load %arg11[%get3A_2374, %get3A_2375] : memref<128x128xf32, #tpu.memory_space<vmem>>, vector<1x128xf32>
    %gt3A_2377 = arith.constant 69 : i32
    %gt3A_2378 = vector.broadcast %gt3A_2377 : i32 to vector<1x128xi32>
    %gt3A_2379 = arith.cmpi sgt, %iota3A, %gt3A_2378 : vector<1x128xi32>
    %jit3A_2380 = arith.constant 1.000000e+00 : f32
    %jit3A_2381 = arith.constant 0.000000e+00 : f32
    %broadcast_in_dim3A_2382 = vector.broadcast %jit3A_2380 : f32 to vector<1x128xf32>
    %broadcast_in_dim3A_2383 = vector.broadcast %jit3A_2381 : f32 to vector<1x128xf32>
    %select_n3A_2384 = arith.select %gt3A_2379, %broadcast_in_dim3A_2382, %broadcast_in_dim3A_2383 : vector<1x128xi1>, vector<1x128xf32>
    %mul3A_2385 = arith.mulf %get3A_2376, %select_n3A_2384 : vector<1x128xf32>
    %mul3A_2386 = vector.broadcast %sub3A_2370 : vector<1x1xf32> to vector<1x128xf32>
    %mul3A_2387 = arith.mulf %mul3A_2385, %mul3A_2386 : vector<1x128xf32>
    %max3A_2388 = arith.maximumf %max3A_2355, %mul3A_2387 : vector<1x128xf32>
    %eq3A_2389 = arith.constant 70 : i32
    %eq3A_2390 = vector.broadcast %eq3A_2389 : i32 to vector<1x128xi32>
    %eq3A_2391 = arith.cmpi eq, %iota3A, %eq3A_2390 : vector<1x128xi32>
    %jit3A_2392 = arith.constant 1.000000e+00 : f32
    %jit3A_2393 = arith.constant 0.000000e+00 : f32
    %broadcast_in_dim3A_2394 = vector.broadcast %jit3A_2392 : f32 to vector<1x128xf32>
    %broadcast_in_dim3A_2395 = vector.broadcast %jit3A_2393 : f32 to vector<1x128xf32>
    %select_n3A_2396 = arith.select %eq3A_2391, %broadcast_in_dim3A_2394, %broadcast_in_dim3A_2395 : vector<1x128xi1>, vector<1x128xf32>
    %mul3A_2397 = arith.mulf %max3A_2388, %select_n3A_2396 : vector<1x128xf32>
    %reduce_sum3A_2398 = arith.constant dense<0.000000e+00> : vector<1xf32>
    %reduce_sum3A_2399 = vector.multi_reduction <add>, %mul3A_2397, %reduce_sum3A_2398 [1] : vector<1x128xf32> to vector<1xf32>
    %broadcast_in_dim3A_2400 = vector.shape_cast %reduce_sum3A_2399 : vector<1xf32> to vector<1x1xf32>
    %sub3A_2401 = arith.constant 1.000000e+00 : f32
    %sub3A_2402 = vector.broadcast %sub3A_2401 : f32 to vector<1x1xf32>
    %sub3A_2403 = arith.subf %sub3A_2402, %broadcast_in_dim3A_2400 : vector<1x1xf32>
    %swap3A_2404 = arith.constant 70 : index
    %swap3A_2405 = arith.constant 0 : index
    %swap3A_2406 = vector.load %arg12[%swap3A_2404, %swap3A_2405] : memref<128x1xf32, #tpu.memory_space<vmem>>, vector<1x1xf32>
    tpu.vector_store %arg12[%swap3A_2404, %swap3A_2405], %sub3A_2403 {strides = array<i32>} : memref<128x1xf32, #tpu.memory_space<vmem>>, vector<1x1xf32>,
    %get3A_2407 = arith.constant 70 : index
    %get3A_2408 = arith.constant 0 : index
    %get3A_2409 = vector.load %arg11[%get3A_2407, %get3A_2408] : memref<128x128xf32, #tpu.memory_space<vmem>>, vector<1x128xf32>
    %gt3A_2410 = arith.constant 70 : i32
    %gt3A_2411 = vector.broadcast %gt3A_2410 : i32 to vector<1x128xi32>
    %gt3A_2412 = arith.cmpi sgt, %iota3A, %gt3A_2411 : vector<1x128xi32>
    %jit3A_2413 = arith.constant 1.000000e+00 : f32
    %jit3A_2414 = arith.constant 0.000000e+00 : f32
    %broadcast_in_dim3A_2415 = vector.broadcast %jit3A_2413 : f32 to vector<1x128xf32>
    %broadcast_in_dim3A_2416 = vector.broadcast %jit3A_2414 : f32 to vector<1x128xf32>
    %select_n3A_2417 = arith.select %gt3A_2412, %broadcast_in_dim3A_2415, %broadcast_in_dim3A_2416 : vector<1x128xi1>, vector<1x128xf32>
    %mul3A_2418 = arith.mulf %get3A_2409, %select_n3A_2417 : vector<1x128xf32>
    %mul3A_2419 = vector.broadcast %sub3A_2403 : vector<1x1xf32> to vector<1x128xf32>
    %mul3A_2420 = arith.mulf %mul3A_2418, %mul3A_2419 : vector<1x128xf32>
    %max3A_2421 = arith.maximumf %max3A_2388, %mul3A_2420 : vector<1x128xf32>
    %eq3A_2422 = arith.constant 71 : i32
    %eq3A_2423 = vector.broadcast %eq3A_2422 : i32 to vector<1x128xi32>
    %eq3A_2424 = arith.cmpi eq, %iota3A, %eq3A_2423 : vector<1x128xi32>
    %jit3A_2425 = arith.constant 1.000000e+00 : f32
    %jit3A_2426 = arith.constant 0.000000e+00 : f32
    %broadcast_in_dim3A_2427 = vector.broadcast %jit3A_2425 : f32 to vector<1x128xf32>
    %broadcast_in_dim3A_2428 = vector.broadcast %jit3A_2426 : f32 to vector<1x128xf32>
    %select_n3A_2429 = arith.select %eq3A_2424, %broadcast_in_dim3A_2427, %broadcast_in_dim3A_2428 : vector<1x128xi1>, vector<1x128xf32>
    %mul3A_2430 = arith.mulf %max3A_2421, %select_n3A_2429 : vector<1x128xf32>
    %reduce_sum3A_2431 = arith.constant dense<0.000000e+00> : vector<1xf32>
    %reduce_sum3A_2432 = vector.multi_reduction <add>, %mul3A_2430, %reduce_sum3A_2431 [1] : vector<1x128xf32> to vector<1xf32>
    %broadcast_in_dim3A_2433 = vector.shape_cast %reduce_sum3A_2432 : vector<1xf32> to vector<1x1xf32>
    %sub3A_2434 = arith.constant 1.000000e+00 : f32
    %sub3A_2435 = vector.broadcast %sub3A_2434 : f32 to vector<1x1xf32>
    %sub3A_2436 = arith.subf %sub3A_2435, %broadcast_in_dim3A_2433 : vector<1x1xf32>
    %swap3A_2437 = arith.constant 71 : index
    %swap3A_2438 = arith.constant 0 : index
    %swap3A_2439 = vector.load %arg12[%swap3A_2437, %swap3A_2438] : memref<128x1xf32, #tpu.memory_space<vmem>>, vector<1x1xf32>
    tpu.vector_store %arg12[%swap3A_2437, %swap3A_2438], %sub3A_2436 {strides = array<i32>} : memref<128x1xf32, #tpu.memory_space<vmem>>, vector<1x1xf32>,
    %get3A_2440 = arith.constant 71 : index
    %get3A_2441 = arith.constant 0 : index
    %get3A_2442 = vector.load %arg11[%get3A_2440, %get3A_2441] : memref<128x128xf32, #tpu.memory_space<vmem>>, vector<1x128xf32>
    %gt3A_2443 = arith.constant 71 : i32
    %gt3A_2444 = vector.broadcast %gt3A_2443 : i32 to vector<1x128xi32>
    %gt3A_2445 = arith.cmpi sgt, %iota3A, %gt3A_2444 : vector<1x128xi32>
    %jit3A_2446 = arith.constant 1.000000e+00 : f32
    %jit3A_2447 = arith.constant 0.000000e+00 : f32
    %broadcast_in_dim3A_2448 = vector.broadcast %jit3A_2446 : f32 to vector<1x128xf32>
    %broadcast_in_dim3A_2449 = vector.broadcast %jit3A_2447 : f32 to vector<1x128xf32>
    %select_n3A_2450 = arith.select %gt3A_2445, %broadcast_in_dim3A_2448, %broadcast_in_dim3A_2449 : vector<1x128xi1>, vector<1x128xf32>
    %mul3A_2451 = arith.mulf %get3A_2442, %select_n3A_2450 : vector<1x128xf32>
    %mul3A_2452 = vector.broadcast %sub3A_2436 : vector<1x1xf32> to vector<1x128xf32>
    %mul3A_2453 = arith.mulf %mul3A_2451, %mul3A_2452 : vector<1x128xf32>
    %max3A_2454 = arith.maximumf %max3A_2421, %mul3A_2453 : vector<1x128xf32>
    %eq3A_2455 = arith.constant 72 : i32
    %eq3A_2456 = vector.broadcast %eq3A_2455 : i32 to vector<1x128xi32>
    %eq3A_2457 = arith.cmpi eq, %iota3A, %eq3A_2456 : vector<1x128xi32>
    %jit3A_2458 = arith.constant 1.000000e+00 : f32
    %jit3A_2459 = arith.constant 0.000000e+00 : f32
    %broadcast_in_dim3A_2460 = vector.broadcast %jit3A_2458 : f32 to vector<1x128xf32>
    %broadcast_in_dim3A_2461 = vector.broadcast %jit3A_2459 : f32 to vector<1x128xf32>
    %select_n3A_2462 = arith.select %eq3A_2457, %broadcast_in_dim3A_2460, %broadcast_in_dim3A_2461 : vector<1x128xi1>, vector<1x128xf32>
    %mul3A_2463 = arith.mulf %max3A_2454, %select_n3A_2462 : vector<1x128xf32>
    %reduce_sum3A_2464 = arith.constant dense<0.000000e+00> : vector<1xf32>
    %reduce_sum3A_2465 = vector.multi_reduction <add>, %mul3A_2463, %reduce_sum3A_2464 [1] : vector<1x128xf32> to vector<1xf32>
    %broadcast_in_dim3A_2466 = vector.shape_cast %reduce_sum3A_2465 : vector<1xf32> to vector<1x1xf32>
    %sub3A_2467 = arith.constant 1.000000e+00 : f32
    %sub3A_2468 = vector.broadcast %sub3A_2467 : f32 to vector<1x1xf32>
    %sub3A_2469 = arith.subf %sub3A_2468, %broadcast_in_dim3A_2466 : vector<1x1xf32>
    %swap3A_2470 = arith.constant 72 : index
    %swap3A_2471 = arith.constant 0 : index
    %swap3A_2472 = vector.load %arg12[%swap3A_2470, %swap3A_2471] : memref<128x1xf32, #tpu.memory_space<vmem>>, vector<1x1xf32>
    tpu.vector_store %arg12[%swap3A_2470, %swap3A_2471], %sub3A_2469 {strides = array<i32>} : memref<128x1xf32, #tpu.memory_space<vmem>>, vector<1x1xf32>,
    %get3A_2473 = arith.constant 72 : index
    %get3A_2474 = arith.constant 0 : index
    %get3A_2475 = vector.load %arg11[%get3A_2473, %get3A_2474] : memref<128x128xf32, #tpu.memory_space<vmem>>, vector<1x128xf32>
    %gt3A_2476 = arith.constant 72 : i32
    %gt3A_2477 = vector.broadcast %gt3A_2476 : i32 to vector<1x128xi32>
    %gt3A_2478 = arith.cmpi sgt, %iota3A, %gt3A_2477 : vector<1x128xi32>
    %jit3A_2479 = arith.constant 1.000000e+00 : f32
    %jit3A_2480 = arith.constant 0.000000e+00 : f32
    %broadcast_in_dim3A_2481 = vector.broadcast %jit3A_2479 : f32 to vector<1x128xf32>
    %broadcast_in_dim3A_2482 = vector.broadcast %jit3A_2480 : f32 to vector<1x128xf32>
    %select_n3A_2483 = arith.select %gt3A_2478, %broadcast_in_dim3A_2481, %broadcast_in_dim3A_2482 : vector<1x128xi1>, vector<1x128xf32>
    %mul3A_2484 = arith.mulf %get3A_2475, %select_n3A_2483 : vector<1x128xf32>
    %mul3A_2485 = vector.broadcast %sub3A_2469 : vector<1x1xf32> to vector<1x128xf32>
    %mul3A_2486 = arith.mulf %mul3A_2484, %mul3A_2485 : vector<1x128xf32>
    %max3A_2487 = arith.maximumf %max3A_2454, %mul3A_2486 : vector<1x128xf32>
    %eq3A_2488 = arith.constant 73 : i32
    %eq3A_2489 = vector.broadcast %eq3A_2488 : i32 to vector<1x128xi32>
    %eq3A_2490 = arith.cmpi eq, %iota3A, %eq3A_2489 : vector<1x128xi32>
    %jit3A_2491 = arith.constant 1.000000e+00 : f32
    %jit3A_2492 = arith.constant 0.000000e+00 : f32
    %broadcast_in_dim3A_2493 = vector.broadcast %jit3A_2491 : f32 to vector<1x128xf32>
    %broadcast_in_dim3A_2494 = vector.broadcast %jit3A_2492 : f32 to vector<1x128xf32>
    %select_n3A_2495 = arith.select %eq3A_2490, %broadcast_in_dim3A_2493, %broadcast_in_dim3A_2494 : vector<1x128xi1>, vector<1x128xf32>
    %mul3A_2496 = arith.mulf %max3A_2487, %select_n3A_2495 : vector<1x128xf32>
    %reduce_sum3A_2497 = arith.constant dense<0.000000e+00> : vector<1xf32>
    %reduce_sum3A_2498 = vector.multi_reduction <add>, %mul3A_2496, %reduce_sum3A_2497 [1] : vector<1x128xf32> to vector<1xf32>
    %broadcast_in_dim3A_2499 = vector.shape_cast %reduce_sum3A_2498 : vector<1xf32> to vector<1x1xf32>
    %sub3A_2500 = arith.constant 1.000000e+00 : f32
    %sub3A_2501 = vector.broadcast %sub3A_2500 : f32 to vector<1x1xf32>
    %sub3A_2502 = arith.subf %sub3A_2501, %broadcast_in_dim3A_2499 : vector<1x1xf32>
    %swap3A_2503 = arith.constant 73 : index
    %swap3A_2504 = arith.constant 0 : index
    %swap3A_2505 = vector.load %arg12[%swap3A_2503, %swap3A_2504] : memref<128x1xf32, #tpu.memory_space<vmem>>, vector<1x1xf32>
    tpu.vector_store %arg12[%swap3A_2503, %swap3A_2504], %sub3A_2502 {strides = array<i32>} : memref<128x1xf32, #tpu.memory_space<vmem>>, vector<1x1xf32>,
    %get3A_2506 = arith.constant 73 : index
    %get3A_2507 = arith.constant 0 : index
    %get3A_2508 = vector.load %arg11[%get3A_2506, %get3A_2507] : memref<128x128xf32, #tpu.memory_space<vmem>>, vector<1x128xf32>
    %gt3A_2509 = arith.constant 73 : i32
    %gt3A_2510 = vector.broadcast %gt3A_2509 : i32 to vector<1x128xi32>
    %gt3A_2511 = arith.cmpi sgt, %iota3A, %gt3A_2510 : vector<1x128xi32>
    %jit3A_2512 = arith.constant 1.000000e+00 : f32
    %jit3A_2513 = arith.constant 0.000000e+00 : f32
    %broadcast_in_dim3A_2514 = vector.broadcast %jit3A_2512 : f32 to vector<1x128xf32>
    %broadcast_in_dim3A_2515 = vector.broadcast %jit3A_2513 : f32 to vector<1x128xf32>
    %select_n3A_2516 = arith.select %gt3A_2511, %broadcast_in_dim3A_2514, %broadcast_in_dim3A_2515 : vector<1x128xi1>, vector<1x128xf32>
    %mul3A_2517 = arith.mulf %get3A_2508, %select_n3A_2516 : vector<1x128xf32>
    %mul3A_2518 = vector.broadcast %sub3A_2502 : vector<1x1xf32> to vector<1x128xf32>
    %mul3A_2519 = arith.mulf %mul3A_2517, %mul3A_2518 : vector<1x128xf32>
    %max3A_2520 = arith.maximumf %max3A_2487, %mul3A_2519 : vector<1x128xf32>
    %eq3A_2521 = arith.constant 74 : i32
    %eq3A_2522 = vector.broadcast %eq3A_2521 : i32 to vector<1x128xi32>
    %eq3A_2523 = arith.cmpi eq, %iota3A, %eq3A_2522 : vector<1x128xi32>
    %jit3A_2524 = arith.constant 1.000000e+00 : f32
    %jit3A_2525 = arith.constant 0.000000e+00 : f32
    %broadcast_in_dim3A_2526 = vector.broadcast %jit3A_2524 : f32 to vector<1x128xf32>
    %broadcast_in_dim3A_2527 = vector.broadcast %jit3A_2525 : f32 to vector<1x128xf32>
    %select_n3A_2528 = arith.select %eq3A_2523, %broadcast_in_dim3A_2526, %broadcast_in_dim3A_2527 : vector<1x128xi1>, vector<1x128xf32>
    %mul3A_2529 = arith.mulf %max3A_2520, %select_n3A_2528 : vector<1x128xf32>
    %reduce_sum3A_2530 = arith.constant dense<0.000000e+00> : vector<1xf32>
    %reduce_sum3A_2531 = vector.multi_reduction <add>, %mul3A_2529, %reduce_sum3A_2530 [1] : vector<1x128xf32> to vector<1xf32>
    %broadcast_in_dim3A_2532 = vector.shape_cast %reduce_sum3A_2531 : vector<1xf32> to vector<1x1xf32>
    %sub3A_2533 = arith.constant 1.000000e+00 : f32
    %sub3A_2534 = vector.broadcast %sub3A_2533 : f32 to vector<1x1xf32>
    %sub3A_2535 = arith.subf %sub3A_2534, %broadcast_in_dim3A_2532 : vector<1x1xf32>
    %swap3A_2536 = arith.constant 74 : index
    %swap3A_2537 = arith.constant 0 : index
    %swap3A_2538 = vector.load %arg12[%swap3A_2536, %swap3A_2537] : memref<128x1xf32, #tpu.memory_space<vmem>>, vector<1x1xf32>
    tpu.vector_store %arg12[%swap3A_2536, %swap3A_2537], %sub3A_2535 {strides = array<i32>} : memref<128x1xf32, #tpu.memory_space<vmem>>, vector<1x1xf32>,
    %get3A_2539 = arith.constant 74 : index
    %get3A_2540 = arith.constant 0 : index
    %get3A_2541 = vector.load %arg11[%get3A_2539, %get3A_2540] : memref<128x128xf32, #tpu.memory_space<vmem>>, vector<1x128xf32>
    %gt3A_2542 = arith.constant 74 : i32
    %gt3A_2543 = vector.broadcast %gt3A_2542 : i32 to vector<1x128xi32>
    %gt3A_2544 = arith.cmpi sgt, %iota3A, %gt3A_2543 : vector<1x128xi32>
    %jit3A_2545 = arith.constant 1.000000e+00 : f32
    %jit3A_2546 = arith.constant 0.000000e+00 : f32
    %broadcast_in_dim3A_2547 = vector.broadcast %jit3A_2545 : f32 to vector<1x128xf32>
    %broadcast_in_dim3A_2548 = vector.broadcast %jit3A_2546 : f32 to vector<1x128xf32>
    %select_n3A_2549 = arith.select %gt3A_2544, %broadcast_in_dim3A_2547, %broadcast_in_dim3A_2548 : vector<1x128xi1>, vector<1x128xf32>
    %mul3A_2550 = arith.mulf %get3A_2541, %select_n3A_2549 : vector<1x128xf32>
    %mul3A_2551 = vector.broadcast %sub3A_2535 : vector<1x1xf32> to vector<1x128xf32>
    %mul3A_2552 = arith.mulf %mul3A_2550, %mul3A_2551 : vector<1x128xf32>
    %max3A_2553 = arith.maximumf %max3A_2520, %mul3A_2552 : vector<1x128xf32>
    %eq3A_2554 = arith.constant 75 : i32
    %eq3A_2555 = vector.broadcast %eq3A_2554 : i32 to vector<1x128xi32>
    %eq3A_2556 = arith.cmpi eq, %iota3A, %eq3A_2555 : vector<1x128xi32>
    %jit3A_2557 = arith.constant 1.000000e+00 : f32
    %jit3A_2558 = arith.constant 0.000000e+00 : f32
    %broadcast_in_dim3A_2559 = vector.broadcast %jit3A_2557 : f32 to vector<1x128xf32>
    %broadcast_in_dim3A_2560 = vector.broadcast %jit3A_2558 : f32 to vector<1x128xf32>
    %select_n3A_2561 = arith.select %eq3A_2556, %broadcast_in_dim3A_2559, %broadcast_in_dim3A_2560 : vector<1x128xi1>, vector<1x128xf32>
    %mul3A_2562 = arith.mulf %max3A_2553, %select_n3A_2561 : vector<1x128xf32>
    %reduce_sum3A_2563 = arith.constant dense<0.000000e+00> : vector<1xf32>
    %reduce_sum3A_2564 = vector.multi_reduction <add>, %mul3A_2562, %reduce_sum3A_2563 [1] : vector<1x128xf32> to vector<1xf32>
    %broadcast_in_dim3A_2565 = vector.shape_cast %reduce_sum3A_2564 : vector<1xf32> to vector<1x1xf32>
    %sub3A_2566 = arith.constant 1.000000e+00 : f32
    %sub3A_2567 = vector.broadcast %sub3A_2566 : f32 to vector<1x1xf32>
    %sub3A_2568 = arith.subf %sub3A_2567, %broadcast_in_dim3A_2565 : vector<1x1xf32>
    %swap3A_2569 = arith.constant 75 : index
    %swap3A_2570 = arith.constant 0 : index
    %swap3A_2571 = vector.load %arg12[%swap3A_2569, %swap3A_2570] : memref<128x1xf32, #tpu.memory_space<vmem>>, vector<1x1xf32>
    tpu.vector_store %arg12[%swap3A_2569, %swap3A_2570], %sub3A_2568 {strides = array<i32>} : memref<128x1xf32, #tpu.memory_space<vmem>>, vector<1x1xf32>,
    %get3A_2572 = arith.constant 75 : index
    %get3A_2573 = arith.constant 0 : index
    %get3A_2574 = vector.load %arg11[%get3A_2572, %get3A_2573] : memref<128x128xf32, #tpu.memory_space<vmem>>, vector<1x128xf32>
    %gt3A_2575 = arith.constant 75 : i32
    %gt3A_2576 = vector.broadcast %gt3A_2575 : i32 to vector<1x128xi32>
    %gt3A_2577 = arith.cmpi sgt, %iota3A, %gt3A_2576 : vector<1x128xi32>
    %jit3A_2578 = arith.constant 1.000000e+00 : f32
    %jit3A_2579 = arith.constant 0.000000e+00 : f32
    %broadcast_in_dim3A_2580 = vector.broadcast %jit3A_2578 : f32 to vector<1x128xf32>
    %broadcast_in_dim3A_2581 = vector.broadcast %jit3A_2579 : f32 to vector<1x128xf32>
    %select_n3A_2582 = arith.select %gt3A_2577, %broadcast_in_dim3A_2580, %broadcast_in_dim3A_2581 : vector<1x128xi1>, vector<1x128xf32>
    %mul3A_2583 = arith.mulf %get3A_2574, %select_n3A_2582 : vector<1x128xf32>
    %mul3A_2584 = vector.broadcast %sub3A_2568 : vector<1x1xf32> to vector<1x128xf32>
    %mul3A_2585 = arith.mulf %mul3A_2583, %mul3A_2584 : vector<1x128xf32>
    %max3A_2586 = arith.maximumf %max3A_2553, %mul3A_2585 : vector<1x128xf32>
    %eq3A_2587 = arith.constant 76 : i32
    %eq3A_2588 = vector.broadcast %eq3A_2587 : i32 to vector<1x128xi32>
    %eq3A_2589 = arith.cmpi eq, %iota3A, %eq3A_2588 : vector<1x128xi32>
    %jit3A_2590 = arith.constant 1.000000e+00 : f32
    %jit3A_2591 = arith.constant 0.000000e+00 : f32
    %broadcast_in_dim3A_2592 = vector.broadcast %jit3A_2590 : f32 to vector<1x128xf32>
    %broadcast_in_dim3A_2593 = vector.broadcast %jit3A_2591 : f32 to vector<1x128xf32>
    %select_n3A_2594 = arith.select %eq3A_2589, %broadcast_in_dim3A_2592, %broadcast_in_dim3A_2593 : vector<1x128xi1>, vector<1x128xf32>
    %mul3A_2595 = arith.mulf %max3A_2586, %select_n3A_2594 : vector<1x128xf32>
    %reduce_sum3A_2596 = arith.constant dense<0.000000e+00> : vector<1xf32>
    %reduce_sum3A_2597 = vector.multi_reduction <add>, %mul3A_2595, %reduce_sum3A_2596 [1] : vector<1x128xf32> to vector<1xf32>
    %broadcast_in_dim3A_2598 = vector.shape_cast %reduce_sum3A_2597 : vector<1xf32> to vector<1x1xf32>
    %sub3A_2599 = arith.constant 1.000000e+00 : f32
    %sub3A_2600 = vector.broadcast %sub3A_2599 : f32 to vector<1x1xf32>
    %sub3A_2601 = arith.subf %sub3A_2600, %broadcast_in_dim3A_2598 : vector<1x1xf32>
    %swap3A_2602 = arith.constant 76 : index
    %swap3A_2603 = arith.constant 0 : index
    %swap3A_2604 = vector.load %arg12[%swap3A_2602, %swap3A_2603] : memref<128x1xf32, #tpu.memory_space<vmem>>, vector<1x1xf32>
    tpu.vector_store %arg12[%swap3A_2602, %swap3A_2603], %sub3A_2601 {strides = array<i32>} : memref<128x1xf32, #tpu.memory_space<vmem>>, vector<1x1xf32>,
    %get3A_2605 = arith.constant 76 : index
    %get3A_2606 = arith.constant 0 : index
    %get3A_2607 = vector.load %arg11[%get3A_2605, %get3A_2606] : memref<128x128xf32, #tpu.memory_space<vmem>>, vector<1x128xf32>
    %gt3A_2608 = arith.constant 76 : i32
    %gt3A_2609 = vector.broadcast %gt3A_2608 : i32 to vector<1x128xi32>
    %gt3A_2610 = arith.cmpi sgt, %iota3A, %gt3A_2609 : vector<1x128xi32>
    %jit3A_2611 = arith.constant 1.000000e+00 : f32
    %jit3A_2612 = arith.constant 0.000000e+00 : f32
    %broadcast_in_dim3A_2613 = vector.broadcast %jit3A_2611 : f32 to vector<1x128xf32>
    %broadcast_in_dim3A_2614 = vector.broadcast %jit3A_2612 : f32 to vector<1x128xf32>
    %select_n3A_2615 = arith.select %gt3A_2610, %broadcast_in_dim3A_2613, %broadcast_in_dim3A_2614 : vector<1x128xi1>, vector<1x128xf32>
    %mul3A_2616 = arith.mulf %get3A_2607, %select_n3A_2615 : vector<1x128xf32>
    %mul3A_2617 = vector.broadcast %sub3A_2601 : vector<1x1xf32> to vector<1x128xf32>
    %mul3A_2618 = arith.mulf %mul3A_2616, %mul3A_2617 : vector<1x128xf32>
    %max3A_2619 = arith.maximumf %max3A_2586, %mul3A_2618 : vector<1x128xf32>
    %eq3A_2620 = arith.constant 77 : i32
    %eq3A_2621 = vector.broadcast %eq3A_2620 : i32 to vector<1x128xi32>
    %eq3A_2622 = arith.cmpi eq, %iota3A, %eq3A_2621 : vector<1x128xi32>
    %jit3A_2623 = arith.constant 1.000000e+00 : f32
    %jit3A_2624 = arith.constant 0.000000e+00 : f32
    %broadcast_in_dim3A_2625 = vector.broadcast %jit3A_2623 : f32 to vector<1x128xf32>
    %broadcast_in_dim3A_2626 = vector.broadcast %jit3A_2624 : f32 to vector<1x128xf32>
    %select_n3A_2627 = arith.select %eq3A_2622, %broadcast_in_dim3A_2625, %broadcast_in_dim3A_2626 : vector<1x128xi1>, vector<1x128xf32>
    %mul3A_2628 = arith.mulf %max3A_2619, %select_n3A_2627 : vector<1x128xf32>
    %reduce_sum3A_2629 = arith.constant dense<0.000000e+00> : vector<1xf32>
    %reduce_sum3A_2630 = vector.multi_reduction <add>, %mul3A_2628, %reduce_sum3A_2629 [1] : vector<1x128xf32> to vector<1xf32>
    %broadcast_in_dim3A_2631 = vector.shape_cast %reduce_sum3A_2630 : vector<1xf32> to vector<1x1xf32>
    %sub3A_2632 = arith.constant 1.000000e+00 : f32
    %sub3A_2633 = vector.broadcast %sub3A_2632 : f32 to vector<1x1xf32>
    %sub3A_2634 = arith.subf %sub3A_2633, %broadcast_in_dim3A_2631 : vector<1x1xf32>
    %swap3A_2635 = arith.constant 77 : index
    %swap3A_2636 = arith.constant 0 : index
    %swap3A_2637 = vector.load %arg12[%swap3A_2635, %swap3A_2636] : memref<128x1xf32, #tpu.memory_space<vmem>>, vector<1x1xf32>
    tpu.vector_store %arg12[%swap3A_2635, %swap3A_2636], %sub3A_2634 {strides = array<i32>} : memref<128x1xf32, #tpu.memory_space<vmem>>, vector<1x1xf32>,
    %get3A_2638 = arith.constant 77 : index
    %get3A_2639 = arith.constant 0 : index
    %get3A_2640 = vector.load %arg11[%get3A_2638, %get3A_2639] : memref<128x128xf32, #tpu.memory_space<vmem>>, vector<1x128xf32>
    %gt3A_2641 = arith.constant 77 : i32
    %gt3A_2642 = vector.broadcast %gt3A_2641 : i32 to vector<1x128xi32>
    %gt3A_2643 = arith.cmpi sgt, %iota3A, %gt3A_2642 : vector<1x128xi32>
    %jit3A_2644 = arith.constant 1.000000e+00 : f32
    %jit3A_2645 = arith.constant 0.000000e+00 : f32
    %broadcast_in_dim3A_2646 = vector.broadcast %jit3A_2644 : f32 to vector<1x128xf32>
    %broadcast_in_dim3A_2647 = vector.broadcast %jit3A_2645 : f32 to vector<1x128xf32>
    %select_n3A_2648 = arith.select %gt3A_2643, %broadcast_in_dim3A_2646, %broadcast_in_dim3A_2647 : vector<1x128xi1>, vector<1x128xf32>
    %mul3A_2649 = arith.mulf %get3A_2640, %select_n3A_2648 : vector<1x128xf32>
    %mul3A_2650 = vector.broadcast %sub3A_2634 : vector<1x1xf32> to vector<1x128xf32>
    %mul3A_2651 = arith.mulf %mul3A_2649, %mul3A_2650 : vector<1x128xf32>
    %max3A_2652 = arith.maximumf %max3A_2619, %mul3A_2651 : vector<1x128xf32>
    %eq3A_2653 = arith.constant 78 : i32
    %eq3A_2654 = vector.broadcast %eq3A_2653 : i32 to vector<1x128xi32>
    %eq3A_2655 = arith.cmpi eq, %iota3A, %eq3A_2654 : vector<1x128xi32>
    %jit3A_2656 = arith.constant 1.000000e+00 : f32
    %jit3A_2657 = arith.constant 0.000000e+00 : f32
    %broadcast_in_dim3A_2658 = vector.broadcast %jit3A_2656 : f32 to vector<1x128xf32>
    %broadcast_in_dim3A_2659 = vector.broadcast %jit3A_2657 : f32 to vector<1x128xf32>
    %select_n3A_2660 = arith.select %eq3A_2655, %broadcast_in_dim3A_2658, %broadcast_in_dim3A_2659 : vector<1x128xi1>, vector<1x128xf32>
    %mul3A_2661 = arith.mulf %max3A_2652, %select_n3A_2660 : vector<1x128xf32>
    %reduce_sum3A_2662 = arith.constant dense<0.000000e+00> : vector<1xf32>
    %reduce_sum3A_2663 = vector.multi_reduction <add>, %mul3A_2661, %reduce_sum3A_2662 [1] : vector<1x128xf32> to vector<1xf32>
    %broadcast_in_dim3A_2664 = vector.shape_cast %reduce_sum3A_2663 : vector<1xf32> to vector<1x1xf32>
    %sub3A_2665 = arith.constant 1.000000e+00 : f32
    %sub3A_2666 = vector.broadcast %sub3A_2665 : f32 to vector<1x1xf32>
    %sub3A_2667 = arith.subf %sub3A_2666, %broadcast_in_dim3A_2664 : vector<1x1xf32>
    %swap3A_2668 = arith.constant 78 : index
    %swap3A_2669 = arith.constant 0 : index
    %swap3A_2670 = vector.load %arg12[%swap3A_2668, %swap3A_2669] : memref<128x1xf32, #tpu.memory_space<vmem>>, vector<1x1xf32>
    tpu.vector_store %arg12[%swap3A_2668, %swap3A_2669], %sub3A_2667 {strides = array<i32>} : memref<128x1xf32, #tpu.memory_space<vmem>>, vector<1x1xf32>,
    %get3A_2671 = arith.constant 78 : index
    %get3A_2672 = arith.constant 0 : index
    %get3A_2673 = vector.load %arg11[%get3A_2671, %get3A_2672] : memref<128x128xf32, #tpu.memory_space<vmem>>, vector<1x128xf32>
    %gt3A_2674 = arith.constant 78 : i32
    %gt3A_2675 = vector.broadcast %gt3A_2674 : i32 to vector<1x128xi32>
    %gt3A_2676 = arith.cmpi sgt, %iota3A, %gt3A_2675 : vector<1x128xi32>
    %jit3A_2677 = arith.constant 1.000000e+00 : f32
    %jit3A_2678 = arith.constant 0.000000e+00 : f32
    %broadcast_in_dim3A_2679 = vector.broadcast %jit3A_2677 : f32 to vector<1x128xf32>
    %broadcast_in_dim3A_2680 = vector.broadcast %jit3A_2678 : f32 to vector<1x128xf32>
    %select_n3A_2681 = arith.select %gt3A_2676, %broadcast_in_dim3A_2679, %broadcast_in_dim3A_2680 : vector<1x128xi1>, vector<1x128xf32>
    %mul3A_2682 = arith.mulf %get3A_2673, %select_n3A_2681 : vector<1x128xf32>
    %mul3A_2683 = vector.broadcast %sub3A_2667 : vector<1x1xf32> to vector<1x128xf32>
    %mul3A_2684 = arith.mulf %mul3A_2682, %mul3A_2683 : vector<1x128xf32>
    %max3A_2685 = arith.maximumf %max3A_2652, %mul3A_2684 : vector<1x128xf32>
    %eq3A_2686 = arith.constant 79 : i32
    %eq3A_2687 = vector.broadcast %eq3A_2686 : i32 to vector<1x128xi32>
    %eq3A_2688 = arith.cmpi eq, %iota3A, %eq3A_2687 : vector<1x128xi32>
    %jit3A_2689 = arith.constant 1.000000e+00 : f32
    %jit3A_2690 = arith.constant 0.000000e+00 : f32
    %broadcast_in_dim3A_2691 = vector.broadcast %jit3A_2689 : f32 to vector<1x128xf32>
    %broadcast_in_dim3A_2692 = vector.broadcast %jit3A_2690 : f32 to vector<1x128xf32>
    %select_n3A_2693 = arith.select %eq3A_2688, %broadcast_in_dim3A_2691, %broadcast_in_dim3A_2692 : vector<1x128xi1>, vector<1x128xf32>
    %mul3A_2694 = arith.mulf %max3A_2685, %select_n3A_2693 : vector<1x128xf32>
    %reduce_sum3A_2695 = arith.constant dense<0.000000e+00> : vector<1xf32>
    %reduce_sum3A_2696 = vector.multi_reduction <add>, %mul3A_2694, %reduce_sum3A_2695 [1] : vector<1x128xf32> to vector<1xf32>
    %broadcast_in_dim3A_2697 = vector.shape_cast %reduce_sum3A_2696 : vector<1xf32> to vector<1x1xf32>
    %sub3A_2698 = arith.constant 1.000000e+00 : f32
    %sub3A_2699 = vector.broadcast %sub3A_2698 : f32 to vector<1x1xf32>
    %sub3A_2700 = arith.subf %sub3A_2699, %broadcast_in_dim3A_2697 : vector<1x1xf32>
    %swap3A_2701 = arith.constant 79 : index
    %swap3A_2702 = arith.constant 0 : index
    %swap3A_2703 = vector.load %arg12[%swap3A_2701, %swap3A_2702] : memref<128x1xf32, #tpu.memory_space<vmem>>, vector<1x1xf32>
    tpu.vector_store %arg12[%swap3A_2701, %swap3A_2702], %sub3A_2700 {strides = array<i32>} : memref<128x1xf32, #tpu.memory_space<vmem>>, vector<1x1xf32>,
    %get3A_2704 = arith.constant 79 : index
    %get3A_2705 = arith.constant 0 : index
    %get3A_2706 = vector.load %arg11[%get3A_2704, %get3A_2705] : memref<128x128xf32, #tpu.memory_space<vmem>>, vector<1x128xf32>
    %gt3A_2707 = arith.constant 79 : i32
    %gt3A_2708 = vector.broadcast %gt3A_2707 : i32 to vector<1x128xi32>
    %gt3A_2709 = arith.cmpi sgt, %iota3A, %gt3A_2708 : vector<1x128xi32>
    %jit3A_2710 = arith.constant 1.000000e+00 : f32
    %jit3A_2711 = arith.constant 0.000000e+00 : f32
    %broadcast_in_dim3A_2712 = vector.broadcast %jit3A_2710 : f32 to vector<1x128xf32>
    %broadcast_in_dim3A_2713 = vector.broadcast %jit3A_2711 : f32 to vector<1x128xf32>
    %select_n3A_2714 = arith.select %gt3A_2709, %broadcast_in_dim3A_2712, %broadcast_in_dim3A_2713 : vector<1x128xi1>, vector<1x128xf32>
    %mul3A_2715 = arith.mulf %get3A_2706, %select_n3A_2714 : vector<1x128xf32>
    %mul3A_2716 = vector.broadcast %sub3A_2700 : vector<1x1xf32> to vector<1x128xf32>
    %mul3A_2717 = arith.mulf %mul3A_2715, %mul3A_2716 : vector<1x128xf32>
    %max3A_2718 = arith.maximumf %max3A_2685, %mul3A_2717 : vector<1x128xf32>
    %eq3A_2719 = arith.constant 80 : i32
    %eq3A_2720 = vector.broadcast %eq3A_2719 : i32 to vector<1x128xi32>
    %eq3A_2721 = arith.cmpi eq, %iota3A, %eq3A_2720 : vector<1x128xi32>
    %jit3A_2722 = arith.constant 1.000000e+00 : f32
    %jit3A_2723 = arith.constant 0.000000e+00 : f32
    %broadcast_in_dim3A_2724 = vector.broadcast %jit3A_2722 : f32 to vector<1x128xf32>
    %broadcast_in_dim3A_2725 = vector.broadcast %jit3A_2723 : f32 to vector<1x128xf32>
    %select_n3A_2726 = arith.select %eq3A_2721, %broadcast_in_dim3A_2724, %broadcast_in_dim3A_2725 : vector<1x128xi1>, vector<1x128xf32>
    %mul3A_2727 = arith.mulf %max3A_2718, %select_n3A_2726 : vector<1x128xf32>
    %reduce_sum3A_2728 = arith.constant dense<0.000000e+00> : vector<1xf32>
    %reduce_sum3A_2729 = vector.multi_reduction <add>, %mul3A_2727, %reduce_sum3A_2728 [1] : vector<1x128xf32> to vector<1xf32>
    %broadcast_in_dim3A_2730 = vector.shape_cast %reduce_sum3A_2729 : vector<1xf32> to vector<1x1xf32>
    %sub3A_2731 = arith.constant 1.000000e+00 : f32
    %sub3A_2732 = vector.broadcast %sub3A_2731 : f32 to vector<1x1xf32>
    %sub3A_2733 = arith.subf %sub3A_2732, %broadcast_in_dim3A_2730 : vector<1x1xf32>
    %swap3A_2734 = arith.constant 80 : index
    %swap3A_2735 = arith.constant 0 : index
    %swap3A_2736 = vector.load %arg12[%swap3A_2734, %swap3A_2735] : memref<128x1xf32, #tpu.memory_space<vmem>>, vector<1x1xf32>
    tpu.vector_store %arg12[%swap3A_2734, %swap3A_2735], %sub3A_2733 {strides = array<i32>} : memref<128x1xf32, #tpu.memory_space<vmem>>, vector<1x1xf32>,
    %get3A_2737 = arith.constant 80 : index
    %get3A_2738 = arith.constant 0 : index
    %get3A_2739 = vector.load %arg11[%get3A_2737, %get3A_2738] : memref<128x128xf32, #tpu.memory_space<vmem>>, vector<1x128xf32>
    %gt3A_2740 = arith.constant 80 : i32
    %gt3A_2741 = vector.broadcast %gt3A_2740 : i32 to vector<1x128xi32>
    %gt3A_2742 = arith.cmpi sgt, %iota3A, %gt3A_2741 : vector<1x128xi32>
    %jit3A_2743 = arith.constant 1.000000e+00 : f32
    %jit3A_2744 = arith.constant 0.000000e+00 : f32
    %broadcast_in_dim3A_2745 = vector.broadcast %jit3A_2743 : f32 to vector<1x128xf32>
    %broadcast_in_dim3A_2746 = vector.broadcast %jit3A_2744 : f32 to vector<1x128xf32>
    %select_n3A_2747 = arith.select %gt3A_2742, %broadcast_in_dim3A_2745, %broadcast_in_dim3A_2746 : vector<1x128xi1>, vector<1x128xf32>
    %mul3A_2748 = arith.mulf %get3A_2739, %select_n3A_2747 : vector<1x128xf32>
    %mul3A_2749 = vector.broadcast %sub3A_2733 : vector<1x1xf32> to vector<1x128xf32>
    %mul3A_2750 = arith.mulf %mul3A_2748, %mul3A_2749 : vector<1x128xf32>
    %max3A_2751 = arith.maximumf %max3A_2718, %mul3A_2750 : vector<1x128xf32>
    %eq3A_2752 = arith.constant 81 : i32
    %eq3A_2753 = vector.broadcast %eq3A_2752 : i32 to vector<1x128xi32>
    %eq3A_2754 = arith.cmpi eq, %iota3A, %eq3A_2753 : vector<1x128xi32>
    %jit3A_2755 = arith.constant 1.000000e+00 : f32
    %jit3A_2756 = arith.constant 0.000000e+00 : f32
    %broadcast_in_dim3A_2757 = vector.broadcast %jit3A_2755 : f32 to vector<1x128xf32>
    %broadcast_in_dim3A_2758 = vector.broadcast %jit3A_2756 : f32 to vector<1x128xf32>
    %select_n3A_2759 = arith.select %eq3A_2754, %broadcast_in_dim3A_2757, %broadcast_in_dim3A_2758 : vector<1x128xi1>, vector<1x128xf32>
    %mul3A_2760 = arith.mulf %max3A_2751, %select_n3A_2759 : vector<1x128xf32>
    %reduce_sum3A_2761 = arith.constant dense<0.000000e+00> : vector<1xf32>
    %reduce_sum3A_2762 = vector.multi_reduction <add>, %mul3A_2760, %reduce_sum3A_2761 [1] : vector<1x128xf32> to vector<1xf32>
    %broadcast_in_dim3A_2763 = vector.shape_cast %reduce_sum3A_2762 : vector<1xf32> to vector<1x1xf32>
    %sub3A_2764 = arith.constant 1.000000e+00 : f32
    %sub3A_2765 = vector.broadcast %sub3A_2764 : f32 to vector<1x1xf32>
    %sub3A_2766 = arith.subf %sub3A_2765, %broadcast_in_dim3A_2763 : vector<1x1xf32>
    %swap3A_2767 = arith.constant 81 : index
    %swap3A_2768 = arith.constant 0 : index
    %swap3A_2769 = vector.load %arg12[%swap3A_2767, %swap3A_2768] : memref<128x1xf32, #tpu.memory_space<vmem>>, vector<1x1xf32>
    tpu.vector_store %arg12[%swap3A_2767, %swap3A_2768], %sub3A_2766 {strides = array<i32>} : memref<128x1xf32, #tpu.memory_space<vmem>>, vector<1x1xf32>,
    %get3A_2770 = arith.constant 81 : index
    %get3A_2771 = arith.constant 0 : index
    %get3A_2772 = vector.load %arg11[%get3A_2770, %get3A_2771] : memref<128x128xf32, #tpu.memory_space<vmem>>, vector<1x128xf32>
    %gt3A_2773 = arith.constant 81 : i32
    %gt3A_2774 = vector.broadcast %gt3A_2773 : i32 to vector<1x128xi32>
    %gt3A_2775 = arith.cmpi sgt, %iota3A, %gt3A_2774 : vector<1x128xi32>
    %jit3A_2776 = arith.constant 1.000000e+00 : f32
    %jit3A_2777 = arith.constant 0.000000e+00 : f32
    %broadcast_in_dim3A_2778 = vector.broadcast %jit3A_2776 : f32 to vector<1x128xf32>
    %broadcast_in_dim3A_2779 = vector.broadcast %jit3A_2777 : f32 to vector<1x128xf32>
    %select_n3A_2780 = arith.select %gt3A_2775, %broadcast_in_dim3A_2778, %broadcast_in_dim3A_2779 : vector<1x128xi1>, vector<1x128xf32>
    %mul3A_2781 = arith.mulf %get3A_2772, %select_n3A_2780 : vector<1x128xf32>
    %mul3A_2782 = vector.broadcast %sub3A_2766 : vector<1x1xf32> to vector<1x128xf32>
    %mul3A_2783 = arith.mulf %mul3A_2781, %mul3A_2782 : vector<1x128xf32>
    %max3A_2784 = arith.maximumf %max3A_2751, %mul3A_2783 : vector<1x128xf32>
    %eq3A_2785 = arith.constant 82 : i32
    %eq3A_2786 = vector.broadcast %eq3A_2785 : i32 to vector<1x128xi32>
    %eq3A_2787 = arith.cmpi eq, %iota3A, %eq3A_2786 : vector<1x128xi32>
    %jit3A_2788 = arith.constant 1.000000e+00 : f32
    %jit3A_2789 = arith.constant 0.000000e+00 : f32
    %broadcast_in_dim3A_2790 = vector.broadcast %jit3A_2788 : f32 to vector<1x128xf32>
    %broadcast_in_dim3A_2791 = vector.broadcast %jit3A_2789 : f32 to vector<1x128xf32>
    %select_n3A_2792 = arith.select %eq3A_2787, %broadcast_in_dim3A_2790, %broadcast_in_dim3A_2791 : vector<1x128xi1>, vector<1x128xf32>
    %mul3A_2793 = arith.mulf %max3A_2784, %select_n3A_2792 : vector<1x128xf32>
    %reduce_sum3A_2794 = arith.constant dense<0.000000e+00> : vector<1xf32>
    %reduce_sum3A_2795 = vector.multi_reduction <add>, %mul3A_2793, %reduce_sum3A_2794 [1] : vector<1x128xf32> to vector<1xf32>
    %broadcast_in_dim3A_2796 = vector.shape_cast %reduce_sum3A_2795 : vector<1xf32> to vector<1x1xf32>
    %sub3A_2797 = arith.constant 1.000000e+00 : f32
    %sub3A_2798 = vector.broadcast %sub3A_2797 : f32 to vector<1x1xf32>
    %sub3A_2799 = arith.subf %sub3A_2798, %broadcast_in_dim3A_2796 : vector<1x1xf32>
    %swap3A_2800 = arith.constant 82 : index
    %swap3A_2801 = arith.constant 0 : index
    %swap3A_2802 = vector.load %arg12[%swap3A_2800, %swap3A_2801] : memref<128x1xf32, #tpu.memory_space<vmem>>, vector<1x1xf32>
    tpu.vector_store %arg12[%swap3A_2800, %swap3A_2801], %sub3A_2799 {strides = array<i32>} : memref<128x1xf32, #tpu.memory_space<vmem>>, vector<1x1xf32>,
    %get3A_2803 = arith.constant 82 : index
    %get3A_2804 = arith.constant 0 : index
    %get3A_2805 = vector.load %arg11[%get3A_2803, %get3A_2804] : memref<128x128xf32, #tpu.memory_space<vmem>>, vector<1x128xf32>
    %gt3A_2806 = arith.constant 82 : i32
    %gt3A_2807 = vector.broadcast %gt3A_2806 : i32 to vector<1x128xi32>
    %gt3A_2808 = arith.cmpi sgt, %iota3A, %gt3A_2807 : vector<1x128xi32>
    %jit3A_2809 = arith.constant 1.000000e+00 : f32
    %jit3A_2810 = arith.constant 0.000000e+00 : f32
    %broadcast_in_dim3A_2811 = vector.broadcast %jit3A_2809 : f32 to vector<1x128xf32>
    %broadcast_in_dim3A_2812 = vector.broadcast %jit3A_2810 : f32 to vector<1x128xf32>
    %select_n3A_2813 = arith.select %gt3A_2808, %broadcast_in_dim3A_2811, %broadcast_in_dim3A_2812 : vector<1x128xi1>, vector<1x128xf32>
    %mul3A_2814 = arith.mulf %get3A_2805, %select_n3A_2813 : vector<1x128xf32>
    %mul3A_2815 = vector.broadcast %sub3A_2799 : vector<1x1xf32> to vector<1x128xf32>
    %mul3A_2816 = arith.mulf %mul3A_2814, %mul3A_2815 : vector<1x128xf32>
    %max3A_2817 = arith.maximumf %max3A_2784, %mul3A_2816 : vector<1x128xf32>
    %eq3A_2818 = arith.constant 83 : i32
    %eq3A_2819 = vector.broadcast %eq3A_2818 : i32 to vector<1x128xi32>
    %eq3A_2820 = arith.cmpi eq, %iota3A, %eq3A_2819 : vector<1x128xi32>
    %jit3A_2821 = arith.constant 1.000000e+00 : f32
    %jit3A_2822 = arith.constant 0.000000e+00 : f32
    %broadcast_in_dim3A_2823 = vector.broadcast %jit3A_2821 : f32 to vector<1x128xf32>
    %broadcast_in_dim3A_2824 = vector.broadcast %jit3A_2822 : f32 to vector<1x128xf32>
    %select_n3A_2825 = arith.select %eq3A_2820, %broadcast_in_dim3A_2823, %broadcast_in_dim3A_2824 : vector<1x128xi1>, vector<1x128xf32>
    %mul3A_2826 = arith.mulf %max3A_2817, %select_n3A_2825 : vector<1x128xf32>
    %reduce_sum3A_2827 = arith.constant dense<0.000000e+00> : vector<1xf32>
    %reduce_sum3A_2828 = vector.multi_reduction <add>, %mul3A_2826, %reduce_sum3A_2827 [1] : vector<1x128xf32> to vector<1xf32>
    %broadcast_in_dim3A_2829 = vector.shape_cast %reduce_sum3A_2828 : vector<1xf32> to vector<1x1xf32>
    %sub3A_2830 = arith.constant 1.000000e+00 : f32
    %sub3A_2831 = vector.broadcast %sub3A_2830 : f32 to vector<1x1xf32>
    %sub3A_2832 = arith.subf %sub3A_2831, %broadcast_in_dim3A_2829 : vector<1x1xf32>
    %swap3A_2833 = arith.constant 83 : index
    %swap3A_2834 = arith.constant 0 : index
    %swap3A_2835 = vector.load %arg12[%swap3A_2833, %swap3A_2834] : memref<128x1xf32, #tpu.memory_space<vmem>>, vector<1x1xf32>
    tpu.vector_store %arg12[%swap3A_2833, %swap3A_2834], %sub3A_2832 {strides = array<i32>} : memref<128x1xf32, #tpu.memory_space<vmem>>, vector<1x1xf32>,
    %get3A_2836 = arith.constant 83 : index
    %get3A_2837 = arith.constant 0 : index
    %get3A_2838 = vector.load %arg11[%get3A_2836, %get3A_2837] : memref<128x128xf32, #tpu.memory_space<vmem>>, vector<1x128xf32>
    %gt3A_2839 = arith.constant 83 : i32
    %gt3A_2840 = vector.broadcast %gt3A_2839 : i32 to vector<1x128xi32>
    %gt3A_2841 = arith.cmpi sgt, %iota3A, %gt3A_2840 : vector<1x128xi32>
    %jit3A_2842 = arith.constant 1.000000e+00 : f32
    %jit3A_2843 = arith.constant 0.000000e+00 : f32
    %broadcast_in_dim3A_2844 = vector.broadcast %jit3A_2842 : f32 to vector<1x128xf32>
    %broadcast_in_dim3A_2845 = vector.broadcast %jit3A_2843 : f32 to vector<1x128xf32>
    %select_n3A_2846 = arith.select %gt3A_2841, %broadcast_in_dim3A_2844, %broadcast_in_dim3A_2845 : vector<1x128xi1>, vector<1x128xf32>
    %mul3A_2847 = arith.mulf %get3A_2838, %select_n3A_2846 : vector<1x128xf32>
    %mul3A_2848 = vector.broadcast %sub3A_2832 : vector<1x1xf32> to vector<1x128xf32>
    %mul3A_2849 = arith.mulf %mul3A_2847, %mul3A_2848 : vector<1x128xf32>
    %max3A_2850 = arith.maximumf %max3A_2817, %mul3A_2849 : vector<1x128xf32>
    %eq3A_2851 = arith.constant 84 : i32
    %eq3A_2852 = vector.broadcast %eq3A_2851 : i32 to vector<1x128xi32>
    %eq3A_2853 = arith.cmpi eq, %iota3A, %eq3A_2852 : vector<1x128xi32>
    %jit3A_2854 = arith.constant 1.000000e+00 : f32
    %jit3A_2855 = arith.constant 0.000000e+00 : f32
    %broadcast_in_dim3A_2856 = vector.broadcast %jit3A_2854 : f32 to vector<1x128xf32>
    %broadcast_in_dim3A_2857 = vector.broadcast %jit3A_2855 : f32 to vector<1x128xf32>
    %select_n3A_2858 = arith.select %eq3A_2853, %broadcast_in_dim3A_2856, %broadcast_in_dim3A_2857 : vector<1x128xi1>, vector<1x128xf32>
    %mul3A_2859 = arith.mulf %max3A_2850, %select_n3A_2858 : vector<1x128xf32>
    %reduce_sum3A_2860 = arith.constant dense<0.000000e+00> : vector<1xf32>
    %reduce_sum3A_2861 = vector.multi_reduction <add>, %mul3A_2859, %reduce_sum3A_2860 [1] : vector<1x128xf32> to vector<1xf32>
    %broadcast_in_dim3A_2862 = vector.shape_cast %reduce_sum3A_2861 : vector<1xf32> to vector<1x1xf32>
    %sub3A_2863 = arith.constant 1.000000e+00 : f32
    %sub3A_2864 = vector.broadcast %sub3A_2863 : f32 to vector<1x1xf32>
    %sub3A_2865 = arith.subf %sub3A_2864, %broadcast_in_dim3A_2862 : vector<1x1xf32>
    %swap3A_2866 = arith.constant 84 : index
    %swap3A_2867 = arith.constant 0 : index
    %swap3A_2868 = vector.load %arg12[%swap3A_2866, %swap3A_2867] : memref<128x1xf32, #tpu.memory_space<vmem>>, vector<1x1xf32>
    tpu.vector_store %arg12[%swap3A_2866, %swap3A_2867], %sub3A_2865 {strides = array<i32>} : memref<128x1xf32, #tpu.memory_space<vmem>>, vector<1x1xf32>,
    %get3A_2869 = arith.constant 84 : index
    %get3A_2870 = arith.constant 0 : index
    %get3A_2871 = vector.load %arg11[%get3A_2869, %get3A_2870] : memref<128x128xf32, #tpu.memory_space<vmem>>, vector<1x128xf32>
    %gt3A_2872 = arith.constant 84 : i32
    %gt3A_2873 = vector.broadcast %gt3A_2872 : i32 to vector<1x128xi32>
    %gt3A_2874 = arith.cmpi sgt, %iota3A, %gt3A_2873 : vector<1x128xi32>
    %jit3A_2875 = arith.constant 1.000000e+00 : f32
    %jit3A_2876 = arith.constant 0.000000e+00 : f32
    %broadcast_in_dim3A_2877 = vector.broadcast %jit3A_2875 : f32 to vector<1x128xf32>
    %broadcast_in_dim3A_2878 = vector.broadcast %jit3A_2876 : f32 to vector<1x128xf32>
    %select_n3A_2879 = arith.select %gt3A_2874, %broadcast_in_dim3A_2877, %broadcast_in_dim3A_2878 : vector<1x128xi1>, vector<1x128xf32>
    %mul3A_2880 = arith.mulf %get3A_2871, %select_n3A_2879 : vector<1x128xf32>
    %mul3A_2881 = vector.broadcast %sub3A_2865 : vector<1x1xf32> to vector<1x128xf32>
    %mul3A_2882 = arith.mulf %mul3A_2880, %mul3A_2881 : vector<1x128xf32>
    %max3A_2883 = arith.maximumf %max3A_2850, %mul3A_2882 : vector<1x128xf32>
    %eq3A_2884 = arith.constant 85 : i32
    %eq3A_2885 = vector.broadcast %eq3A_2884 : i32 to vector<1x128xi32>
    %eq3A_2886 = arith.cmpi eq, %iota3A, %eq3A_2885 : vector<1x128xi32>
    %jit3A_2887 = arith.constant 1.000000e+00 : f32
    %jit3A_2888 = arith.constant 0.000000e+00 : f32
    %broadcast_in_dim3A_2889 = vector.broadcast %jit3A_2887 : f32 to vector<1x128xf32>
    %broadcast_in_dim3A_2890 = vector.broadcast %jit3A_2888 : f32 to vector<1x128xf32>
    %select_n3A_2891 = arith.select %eq3A_2886, %broadcast_in_dim3A_2889, %broadcast_in_dim3A_2890 : vector<1x128xi1>, vector<1x128xf32>
    %mul3A_2892 = arith.mulf %max3A_2883, %select_n3A_2891 : vector<1x128xf32>
    %reduce_sum3A_2893 = arith.constant dense<0.000000e+00> : vector<1xf32>
    %reduce_sum3A_2894 = vector.multi_reduction <add>, %mul3A_2892, %reduce_sum3A_2893 [1] : vector<1x128xf32> to vector<1xf32>
    %broadcast_in_dim3A_2895 = vector.shape_cast %reduce_sum3A_2894 : vector<1xf32> to vector<1x1xf32>
    %sub3A_2896 = arith.constant 1.000000e+00 : f32
    %sub3A_2897 = vector.broadcast %sub3A_2896 : f32 to vector<1x1xf32>
    %sub3A_2898 = arith.subf %sub3A_2897, %broadcast_in_dim3A_2895 : vector<1x1xf32>
    %swap3A_2899 = arith.constant 85 : index
    %swap3A_2900 = arith.constant 0 : index
    %swap3A_2901 = vector.load %arg12[%swap3A_2899, %swap3A_2900] : memref<128x1xf32, #tpu.memory_space<vmem>>, vector<1x1xf32>
    tpu.vector_store %arg12[%swap3A_2899, %swap3A_2900], %sub3A_2898 {strides = array<i32>} : memref<128x1xf32, #tpu.memory_space<vmem>>, vector<1x1xf32>,
    %get3A_2902 = arith.constant 85 : index
    %get3A_2903 = arith.constant 0 : index
    %get3A_2904 = vector.load %arg11[%get3A_2902, %get3A_2903] : memref<128x128xf32, #tpu.memory_space<vmem>>, vector<1x128xf32>
    %gt3A_2905 = arith.constant 85 : i32
    %gt3A_2906 = vector.broadcast %gt3A_2905 : i32 to vector<1x128xi32>
    %gt3A_2907 = arith.cmpi sgt, %iota3A, %gt3A_2906 : vector<1x128xi32>
    %jit3A_2908 = arith.constant 1.000000e+00 : f32
    %jit3A_2909 = arith.constant 0.000000e+00 : f32
    %broadcast_in_dim3A_2910 = vector.broadcast %jit3A_2908 : f32 to vector<1x128xf32>
    %broadcast_in_dim3A_2911 = vector.broadcast %jit3A_2909 : f32 to vector<1x128xf32>
    %select_n3A_2912 = arith.select %gt3A_2907, %broadcast_in_dim3A_2910, %broadcast_in_dim3A_2911 : vector<1x128xi1>, vector<1x128xf32>
    %mul3A_2913 = arith.mulf %get3A_2904, %select_n3A_2912 : vector<1x128xf32>
    %mul3A_2914 = vector.broadcast %sub3A_2898 : vector<1x1xf32> to vector<1x128xf32>
    %mul3A_2915 = arith.mulf %mul3A_2913, %mul3A_2914 : vector<1x128xf32>
    %max3A_2916 = arith.maximumf %max3A_2883, %mul3A_2915 : vector<1x128xf32>
    %eq3A_2917 = arith.constant 86 : i32
    %eq3A_2918 = vector.broadcast %eq3A_2917 : i32 to vector<1x128xi32>
    %eq3A_2919 = arith.cmpi eq, %iota3A, %eq3A_2918 : vector<1x128xi32>
    %jit3A_2920 = arith.constant 1.000000e+00 : f32
    %jit3A_2921 = arith.constant 0.000000e+00 : f32
    %broadcast_in_dim3A_2922 = vector.broadcast %jit3A_2920 : f32 to vector<1x128xf32>
    %broadcast_in_dim3A_2923 = vector.broadcast %jit3A_2921 : f32 to vector<1x128xf32>
    %select_n3A_2924 = arith.select %eq3A_2919, %broadcast_in_dim3A_2922, %broadcast_in_dim3A_2923 : vector<1x128xi1>, vector<1x128xf32>
    %mul3A_2925 = arith.mulf %max3A_2916, %select_n3A_2924 : vector<1x128xf32>
    %reduce_sum3A_2926 = arith.constant dense<0.000000e+00> : vector<1xf32>
    %reduce_sum3A_2927 = vector.multi_reduction <add>, %mul3A_2925, %reduce_sum3A_2926 [1] : vector<1x128xf32> to vector<1xf32>
    %broadcast_in_dim3A_2928 = vector.shape_cast %reduce_sum3A_2927 : vector<1xf32> to vector<1x1xf32>
    %sub3A_2929 = arith.constant 1.000000e+00 : f32
    %sub3A_2930 = vector.broadcast %sub3A_2929 : f32 to vector<1x1xf32>
    %sub3A_2931 = arith.subf %sub3A_2930, %broadcast_in_dim3A_2928 : vector<1x1xf32>
    %swap3A_2932 = arith.constant 86 : index
    %swap3A_2933 = arith.constant 0 : index
    %swap3A_2934 = vector.load %arg12[%swap3A_2932, %swap3A_2933] : memref<128x1xf32, #tpu.memory_space<vmem>>, vector<1x1xf32>
    tpu.vector_store %arg12[%swap3A_2932, %swap3A_2933], %sub3A_2931 {strides = array<i32>} : memref<128x1xf32, #tpu.memory_space<vmem>>, vector<1x1xf32>,
    %get3A_2935 = arith.constant 86 : index
    %get3A_2936 = arith.constant 0 : index
    %get3A_2937 = vector.load %arg11[%get3A_2935, %get3A_2936] : memref<128x128xf32, #tpu.memory_space<vmem>>, vector<1x128xf32>
    %gt3A_2938 = arith.constant 86 : i32
    %gt3A_2939 = vector.broadcast %gt3A_2938 : i32 to vector<1x128xi32>
    %gt3A_2940 = arith.cmpi sgt, %iota3A, %gt3A_2939 : vector<1x128xi32>
    %jit3A_2941 = arith.constant 1.000000e+00 : f32
    %jit3A_2942 = arith.constant 0.000000e+00 : f32
    %broadcast_in_dim3A_2943 = vector.broadcast %jit3A_2941 : f32 to vector<1x128xf32>
    %broadcast_in_dim3A_2944 = vector.broadcast %jit3A_2942 : f32 to vector<1x128xf32>
    %select_n3A_2945 = arith.select %gt3A_2940, %broadcast_in_dim3A_2943, %broadcast_in_dim3A_2944 : vector<1x128xi1>, vector<1x128xf32>
    %mul3A_2946 = arith.mulf %get3A_2937, %select_n3A_2945 : vector<1x128xf32>
    %mul3A_2947 = vector.broadcast %sub3A_2931 : vector<1x1xf32> to vector<1x128xf32>
    %mul3A_2948 = arith.mulf %mul3A_2946, %mul3A_2947 : vector<1x128xf32>
    %max3A_2949 = arith.maximumf %max3A_2916, %mul3A_2948 : vector<1x128xf32>
    %eq3A_2950 = arith.constant 87 : i32
    %eq3A_2951 = vector.broadcast %eq3A_2950 : i32 to vector<1x128xi32>
    %eq3A_2952 = arith.cmpi eq, %iota3A, %eq3A_2951 : vector<1x128xi32>
    %jit3A_2953 = arith.constant 1.000000e+00 : f32
    %jit3A_2954 = arith.constant 0.000000e+00 : f32
    %broadcast_in_dim3A_2955 = vector.broadcast %jit3A_2953 : f32 to vector<1x128xf32>
    %broadcast_in_dim3A_2956 = vector.broadcast %jit3A_2954 : f32 to vector<1x128xf32>
    %select_n3A_2957 = arith.select %eq3A_2952, %broadcast_in_dim3A_2955, %broadcast_in_dim3A_2956 : vector<1x128xi1>, vector<1x128xf32>
    %mul3A_2958 = arith.mulf %max3A_2949, %select_n3A_2957 : vector<1x128xf32>
    %reduce_sum3A_2959 = arith.constant dense<0.000000e+00> : vector<1xf32>
    %reduce_sum3A_2960 = vector.multi_reduction <add>, %mul3A_2958, %reduce_sum3A_2959 [1] : vector<1x128xf32> to vector<1xf32>
    %broadcast_in_dim3A_2961 = vector.shape_cast %reduce_sum3A_2960 : vector<1xf32> to vector<1x1xf32>
    %sub3A_2962 = arith.constant 1.000000e+00 : f32
    %sub3A_2963 = vector.broadcast %sub3A_2962 : f32 to vector<1x1xf32>
    %sub3A_2964 = arith.subf %sub3A_2963, %broadcast_in_dim3A_2961 : vector<1x1xf32>
    %swap3A_2965 = arith.constant 87 : index
    %swap3A_2966 = arith.constant 0 : index
    %swap3A_2967 = vector.load %arg12[%swap3A_2965, %swap3A_2966] : memref<128x1xf32, #tpu.memory_space<vmem>>, vector<1x1xf32>
    tpu.vector_store %arg12[%swap3A_2965, %swap3A_2966], %sub3A_2964 {strides = array<i32>} : memref<128x1xf32, #tpu.memory_space<vmem>>, vector<1x1xf32>,
    %get3A_2968 = arith.constant 87 : index
    %get3A_2969 = arith.constant 0 : index
    %get3A_2970 = vector.load %arg11[%get3A_2968, %get3A_2969] : memref<128x128xf32, #tpu.memory_space<vmem>>, vector<1x128xf32>
    %gt3A_2971 = arith.constant 87 : i32
    %gt3A_2972 = vector.broadcast %gt3A_2971 : i32 to vector<1x128xi32>
    %gt3A_2973 = arith.cmpi sgt, %iota3A, %gt3A_2972 : vector<1x128xi32>
    %jit3A_2974 = arith.constant 1.000000e+00 : f32
    %jit3A_2975 = arith.constant 0.000000e+00 : f32
    %broadcast_in_dim3A_2976 = vector.broadcast %jit3A_2974 : f32 to vector<1x128xf32>
    %broadcast_in_dim3A_2977 = vector.broadcast %jit3A_2975 : f32 to vector<1x128xf32>
    %select_n3A_2978 = arith.select %gt3A_2973, %broadcast_in_dim3A_2976, %broadcast_in_dim3A_2977 : vector<1x128xi1>, vector<1x128xf32>
    %mul3A_2979 = arith.mulf %get3A_2970, %select_n3A_2978 : vector<1x128xf32>
    %mul3A_2980 = vector.broadcast %sub3A_2964 : vector<1x1xf32> to vector<1x128xf32>
    %mul3A_2981 = arith.mulf %mul3A_2979, %mul3A_2980 : vector<1x128xf32>
    %max3A_2982 = arith.maximumf %max3A_2949, %mul3A_2981 : vector<1x128xf32>
    %eq3A_2983 = arith.constant 88 : i32
    %eq3A_2984 = vector.broadcast %eq3A_2983 : i32 to vector<1x128xi32>
    %eq3A_2985 = arith.cmpi eq, %iota3A, %eq3A_2984 : vector<1x128xi32>
    %jit3A_2986 = arith.constant 1.000000e+00 : f32
    %jit3A_2987 = arith.constant 0.000000e+00 : f32
    %broadcast_in_dim3A_2988 = vector.broadcast %jit3A_2986 : f32 to vector<1x128xf32>
    %broadcast_in_dim3A_2989 = vector.broadcast %jit3A_2987 : f32 to vector<1x128xf32>
    %select_n3A_2990 = arith.select %eq3A_2985, %broadcast_in_dim3A_2988, %broadcast_in_dim3A_2989 : vector<1x128xi1>, vector<1x128xf32>
    %mul3A_2991 = arith.mulf %max3A_2982, %select_n3A_2990 : vector<1x128xf32>
    %reduce_sum3A_2992 = arith.constant dense<0.000000e+00> : vector<1xf32>
    %reduce_sum3A_2993 = vector.multi_reduction <add>, %mul3A_2991, %reduce_sum3A_2992 [1] : vector<1x128xf32> to vector<1xf32>
    %broadcast_in_dim3A_2994 = vector.shape_cast %reduce_sum3A_2993 : vector<1xf32> to vector<1x1xf32>
    %sub3A_2995 = arith.constant 1.000000e+00 : f32
    %sub3A_2996 = vector.broadcast %sub3A_2995 : f32 to vector<1x1xf32>
    %sub3A_2997 = arith.subf %sub3A_2996, %broadcast_in_dim3A_2994 : vector<1x1xf32>
    %swap3A_2998 = arith.constant 88 : index
    %swap3A_2999 = arith.constant 0 : index
    %swap3A_3000 = vector.load %arg12[%swap3A_2998, %swap3A_2999] : memref<128x1xf32, #tpu.memory_space<vmem>>, vector<1x1xf32>
    tpu.vector_store %arg12[%swap3A_2998, %swap3A_2999], %sub3A_2997 {strides = array<i32>} : memref<128x1xf32, #tpu.memory_space<vmem>>, vector<1x1xf32>,
    %get3A_3001 = arith.constant 88 : index
    %get3A_3002 = arith.constant 0 : index
    %get3A_3003 = vector.load %arg11[%get3A_3001, %get3A_3002] : memref<128x128xf32, #tpu.memory_space<vmem>>, vector<1x128xf32>
    %gt3A_3004 = arith.constant 88 : i32
    %gt3A_3005 = vector.broadcast %gt3A_3004 : i32 to vector<1x128xi32>
    %gt3A_3006 = arith.cmpi sgt, %iota3A, %gt3A_3005 : vector<1x128xi32>
    %jit3A_3007 = arith.constant 1.000000e+00 : f32
    %jit3A_3008 = arith.constant 0.000000e+00 : f32
    %broadcast_in_dim3A_3009 = vector.broadcast %jit3A_3007 : f32 to vector<1x128xf32>
    %broadcast_in_dim3A_3010 = vector.broadcast %jit3A_3008 : f32 to vector<1x128xf32>
    %select_n3A_3011 = arith.select %gt3A_3006, %broadcast_in_dim3A_3009, %broadcast_in_dim3A_3010 : vector<1x128xi1>, vector<1x128xf32>
    %mul3A_3012 = arith.mulf %get3A_3003, %select_n3A_3011 : vector<1x128xf32>
    %mul3A_3013 = vector.broadcast %sub3A_2997 : vector<1x1xf32> to vector<1x128xf32>
    %mul3A_3014 = arith.mulf %mul3A_3012, %mul3A_3013 : vector<1x128xf32>
    %max3A_3015 = arith.maximumf %max3A_2982, %mul3A_3014 : vector<1x128xf32>
    %eq3A_3016 = arith.constant 89 : i32
    %eq3A_3017 = vector.broadcast %eq3A_3016 : i32 to vector<1x128xi32>
    %eq3A_3018 = arith.cmpi eq, %iota3A, %eq3A_3017 : vector<1x128xi32>
    %jit3A_3019 = arith.constant 1.000000e+00 : f32
    %jit3A_3020 = arith.constant 0.000000e+00 : f32
    %broadcast_in_dim3A_3021 = vector.broadcast %jit3A_3019 : f32 to vector<1x128xf32>
    %broadcast_in_dim3A_3022 = vector.broadcast %jit3A_3020 : f32 to vector<1x128xf32>
    %select_n3A_3023 = arith.select %eq3A_3018, %broadcast_in_dim3A_3021, %broadcast_in_dim3A_3022 : vector<1x128xi1>, vector<1x128xf32>
    %mul3A_3024 = arith.mulf %max3A_3015, %select_n3A_3023 : vector<1x128xf32>
    %reduce_sum3A_3025 = arith.constant dense<0.000000e+00> : vector<1xf32>
    %reduce_sum3A_3026 = vector.multi_reduction <add>, %mul3A_3024, %reduce_sum3A_3025 [1] : vector<1x128xf32> to vector<1xf32>
    %broadcast_in_dim3A_3027 = vector.shape_cast %reduce_sum3A_3026 : vector<1xf32> to vector<1x1xf32>
    %sub3A_3028 = arith.constant 1.000000e+00 : f32
    %sub3A_3029 = vector.broadcast %sub3A_3028 : f32 to vector<1x1xf32>
    %sub3A_3030 = arith.subf %sub3A_3029, %broadcast_in_dim3A_3027 : vector<1x1xf32>
    %swap3A_3031 = arith.constant 89 : index
    %swap3A_3032 = arith.constant 0 : index
    %swap3A_3033 = vector.load %arg12[%swap3A_3031, %swap3A_3032] : memref<128x1xf32, #tpu.memory_space<vmem>>, vector<1x1xf32>
    tpu.vector_store %arg12[%swap3A_3031, %swap3A_3032], %sub3A_3030 {strides = array<i32>} : memref<128x1xf32, #tpu.memory_space<vmem>>, vector<1x1xf32>,
    %get3A_3034 = arith.constant 89 : index
    %get3A_3035 = arith.constant 0 : index
    %get3A_3036 = vector.load %arg11[%get3A_3034, %get3A_3035] : memref<128x128xf32, #tpu.memory_space<vmem>>, vector<1x128xf32>
    %gt3A_3037 = arith.constant 89 : i32
    %gt3A_3038 = vector.broadcast %gt3A_3037 : i32 to vector<1x128xi32>
    %gt3A_3039 = arith.cmpi sgt, %iota3A, %gt3A_3038 : vector<1x128xi32>
    %jit3A_3040 = arith.constant 1.000000e+00 : f32
    %jit3A_3041 = arith.constant 0.000000e+00 : f32
    %broadcast_in_dim3A_3042 = vector.broadcast %jit3A_3040 : f32 to vector<1x128xf32>
    %broadcast_in_dim3A_3043 = vector.broadcast %jit3A_3041 : f32 to vector<1x128xf32>
    %select_n3A_3044 = arith.select %gt3A_3039, %broadcast_in_dim3A_3042, %broadcast_in_dim3A_3043 : vector<1x128xi1>, vector<1x128xf32>
    %mul3A_3045 = arith.mulf %get3A_3036, %select_n3A_3044 : vector<1x128xf32>
    %mul3A_3046 = vector.broadcast %sub3A_3030 : vector<1x1xf32> to vector<1x128xf32>
    %mul3A_3047 = arith.mulf %mul3A_3045, %mul3A_3046 : vector<1x128xf32>
    %max3A_3048 = arith.maximumf %max3A_3015, %mul3A_3047 : vector<1x128xf32>
    %eq3A_3049 = arith.constant 90 : i32
    %eq3A_3050 = vector.broadcast %eq3A_3049 : i32 to vector<1x128xi32>
    %eq3A_3051 = arith.cmpi eq, %iota3A, %eq3A_3050 : vector<1x128xi32>
    %jit3A_3052 = arith.constant 1.000000e+00 : f32
    %jit3A_3053 = arith.constant 0.000000e+00 : f32
    %broadcast_in_dim3A_3054 = vector.broadcast %jit3A_3052 : f32 to vector<1x128xf32>
    %broadcast_in_dim3A_3055 = vector.broadcast %jit3A_3053 : f32 to vector<1x128xf32>
    %select_n3A_3056 = arith.select %eq3A_3051, %broadcast_in_dim3A_3054, %broadcast_in_dim3A_3055 : vector<1x128xi1>, vector<1x128xf32>
    %mul3A_3057 = arith.mulf %max3A_3048, %select_n3A_3056 : vector<1x128xf32>
    %reduce_sum3A_3058 = arith.constant dense<0.000000e+00> : vector<1xf32>
    %reduce_sum3A_3059 = vector.multi_reduction <add>, %mul3A_3057, %reduce_sum3A_3058 [1] : vector<1x128xf32> to vector<1xf32>
    %broadcast_in_dim3A_3060 = vector.shape_cast %reduce_sum3A_3059 : vector<1xf32> to vector<1x1xf32>
    %sub3A_3061 = arith.constant 1.000000e+00 : f32
    %sub3A_3062 = vector.broadcast %sub3A_3061 : f32 to vector<1x1xf32>
    %sub3A_3063 = arith.subf %sub3A_3062, %broadcast_in_dim3A_3060 : vector<1x1xf32>
    %swap3A_3064 = arith.constant 90 : index
    %swap3A_3065 = arith.constant 0 : index
    %swap3A_3066 = vector.load %arg12[%swap3A_3064, %swap3A_3065] : memref<128x1xf32, #tpu.memory_space<vmem>>, vector<1x1xf32>
    tpu.vector_store %arg12[%swap3A_3064, %swap3A_3065], %sub3A_3063 {strides = array<i32>} : memref<128x1xf32, #tpu.memory_space<vmem>>, vector<1x1xf32>,
    %get3A_3067 = arith.constant 90 : index
    %get3A_3068 = arith.constant 0 : index
    %get3A_3069 = vector.load %arg11[%get3A_3067, %get3A_3068] : memref<128x128xf32, #tpu.memory_space<vmem>>, vector<1x128xf32>
    %gt3A_3070 = arith.constant 90 : i32
    %gt3A_3071 = vector.broadcast %gt3A_3070 : i32 to vector<1x128xi32>
    %gt3A_3072 = arith.cmpi sgt, %iota3A, %gt3A_3071 : vector<1x128xi32>
    %jit3A_3073 = arith.constant 1.000000e+00 : f32
    %jit3A_3074 = arith.constant 0.000000e+00 : f32
    %broadcast_in_dim3A_3075 = vector.broadcast %jit3A_3073 : f32 to vector<1x128xf32>
    %broadcast_in_dim3A_3076 = vector.broadcast %jit3A_3074 : f32 to vector<1x128xf32>
    %select_n3A_3077 = arith.select %gt3A_3072, %broadcast_in_dim3A_3075, %broadcast_in_dim3A_3076 : vector<1x128xi1>, vector<1x128xf32>
    %mul3A_3078 = arith.mulf %get3A_3069, %select_n3A_3077 : vector<1x128xf32>
    %mul3A_3079 = vector.broadcast %sub3A_3063 : vector<1x1xf32> to vector<1x128xf32>
    %mul3A_3080 = arith.mulf %mul3A_3078, %mul3A_3079 : vector<1x128xf32>
    %max3A_3081 = arith.maximumf %max3A_3048, %mul3A_3080 : vector<1x128xf32>
    %eq3A_3082 = arith.constant 91 : i32
    %eq3A_3083 = vector.broadcast %eq3A_3082 : i32 to vector<1x128xi32>
    %eq3A_3084 = arith.cmpi eq, %iota3A, %eq3A_3083 : vector<1x128xi32>
    %jit3A_3085 = arith.constant 1.000000e+00 : f32
    %jit3A_3086 = arith.constant 0.000000e+00 : f32
    %broadcast_in_dim3A_3087 = vector.broadcast %jit3A_3085 : f32 to vector<1x128xf32>
    %broadcast_in_dim3A_3088 = vector.broadcast %jit3A_3086 : f32 to vector<1x128xf32>
    %select_n3A_3089 = arith.select %eq3A_3084, %broadcast_in_dim3A_3087, %broadcast_in_dim3A_3088 : vector<1x128xi1>, vector<1x128xf32>
    %mul3A_3090 = arith.mulf %max3A_3081, %select_n3A_3089 : vector<1x128xf32>
    %reduce_sum3A_3091 = arith.constant dense<0.000000e+00> : vector<1xf32>
    %reduce_sum3A_3092 = vector.multi_reduction <add>, %mul3A_3090, %reduce_sum3A_3091 [1] : vector<1x128xf32> to vector<1xf32>
    %broadcast_in_dim3A_3093 = vector.shape_cast %reduce_sum3A_3092 : vector<1xf32> to vector<1x1xf32>
    %sub3A_3094 = arith.constant 1.000000e+00 : f32
    %sub3A_3095 = vector.broadcast %sub3A_3094 : f32 to vector<1x1xf32>
    %sub3A_3096 = arith.subf %sub3A_3095, %broadcast_in_dim3A_3093 : vector<1x1xf32>
    %swap3A_3097 = arith.constant 91 : index
    %swap3A_3098 = arith.constant 0 : index
    %swap3A_3099 = vector.load %arg12[%swap3A_3097, %swap3A_3098] : memref<128x1xf32, #tpu.memory_space<vmem>>, vector<1x1xf32>
    tpu.vector_store %arg12[%swap3A_3097, %swap3A_3098], %sub3A_3096 {strides = array<i32>} : memref<128x1xf32, #tpu.memory_space<vmem>>, vector<1x1xf32>,
    %get3A_3100 = arith.constant 91 : index
    %get3A_3101 = arith.constant 0 : index
    %get3A_3102 = vector.load %arg11[%get3A_3100, %get3A_3101] : memref<128x128xf32, #tpu.memory_space<vmem>>, vector<1x128xf32>
    %gt3A_3103 = arith.constant 91 : i32
    %gt3A_3104 = vector.broadcast %gt3A_3103 : i32 to vector<1x128xi32>
    %gt3A_3105 = arith.cmpi sgt, %iota3A, %gt3A_3104 : vector<1x128xi32>
    %jit3A_3106 = arith.constant 1.000000e+00 : f32
    %jit3A_3107 = arith.constant 0.000000e+00 : f32
    %broadcast_in_dim3A_3108 = vector.broadcast %jit3A_3106 : f32 to vector<1x128xf32>
    %broadcast_in_dim3A_3109 = vector.broadcast %jit3A_3107 : f32 to vector<1x128xf32>
    %select_n3A_3110 = arith.select %gt3A_3105, %broadcast_in_dim3A_3108, %broadcast_in_dim3A_3109 : vector<1x128xi1>, vector<1x128xf32>
    %mul3A_3111 = arith.mulf %get3A_3102, %select_n3A_3110 : vector<1x128xf32>
    %mul3A_3112 = vector.broadcast %sub3A_3096 : vector<1x1xf32> to vector<1x128xf32>
    %mul3A_3113 = arith.mulf %mul3A_3111, %mul3A_3112 : vector<1x128xf32>
    %max3A_3114 = arith.maximumf %max3A_3081, %mul3A_3113 : vector<1x128xf32>
    %eq3A_3115 = arith.constant 92 : i32
    %eq3A_3116 = vector.broadcast %eq3A_3115 : i32 to vector<1x128xi32>
    %eq3A_3117 = arith.cmpi eq, %iota3A, %eq3A_3116 : vector<1x128xi32>
    %jit3A_3118 = arith.constant 1.000000e+00 : f32
    %jit3A_3119 = arith.constant 0.000000e+00 : f32
    %broadcast_in_dim3A_3120 = vector.broadcast %jit3A_3118 : f32 to vector<1x128xf32>
    %broadcast_in_dim3A_3121 = vector.broadcast %jit3A_3119 : f32 to vector<1x128xf32>
    %select_n3A_3122 = arith.select %eq3A_3117, %broadcast_in_dim3A_3120, %broadcast_in_dim3A_3121 : vector<1x128xi1>, vector<1x128xf32>
    %mul3A_3123 = arith.mulf %max3A_3114, %select_n3A_3122 : vector<1x128xf32>
    %reduce_sum3A_3124 = arith.constant dense<0.000000e+00> : vector<1xf32>
    %reduce_sum3A_3125 = vector.multi_reduction <add>, %mul3A_3123, %reduce_sum3A_3124 [1] : vector<1x128xf32> to vector<1xf32>
    %broadcast_in_dim3A_3126 = vector.shape_cast %reduce_sum3A_3125 : vector<1xf32> to vector<1x1xf32>
    %sub3A_3127 = arith.constant 1.000000e+00 : f32
    %sub3A_3128 = vector.broadcast %sub3A_3127 : f32 to vector<1x1xf32>
    %sub3A_3129 = arith.subf %sub3A_3128, %broadcast_in_dim3A_3126 : vector<1x1xf32>
    %swap3A_3130 = arith.constant 92 : index
    %swap3A_3131 = arith.constant 0 : index
    %swap3A_3132 = vector.load %arg12[%swap3A_3130, %swap3A_3131] : memref<128x1xf32, #tpu.memory_space<vmem>>, vector<1x1xf32>
    tpu.vector_store %arg12[%swap3A_3130, %swap3A_3131], %sub3A_3129 {strides = array<i32>} : memref<128x1xf32, #tpu.memory_space<vmem>>, vector<1x1xf32>,
    %get3A_3133 = arith.constant 92 : index
    %get3A_3134 = arith.constant 0 : index
    %get3A_3135 = vector.load %arg11[%get3A_3133, %get3A_3134] : memref<128x128xf32, #tpu.memory_space<vmem>>, vector<1x128xf32>
    %gt3A_3136 = arith.constant 92 : i32
    %gt3A_3137 = vector.broadcast %gt3A_3136 : i32 to vector<1x128xi32>
    %gt3A_3138 = arith.cmpi sgt, %iota3A, %gt3A_3137 : vector<1x128xi32>
    %jit3A_3139 = arith.constant 1.000000e+00 : f32
    %jit3A_3140 = arith.constant 0.000000e+00 : f32
    %broadcast_in_dim3A_3141 = vector.broadcast %jit3A_3139 : f32 to vector<1x128xf32>
    %broadcast_in_dim3A_3142 = vector.broadcast %jit3A_3140 : f32 to vector<1x128xf32>
    %select_n3A_3143 = arith.select %gt3A_3138, %broadcast_in_dim3A_3141, %broadcast_in_dim3A_3142 : vector<1x128xi1>, vector<1x128xf32>
    %mul3A_3144 = arith.mulf %get3A_3135, %select_n3A_3143 : vector<1x128xf32>
    %mul3A_3145 = vector.broadcast %sub3A_3129 : vector<1x1xf32> to vector<1x128xf32>
    %mul3A_3146 = arith.mulf %mul3A_3144, %mul3A_3145 : vector<1x128xf32>
    %max3A_3147 = arith.maximumf %max3A_3114, %mul3A_3146 : vector<1x128xf32>
    %eq3A_3148 = arith.constant 93 : i32
    %eq3A_3149 = vector.broadcast %eq3A_3148 : i32 to vector<1x128xi32>
    %eq3A_3150 = arith.cmpi eq, %iota3A, %eq3A_3149 : vector<1x128xi32>
    %jit3A_3151 = arith.constant 1.000000e+00 : f32
    %jit3A_3152 = arith.constant 0.000000e+00 : f32
    %broadcast_in_dim3A_3153 = vector.broadcast %jit3A_3151 : f32 to vector<1x128xf32>
    %broadcast_in_dim3A_3154 = vector.broadcast %jit3A_3152 : f32 to vector<1x128xf32>
    %select_n3A_3155 = arith.select %eq3A_3150, %broadcast_in_dim3A_3153, %broadcast_in_dim3A_3154 : vector<1x128xi1>, vector<1x128xf32>
    %mul3A_3156 = arith.mulf %max3A_3147, %select_n3A_3155 : vector<1x128xf32>
    %reduce_sum3A_3157 = arith.constant dense<0.000000e+00> : vector<1xf32>
    %reduce_sum3A_3158 = vector.multi_reduction <add>, %mul3A_3156, %reduce_sum3A_3157 [1] : vector<1x128xf32> to vector<1xf32>
    %broadcast_in_dim3A_3159 = vector.shape_cast %reduce_sum3A_3158 : vector<1xf32> to vector<1x1xf32>
    %sub3A_3160 = arith.constant 1.000000e+00 : f32
    %sub3A_3161 = vector.broadcast %sub3A_3160 : f32 to vector<1x1xf32>
    %sub3A_3162 = arith.subf %sub3A_3161, %broadcast_in_dim3A_3159 : vector<1x1xf32>
    %swap3A_3163 = arith.constant 93 : index
    %swap3A_3164 = arith.constant 0 : index
    %swap3A_3165 = vector.load %arg12[%swap3A_3163, %swap3A_3164] : memref<128x1xf32, #tpu.memory_space<vmem>>, vector<1x1xf32>
    tpu.vector_store %arg12[%swap3A_3163, %swap3A_3164], %sub3A_3162 {strides = array<i32>} : memref<128x1xf32, #tpu.memory_space<vmem>>, vector<1x1xf32>,
    %get3A_3166 = arith.constant 93 : index
    %get3A_3167 = arith.constant 0 : index
    %get3A_3168 = vector.load %arg11[%get3A_3166, %get3A_3167] : memref<128x128xf32, #tpu.memory_space<vmem>>, vector<1x128xf32>
    %gt3A_3169 = arith.constant 93 : i32
    %gt3A_3170 = vector.broadcast %gt3A_3169 : i32 to vector<1x128xi32>
    %gt3A_3171 = arith.cmpi sgt, %iota3A, %gt3A_3170 : vector<1x128xi32>
    %jit3A_3172 = arith.constant 1.000000e+00 : f32
    %jit3A_3173 = arith.constant 0.000000e+00 : f32
    %broadcast_in_dim3A_3174 = vector.broadcast %jit3A_3172 : f32 to vector<1x128xf32>
    %broadcast_in_dim3A_3175 = vector.broadcast %jit3A_3173 : f32 to vector<1x128xf32>
    %select_n3A_3176 = arith.select %gt3A_3171, %broadcast_in_dim3A_3174, %broadcast_in_dim3A_3175 : vector<1x128xi1>, vector<1x128xf32>
    %mul3A_3177 = arith.mulf %get3A_3168, %select_n3A_3176 : vector<1x128xf32>
    %mul3A_3178 = vector.broadcast %sub3A_3162 : vector<1x1xf32> to vector<1x128xf32>
    %mul3A_3179 = arith.mulf %mul3A_3177, %mul3A_3178 : vector<1x128xf32>
    %max3A_3180 = arith.maximumf %max3A_3147, %mul3A_3179 : vector<1x128xf32>
    %eq3A_3181 = arith.constant 94 : i32
    %eq3A_3182 = vector.broadcast %eq3A_3181 : i32 to vector<1x128xi32>
    %eq3A_3183 = arith.cmpi eq, %iota3A, %eq3A_3182 : vector<1x128xi32>
    %jit3A_3184 = arith.constant 1.000000e+00 : f32
    %jit3A_3185 = arith.constant 0.000000e+00 : f32
    %broadcast_in_dim3A_3186 = vector.broadcast %jit3A_3184 : f32 to vector<1x128xf32>
    %broadcast_in_dim3A_3187 = vector.broadcast %jit3A_3185 : f32 to vector<1x128xf32>
    %select_n3A_3188 = arith.select %eq3A_3183, %broadcast_in_dim3A_3186, %broadcast_in_dim3A_3187 : vector<1x128xi1>, vector<1x128xf32>
    %mul3A_3189 = arith.mulf %max3A_3180, %select_n3A_3188 : vector<1x128xf32>
    %reduce_sum3A_3190 = arith.constant dense<0.000000e+00> : vector<1xf32>
    %reduce_sum3A_3191 = vector.multi_reduction <add>, %mul3A_3189, %reduce_sum3A_3190 [1] : vector<1x128xf32> to vector<1xf32>
    %broadcast_in_dim3A_3192 = vector.shape_cast %reduce_sum3A_3191 : vector<1xf32> to vector<1x1xf32>
    %sub3A_3193 = arith.constant 1.000000e+00 : f32
    %sub3A_3194 = vector.broadcast %sub3A_3193 : f32 to vector<1x1xf32>
    %sub3A_3195 = arith.subf %sub3A_3194, %broadcast_in_dim3A_3192 : vector<1x1xf32>
    %swap3A_3196 = arith.constant 94 : index
    %swap3A_3197 = arith.constant 0 : index
    %swap3A_3198 = vector.load %arg12[%swap3A_3196, %swap3A_3197] : memref<128x1xf32, #tpu.memory_space<vmem>>, vector<1x1xf32>
    tpu.vector_store %arg12[%swap3A_3196, %swap3A_3197], %sub3A_3195 {strides = array<i32>} : memref<128x1xf32, #tpu.memory_space<vmem>>, vector<1x1xf32>,
    %get3A_3199 = arith.constant 94 : index
    %get3A_3200 = arith.constant 0 : index
    %get3A_3201 = vector.load %arg11[%get3A_3199, %get3A_3200] : memref<128x128xf32, #tpu.memory_space<vmem>>, vector<1x128xf32>
    %gt3A_3202 = arith.constant 94 : i32
    %gt3A_3203 = vector.broadcast %gt3A_3202 : i32 to vector<1x128xi32>
    %gt3A_3204 = arith.cmpi sgt, %iota3A, %gt3A_3203 : vector<1x128xi32>
    %jit3A_3205 = arith.constant 1.000000e+00 : f32
    %jit3A_3206 = arith.constant 0.000000e+00 : f32
    %broadcast_in_dim3A_3207 = vector.broadcast %jit3A_3205 : f32 to vector<1x128xf32>
    %broadcast_in_dim3A_3208 = vector.broadcast %jit3A_3206 : f32 to vector<1x128xf32>
    %select_n3A_3209 = arith.select %gt3A_3204, %broadcast_in_dim3A_3207, %broadcast_in_dim3A_3208 : vector<1x128xi1>, vector<1x128xf32>
    %mul3A_3210 = arith.mulf %get3A_3201, %select_n3A_3209 : vector<1x128xf32>
    %mul3A_3211 = vector.broadcast %sub3A_3195 : vector<1x1xf32> to vector<1x128xf32>
    %mul3A_3212 = arith.mulf %mul3A_3210, %mul3A_3211 : vector<1x128xf32>
    %max3A_3213 = arith.maximumf %max3A_3180, %mul3A_3212 : vector<1x128xf32>
    %eq3A_3214 = arith.constant 95 : i32
    %eq3A_3215 = vector.broadcast %eq3A_3214 : i32 to vector<1x128xi32>
    %eq3A_3216 = arith.cmpi eq, %iota3A, %eq3A_3215 : vector<1x128xi32>
    %jit3A_3217 = arith.constant 1.000000e+00 : f32
    %jit3A_3218 = arith.constant 0.000000e+00 : f32
    %broadcast_in_dim3A_3219 = vector.broadcast %jit3A_3217 : f32 to vector<1x128xf32>
    %broadcast_in_dim3A_3220 = vector.broadcast %jit3A_3218 : f32 to vector<1x128xf32>
    %select_n3A_3221 = arith.select %eq3A_3216, %broadcast_in_dim3A_3219, %broadcast_in_dim3A_3220 : vector<1x128xi1>, vector<1x128xf32>
    %mul3A_3222 = arith.mulf %max3A_3213, %select_n3A_3221 : vector<1x128xf32>
    %reduce_sum3A_3223 = arith.constant dense<0.000000e+00> : vector<1xf32>
    %reduce_sum3A_3224 = vector.multi_reduction <add>, %mul3A_3222, %reduce_sum3A_3223 [1] : vector<1x128xf32> to vector<1xf32>
    %broadcast_in_dim3A_3225 = vector.shape_cast %reduce_sum3A_3224 : vector<1xf32> to vector<1x1xf32>
    %sub3A_3226 = arith.constant 1.000000e+00 : f32
    %sub3A_3227 = vector.broadcast %sub3A_3226 : f32 to vector<1x1xf32>
    %sub3A_3228 = arith.subf %sub3A_3227, %broadcast_in_dim3A_3225 : vector<1x1xf32>
    %swap3A_3229 = arith.constant 95 : index
    %swap3A_3230 = arith.constant 0 : index
    %swap3A_3231 = vector.load %arg12[%swap3A_3229, %swap3A_3230] : memref<128x1xf32, #tpu.memory_space<vmem>>, vector<1x1xf32>
    tpu.vector_store %arg12[%swap3A_3229, %swap3A_3230], %sub3A_3228 {strides = array<i32>} : memref<128x1xf32, #tpu.memory_space<vmem>>, vector<1x1xf32>,
    %get3A_3232 = arith.constant 95 : index
    %get3A_3233 = arith.constant 0 : index
    %get3A_3234 = vector.load %arg11[%get3A_3232, %get3A_3233] : memref<128x128xf32, #tpu.memory_space<vmem>>, vector<1x128xf32>
    %gt3A_3235 = arith.constant 95 : i32
    %gt3A_3236 = vector.broadcast %gt3A_3235 : i32 to vector<1x128xi32>
    %gt3A_3237 = arith.cmpi sgt, %iota3A, %gt3A_3236 : vector<1x128xi32>
    %jit3A_3238 = arith.constant 1.000000e+00 : f32
    %jit3A_3239 = arith.constant 0.000000e+00 : f32
    %broadcast_in_dim3A_3240 = vector.broadcast %jit3A_3238 : f32 to vector<1x128xf32>
    %broadcast_in_dim3A_3241 = vector.broadcast %jit3A_3239 : f32 to vector<1x128xf32>
    %select_n3A_3242 = arith.select %gt3A_3237, %broadcast_in_dim3A_3240, %broadcast_in_dim3A_3241 : vector<1x128xi1>, vector<1x128xf32>
    %mul3A_3243 = arith.mulf %get3A_3234, %select_n3A_3242 : vector<1x128xf32>
    %mul3A_3244 = vector.broadcast %sub3A_3228 : vector<1x1xf32> to vector<1x128xf32>
    %mul3A_3245 = arith.mulf %mul3A_3243, %mul3A_3244 : vector<1x128xf32>
    %max3A_3246 = arith.maximumf %max3A_3213, %mul3A_3245 : vector<1x128xf32>
    %eq3A_3247 = arith.constant 96 : i32
    %eq3A_3248 = vector.broadcast %eq3A_3247 : i32 to vector<1x128xi32>
    %eq3A_3249 = arith.cmpi eq, %iota3A, %eq3A_3248 : vector<1x128xi32>
    %jit3A_3250 = arith.constant 1.000000e+00 : f32
    %jit3A_3251 = arith.constant 0.000000e+00 : f32
    %broadcast_in_dim3A_3252 = vector.broadcast %jit3A_3250 : f32 to vector<1x128xf32>
    %broadcast_in_dim3A_3253 = vector.broadcast %jit3A_3251 : f32 to vector<1x128xf32>
    %select_n3A_3254 = arith.select %eq3A_3249, %broadcast_in_dim3A_3252, %broadcast_in_dim3A_3253 : vector<1x128xi1>, vector<1x128xf32>
    %mul3A_3255 = arith.mulf %max3A_3246, %select_n3A_3254 : vector<1x128xf32>
    %reduce_sum3A_3256 = arith.constant dense<0.000000e+00> : vector<1xf32>
    %reduce_sum3A_3257 = vector.multi_reduction <add>, %mul3A_3255, %reduce_sum3A_3256 [1] : vector<1x128xf32> to vector<1xf32>
    %broadcast_in_dim3A_3258 = vector.shape_cast %reduce_sum3A_3257 : vector<1xf32> to vector<1x1xf32>
    %sub3A_3259 = arith.constant 1.000000e+00 : f32
    %sub3A_3260 = vector.broadcast %sub3A_3259 : f32 to vector<1x1xf32>
    %sub3A_3261 = arith.subf %sub3A_3260, %broadcast_in_dim3A_3258 : vector<1x1xf32>
    %swap3A_3262 = arith.constant 96 : index
    %swap3A_3263 = arith.constant 0 : index
    %swap3A_3264 = vector.load %arg12[%swap3A_3262, %swap3A_3263] : memref<128x1xf32, #tpu.memory_space<vmem>>, vector<1x1xf32>
    tpu.vector_store %arg12[%swap3A_3262, %swap3A_3263], %sub3A_3261 {strides = array<i32>} : memref<128x1xf32, #tpu.memory_space<vmem>>, vector<1x1xf32>,
    %get3A_3265 = arith.constant 96 : index
    %get3A_3266 = arith.constant 0 : index
    %get3A_3267 = vector.load %arg11[%get3A_3265, %get3A_3266] : memref<128x128xf32, #tpu.memory_space<vmem>>, vector<1x128xf32>
    %gt3A_3268 = arith.constant 96 : i32
    %gt3A_3269 = vector.broadcast %gt3A_3268 : i32 to vector<1x128xi32>
    %gt3A_3270 = arith.cmpi sgt, %iota3A, %gt3A_3269 : vector<1x128xi32>
    %jit3A_3271 = arith.constant 1.000000e+00 : f32
    %jit3A_3272 = arith.constant 0.000000e+00 : f32
    %broadcast_in_dim3A_3273 = vector.broadcast %jit3A_3271 : f32 to vector<1x128xf32>
    %broadcast_in_dim3A_3274 = vector.broadcast %jit3A_3272 : f32 to vector<1x128xf32>
    %select_n3A_3275 = arith.select %gt3A_3270, %broadcast_in_dim3A_3273, %broadcast_in_dim3A_3274 : vector<1x128xi1>, vector<1x128xf32>
    %mul3A_3276 = arith.mulf %get3A_3267, %select_n3A_3275 : vector<1x128xf32>
    %mul3A_3277 = vector.broadcast %sub3A_3261 : vector<1x1xf32> to vector<1x128xf32>
    %mul3A_3278 = arith.mulf %mul3A_3276, %mul3A_3277 : vector<1x128xf32>
    %max3A_3279 = arith.maximumf %max3A_3246, %mul3A_3278 : vector<1x128xf32>
    %eq3A_3280 = arith.constant 97 : i32
    %eq3A_3281 = vector.broadcast %eq3A_3280 : i32 to vector<1x128xi32>
    %eq3A_3282 = arith.cmpi eq, %iota3A, %eq3A_3281 : vector<1x128xi32>
    %jit3A_3283 = arith.constant 1.000000e+00 : f32
    %jit3A_3284 = arith.constant 0.000000e+00 : f32
    %broadcast_in_dim3A_3285 = vector.broadcast %jit3A_3283 : f32 to vector<1x128xf32>
    %broadcast_in_dim3A_3286 = vector.broadcast %jit3A_3284 : f32 to vector<1x128xf32>
    %select_n3A_3287 = arith.select %eq3A_3282, %broadcast_in_dim3A_3285, %broadcast_in_dim3A_3286 : vector<1x128xi1>, vector<1x128xf32>
    %mul3A_3288 = arith.mulf %max3A_3279, %select_n3A_3287 : vector<1x128xf32>
    %reduce_sum3A_3289 = arith.constant dense<0.000000e+00> : vector<1xf32>
    %reduce_sum3A_3290 = vector.multi_reduction <add>, %mul3A_3288, %reduce_sum3A_3289 [1] : vector<1x128xf32> to vector<1xf32>
    %broadcast_in_dim3A_3291 = vector.shape_cast %reduce_sum3A_3290 : vector<1xf32> to vector<1x1xf32>
    %sub3A_3292 = arith.constant 1.000000e+00 : f32
    %sub3A_3293 = vector.broadcast %sub3A_3292 : f32 to vector<1x1xf32>
    %sub3A_3294 = arith.subf %sub3A_3293, %broadcast_in_dim3A_3291 : vector<1x1xf32>
    %swap3A_3295 = arith.constant 97 : index
    %swap3A_3296 = arith.constant 0 : index
    %swap3A_3297 = vector.load %arg12[%swap3A_3295, %swap3A_3296] : memref<128x1xf32, #tpu.memory_space<vmem>>, vector<1x1xf32>
    tpu.vector_store %arg12[%swap3A_3295, %swap3A_3296], %sub3A_3294 {strides = array<i32>} : memref<128x1xf32, #tpu.memory_space<vmem>>, vector<1x1xf32>,
    %get3A_3298 = arith.constant 97 : index
    %get3A_3299 = arith.constant 0 : index
    %get3A_3300 = vector.load %arg11[%get3A_3298, %get3A_3299] : memref<128x128xf32, #tpu.memory_space<vmem>>, vector<1x128xf32>
    %gt3A_3301 = arith.constant 97 : i32
    %gt3A_3302 = vector.broadcast %gt3A_3301 : i32 to vector<1x128xi32>
    %gt3A_3303 = arith.cmpi sgt, %iota3A, %gt3A_3302 : vector<1x128xi32>
    %jit3A_3304 = arith.constant 1.000000e+00 : f32
    %jit3A_3305 = arith.constant 0.000000e+00 : f32
    %broadcast_in_dim3A_3306 = vector.broadcast %jit3A_3304 : f32 to vector<1x128xf32>
    %broadcast_in_dim3A_3307 = vector.broadcast %jit3A_3305 : f32 to vector<1x128xf32>
    %select_n3A_3308 = arith.select %gt3A_3303, %broadcast_in_dim3A_3306, %broadcast_in_dim3A_3307 : vector<1x128xi1>, vector<1x128xf32>
    %mul3A_3309 = arith.mulf %get3A_3300, %select_n3A_3308 : vector<1x128xf32>
    %mul3A_3310 = vector.broadcast %sub3A_3294 : vector<1x1xf32> to vector<1x128xf32>
    %mul3A_3311 = arith.mulf %mul3A_3309, %mul3A_3310 : vector<1x128xf32>
    %max3A_3312 = arith.maximumf %max3A_3279, %mul3A_3311 : vector<1x128xf32>
    %eq3A_3313 = arith.constant 98 : i32
    %eq3A_3314 = vector.broadcast %eq3A_3313 : i32 to vector<1x128xi32>
    %eq3A_3315 = arith.cmpi eq, %iota3A, %eq3A_3314 : vector<1x128xi32>
    %jit3A_3316 = arith.constant 1.000000e+00 : f32
    %jit3A_3317 = arith.constant 0.000000e+00 : f32
    %broadcast_in_dim3A_3318 = vector.broadcast %jit3A_3316 : f32 to vector<1x128xf32>
    %broadcast_in_dim3A_3319 = vector.broadcast %jit3A_3317 : f32 to vector<1x128xf32>
    %select_n3A_3320 = arith.select %eq3A_3315, %broadcast_in_dim3A_3318, %broadcast_in_dim3A_3319 : vector<1x128xi1>, vector<1x128xf32>
    %mul3A_3321 = arith.mulf %max3A_3312, %select_n3A_3320 : vector<1x128xf32>
    %reduce_sum3A_3322 = arith.constant dense<0.000000e+00> : vector<1xf32>
    %reduce_sum3A_3323 = vector.multi_reduction <add>, %mul3A_3321, %reduce_sum3A_3322 [1] : vector<1x128xf32> to vector<1xf32>
    %broadcast_in_dim3A_3324 = vector.shape_cast %reduce_sum3A_3323 : vector<1xf32> to vector<1x1xf32>
    %sub3A_3325 = arith.constant 1.000000e+00 : f32
    %sub3A_3326 = vector.broadcast %sub3A_3325 : f32 to vector<1x1xf32>
    %sub3A_3327 = arith.subf %sub3A_3326, %broadcast_in_dim3A_3324 : vector<1x1xf32>
    %swap3A_3328 = arith.constant 98 : index
    %swap3A_3329 = arith.constant 0 : index
    %swap3A_3330 = vector.load %arg12[%swap3A_3328, %swap3A_3329] : memref<128x1xf32, #tpu.memory_space<vmem>>, vector<1x1xf32>
    tpu.vector_store %arg12[%swap3A_3328, %swap3A_3329], %sub3A_3327 {strides = array<i32>} : memref<128x1xf32, #tpu.memory_space<vmem>>, vector<1x1xf32>,
    %get3A_3331 = arith.constant 98 : index
    %get3A_3332 = arith.constant 0 : index
    %get3A_3333 = vector.load %arg11[%get3A_3331, %get3A_3332] : memref<128x128xf32, #tpu.memory_space<vmem>>, vector<1x128xf32>
    %gt3A_3334 = arith.constant 98 : i32
    %gt3A_3335 = vector.broadcast %gt3A_3334 : i32 to vector<1x128xi32>
    %gt3A_3336 = arith.cmpi sgt, %iota3A, %gt3A_3335 : vector<1x128xi32>
    %jit3A_3337 = arith.constant 1.000000e+00 : f32
    %jit3A_3338 = arith.constant 0.000000e+00 : f32
    %broadcast_in_dim3A_3339 = vector.broadcast %jit3A_3337 : f32 to vector<1x128xf32>
    %broadcast_in_dim3A_3340 = vector.broadcast %jit3A_3338 : f32 to vector<1x128xf32>
    %select_n3A_3341 = arith.select %gt3A_3336, %broadcast_in_dim3A_3339, %broadcast_in_dim3A_3340 : vector<1x128xi1>, vector<1x128xf32>
    %mul3A_3342 = arith.mulf %get3A_3333, %select_n3A_3341 : vector<1x128xf32>
    %mul3A_3343 = vector.broadcast %sub3A_3327 : vector<1x1xf32> to vector<1x128xf32>
    %mul3A_3344 = arith.mulf %mul3A_3342, %mul3A_3343 : vector<1x128xf32>
    %max3A_3345 = arith.maximumf %max3A_3312, %mul3A_3344 : vector<1x128xf32>
    %eq3A_3346 = arith.constant 99 : i32
    %eq3A_3347 = vector.broadcast %eq3A_3346 : i32 to vector<1x128xi32>
    %eq3A_3348 = arith.cmpi eq, %iota3A, %eq3A_3347 : vector<1x128xi32>
    %jit3A_3349 = arith.constant 1.000000e+00 : f32
    %jit3A_3350 = arith.constant 0.000000e+00 : f32
    %broadcast_in_dim3A_3351 = vector.broadcast %jit3A_3349 : f32 to vector<1x128xf32>
    %broadcast_in_dim3A_3352 = vector.broadcast %jit3A_3350 : f32 to vector<1x128xf32>
    %select_n3A_3353 = arith.select %eq3A_3348, %broadcast_in_dim3A_3351, %broadcast_in_dim3A_3352 : vector<1x128xi1>, vector<1x128xf32>
    %mul3A_3354 = arith.mulf %max3A_3345, %select_n3A_3353 : vector<1x128xf32>
    %reduce_sum3A_3355 = arith.constant dense<0.000000e+00> : vector<1xf32>
    %reduce_sum3A_3356 = vector.multi_reduction <add>, %mul3A_3354, %reduce_sum3A_3355 [1] : vector<1x128xf32> to vector<1xf32>
    %broadcast_in_dim3A_3357 = vector.shape_cast %reduce_sum3A_3356 : vector<1xf32> to vector<1x1xf32>
    %sub3A_3358 = arith.constant 1.000000e+00 : f32
    %sub3A_3359 = vector.broadcast %sub3A_3358 : f32 to vector<1x1xf32>
    %sub3A_3360 = arith.subf %sub3A_3359, %broadcast_in_dim3A_3357 : vector<1x1xf32>
    %swap3A_3361 = arith.constant 99 : index
    %swap3A_3362 = arith.constant 0 : index
    %swap3A_3363 = vector.load %arg12[%swap3A_3361, %swap3A_3362] : memref<128x1xf32, #tpu.memory_space<vmem>>, vector<1x1xf32>
    tpu.vector_store %arg12[%swap3A_3361, %swap3A_3362], %sub3A_3360 {strides = array<i32>} : memref<128x1xf32, #tpu.memory_space<vmem>>, vector<1x1xf32>,
    %get3A_3364 = arith.constant 99 : index
    %get3A_3365 = arith.constant 0 : index
    %get3A_3366 = vector.load %arg11[%get3A_3364, %get3A_3365] : memref<128x128xf32, #tpu.memory_space<vmem>>, vector<1x128xf32>
    %gt3A_3367 = arith.constant 99 : i32
    %gt3A_3368 = vector.broadcast %gt3A_3367 : i32 to vector<1x128xi32>
    %gt3A_3369 = arith.cmpi sgt, %iota3A, %gt3A_3368 : vector<1x128xi32>
    %jit3A_3370 = arith.constant 1.000000e+00 : f32
    %jit3A_3371 = arith.constant 0.000000e+00 : f32
    %broadcast_in_dim3A_3372 = vector.broadcast %jit3A_3370 : f32 to vector<1x128xf32>
    %broadcast_in_dim3A_3373 = vector.broadcast %jit3A_3371 : f32 to vector<1x128xf32>
    %select_n3A_3374 = arith.select %gt3A_3369, %broadcast_in_dim3A_3372, %broadcast_in_dim3A_3373 : vector<1x128xi1>, vector<1x128xf32>
    %mul3A_3375 = arith.mulf %get3A_3366, %select_n3A_3374 : vector<1x128xf32>
    %mul3A_3376 = vector.broadcast %sub3A_3360 : vector<1x1xf32> to vector<1x128xf32>
    %mul3A_3377 = arith.mulf %mul3A_3375, %mul3A_3376 : vector<1x128xf32>
    %max3A_3378 = arith.maximumf %max3A_3345, %mul3A_3377 : vector<1x128xf32>
    %eq3A_3379 = arith.constant 100 : i32
    %eq3A_3380 = vector.broadcast %eq3A_3379 : i32 to vector<1x128xi32>
    %eq3A_3381 = arith.cmpi eq, %iota3A, %eq3A_3380 : vector<1x128xi32>
    %jit3A_3382 = arith.constant 1.000000e+00 : f32
    %jit3A_3383 = arith.constant 0.000000e+00 : f32
    %broadcast_in_dim3A_3384 = vector.broadcast %jit3A_3382 : f32 to vector<1x128xf32>
    %broadcast_in_dim3A_3385 = vector.broadcast %jit3A_3383 : f32 to vector<1x128xf32>
    %select_n3A_3386 = arith.select %eq3A_3381, %broadcast_in_dim3A_3384, %broadcast_in_dim3A_3385 : vector<1x128xi1>, vector<1x128xf32>
    %mul3A_3387 = arith.mulf %max3A_3378, %select_n3A_3386 : vector<1x128xf32>
    %reduce_sum3A_3388 = arith.constant dense<0.000000e+00> : vector<1xf32>
    %reduce_sum3A_3389 = vector.multi_reduction <add>, %mul3A_3387, %reduce_sum3A_3388 [1] : vector<1x128xf32> to vector<1xf32>
    %broadcast_in_dim3A_3390 = vector.shape_cast %reduce_sum3A_3389 : vector<1xf32> to vector<1x1xf32>
    %sub3A_3391 = arith.constant 1.000000e+00 : f32
    %sub3A_3392 = vector.broadcast %sub3A_3391 : f32 to vector<1x1xf32>
    %sub3A_3393 = arith.subf %sub3A_3392, %broadcast_in_dim3A_3390 : vector<1x1xf32>
    %swap3A_3394 = arith.constant 100 : index
    %swap3A_3395 = arith.constant 0 : index
    %swap3A_3396 = vector.load %arg12[%swap3A_3394, %swap3A_3395] : memref<128x1xf32, #tpu.memory_space<vmem>>, vector<1x1xf32>
    tpu.vector_store %arg12[%swap3A_3394, %swap3A_3395], %sub3A_3393 {strides = array<i32>} : memref<128x1xf32, #tpu.memory_space<vmem>>, vector<1x1xf32>,
    %get3A_3397 = arith.constant 100 : index
    %get3A_3398 = arith.constant 0 : index
    %get3A_3399 = vector.load %arg11[%get3A_3397, %get3A_3398] : memref<128x128xf32, #tpu.memory_space<vmem>>, vector<1x128xf32>
    %gt3A_3400 = arith.constant 100 : i32
    %gt3A_3401 = vector.broadcast %gt3A_3400 : i32 to vector<1x128xi32>
    %gt3A_3402 = arith.cmpi sgt, %iota3A, %gt3A_3401 : vector<1x128xi32>
    %jit3A_3403 = arith.constant 1.000000e+00 : f32
    %jit3A_3404 = arith.constant 0.000000e+00 : f32
    %broadcast_in_dim3A_3405 = vector.broadcast %jit3A_3403 : f32 to vector<1x128xf32>
    %broadcast_in_dim3A_3406 = vector.broadcast %jit3A_3404 : f32 to vector<1x128xf32>
    %select_n3A_3407 = arith.select %gt3A_3402, %broadcast_in_dim3A_3405, %broadcast_in_dim3A_3406 : vector<1x128xi1>, vector<1x128xf32>
    %mul3A_3408 = arith.mulf %get3A_3399, %select_n3A_3407 : vector<1x128xf32>
    %mul3A_3409 = vector.broadcast %sub3A_3393 : vector<1x1xf32> to vector<1x128xf32>
    %mul3A_3410 = arith.mulf %mul3A_3408, %mul3A_3409 : vector<1x128xf32>
    %max3A_3411 = arith.maximumf %max3A_3378, %mul3A_3410 : vector<1x128xf32>
    %eq3A_3412 = arith.constant 101 : i32
    %eq3A_3413 = vector.broadcast %eq3A_3412 : i32 to vector<1x128xi32>
    %eq3A_3414 = arith.cmpi eq, %iota3A, %eq3A_3413 : vector<1x128xi32>
    %jit3A_3415 = arith.constant 1.000000e+00 : f32
    %jit3A_3416 = arith.constant 0.000000e+00 : f32
    %broadcast_in_dim3A_3417 = vector.broadcast %jit3A_3415 : f32 to vector<1x128xf32>
    %broadcast_in_dim3A_3418 = vector.broadcast %jit3A_3416 : f32 to vector<1x128xf32>
    %select_n3A_3419 = arith.select %eq3A_3414, %broadcast_in_dim3A_3417, %broadcast_in_dim3A_3418 : vector<1x128xi1>, vector<1x128xf32>
    %mul3A_3420 = arith.mulf %max3A_3411, %select_n3A_3419 : vector<1x128xf32>
    %reduce_sum3A_3421 = arith.constant dense<0.000000e+00> : vector<1xf32>
    %reduce_sum3A_3422 = vector.multi_reduction <add>, %mul3A_3420, %reduce_sum3A_3421 [1] : vector<1x128xf32> to vector<1xf32>
    %broadcast_in_dim3A_3423 = vector.shape_cast %reduce_sum3A_3422 : vector<1xf32> to vector<1x1xf32>
    %sub3A_3424 = arith.constant 1.000000e+00 : f32
    %sub3A_3425 = vector.broadcast %sub3A_3424 : f32 to vector<1x1xf32>
    %sub3A_3426 = arith.subf %sub3A_3425, %broadcast_in_dim3A_3423 : vector<1x1xf32>
    %swap3A_3427 = arith.constant 101 : index
    %swap3A_3428 = arith.constant 0 : index
    %swap3A_3429 = vector.load %arg12[%swap3A_3427, %swap3A_3428] : memref<128x1xf32, #tpu.memory_space<vmem>>, vector<1x1xf32>
    tpu.vector_store %arg12[%swap3A_3427, %swap3A_3428], %sub3A_3426 {strides = array<i32>} : memref<128x1xf32, #tpu.memory_space<vmem>>, vector<1x1xf32>,
    %get3A_3430 = arith.constant 101 : index
    %get3A_3431 = arith.constant 0 : index
    %get3A_3432 = vector.load %arg11[%get3A_3430, %get3A_3431] : memref<128x128xf32, #tpu.memory_space<vmem>>, vector<1x128xf32>
    %gt3A_3433 = arith.constant 101 : i32
    %gt3A_3434 = vector.broadcast %gt3A_3433 : i32 to vector<1x128xi32>
    %gt3A_3435 = arith.cmpi sgt, %iota3A, %gt3A_3434 : vector<1x128xi32>
    %jit3A_3436 = arith.constant 1.000000e+00 : f32
    %jit3A_3437 = arith.constant 0.000000e+00 : f32
    %broadcast_in_dim3A_3438 = vector.broadcast %jit3A_3436 : f32 to vector<1x128xf32>
    %broadcast_in_dim3A_3439 = vector.broadcast %jit3A_3437 : f32 to vector<1x128xf32>
    %select_n3A_3440 = arith.select %gt3A_3435, %broadcast_in_dim3A_3438, %broadcast_in_dim3A_3439 : vector<1x128xi1>, vector<1x128xf32>
    %mul3A_3441 = arith.mulf %get3A_3432, %select_n3A_3440 : vector<1x128xf32>
    %mul3A_3442 = vector.broadcast %sub3A_3426 : vector<1x1xf32> to vector<1x128xf32>
    %mul3A_3443 = arith.mulf %mul3A_3441, %mul3A_3442 : vector<1x128xf32>
    %max3A_3444 = arith.maximumf %max3A_3411, %mul3A_3443 : vector<1x128xf32>
    %eq3A_3445 = arith.constant 102 : i32
    %eq3A_3446 = vector.broadcast %eq3A_3445 : i32 to vector<1x128xi32>
    %eq3A_3447 = arith.cmpi eq, %iota3A, %eq3A_3446 : vector<1x128xi32>
    %jit3A_3448 = arith.constant 1.000000e+00 : f32
    %jit3A_3449 = arith.constant 0.000000e+00 : f32
    %broadcast_in_dim3A_3450 = vector.broadcast %jit3A_3448 : f32 to vector<1x128xf32>
    %broadcast_in_dim3A_3451 = vector.broadcast %jit3A_3449 : f32 to vector<1x128xf32>
    %select_n3A_3452 = arith.select %eq3A_3447, %broadcast_in_dim3A_3450, %broadcast_in_dim3A_3451 : vector<1x128xi1>, vector<1x128xf32>
    %mul3A_3453 = arith.mulf %max3A_3444, %select_n3A_3452 : vector<1x128xf32>
    %reduce_sum3A_3454 = arith.constant dense<0.000000e+00> : vector<1xf32>
    %reduce_sum3A_3455 = vector.multi_reduction <add>, %mul3A_3453, %reduce_sum3A_3454 [1] : vector<1x128xf32> to vector<1xf32>
    %broadcast_in_dim3A_3456 = vector.shape_cast %reduce_sum3A_3455 : vector<1xf32> to vector<1x1xf32>
    %sub3A_3457 = arith.constant 1.000000e+00 : f32
    %sub3A_3458 = vector.broadcast %sub3A_3457 : f32 to vector<1x1xf32>
    %sub3A_3459 = arith.subf %sub3A_3458, %broadcast_in_dim3A_3456 : vector<1x1xf32>
    %swap3A_3460 = arith.constant 102 : index
    %swap3A_3461 = arith.constant 0 : index
    %swap3A_3462 = vector.load %arg12[%swap3A_3460, %swap3A_3461] : memref<128x1xf32, #tpu.memory_space<vmem>>, vector<1x1xf32>
    tpu.vector_store %arg12[%swap3A_3460, %swap3A_3461], %sub3A_3459 {strides = array<i32>} : memref<128x1xf32, #tpu.memory_space<vmem>>, vector<1x1xf32>,
    %get3A_3463 = arith.constant 102 : index
    %get3A_3464 = arith.constant 0 : index
    %get3A_3465 = vector.load %arg11[%get3A_3463, %get3A_3464] : memref<128x128xf32, #tpu.memory_space<vmem>>, vector<1x128xf32>
    %gt3A_3466 = arith.constant 102 : i32
    %gt3A_3467 = vector.broadcast %gt3A_3466 : i32 to vector<1x128xi32>
    %gt3A_3468 = arith.cmpi sgt, %iota3A, %gt3A_3467 : vector<1x128xi32>
    %jit3A_3469 = arith.constant 1.000000e+00 : f32
    %jit3A_3470 = arith.constant 0.000000e+00 : f32
    %broadcast_in_dim3A_3471 = vector.broadcast %jit3A_3469 : f32 to vector<1x128xf32>
    %broadcast_in_dim3A_3472 = vector.broadcast %jit3A_3470 : f32 to vector<1x128xf32>
    %select_n3A_3473 = arith.select %gt3A_3468, %broadcast_in_dim3A_3471, %broadcast_in_dim3A_3472 : vector<1x128xi1>, vector<1x128xf32>
    %mul3A_3474 = arith.mulf %get3A_3465, %select_n3A_3473 : vector<1x128xf32>
    %mul3A_3475 = vector.broadcast %sub3A_3459 : vector<1x1xf32> to vector<1x128xf32>
    %mul3A_3476 = arith.mulf %mul3A_3474, %mul3A_3475 : vector<1x128xf32>
    %max3A_3477 = arith.maximumf %max3A_3444, %mul3A_3476 : vector<1x128xf32>
    %eq3A_3478 = arith.constant 103 : i32
    %eq3A_3479 = vector.broadcast %eq3A_3478 : i32 to vector<1x128xi32>
    %eq3A_3480 = arith.cmpi eq, %iota3A, %eq3A_3479 : vector<1x128xi32>
    %jit3A_3481 = arith.constant 1.000000e+00 : f32
    %jit3A_3482 = arith.constant 0.000000e+00 : f32
    %broadcast_in_dim3A_3483 = vector.broadcast %jit3A_3481 : f32 to vector<1x128xf32>
    %broadcast_in_dim3A_3484 = vector.broadcast %jit3A_3482 : f32 to vector<1x128xf32>
    %select_n3A_3485 = arith.select %eq3A_3480, %broadcast_in_dim3A_3483, %broadcast_in_dim3A_3484 : vector<1x128xi1>, vector<1x128xf32>
    %mul3A_3486 = arith.mulf %max3A_3477, %select_n3A_3485 : vector<1x128xf32>
    %reduce_sum3A_3487 = arith.constant dense<0.000000e+00> : vector<1xf32>
    %reduce_sum3A_3488 = vector.multi_reduction <add>, %mul3A_3486, %reduce_sum3A_3487 [1] : vector<1x128xf32> to vector<1xf32>
    %broadcast_in_dim3A_3489 = vector.shape_cast %reduce_sum3A_3488 : vector<1xf32> to vector<1x1xf32>
    %sub3A_3490 = arith.constant 1.000000e+00 : f32
    %sub3A_3491 = vector.broadcast %sub3A_3490 : f32 to vector<1x1xf32>
    %sub3A_3492 = arith.subf %sub3A_3491, %broadcast_in_dim3A_3489 : vector<1x1xf32>
    %swap3A_3493 = arith.constant 103 : index
    %swap3A_3494 = arith.constant 0 : index
    %swap3A_3495 = vector.load %arg12[%swap3A_3493, %swap3A_3494] : memref<128x1xf32, #tpu.memory_space<vmem>>, vector<1x1xf32>
    tpu.vector_store %arg12[%swap3A_3493, %swap3A_3494], %sub3A_3492 {strides = array<i32>} : memref<128x1xf32, #tpu.memory_space<vmem>>, vector<1x1xf32>,
    %get3A_3496 = arith.constant 103 : index
    %get3A_3497 = arith.constant 0 : index
    %get3A_3498 = vector.load %arg11[%get3A_3496, %get3A_3497] : memref<128x128xf32, #tpu.memory_space<vmem>>, vector<1x128xf32>
    %gt3A_3499 = arith.constant 103 : i32
    %gt3A_3500 = vector.broadcast %gt3A_3499 : i32 to vector<1x128xi32>
    %gt3A_3501 = arith.cmpi sgt, %iota3A, %gt3A_3500 : vector<1x128xi32>
    %jit3A_3502 = arith.constant 1.000000e+00 : f32
    %jit3A_3503 = arith.constant 0.000000e+00 : f32
    %broadcast_in_dim3A_3504 = vector.broadcast %jit3A_3502 : f32 to vector<1x128xf32>
    %broadcast_in_dim3A_3505 = vector.broadcast %jit3A_3503 : f32 to vector<1x128xf32>
    %select_n3A_3506 = arith.select %gt3A_3501, %broadcast_in_dim3A_3504, %broadcast_in_dim3A_3505 : vector<1x128xi1>, vector<1x128xf32>
    %mul3A_3507 = arith.mulf %get3A_3498, %select_n3A_3506 : vector<1x128xf32>
    %mul3A_3508 = vector.broadcast %sub3A_3492 : vector<1x1xf32> to vector<1x128xf32>
    %mul3A_3509 = arith.mulf %mul3A_3507, %mul3A_3508 : vector<1x128xf32>
    %max3A_3510 = arith.maximumf %max3A_3477, %mul3A_3509 : vector<1x128xf32>
    %eq3A_3511 = arith.constant 104 : i32
    %eq3A_3512 = vector.broadcast %eq3A_3511 : i32 to vector<1x128xi32>
    %eq3A_3513 = arith.cmpi eq, %iota3A, %eq3A_3512 : vector<1x128xi32>
    %jit3A_3514 = arith.constant 1.000000e+00 : f32
    %jit3A_3515 = arith.constant 0.000000e+00 : f32
    %broadcast_in_dim3A_3516 = vector.broadcast %jit3A_3514 : f32 to vector<1x128xf32>
    %broadcast_in_dim3A_3517 = vector.broadcast %jit3A_3515 : f32 to vector<1x128xf32>
    %select_n3A_3518 = arith.select %eq3A_3513, %broadcast_in_dim3A_3516, %broadcast_in_dim3A_3517 : vector<1x128xi1>, vector<1x128xf32>
    %mul3A_3519 = arith.mulf %max3A_3510, %select_n3A_3518 : vector<1x128xf32>
    %reduce_sum3A_3520 = arith.constant dense<0.000000e+00> : vector<1xf32>
    %reduce_sum3A_3521 = vector.multi_reduction <add>, %mul3A_3519, %reduce_sum3A_3520 [1] : vector<1x128xf32> to vector<1xf32>
    %broadcast_in_dim3A_3522 = vector.shape_cast %reduce_sum3A_3521 : vector<1xf32> to vector<1x1xf32>
    %sub3A_3523 = arith.constant 1.000000e+00 : f32
    %sub3A_3524 = vector.broadcast %sub3A_3523 : f32 to vector<1x1xf32>
    %sub3A_3525 = arith.subf %sub3A_3524, %broadcast_in_dim3A_3522 : vector<1x1xf32>
    %swap3A_3526 = arith.constant 104 : index
    %swap3A_3527 = arith.constant 0 : index
    %swap3A_3528 = vector.load %arg12[%swap3A_3526, %swap3A_3527] : memref<128x1xf32, #tpu.memory_space<vmem>>, vector<1x1xf32>
    tpu.vector_store %arg12[%swap3A_3526, %swap3A_3527], %sub3A_3525 {strides = array<i32>} : memref<128x1xf32, #tpu.memory_space<vmem>>, vector<1x1xf32>,
    %get3A_3529 = arith.constant 104 : index
    %get3A_3530 = arith.constant 0 : index
    %get3A_3531 = vector.load %arg11[%get3A_3529, %get3A_3530] : memref<128x128xf32, #tpu.memory_space<vmem>>, vector<1x128xf32>
    %gt3A_3532 = arith.constant 104 : i32
    %gt3A_3533 = vector.broadcast %gt3A_3532 : i32 to vector<1x128xi32>
    %gt3A_3534 = arith.cmpi sgt, %iota3A, %gt3A_3533 : vector<1x128xi32>
    %jit3A_3535 = arith.constant 1.000000e+00 : f32
    %jit3A_3536 = arith.constant 0.000000e+00 : f32
    %broadcast_in_dim3A_3537 = vector.broadcast %jit3A_3535 : f32 to vector<1x128xf32>
    %broadcast_in_dim3A_3538 = vector.broadcast %jit3A_3536 : f32 to vector<1x128xf32>
    %select_n3A_3539 = arith.select %gt3A_3534, %broadcast_in_dim3A_3537, %broadcast_in_dim3A_3538 : vector<1x128xi1>, vector<1x128xf32>
    %mul3A_3540 = arith.mulf %get3A_3531, %select_n3A_3539 : vector<1x128xf32>
    %mul3A_3541 = vector.broadcast %sub3A_3525 : vector<1x1xf32> to vector<1x128xf32>
    %mul3A_3542 = arith.mulf %mul3A_3540, %mul3A_3541 : vector<1x128xf32>
    %max3A_3543 = arith.maximumf %max3A_3510, %mul3A_3542 : vector<1x128xf32>
    %eq3A_3544 = arith.constant 105 : i32
    %eq3A_3545 = vector.broadcast %eq3A_3544 : i32 to vector<1x128xi32>
    %eq3A_3546 = arith.cmpi eq, %iota3A, %eq3A_3545 : vector<1x128xi32>
    %jit3A_3547 = arith.constant 1.000000e+00 : f32
    %jit3A_3548 = arith.constant 0.000000e+00 : f32
    %broadcast_in_dim3A_3549 = vector.broadcast %jit3A_3547 : f32 to vector<1x128xf32>
    %broadcast_in_dim3A_3550 = vector.broadcast %jit3A_3548 : f32 to vector<1x128xf32>
    %select_n3A_3551 = arith.select %eq3A_3546, %broadcast_in_dim3A_3549, %broadcast_in_dim3A_3550 : vector<1x128xi1>, vector<1x128xf32>
    %mul3A_3552 = arith.mulf %max3A_3543, %select_n3A_3551 : vector<1x128xf32>
    %reduce_sum3A_3553 = arith.constant dense<0.000000e+00> : vector<1xf32>
    %reduce_sum3A_3554 = vector.multi_reduction <add>, %mul3A_3552, %reduce_sum3A_3553 [1] : vector<1x128xf32> to vector<1xf32>
    %broadcast_in_dim3A_3555 = vector.shape_cast %reduce_sum3A_3554 : vector<1xf32> to vector<1x1xf32>
    %sub3A_3556 = arith.constant 1.000000e+00 : f32
    %sub3A_3557 = vector.broadcast %sub3A_3556 : f32 to vector<1x1xf32>
    %sub3A_3558 = arith.subf %sub3A_3557, %broadcast_in_dim3A_3555 : vector<1x1xf32>
    %swap3A_3559 = arith.constant 105 : index
    %swap3A_3560 = arith.constant 0 : index
    %swap3A_3561 = vector.load %arg12[%swap3A_3559, %swap3A_3560] : memref<128x1xf32, #tpu.memory_space<vmem>>, vector<1x1xf32>
    tpu.vector_store %arg12[%swap3A_3559, %swap3A_3560], %sub3A_3558 {strides = array<i32>} : memref<128x1xf32, #tpu.memory_space<vmem>>, vector<1x1xf32>,
    %get3A_3562 = arith.constant 105 : index
    %get3A_3563 = arith.constant 0 : index
    %get3A_3564 = vector.load %arg11[%get3A_3562, %get3A_3563] : memref<128x128xf32, #tpu.memory_space<vmem>>, vector<1x128xf32>
    %gt3A_3565 = arith.constant 105 : i32
    %gt3A_3566 = vector.broadcast %gt3A_3565 : i32 to vector<1x128xi32>
    %gt3A_3567 = arith.cmpi sgt, %iota3A, %gt3A_3566 : vector<1x128xi32>
    %jit3A_3568 = arith.constant 1.000000e+00 : f32
    %jit3A_3569 = arith.constant 0.000000e+00 : f32
    %broadcast_in_dim3A_3570 = vector.broadcast %jit3A_3568 : f32 to vector<1x128xf32>
    %broadcast_in_dim3A_3571 = vector.broadcast %jit3A_3569 : f32 to vector<1x128xf32>
    %select_n3A_3572 = arith.select %gt3A_3567, %broadcast_in_dim3A_3570, %broadcast_in_dim3A_3571 : vector<1x128xi1>, vector<1x128xf32>
    %mul3A_3573 = arith.mulf %get3A_3564, %select_n3A_3572 : vector<1x128xf32>
    %mul3A_3574 = vector.broadcast %sub3A_3558 : vector<1x1xf32> to vector<1x128xf32>
    %mul3A_3575 = arith.mulf %mul3A_3573, %mul3A_3574 : vector<1x128xf32>
    %max3A_3576 = arith.maximumf %max3A_3543, %mul3A_3575 : vector<1x128xf32>
    %eq3A_3577 = arith.constant 106 : i32
    %eq3A_3578 = vector.broadcast %eq3A_3577 : i32 to vector<1x128xi32>
    %eq3A_3579 = arith.cmpi eq, %iota3A, %eq3A_3578 : vector<1x128xi32>
    %jit3A_3580 = arith.constant 1.000000e+00 : f32
    %jit3A_3581 = arith.constant 0.000000e+00 : f32
    %broadcast_in_dim3A_3582 = vector.broadcast %jit3A_3580 : f32 to vector<1x128xf32>
    %broadcast_in_dim3A_3583 = vector.broadcast %jit3A_3581 : f32 to vector<1x128xf32>
    %select_n3A_3584 = arith.select %eq3A_3579, %broadcast_in_dim3A_3582, %broadcast_in_dim3A_3583 : vector<1x128xi1>, vector<1x128xf32>
    %mul3A_3585 = arith.mulf %max3A_3576, %select_n3A_3584 : vector<1x128xf32>
    %reduce_sum3A_3586 = arith.constant dense<0.000000e+00> : vector<1xf32>
    %reduce_sum3A_3587 = vector.multi_reduction <add>, %mul3A_3585, %reduce_sum3A_3586 [1] : vector<1x128xf32> to vector<1xf32>
    %broadcast_in_dim3A_3588 = vector.shape_cast %reduce_sum3A_3587 : vector<1xf32> to vector<1x1xf32>
    %sub3A_3589 = arith.constant 1.000000e+00 : f32
    %sub3A_3590 = vector.broadcast %sub3A_3589 : f32 to vector<1x1xf32>
    %sub3A_3591 = arith.subf %sub3A_3590, %broadcast_in_dim3A_3588 : vector<1x1xf32>
    %swap3A_3592 = arith.constant 106 : index
    %swap3A_3593 = arith.constant 0 : index
    %swap3A_3594 = vector.load %arg12[%swap3A_3592, %swap3A_3593] : memref<128x1xf32, #tpu.memory_space<vmem>>, vector<1x1xf32>
    tpu.vector_store %arg12[%swap3A_3592, %swap3A_3593], %sub3A_3591 {strides = array<i32>} : memref<128x1xf32, #tpu.memory_space<vmem>>, vector<1x1xf32>,
    %get3A_3595 = arith.constant 106 : index
    %get3A_3596 = arith.constant 0 : index
    %get3A_3597 = vector.load %arg11[%get3A_3595, %get3A_3596] : memref<128x128xf32, #tpu.memory_space<vmem>>, vector<1x128xf32>
    %gt3A_3598 = arith.constant 106 : i32
    %gt3A_3599 = vector.broadcast %gt3A_3598 : i32 to vector<1x128xi32>
    %gt3A_3600 = arith.cmpi sgt, %iota3A, %gt3A_3599 : vector<1x128xi32>
    %jit3A_3601 = arith.constant 1.000000e+00 : f32
    %jit3A_3602 = arith.constant 0.000000e+00 : f32
    %broadcast_in_dim3A_3603 = vector.broadcast %jit3A_3601 : f32 to vector<1x128xf32>
    %broadcast_in_dim3A_3604 = vector.broadcast %jit3A_3602 : f32 to vector<1x128xf32>
    %select_n3A_3605 = arith.select %gt3A_3600, %broadcast_in_dim3A_3603, %broadcast_in_dim3A_3604 : vector<1x128xi1>, vector<1x128xf32>
    %mul3A_3606 = arith.mulf %get3A_3597, %select_n3A_3605 : vector<1x128xf32>
    %mul3A_3607 = vector.broadcast %sub3A_3591 : vector<1x1xf32> to vector<1x128xf32>
    %mul3A_3608 = arith.mulf %mul3A_3606, %mul3A_3607 : vector<1x128xf32>
    %max3A_3609 = arith.maximumf %max3A_3576, %mul3A_3608 : vector<1x128xf32>
    %eq3A_3610 = arith.constant 107 : i32
    %eq3A_3611 = vector.broadcast %eq3A_3610 : i32 to vector<1x128xi32>
    %eq3A_3612 = arith.cmpi eq, %iota3A, %eq3A_3611 : vector<1x128xi32>
    %jit3A_3613 = arith.constant 1.000000e+00 : f32
    %jit3A_3614 = arith.constant 0.000000e+00 : f32
    %broadcast_in_dim3A_3615 = vector.broadcast %jit3A_3613 : f32 to vector<1x128xf32>
    %broadcast_in_dim3A_3616 = vector.broadcast %jit3A_3614 : f32 to vector<1x128xf32>
    %select_n3A_3617 = arith.select %eq3A_3612, %broadcast_in_dim3A_3615, %broadcast_in_dim3A_3616 : vector<1x128xi1>, vector<1x128xf32>
    %mul3A_3618 = arith.mulf %max3A_3609, %select_n3A_3617 : vector<1x128xf32>
    %reduce_sum3A_3619 = arith.constant dense<0.000000e+00> : vector<1xf32>
    %reduce_sum3A_3620 = vector.multi_reduction <add>, %mul3A_3618, %reduce_sum3A_3619 [1] : vector<1x128xf32> to vector<1xf32>
    %broadcast_in_dim3A_3621 = vector.shape_cast %reduce_sum3A_3620 : vector<1xf32> to vector<1x1xf32>
    %sub3A_3622 = arith.constant 1.000000e+00 : f32
    %sub3A_3623 = vector.broadcast %sub3A_3622 : f32 to vector<1x1xf32>
    %sub3A_3624 = arith.subf %sub3A_3623, %broadcast_in_dim3A_3621 : vector<1x1xf32>
    %swap3A_3625 = arith.constant 107 : index
    %swap3A_3626 = arith.constant 0 : index
    %swap3A_3627 = vector.load %arg12[%swap3A_3625, %swap3A_3626] : memref<128x1xf32, #tpu.memory_space<vmem>>, vector<1x1xf32>
    tpu.vector_store %arg12[%swap3A_3625, %swap3A_3626], %sub3A_3624 {strides = array<i32>} : memref<128x1xf32, #tpu.memory_space<vmem>>, vector<1x1xf32>,
    %get3A_3628 = arith.constant 107 : index
    %get3A_3629 = arith.constant 0 : index
    %get3A_3630 = vector.load %arg11[%get3A_3628, %get3A_3629] : memref<128x128xf32, #tpu.memory_space<vmem>>, vector<1x128xf32>
    %gt3A_3631 = arith.constant 107 : i32
    %gt3A_3632 = vector.broadcast %gt3A_3631 : i32 to vector<1x128xi32>
    %gt3A_3633 = arith.cmpi sgt, %iota3A, %gt3A_3632 : vector<1x128xi32>
    %jit3A_3634 = arith.constant 1.000000e+00 : f32
    %jit3A_3635 = arith.constant 0.000000e+00 : f32
    %broadcast_in_dim3A_3636 = vector.broadcast %jit3A_3634 : f32 to vector<1x128xf32>
    %broadcast_in_dim3A_3637 = vector.broadcast %jit3A_3635 : f32 to vector<1x128xf32>
    %select_n3A_3638 = arith.select %gt3A_3633, %broadcast_in_dim3A_3636, %broadcast_in_dim3A_3637 : vector<1x128xi1>, vector<1x128xf32>
    %mul3A_3639 = arith.mulf %get3A_3630, %select_n3A_3638 : vector<1x128xf32>
    %mul3A_3640 = vector.broadcast %sub3A_3624 : vector<1x1xf32> to vector<1x128xf32>
    %mul3A_3641 = arith.mulf %mul3A_3639, %mul3A_3640 : vector<1x128xf32>
    %max3A_3642 = arith.maximumf %max3A_3609, %mul3A_3641 : vector<1x128xf32>
    %eq3A_3643 = arith.constant 108 : i32
    %eq3A_3644 = vector.broadcast %eq3A_3643 : i32 to vector<1x128xi32>
    %eq3A_3645 = arith.cmpi eq, %iota3A, %eq3A_3644 : vector<1x128xi32>
    %jit3A_3646 = arith.constant 1.000000e+00 : f32
    %jit3A_3647 = arith.constant 0.000000e+00 : f32
    %broadcast_in_dim3A_3648 = vector.broadcast %jit3A_3646 : f32 to vector<1x128xf32>
    %broadcast_in_dim3A_3649 = vector.broadcast %jit3A_3647 : f32 to vector<1x128xf32>
    %select_n3A_3650 = arith.select %eq3A_3645, %broadcast_in_dim3A_3648, %broadcast_in_dim3A_3649 : vector<1x128xi1>, vector<1x128xf32>
    %mul3A_3651 = arith.mulf %max3A_3642, %select_n3A_3650 : vector<1x128xf32>
    %reduce_sum3A_3652 = arith.constant dense<0.000000e+00> : vector<1xf32>
    %reduce_sum3A_3653 = vector.multi_reduction <add>, %mul3A_3651, %reduce_sum3A_3652 [1] : vector<1x128xf32> to vector<1xf32>
    %broadcast_in_dim3A_3654 = vector.shape_cast %reduce_sum3A_3653 : vector<1xf32> to vector<1x1xf32>
    %sub3A_3655 = arith.constant 1.000000e+00 : f32
    %sub3A_3656 = vector.broadcast %sub3A_3655 : f32 to vector<1x1xf32>
    %sub3A_3657 = arith.subf %sub3A_3656, %broadcast_in_dim3A_3654 : vector<1x1xf32>
    %swap3A_3658 = arith.constant 108 : index
    %swap3A_3659 = arith.constant 0 : index
    %swap3A_3660 = vector.load %arg12[%swap3A_3658, %swap3A_3659] : memref<128x1xf32, #tpu.memory_space<vmem>>, vector<1x1xf32>
    tpu.vector_store %arg12[%swap3A_3658, %swap3A_3659], %sub3A_3657 {strides = array<i32>} : memref<128x1xf32, #tpu.memory_space<vmem>>, vector<1x1xf32>,
    %get3A_3661 = arith.constant 108 : index
    %get3A_3662 = arith.constant 0 : index
    %get3A_3663 = vector.load %arg11[%get3A_3661, %get3A_3662] : memref<128x128xf32, #tpu.memory_space<vmem>>, vector<1x128xf32>
    %gt3A_3664 = arith.constant 108 : i32
    %gt3A_3665 = vector.broadcast %gt3A_3664 : i32 to vector<1x128xi32>
    %gt3A_3666 = arith.cmpi sgt, %iota3A, %gt3A_3665 : vector<1x128xi32>
    %jit3A_3667 = arith.constant 1.000000e+00 : f32
    %jit3A_3668 = arith.constant 0.000000e+00 : f32
    %broadcast_in_dim3A_3669 = vector.broadcast %jit3A_3667 : f32 to vector<1x128xf32>
    %broadcast_in_dim3A_3670 = vector.broadcast %jit3A_3668 : f32 to vector<1x128xf32>
    %select_n3A_3671 = arith.select %gt3A_3666, %broadcast_in_dim3A_3669, %broadcast_in_dim3A_3670 : vector<1x128xi1>, vector<1x128xf32>
    %mul3A_3672 = arith.mulf %get3A_3663, %select_n3A_3671 : vector<1x128xf32>
    %mul3A_3673 = vector.broadcast %sub3A_3657 : vector<1x1xf32> to vector<1x128xf32>
    %mul3A_3674 = arith.mulf %mul3A_3672, %mul3A_3673 : vector<1x128xf32>
    %max3A_3675 = arith.maximumf %max3A_3642, %mul3A_3674 : vector<1x128xf32>
    %eq3A_3676 = arith.constant 109 : i32
    %eq3A_3677 = vector.broadcast %eq3A_3676 : i32 to vector<1x128xi32>
    %eq3A_3678 = arith.cmpi eq, %iota3A, %eq3A_3677 : vector<1x128xi32>
    %jit3A_3679 = arith.constant 1.000000e+00 : f32
    %jit3A_3680 = arith.constant 0.000000e+00 : f32
    %broadcast_in_dim3A_3681 = vector.broadcast %jit3A_3679 : f32 to vector<1x128xf32>
    %broadcast_in_dim3A_3682 = vector.broadcast %jit3A_3680 : f32 to vector<1x128xf32>
    %select_n3A_3683 = arith.select %eq3A_3678, %broadcast_in_dim3A_3681, %broadcast_in_dim3A_3682 : vector<1x128xi1>, vector<1x128xf32>
    %mul3A_3684 = arith.mulf %max3A_3675, %select_n3A_3683 : vector<1x128xf32>
    %reduce_sum3A_3685 = arith.constant dense<0.000000e+00> : vector<1xf32>
    %reduce_sum3A_3686 = vector.multi_reduction <add>, %mul3A_3684, %reduce_sum3A_3685 [1] : vector<1x128xf32> to vector<1xf32>
    %broadcast_in_dim3A_3687 = vector.shape_cast %reduce_sum3A_3686 : vector<1xf32> to vector<1x1xf32>
    %sub3A_3688 = arith.constant 1.000000e+00 : f32
    %sub3A_3689 = vector.broadcast %sub3A_3688 : f32 to vector<1x1xf32>
    %sub3A_3690 = arith.subf %sub3A_3689, %broadcast_in_dim3A_3687 : vector<1x1xf32>
    %swap3A_3691 = arith.constant 109 : index
    %swap3A_3692 = arith.constant 0 : index
    %swap3A_3693 = vector.load %arg12[%swap3A_3691, %swap3A_3692] : memref<128x1xf32, #tpu.memory_space<vmem>>, vector<1x1xf32>
    tpu.vector_store %arg12[%swap3A_3691, %swap3A_3692], %sub3A_3690 {strides = array<i32>} : memref<128x1xf32, #tpu.memory_space<vmem>>, vector<1x1xf32>,
    %get3A_3694 = arith.constant 109 : index
    %get3A_3695 = arith.constant 0 : index
    %get3A_3696 = vector.load %arg11[%get3A_3694, %get3A_3695] : memref<128x128xf32, #tpu.memory_space<vmem>>, vector<1x128xf32>
    %gt3A_3697 = arith.constant 109 : i32
    %gt3A_3698 = vector.broadcast %gt3A_3697 : i32 to vector<1x128xi32>
    %gt3A_3699 = arith.cmpi sgt, %iota3A, %gt3A_3698 : vector<1x128xi32>
    %jit3A_3700 = arith.constant 1.000000e+00 : f32
    %jit3A_3701 = arith.constant 0.000000e+00 : f32
    %broadcast_in_dim3A_3702 = vector.broadcast %jit3A_3700 : f32 to vector<1x128xf32>
    %broadcast_in_dim3A_3703 = vector.broadcast %jit3A_3701 : f32 to vector<1x128xf32>
    %select_n3A_3704 = arith.select %gt3A_3699, %broadcast_in_dim3A_3702, %broadcast_in_dim3A_3703 : vector<1x128xi1>, vector<1x128xf32>
    %mul3A_3705 = arith.mulf %get3A_3696, %select_n3A_3704 : vector<1x128xf32>
    %mul3A_3706 = vector.broadcast %sub3A_3690 : vector<1x1xf32> to vector<1x128xf32>
    %mul3A_3707 = arith.mulf %mul3A_3705, %mul3A_3706 : vector<1x128xf32>
    %max3A_3708 = arith.maximumf %max3A_3675, %mul3A_3707 : vector<1x128xf32>
    %eq3A_3709 = arith.constant 110 : i32
    %eq3A_3710 = vector.broadcast %eq3A_3709 : i32 to vector<1x128xi32>
    %eq3A_3711 = arith.cmpi eq, %iota3A, %eq3A_3710 : vector<1x128xi32>
    %jit3A_3712 = arith.constant 1.000000e+00 : f32
    %jit3A_3713 = arith.constant 0.000000e+00 : f32
    %broadcast_in_dim3A_3714 = vector.broadcast %jit3A_3712 : f32 to vector<1x128xf32>
    %broadcast_in_dim3A_3715 = vector.broadcast %jit3A_3713 : f32 to vector<1x128xf32>
    %select_n3A_3716 = arith.select %eq3A_3711, %broadcast_in_dim3A_3714, %broadcast_in_dim3A_3715 : vector<1x128xi1>, vector<1x128xf32>
    %mul3A_3717 = arith.mulf %max3A_3708, %select_n3A_3716 : vector<1x128xf32>
    %reduce_sum3A_3718 = arith.constant dense<0.000000e+00> : vector<1xf32>
    %reduce_sum3A_3719 = vector.multi_reduction <add>, %mul3A_3717, %reduce_sum3A_3718 [1] : vector<1x128xf32> to vector<1xf32>
    %broadcast_in_dim3A_3720 = vector.shape_cast %reduce_sum3A_3719 : vector<1xf32> to vector<1x1xf32>
    %sub3A_3721 = arith.constant 1.000000e+00 : f32
    %sub3A_3722 = vector.broadcast %sub3A_3721 : f32 to vector<1x1xf32>
    %sub3A_3723 = arith.subf %sub3A_3722, %broadcast_in_dim3A_3720 : vector<1x1xf32>
    %swap3A_3724 = arith.constant 110 : index
    %swap3A_3725 = arith.constant 0 : index
    %swap3A_3726 = vector.load %arg12[%swap3A_3724, %swap3A_3725] : memref<128x1xf32, #tpu.memory_space<vmem>>, vector<1x1xf32>
    tpu.vector_store %arg12[%swap3A_3724, %swap3A_3725], %sub3A_3723 {strides = array<i32>} : memref<128x1xf32, #tpu.memory_space<vmem>>, vector<1x1xf32>,
    %get3A_3727 = arith.constant 110 : index
    %get3A_3728 = arith.constant 0 : index
    %get3A_3729 = vector.load %arg11[%get3A_3727, %get3A_3728] : memref<128x128xf32, #tpu.memory_space<vmem>>, vector<1x128xf32>
    %gt3A_3730 = arith.constant 110 : i32
    %gt3A_3731 = vector.broadcast %gt3A_3730 : i32 to vector<1x128xi32>
    %gt3A_3732 = arith.cmpi sgt, %iota3A, %gt3A_3731 : vector<1x128xi32>
    %jit3A_3733 = arith.constant 1.000000e+00 : f32
    %jit3A_3734 = arith.constant 0.000000e+00 : f32
    %broadcast_in_dim3A_3735 = vector.broadcast %jit3A_3733 : f32 to vector<1x128xf32>
    %broadcast_in_dim3A_3736 = vector.broadcast %jit3A_3734 : f32 to vector<1x128xf32>
    %select_n3A_3737 = arith.select %gt3A_3732, %broadcast_in_dim3A_3735, %broadcast_in_dim3A_3736 : vector<1x128xi1>, vector<1x128xf32>
    %mul3A_3738 = arith.mulf %get3A_3729, %select_n3A_3737 : vector<1x128xf32>
    %mul3A_3739 = vector.broadcast %sub3A_3723 : vector<1x1xf32> to vector<1x128xf32>
    %mul3A_3740 = arith.mulf %mul3A_3738, %mul3A_3739 : vector<1x128xf32>
    %max3A_3741 = arith.maximumf %max3A_3708, %mul3A_3740 : vector<1x128xf32>
    %eq3A_3742 = arith.constant 111 : i32
    %eq3A_3743 = vector.broadcast %eq3A_3742 : i32 to vector<1x128xi32>
    %eq3A_3744 = arith.cmpi eq, %iota3A, %eq3A_3743 : vector<1x128xi32>
    %jit3A_3745 = arith.constant 1.000000e+00 : f32
    %jit3A_3746 = arith.constant 0.000000e+00 : f32
    %broadcast_in_dim3A_3747 = vector.broadcast %jit3A_3745 : f32 to vector<1x128xf32>
    %broadcast_in_dim3A_3748 = vector.broadcast %jit3A_3746 : f32 to vector<1x128xf32>
    %select_n3A_3749 = arith.select %eq3A_3744, %broadcast_in_dim3A_3747, %broadcast_in_dim3A_3748 : vector<1x128xi1>, vector<1x128xf32>
    %mul3A_3750 = arith.mulf %max3A_3741, %select_n3A_3749 : vector<1x128xf32>
    %reduce_sum3A_3751 = arith.constant dense<0.000000e+00> : vector<1xf32>
    %reduce_sum3A_3752 = vector.multi_reduction <add>, %mul3A_3750, %reduce_sum3A_3751 [1] : vector<1x128xf32> to vector<1xf32>
    %broadcast_in_dim3A_3753 = vector.shape_cast %reduce_sum3A_3752 : vector<1xf32> to vector<1x1xf32>
    %sub3A_3754 = arith.constant 1.000000e+00 : f32
    %sub3A_3755 = vector.broadcast %sub3A_3754 : f32 to vector<1x1xf32>
    %sub3A_3756 = arith.subf %sub3A_3755, %broadcast_in_dim3A_3753 : vector<1x1xf32>
    %swap3A_3757 = arith.constant 111 : index
    %swap3A_3758 = arith.constant 0 : index
    %swap3A_3759 = vector.load %arg12[%swap3A_3757, %swap3A_3758] : memref<128x1xf32, #tpu.memory_space<vmem>>, vector<1x1xf32>
    tpu.vector_store %arg12[%swap3A_3757, %swap3A_3758], %sub3A_3756 {strides = array<i32>} : memref<128x1xf32, #tpu.memory_space<vmem>>, vector<1x1xf32>,
    %get3A_3760 = arith.constant 111 : index
    %get3A_3761 = arith.constant 0 : index
    %get3A_3762 = vector.load %arg11[%get3A_3760, %get3A_3761] : memref<128x128xf32, #tpu.memory_space<vmem>>, vector<1x128xf32>
    %gt3A_3763 = arith.constant 111 : i32
    %gt3A_3764 = vector.broadcast %gt3A_3763 : i32 to vector<1x128xi32>
    %gt3A_3765 = arith.cmpi sgt, %iota3A, %gt3A_3764 : vector<1x128xi32>
    %jit3A_3766 = arith.constant 1.000000e+00 : f32
    %jit3A_3767 = arith.constant 0.000000e+00 : f32
    %broadcast_in_dim3A_3768 = vector.broadcast %jit3A_3766 : f32 to vector<1x128xf32>
    %broadcast_in_dim3A_3769 = vector.broadcast %jit3A_3767 : f32 to vector<1x128xf32>
    %select_n3A_3770 = arith.select %gt3A_3765, %broadcast_in_dim3A_3768, %broadcast_in_dim3A_3769 : vector<1x128xi1>, vector<1x128xf32>
    %mul3A_3771 = arith.mulf %get3A_3762, %select_n3A_3770 : vector<1x128xf32>
    %mul3A_3772 = vector.broadcast %sub3A_3756 : vector<1x1xf32> to vector<1x128xf32>
    %mul3A_3773 = arith.mulf %mul3A_3771, %mul3A_3772 : vector<1x128xf32>
    %max3A_3774 = arith.maximumf %max3A_3741, %mul3A_3773 : vector<1x128xf32>
    %eq3A_3775 = arith.constant 112 : i32
    %eq3A_3776 = vector.broadcast %eq3A_3775 : i32 to vector<1x128xi32>
    %eq3A_3777 = arith.cmpi eq, %iota3A, %eq3A_3776 : vector<1x128xi32>
    %jit3A_3778 = arith.constant 1.000000e+00 : f32
    %jit3A_3779 = arith.constant 0.000000e+00 : f32
    %broadcast_in_dim3A_3780 = vector.broadcast %jit3A_3778 : f32 to vector<1x128xf32>
    %broadcast_in_dim3A_3781 = vector.broadcast %jit3A_3779 : f32 to vector<1x128xf32>
    %select_n3A_3782 = arith.select %eq3A_3777, %broadcast_in_dim3A_3780, %broadcast_in_dim3A_3781 : vector<1x128xi1>, vector<1x128xf32>
    %mul3A_3783 = arith.mulf %max3A_3774, %select_n3A_3782 : vector<1x128xf32>
    %reduce_sum3A_3784 = arith.constant dense<0.000000e+00> : vector<1xf32>
    %reduce_sum3A_3785 = vector.multi_reduction <add>, %mul3A_3783, %reduce_sum3A_3784 [1] : vector<1x128xf32> to vector<1xf32>
    %broadcast_in_dim3A_3786 = vector.shape_cast %reduce_sum3A_3785 : vector<1xf32> to vector<1x1xf32>
    %sub3A_3787 = arith.constant 1.000000e+00 : f32
    %sub3A_3788 = vector.broadcast %sub3A_3787 : f32 to vector<1x1xf32>
    %sub3A_3789 = arith.subf %sub3A_3788, %broadcast_in_dim3A_3786 : vector<1x1xf32>
    %swap3A_3790 = arith.constant 112 : index
    %swap3A_3791 = arith.constant 0 : index
    %swap3A_3792 = vector.load %arg12[%swap3A_3790, %swap3A_3791] : memref<128x1xf32, #tpu.memory_space<vmem>>, vector<1x1xf32>
    tpu.vector_store %arg12[%swap3A_3790, %swap3A_3791], %sub3A_3789 {strides = array<i32>} : memref<128x1xf32, #tpu.memory_space<vmem>>, vector<1x1xf32>,
    %get3A_3793 = arith.constant 112 : index
    %get3A_3794 = arith.constant 0 : index
    %get3A_3795 = vector.load %arg11[%get3A_3793, %get3A_3794] : memref<128x128xf32, #tpu.memory_space<vmem>>, vector<1x128xf32>
    %gt3A_3796 = arith.constant 112 : i32
    %gt3A_3797 = vector.broadcast %gt3A_3796 : i32 to vector<1x128xi32>
    %gt3A_3798 = arith.cmpi sgt, %iota3A, %gt3A_3797 : vector<1x128xi32>
    %jit3A_3799 = arith.constant 1.000000e+00 : f32
    %jit3A_3800 = arith.constant 0.000000e+00 : f32
    %broadcast_in_dim3A_3801 = vector.broadcast %jit3A_3799 : f32 to vector<1x128xf32>
    %broadcast_in_dim3A_3802 = vector.broadcast %jit3A_3800 : f32 to vector<1x128xf32>
    %select_n3A_3803 = arith.select %gt3A_3798, %broadcast_in_dim3A_3801, %broadcast_in_dim3A_3802 : vector<1x128xi1>, vector<1x128xf32>
    %mul3A_3804 = arith.mulf %get3A_3795, %select_n3A_3803 : vector<1x128xf32>
    %mul3A_3805 = vector.broadcast %sub3A_3789 : vector<1x1xf32> to vector<1x128xf32>
    %mul3A_3806 = arith.mulf %mul3A_3804, %mul3A_3805 : vector<1x128xf32>
    %max3A_3807 = arith.maximumf %max3A_3774, %mul3A_3806 : vector<1x128xf32>
    %eq3A_3808 = arith.constant 113 : i32
    %eq3A_3809 = vector.broadcast %eq3A_3808 : i32 to vector<1x128xi32>
    %eq3A_3810 = arith.cmpi eq, %iota3A, %eq3A_3809 : vector<1x128xi32>
    %jit3A_3811 = arith.constant 1.000000e+00 : f32
    %jit3A_3812 = arith.constant 0.000000e+00 : f32
    %broadcast_in_dim3A_3813 = vector.broadcast %jit3A_3811 : f32 to vector<1x128xf32>
    %broadcast_in_dim3A_3814 = vector.broadcast %jit3A_3812 : f32 to vector<1x128xf32>
    %select_n3A_3815 = arith.select %eq3A_3810, %broadcast_in_dim3A_3813, %broadcast_in_dim3A_3814 : vector<1x128xi1>, vector<1x128xf32>
    %mul3A_3816 = arith.mulf %max3A_3807, %select_n3A_3815 : vector<1x128xf32>
    %reduce_sum3A_3817 = arith.constant dense<0.000000e+00> : vector<1xf32>
    %reduce_sum3A_3818 = vector.multi_reduction <add>, %mul3A_3816, %reduce_sum3A_3817 [1] : vector<1x128xf32> to vector<1xf32>
    %broadcast_in_dim3A_3819 = vector.shape_cast %reduce_sum3A_3818 : vector<1xf32> to vector<1x1xf32>
    %sub3A_3820 = arith.constant 1.000000e+00 : f32
    %sub3A_3821 = vector.broadcast %sub3A_3820 : f32 to vector<1x1xf32>
    %sub3A_3822 = arith.subf %sub3A_3821, %broadcast_in_dim3A_3819 : vector<1x1xf32>
    %swap3A_3823 = arith.constant 113 : index
    %swap3A_3824 = arith.constant 0 : index
    %swap3A_3825 = vector.load %arg12[%swap3A_3823, %swap3A_3824] : memref<128x1xf32, #tpu.memory_space<vmem>>, vector<1x1xf32>
    tpu.vector_store %arg12[%swap3A_3823, %swap3A_3824], %sub3A_3822 {strides = array<i32>} : memref<128x1xf32, #tpu.memory_space<vmem>>, vector<1x1xf32>,
    %get3A_3826 = arith.constant 113 : index
    %get3A_3827 = arith.constant 0 : index
    %get3A_3828 = vector.load %arg11[%get3A_3826, %get3A_3827] : memref<128x128xf32, #tpu.memory_space<vmem>>, vector<1x128xf32>
    %gt3A_3829 = arith.constant 113 : i32
    %gt3A_3830 = vector.broadcast %gt3A_3829 : i32 to vector<1x128xi32>
    %gt3A_3831 = arith.cmpi sgt, %iota3A, %gt3A_3830 : vector<1x128xi32>
    %jit3A_3832 = arith.constant 1.000000e+00 : f32
    %jit3A_3833 = arith.constant 0.000000e+00 : f32
    %broadcast_in_dim3A_3834 = vector.broadcast %jit3A_3832 : f32 to vector<1x128xf32>
    %broadcast_in_dim3A_3835 = vector.broadcast %jit3A_3833 : f32 to vector<1x128xf32>
    %select_n3A_3836 = arith.select %gt3A_3831, %broadcast_in_dim3A_3834, %broadcast_in_dim3A_3835 : vector<1x128xi1>, vector<1x128xf32>
    %mul3A_3837 = arith.mulf %get3A_3828, %select_n3A_3836 : vector<1x128xf32>
    %mul3A_3838 = vector.broadcast %sub3A_3822 : vector<1x1xf32> to vector<1x128xf32>
    %mul3A_3839 = arith.mulf %mul3A_3837, %mul3A_3838 : vector<1x128xf32>
    %max3A_3840 = arith.maximumf %max3A_3807, %mul3A_3839 : vector<1x128xf32>
    %eq3A_3841 = arith.constant 114 : i32
    %eq3A_3842 = vector.broadcast %eq3A_3841 : i32 to vector<1x128xi32>
    %eq3A_3843 = arith.cmpi eq, %iota3A, %eq3A_3842 : vector<1x128xi32>
    %jit3A_3844 = arith.constant 1.000000e+00 : f32
    %jit3A_3845 = arith.constant 0.000000e+00 : f32
    %broadcast_in_dim3A_3846 = vector.broadcast %jit3A_3844 : f32 to vector<1x128xf32>
    %broadcast_in_dim3A_3847 = vector.broadcast %jit3A_3845 : f32 to vector<1x128xf32>
    %select_n3A_3848 = arith.select %eq3A_3843, %broadcast_in_dim3A_3846, %broadcast_in_dim3A_3847 : vector<1x128xi1>, vector<1x128xf32>
    %mul3A_3849 = arith.mulf %max3A_3840, %select_n3A_3848 : vector<1x128xf32>
    %reduce_sum3A_3850 = arith.constant dense<0.000000e+00> : vector<1xf32>
    %reduce_sum3A_3851 = vector.multi_reduction <add>, %mul3A_3849, %reduce_sum3A_3850 [1] : vector<1x128xf32> to vector<1xf32>
    %broadcast_in_dim3A_3852 = vector.shape_cast %reduce_sum3A_3851 : vector<1xf32> to vector<1x1xf32>
    %sub3A_3853 = arith.constant 1.000000e+00 : f32
    %sub3A_3854 = vector.broadcast %sub3A_3853 : f32 to vector<1x1xf32>
    %sub3A_3855 = arith.subf %sub3A_3854, %broadcast_in_dim3A_3852 : vector<1x1xf32>
    %swap3A_3856 = arith.constant 114 : index
    %swap3A_3857 = arith.constant 0 : index
    %swap3A_3858 = vector.load %arg12[%swap3A_3856, %swap3A_3857] : memref<128x1xf32, #tpu.memory_space<vmem>>, vector<1x1xf32>
    tpu.vector_store %arg12[%swap3A_3856, %swap3A_3857], %sub3A_3855 {strides = array<i32>} : memref<128x1xf32, #tpu.memory_space<vmem>>, vector<1x1xf32>,
    %get3A_3859 = arith.constant 114 : index
    %get3A_3860 = arith.constant 0 : index
    %get3A_3861 = vector.load %arg11[%get3A_3859, %get3A_3860] : memref<128x128xf32, #tpu.memory_space<vmem>>, vector<1x128xf32>
    %gt3A_3862 = arith.constant 114 : i32
    %gt3A_3863 = vector.broadcast %gt3A_3862 : i32 to vector<1x128xi32>
    %gt3A_3864 = arith.cmpi sgt, %iota3A, %gt3A_3863 : vector<1x128xi32>
    %jit3A_3865 = arith.constant 1.000000e+00 : f32
    %jit3A_3866 = arith.constant 0.000000e+00 : f32
    %broadcast_in_dim3A_3867 = vector.broadcast %jit3A_3865 : f32 to vector<1x128xf32>
    %broadcast_in_dim3A_3868 = vector.broadcast %jit3A_3866 : f32 to vector<1x128xf32>
    %select_n3A_3869 = arith.select %gt3A_3864, %broadcast_in_dim3A_3867, %broadcast_in_dim3A_3868 : vector<1x128xi1>, vector<1x128xf32>
    %mul3A_3870 = arith.mulf %get3A_3861, %select_n3A_3869 : vector<1x128xf32>
    %mul3A_3871 = vector.broadcast %sub3A_3855 : vector<1x1xf32> to vector<1x128xf32>
    %mul3A_3872 = arith.mulf %mul3A_3870, %mul3A_3871 : vector<1x128xf32>
    %max3A_3873 = arith.maximumf %max3A_3840, %mul3A_3872 : vector<1x128xf32>
    %eq3A_3874 = arith.constant 115 : i32
    %eq3A_3875 = vector.broadcast %eq3A_3874 : i32 to vector<1x128xi32>
    %eq3A_3876 = arith.cmpi eq, %iota3A, %eq3A_3875 : vector<1x128xi32>
    %jit3A_3877 = arith.constant 1.000000e+00 : f32
    %jit3A_3878 = arith.constant 0.000000e+00 : f32
    %broadcast_in_dim3A_3879 = vector.broadcast %jit3A_3877 : f32 to vector<1x128xf32>
    %broadcast_in_dim3A_3880 = vector.broadcast %jit3A_3878 : f32 to vector<1x128xf32>
    %select_n3A_3881 = arith.select %eq3A_3876, %broadcast_in_dim3A_3879, %broadcast_in_dim3A_3880 : vector<1x128xi1>, vector<1x128xf32>
    %mul3A_3882 = arith.mulf %max3A_3873, %select_n3A_3881 : vector<1x128xf32>
    %reduce_sum3A_3883 = arith.constant dense<0.000000e+00> : vector<1xf32>
    %reduce_sum3A_3884 = vector.multi_reduction <add>, %mul3A_3882, %reduce_sum3A_3883 [1] : vector<1x128xf32> to vector<1xf32>
    %broadcast_in_dim3A_3885 = vector.shape_cast %reduce_sum3A_3884 : vector<1xf32> to vector<1x1xf32>
    %sub3A_3886 = arith.constant 1.000000e+00 : f32
    %sub3A_3887 = vector.broadcast %sub3A_3886 : f32 to vector<1x1xf32>
    %sub3A_3888 = arith.subf %sub3A_3887, %broadcast_in_dim3A_3885 : vector<1x1xf32>
    %swap3A_3889 = arith.constant 115 : index
    %swap3A_3890 = arith.constant 0 : index
    %swap3A_3891 = vector.load %arg12[%swap3A_3889, %swap3A_3890] : memref<128x1xf32, #tpu.memory_space<vmem>>, vector<1x1xf32>
    tpu.vector_store %arg12[%swap3A_3889, %swap3A_3890], %sub3A_3888 {strides = array<i32>} : memref<128x1xf32, #tpu.memory_space<vmem>>, vector<1x1xf32>,
    %get3A_3892 = arith.constant 115 : index
    %get3A_3893 = arith.constant 0 : index
    %get3A_3894 = vector.load %arg11[%get3A_3892, %get3A_3893] : memref<128x128xf32, #tpu.memory_space<vmem>>, vector<1x128xf32>
    %gt3A_3895 = arith.constant 115 : i32
    %gt3A_3896 = vector.broadcast %gt3A_3895 : i32 to vector<1x128xi32>
    %gt3A_3897 = arith.cmpi sgt, %iota3A, %gt3A_3896 : vector<1x128xi32>
    %jit3A_3898 = arith.constant 1.000000e+00 : f32
    %jit3A_3899 = arith.constant 0.000000e+00 : f32
    %broadcast_in_dim3A_3900 = vector.broadcast %jit3A_3898 : f32 to vector<1x128xf32>
    %broadcast_in_dim3A_3901 = vector.broadcast %jit3A_3899 : f32 to vector<1x128xf32>
    %select_n3A_3902 = arith.select %gt3A_3897, %broadcast_in_dim3A_3900, %broadcast_in_dim3A_3901 : vector<1x128xi1>, vector<1x128xf32>
    %mul3A_3903 = arith.mulf %get3A_3894, %select_n3A_3902 : vector<1x128xf32>
    %mul3A_3904 = vector.broadcast %sub3A_3888 : vector<1x1xf32> to vector<1x128xf32>
    %mul3A_3905 = arith.mulf %mul3A_3903, %mul3A_3904 : vector<1x128xf32>
    %max3A_3906 = arith.maximumf %max3A_3873, %mul3A_3905 : vector<1x128xf32>
    %eq3A_3907 = arith.constant 116 : i32
    %eq3A_3908 = vector.broadcast %eq3A_3907 : i32 to vector<1x128xi32>
    %eq3A_3909 = arith.cmpi eq, %iota3A, %eq3A_3908 : vector<1x128xi32>
    %jit3A_3910 = arith.constant 1.000000e+00 : f32
    %jit3A_3911 = arith.constant 0.000000e+00 : f32
    %broadcast_in_dim3A_3912 = vector.broadcast %jit3A_3910 : f32 to vector<1x128xf32>
    %broadcast_in_dim3A_3913 = vector.broadcast %jit3A_3911 : f32 to vector<1x128xf32>
    %select_n3A_3914 = arith.select %eq3A_3909, %broadcast_in_dim3A_3912, %broadcast_in_dim3A_3913 : vector<1x128xi1>, vector<1x128xf32>
    %mul3A_3915 = arith.mulf %max3A_3906, %select_n3A_3914 : vector<1x128xf32>
    %reduce_sum3A_3916 = arith.constant dense<0.000000e+00> : vector<1xf32>
    %reduce_sum3A_3917 = vector.multi_reduction <add>, %mul3A_3915, %reduce_sum3A_3916 [1] : vector<1x128xf32> to vector<1xf32>
    %broadcast_in_dim3A_3918 = vector.shape_cast %reduce_sum3A_3917 : vector<1xf32> to vector<1x1xf32>
    %sub3A_3919 = arith.constant 1.000000e+00 : f32
    %sub3A_3920 = vector.broadcast %sub3A_3919 : f32 to vector<1x1xf32>
    %sub3A_3921 = arith.subf %sub3A_3920, %broadcast_in_dim3A_3918 : vector<1x1xf32>
    %swap3A_3922 = arith.constant 116 : index
    %swap3A_3923 = arith.constant 0 : index
    %swap3A_3924 = vector.load %arg12[%swap3A_3922, %swap3A_3923] : memref<128x1xf32, #tpu.memory_space<vmem>>, vector<1x1xf32>
    tpu.vector_store %arg12[%swap3A_3922, %swap3A_3923], %sub3A_3921 {strides = array<i32>} : memref<128x1xf32, #tpu.memory_space<vmem>>, vector<1x1xf32>,
    %get3A_3925 = arith.constant 116 : index
    %get3A_3926 = arith.constant 0 : index
    %get3A_3927 = vector.load %arg11[%get3A_3925, %get3A_3926] : memref<128x128xf32, #tpu.memory_space<vmem>>, vector<1x128xf32>
    %gt3A_3928 = arith.constant 116 : i32
    %gt3A_3929 = vector.broadcast %gt3A_3928 : i32 to vector<1x128xi32>
    %gt3A_3930 = arith.cmpi sgt, %iota3A, %gt3A_3929 : vector<1x128xi32>
    %jit3A_3931 = arith.constant 1.000000e+00 : f32
    %jit3A_3932 = arith.constant 0.000000e+00 : f32
    %broadcast_in_dim3A_3933 = vector.broadcast %jit3A_3931 : f32 to vector<1x128xf32>
    %broadcast_in_dim3A_3934 = vector.broadcast %jit3A_3932 : f32 to vector<1x128xf32>
    %select_n3A_3935 = arith.select %gt3A_3930, %broadcast_in_dim3A_3933, %broadcast_in_dim3A_3934 : vector<1x128xi1>, vector<1x128xf32>
    %mul3A_3936 = arith.mulf %get3A_3927, %select_n3A_3935 : vector<1x128xf32>
    %mul3A_3937 = vector.broadcast %sub3A_3921 : vector<1x1xf32> to vector<1x128xf32>
    %mul3A_3938 = arith.mulf %mul3A_3936, %mul3A_3937 : vector<1x128xf32>
    %max3A_3939 = arith.maximumf %max3A_3906, %mul3A_3938 : vector<1x128xf32>
    %eq3A_3940 = arith.constant 117 : i32
    %eq3A_3941 = vector.broadcast %eq3A_3940 : i32 to vector<1x128xi32>
    %eq3A_3942 = arith.cmpi eq, %iota3A, %eq3A_3941 : vector<1x128xi32>
    %jit3A_3943 = arith.constant 1.000000e+00 : f32
    %jit3A_3944 = arith.constant 0.000000e+00 : f32
    %broadcast_in_dim3A_3945 = vector.broadcast %jit3A_3943 : f32 to vector<1x128xf32>
    %broadcast_in_dim3A_3946 = vector.broadcast %jit3A_3944 : f32 to vector<1x128xf32>
    %select_n3A_3947 = arith.select %eq3A_3942, %broadcast_in_dim3A_3945, %broadcast_in_dim3A_3946 : vector<1x128xi1>, vector<1x128xf32>
    %mul3A_3948 = arith.mulf %max3A_3939, %select_n3A_3947 : vector<1x128xf32>
    %reduce_sum3A_3949 = arith.constant dense<0.000000e+00> : vector<1xf32>
    %reduce_sum3A_3950 = vector.multi_reduction <add>, %mul3A_3948, %reduce_sum3A_3949 [1] : vector<1x128xf32> to vector<1xf32>
    %broadcast_in_dim3A_3951 = vector.shape_cast %reduce_sum3A_3950 : vector<1xf32> to vector<1x1xf32>
    %sub3A_3952 = arith.constant 1.000000e+00 : f32
    %sub3A_3953 = vector.broadcast %sub3A_3952 : f32 to vector<1x1xf32>
    %sub3A_3954 = arith.subf %sub3A_3953, %broadcast_in_dim3A_3951 : vector<1x1xf32>
    %swap3A_3955 = arith.constant 117 : index
    %swap3A_3956 = arith.constant 0 : index
    %swap3A_3957 = vector.load %arg12[%swap3A_3955, %swap3A_3956] : memref<128x1xf32, #tpu.memory_space<vmem>>, vector<1x1xf32>
    tpu.vector_store %arg12[%swap3A_3955, %swap3A_3956], %sub3A_3954 {strides = array<i32>} : memref<128x1xf32, #tpu.memory_space<vmem>>, vector<1x1xf32>,
    %get3A_3958 = arith.constant 117 : index
    %get3A_3959 = arith.constant 0 : index
    %get3A_3960 = vector.load %arg11[%get3A_3958, %get3A_3959] : memref<128x128xf32, #tpu.memory_space<vmem>>, vector<1x128xf32>
    %gt3A_3961 = arith.constant 117 : i32
    %gt3A_3962 = vector.broadcast %gt3A_3961 : i32 to vector<1x128xi32>
    %gt3A_3963 = arith.cmpi sgt, %iota3A, %gt3A_3962 : vector<1x128xi32>
    %jit3A_3964 = arith.constant 1.000000e+00 : f32
    %jit3A_3965 = arith.constant 0.000000e+00 : f32
    %broadcast_in_dim3A_3966 = vector.broadcast %jit3A_3964 : f32 to vector<1x128xf32>
    %broadcast_in_dim3A_3967 = vector.broadcast %jit3A_3965 : f32 to vector<1x128xf32>
    %select_n3A_3968 = arith.select %gt3A_3963, %broadcast_in_dim3A_3966, %broadcast_in_dim3A_3967 : vector<1x128xi1>, vector<1x128xf32>
    %mul3A_3969 = arith.mulf %get3A_3960, %select_n3A_3968 : vector<1x128xf32>
    %mul3A_3970 = vector.broadcast %sub3A_3954 : vector<1x1xf32> to vector<1x128xf32>
    %mul3A_3971 = arith.mulf %mul3A_3969, %mul3A_3970 : vector<1x128xf32>
    %max3A_3972 = arith.maximumf %max3A_3939, %mul3A_3971 : vector<1x128xf32>
    %eq3A_3973 = arith.constant 118 : i32
    %eq3A_3974 = vector.broadcast %eq3A_3973 : i32 to vector<1x128xi32>
    %eq3A_3975 = arith.cmpi eq, %iota3A, %eq3A_3974 : vector<1x128xi32>
    %jit3A_3976 = arith.constant 1.000000e+00 : f32
    %jit3A_3977 = arith.constant 0.000000e+00 : f32
    %broadcast_in_dim3A_3978 = vector.broadcast %jit3A_3976 : f32 to vector<1x128xf32>
    %broadcast_in_dim3A_3979 = vector.broadcast %jit3A_3977 : f32 to vector<1x128xf32>
    %select_n3A_3980 = arith.select %eq3A_3975, %broadcast_in_dim3A_3978, %broadcast_in_dim3A_3979 : vector<1x128xi1>, vector<1x128xf32>
    %mul3A_3981 = arith.mulf %max3A_3972, %select_n3A_3980 : vector<1x128xf32>
    %reduce_sum3A_3982 = arith.constant dense<0.000000e+00> : vector<1xf32>
    %reduce_sum3A_3983 = vector.multi_reduction <add>, %mul3A_3981, %reduce_sum3A_3982 [1] : vector<1x128xf32> to vector<1xf32>
    %broadcast_in_dim3A_3984 = vector.shape_cast %reduce_sum3A_3983 : vector<1xf32> to vector<1x1xf32>
    %sub3A_3985 = arith.constant 1.000000e+00 : f32
    %sub3A_3986 = vector.broadcast %sub3A_3985 : f32 to vector<1x1xf32>
    %sub3A_3987 = arith.subf %sub3A_3986, %broadcast_in_dim3A_3984 : vector<1x1xf32>
    %swap3A_3988 = arith.constant 118 : index
    %swap3A_3989 = arith.constant 0 : index
    %swap3A_3990 = vector.load %arg12[%swap3A_3988, %swap3A_3989] : memref<128x1xf32, #tpu.memory_space<vmem>>, vector<1x1xf32>
    tpu.vector_store %arg12[%swap3A_3988, %swap3A_3989], %sub3A_3987 {strides = array<i32>} : memref<128x1xf32, #tpu.memory_space<vmem>>, vector<1x1xf32>,
    %get3A_3991 = arith.constant 118 : index
    %get3A_3992 = arith.constant 0 : index
    %get3A_3993 = vector.load %arg11[%get3A_3991, %get3A_3992] : memref<128x128xf32, #tpu.memory_space<vmem>>, vector<1x128xf32>
    %gt3A_3994 = arith.constant 118 : i32
    %gt3A_3995 = vector.broadcast %gt3A_3994 : i32 to vector<1x128xi32>
    %gt3A_3996 = arith.cmpi sgt, %iota3A, %gt3A_3995 : vector<1x128xi32>
    %jit3A_3997 = arith.constant 1.000000e+00 : f32
    %jit3A_3998 = arith.constant 0.000000e+00 : f32
    %broadcast_in_dim3A_3999 = vector.broadcast %jit3A_3997 : f32 to vector<1x128xf32>
    %broadcast_in_dim3A_4000 = vector.broadcast %jit3A_3998 : f32 to vector<1x128xf32>
    %select_n3A_4001 = arith.select %gt3A_3996, %broadcast_in_dim3A_3999, %broadcast_in_dim3A_4000 : vector<1x128xi1>, vector<1x128xf32>
    %mul3A_4002 = arith.mulf %get3A_3993, %select_n3A_4001 : vector<1x128xf32>
    %mul3A_4003 = vector.broadcast %sub3A_3987 : vector<1x1xf32> to vector<1x128xf32>
    %mul3A_4004 = arith.mulf %mul3A_4002, %mul3A_4003 : vector<1x128xf32>
    %max3A_4005 = arith.maximumf %max3A_3972, %mul3A_4004 : vector<1x128xf32>
    %eq3A_4006 = arith.constant 119 : i32
    %eq3A_4007 = vector.broadcast %eq3A_4006 : i32 to vector<1x128xi32>
    %eq3A_4008 = arith.cmpi eq, %iota3A, %eq3A_4007 : vector<1x128xi32>
    %jit3A_4009 = arith.constant 1.000000e+00 : f32
    %jit3A_4010 = arith.constant 0.000000e+00 : f32
    %broadcast_in_dim3A_4011 = vector.broadcast %jit3A_4009 : f32 to vector<1x128xf32>
    %broadcast_in_dim3A_4012 = vector.broadcast %jit3A_4010 : f32 to vector<1x128xf32>
    %select_n3A_4013 = arith.select %eq3A_4008, %broadcast_in_dim3A_4011, %broadcast_in_dim3A_4012 : vector<1x128xi1>, vector<1x128xf32>
    %mul3A_4014 = arith.mulf %max3A_4005, %select_n3A_4013 : vector<1x128xf32>
    %reduce_sum3A_4015 = arith.constant dense<0.000000e+00> : vector<1xf32>
    %reduce_sum3A_4016 = vector.multi_reduction <add>, %mul3A_4014, %reduce_sum3A_4015 [1] : vector<1x128xf32> to vector<1xf32>
    %broadcast_in_dim3A_4017 = vector.shape_cast %reduce_sum3A_4016 : vector<1xf32> to vector<1x1xf32>
    %sub3A_4018 = arith.constant 1.000000e+00 : f32
    %sub3A_4019 = vector.broadcast %sub3A_4018 : f32 to vector<1x1xf32>
    %sub3A_4020 = arith.subf %sub3A_4019, %broadcast_in_dim3A_4017 : vector<1x1xf32>
    %swap3A_4021 = arith.constant 119 : index
    %swap3A_4022 = arith.constant 0 : index
    %swap3A_4023 = vector.load %arg12[%swap3A_4021, %swap3A_4022] : memref<128x1xf32, #tpu.memory_space<vmem>>, vector<1x1xf32>
    tpu.vector_store %arg12[%swap3A_4021, %swap3A_4022], %sub3A_4020 {strides = array<i32>} : memref<128x1xf32, #tpu.memory_space<vmem>>, vector<1x1xf32>,
    %get3A_4024 = arith.constant 119 : index
    %get3A_4025 = arith.constant 0 : index
    %get3A_4026 = vector.load %arg11[%get3A_4024, %get3A_4025] : memref<128x128xf32, #tpu.memory_space<vmem>>, vector<1x128xf32>
    %gt3A_4027 = arith.constant 119 : i32
    %gt3A_4028 = vector.broadcast %gt3A_4027 : i32 to vector<1x128xi32>
    %gt3A_4029 = arith.cmpi sgt, %iota3A, %gt3A_4028 : vector<1x128xi32>
    %jit3A_4030 = arith.constant 1.000000e+00 : f32
    %jit3A_4031 = arith.constant 0.000000e+00 : f32
    %broadcast_in_dim3A_4032 = vector.broadcast %jit3A_4030 : f32 to vector<1x128xf32>
    %broadcast_in_dim3A_4033 = vector.broadcast %jit3A_4031 : f32 to vector<1x128xf32>
    %select_n3A_4034 = arith.select %gt3A_4029, %broadcast_in_dim3A_4032, %broadcast_in_dim3A_4033 : vector<1x128xi1>, vector<1x128xf32>
    %mul3A_4035 = arith.mulf %get3A_4026, %select_n3A_4034 : vector<1x128xf32>
    %mul3A_4036 = vector.broadcast %sub3A_4020 : vector<1x1xf32> to vector<1x128xf32>
    %mul3A_4037 = arith.mulf %mul3A_4035, %mul3A_4036 : vector<1x128xf32>
    %max3A_4038 = arith.maximumf %max3A_4005, %mul3A_4037 : vector<1x128xf32>
    %eq3A_4039 = arith.constant 120 : i32
    %eq3A_4040 = vector.broadcast %eq3A_4039 : i32 to vector<1x128xi32>
    %eq3A_4041 = arith.cmpi eq, %iota3A, %eq3A_4040 : vector<1x128xi32>
    %jit3A_4042 = arith.constant 1.000000e+00 : f32
    %jit3A_4043 = arith.constant 0.000000e+00 : f32
    %broadcast_in_dim3A_4044 = vector.broadcast %jit3A_4042 : f32 to vector<1x128xf32>
    %broadcast_in_dim3A_4045 = vector.broadcast %jit3A_4043 : f32 to vector<1x128xf32>
    %select_n3A_4046 = arith.select %eq3A_4041, %broadcast_in_dim3A_4044, %broadcast_in_dim3A_4045 : vector<1x128xi1>, vector<1x128xf32>
    %mul3A_4047 = arith.mulf %max3A_4038, %select_n3A_4046 : vector<1x128xf32>
    %reduce_sum3A_4048 = arith.constant dense<0.000000e+00> : vector<1xf32>
    %reduce_sum3A_4049 = vector.multi_reduction <add>, %mul3A_4047, %reduce_sum3A_4048 [1] : vector<1x128xf32> to vector<1xf32>
    %broadcast_in_dim3A_4050 = vector.shape_cast %reduce_sum3A_4049 : vector<1xf32> to vector<1x1xf32>
    %sub3A_4051 = arith.constant 1.000000e+00 : f32
    %sub3A_4052 = vector.broadcast %sub3A_4051 : f32 to vector<1x1xf32>
    %sub3A_4053 = arith.subf %sub3A_4052, %broadcast_in_dim3A_4050 : vector<1x1xf32>
    %swap3A_4054 = arith.constant 120 : index
    %swap3A_4055 = arith.constant 0 : index
    %swap3A_4056 = vector.load %arg12[%swap3A_4054, %swap3A_4055] : memref<128x1xf32, #tpu.memory_space<vmem>>, vector<1x1xf32>
    tpu.vector_store %arg12[%swap3A_4054, %swap3A_4055], %sub3A_4053 {strides = array<i32>} : memref<128x1xf32, #tpu.memory_space<vmem>>, vector<1x1xf32>,
    %get3A_4057 = arith.constant 120 : index
    %get3A_4058 = arith.constant 0 : index
    %get3A_4059 = vector.load %arg11[%get3A_4057, %get3A_4058] : memref<128x128xf32, #tpu.memory_space<vmem>>, vector<1x128xf32>
    %gt3A_4060 = arith.constant 120 : i32
    %gt3A_4061 = vector.broadcast %gt3A_4060 : i32 to vector<1x128xi32>
    %gt3A_4062 = arith.cmpi sgt, %iota3A, %gt3A_4061 : vector<1x128xi32>
    %jit3A_4063 = arith.constant 1.000000e+00 : f32
    %jit3A_4064 = arith.constant 0.000000e+00 : f32
    %broadcast_in_dim3A_4065 = vector.broadcast %jit3A_4063 : f32 to vector<1x128xf32>
    %broadcast_in_dim3A_4066 = vector.broadcast %jit3A_4064 : f32 to vector<1x128xf32>
    %select_n3A_4067 = arith.select %gt3A_4062, %broadcast_in_dim3A_4065, %broadcast_in_dim3A_4066 : vector<1x128xi1>, vector<1x128xf32>
    %mul3A_4068 = arith.mulf %get3A_4059, %select_n3A_4067 : vector<1x128xf32>
    %mul3A_4069 = vector.broadcast %sub3A_4053 : vector<1x1xf32> to vector<1x128xf32>
    %mul3A_4070 = arith.mulf %mul3A_4068, %mul3A_4069 : vector<1x128xf32>
    %max3A_4071 = arith.maximumf %max3A_4038, %mul3A_4070 : vector<1x128xf32>
    %eq3A_4072 = arith.constant 121 : i32
    %eq3A_4073 = vector.broadcast %eq3A_4072 : i32 to vector<1x128xi32>
    %eq3A_4074 = arith.cmpi eq, %iota3A, %eq3A_4073 : vector<1x128xi32>
    %jit3A_4075 = arith.constant 1.000000e+00 : f32
    %jit3A_4076 = arith.constant 0.000000e+00 : f32
    %broadcast_in_dim3A_4077 = vector.broadcast %jit3A_4075 : f32 to vector<1x128xf32>
    %broadcast_in_dim3A_4078 = vector.broadcast %jit3A_4076 : f32 to vector<1x128xf32>
    %select_n3A_4079 = arith.select %eq3A_4074, %broadcast_in_dim3A_4077, %broadcast_in_dim3A_4078 : vector<1x128xi1>, vector<1x128xf32>
    %mul3A_4080 = arith.mulf %max3A_4071, %select_n3A_4079 : vector<1x128xf32>
    %reduce_sum3A_4081 = arith.constant dense<0.000000e+00> : vector<1xf32>
    %reduce_sum3A_4082 = vector.multi_reduction <add>, %mul3A_4080, %reduce_sum3A_4081 [1] : vector<1x128xf32> to vector<1xf32>
    %broadcast_in_dim3A_4083 = vector.shape_cast %reduce_sum3A_4082 : vector<1xf32> to vector<1x1xf32>
    %sub3A_4084 = arith.constant 1.000000e+00 : f32
    %sub3A_4085 = vector.broadcast %sub3A_4084 : f32 to vector<1x1xf32>
    %sub3A_4086 = arith.subf %sub3A_4085, %broadcast_in_dim3A_4083 : vector<1x1xf32>
    %swap3A_4087 = arith.constant 121 : index
    %swap3A_4088 = arith.constant 0 : index
    %swap3A_4089 = vector.load %arg12[%swap3A_4087, %swap3A_4088] : memref<128x1xf32, #tpu.memory_space<vmem>>, vector<1x1xf32>
    tpu.vector_store %arg12[%swap3A_4087, %swap3A_4088], %sub3A_4086 {strides = array<i32>} : memref<128x1xf32, #tpu.memory_space<vmem>>, vector<1x1xf32>,
    %get3A_4090 = arith.constant 121 : index
    %get3A_4091 = arith.constant 0 : index
    %get3A_4092 = vector.load %arg11[%get3A_4090, %get3A_4091] : memref<128x128xf32, #tpu.memory_space<vmem>>, vector<1x128xf32>
    %gt3A_4093 = arith.constant 121 : i32
    %gt3A_4094 = vector.broadcast %gt3A_4093 : i32 to vector<1x128xi32>
    %gt3A_4095 = arith.cmpi sgt, %iota3A, %gt3A_4094 : vector<1x128xi32>
    %jit3A_4096 = arith.constant 1.000000e+00 : f32
    %jit3A_4097 = arith.constant 0.000000e+00 : f32
    %broadcast_in_dim3A_4098 = vector.broadcast %jit3A_4096 : f32 to vector<1x128xf32>
    %broadcast_in_dim3A_4099 = vector.broadcast %jit3A_4097 : f32 to vector<1x128xf32>
    %select_n3A_4100 = arith.select %gt3A_4095, %broadcast_in_dim3A_4098, %broadcast_in_dim3A_4099 : vector<1x128xi1>, vector<1x128xf32>
    %mul3A_4101 = arith.mulf %get3A_4092, %select_n3A_4100 : vector<1x128xf32>
    %mul3A_4102 = vector.broadcast %sub3A_4086 : vector<1x1xf32> to vector<1x128xf32>
    %mul3A_4103 = arith.mulf %mul3A_4101, %mul3A_4102 : vector<1x128xf32>
    %max3A_4104 = arith.maximumf %max3A_4071, %mul3A_4103 : vector<1x128xf32>
    %eq3A_4105 = arith.constant 122 : i32
    %eq3A_4106 = vector.broadcast %eq3A_4105 : i32 to vector<1x128xi32>
    %eq3A_4107 = arith.cmpi eq, %iota3A, %eq3A_4106 : vector<1x128xi32>
    %jit3A_4108 = arith.constant 1.000000e+00 : f32
    %jit3A_4109 = arith.constant 0.000000e+00 : f32
    %broadcast_in_dim3A_4110 = vector.broadcast %jit3A_4108 : f32 to vector<1x128xf32>
    %broadcast_in_dim3A_4111 = vector.broadcast %jit3A_4109 : f32 to vector<1x128xf32>
    %select_n3A_4112 = arith.select %eq3A_4107, %broadcast_in_dim3A_4110, %broadcast_in_dim3A_4111 : vector<1x128xi1>, vector<1x128xf32>
    %mul3A_4113 = arith.mulf %max3A_4104, %select_n3A_4112 : vector<1x128xf32>
    %reduce_sum3A_4114 = arith.constant dense<0.000000e+00> : vector<1xf32>
    %reduce_sum3A_4115 = vector.multi_reduction <add>, %mul3A_4113, %reduce_sum3A_4114 [1] : vector<1x128xf32> to vector<1xf32>
    %broadcast_in_dim3A_4116 = vector.shape_cast %reduce_sum3A_4115 : vector<1xf32> to vector<1x1xf32>
    %sub3A_4117 = arith.constant 1.000000e+00 : f32
    %sub3A_4118 = vector.broadcast %sub3A_4117 : f32 to vector<1x1xf32>
    %sub3A_4119 = arith.subf %sub3A_4118, %broadcast_in_dim3A_4116 : vector<1x1xf32>
    %swap3A_4120 = arith.constant 122 : index
    %swap3A_4121 = arith.constant 0 : index
    %swap3A_4122 = vector.load %arg12[%swap3A_4120, %swap3A_4121] : memref<128x1xf32, #tpu.memory_space<vmem>>, vector<1x1xf32>
    tpu.vector_store %arg12[%swap3A_4120, %swap3A_4121], %sub3A_4119 {strides = array<i32>} : memref<128x1xf32, #tpu.memory_space<vmem>>, vector<1x1xf32>,
    %get3A_4123 = arith.constant 122 : index
    %get3A_4124 = arith.constant 0 : index
    %get3A_4125 = vector.load %arg11[%get3A_4123, %get3A_4124] : memref<128x128xf32, #tpu.memory_space<vmem>>, vector<1x128xf32>
    %gt3A_4126 = arith.constant 122 : i32
    %gt3A_4127 = vector.broadcast %gt3A_4126 : i32 to vector<1x128xi32>
    %gt3A_4128 = arith.cmpi sgt, %iota3A, %gt3A_4127 : vector<1x128xi32>
    %jit3A_4129 = arith.constant 1.000000e+00 : f32
    %jit3A_4130 = arith.constant 0.000000e+00 : f32
    %broadcast_in_dim3A_4131 = vector.broadcast %jit3A_4129 : f32 to vector<1x128xf32>
    %broadcast_in_dim3A_4132 = vector.broadcast %jit3A_4130 : f32 to vector<1x128xf32>
    %select_n3A_4133 = arith.select %gt3A_4128, %broadcast_in_dim3A_4131, %broadcast_in_dim3A_4132 : vector<1x128xi1>, vector<1x128xf32>
    %mul3A_4134 = arith.mulf %get3A_4125, %select_n3A_4133 : vector<1x128xf32>
    %mul3A_4135 = vector.broadcast %sub3A_4119 : vector<1x1xf32> to vector<1x128xf32>
    %mul3A_4136 = arith.mulf %mul3A_4134, %mul3A_4135 : vector<1x128xf32>
    %max3A_4137 = arith.maximumf %max3A_4104, %mul3A_4136 : vector<1x128xf32>
    %eq3A_4138 = arith.constant 123 : i32
    %eq3A_4139 = vector.broadcast %eq3A_4138 : i32 to vector<1x128xi32>
    %eq3A_4140 = arith.cmpi eq, %iota3A, %eq3A_4139 : vector<1x128xi32>
    %jit3A_4141 = arith.constant 1.000000e+00 : f32
    %jit3A_4142 = arith.constant 0.000000e+00 : f32
    %broadcast_in_dim3A_4143 = vector.broadcast %jit3A_4141 : f32 to vector<1x128xf32>
    %broadcast_in_dim3A_4144 = vector.broadcast %jit3A_4142 : f32 to vector<1x128xf32>
    %select_n3A_4145 = arith.select %eq3A_4140, %broadcast_in_dim3A_4143, %broadcast_in_dim3A_4144 : vector<1x128xi1>, vector<1x128xf32>
    %mul3A_4146 = arith.mulf %max3A_4137, %select_n3A_4145 : vector<1x128xf32>
    %reduce_sum3A_4147 = arith.constant dense<0.000000e+00> : vector<1xf32>
    %reduce_sum3A_4148 = vector.multi_reduction <add>, %mul3A_4146, %reduce_sum3A_4147 [1] : vector<1x128xf32> to vector<1xf32>
    %broadcast_in_dim3A_4149 = vector.shape_cast %reduce_sum3A_4148 : vector<1xf32> to vector<1x1xf32>
    %sub3A_4150 = arith.constant 1.000000e+00 : f32
    %sub3A_4151 = vector.broadcast %sub3A_4150 : f32 to vector<1x1xf32>
    %sub3A_4152 = arith.subf %sub3A_4151, %broadcast_in_dim3A_4149 : vector<1x1xf32>
    %swap3A_4153 = arith.constant 123 : index
    %swap3A_4154 = arith.constant 0 : index
    %swap3A_4155 = vector.load %arg12[%swap3A_4153, %swap3A_4154] : memref<128x1xf32, #tpu.memory_space<vmem>>, vector<1x1xf32>
    tpu.vector_store %arg12[%swap3A_4153, %swap3A_4154], %sub3A_4152 {strides = array<i32>} : memref<128x1xf32, #tpu.memory_space<vmem>>, vector<1x1xf32>,
    %get3A_4156 = arith.constant 123 : index
    %get3A_4157 = arith.constant 0 : index
    %get3A_4158 = vector.load %arg11[%get3A_4156, %get3A_4157] : memref<128x128xf32, #tpu.memory_space<vmem>>, vector<1x128xf32>
    %gt3A_4159 = arith.constant 123 : i32
    %gt3A_4160 = vector.broadcast %gt3A_4159 : i32 to vector<1x128xi32>
    %gt3A_4161 = arith.cmpi sgt, %iota3A, %gt3A_4160 : vector<1x128xi32>
    %jit3A_4162 = arith.constant 1.000000e+00 : f32
    %jit3A_4163 = arith.constant 0.000000e+00 : f32
    %broadcast_in_dim3A_4164 = vector.broadcast %jit3A_4162 : f32 to vector<1x128xf32>
    %broadcast_in_dim3A_4165 = vector.broadcast %jit3A_4163 : f32 to vector<1x128xf32>
    %select_n3A_4166 = arith.select %gt3A_4161, %broadcast_in_dim3A_4164, %broadcast_in_dim3A_4165 : vector<1x128xi1>, vector<1x128xf32>
    %mul3A_4167 = arith.mulf %get3A_4158, %select_n3A_4166 : vector<1x128xf32>
    %mul3A_4168 = vector.broadcast %sub3A_4152 : vector<1x1xf32> to vector<1x128xf32>
    %mul3A_4169 = arith.mulf %mul3A_4167, %mul3A_4168 : vector<1x128xf32>
    %max3A_4170 = arith.maximumf %max3A_4137, %mul3A_4169 : vector<1x128xf32>
    %eq3A_4171 = arith.constant 124 : i32
    %eq3A_4172 = vector.broadcast %eq3A_4171 : i32 to vector<1x128xi32>
    %eq3A_4173 = arith.cmpi eq, %iota3A, %eq3A_4172 : vector<1x128xi32>
    %jit3A_4174 = arith.constant 1.000000e+00 : f32
    %jit3A_4175 = arith.constant 0.000000e+00 : f32
    %broadcast_in_dim3A_4176 = vector.broadcast %jit3A_4174 : f32 to vector<1x128xf32>
    %broadcast_in_dim3A_4177 = vector.broadcast %jit3A_4175 : f32 to vector<1x128xf32>
    %select_n3A_4178 = arith.select %eq3A_4173, %broadcast_in_dim3A_4176, %broadcast_in_dim3A_4177 : vector<1x128xi1>, vector<1x128xf32>
    %mul3A_4179 = arith.mulf %max3A_4170, %select_n3A_4178 : vector<1x128xf32>
    %reduce_sum3A_4180 = arith.constant dense<0.000000e+00> : vector<1xf32>
    %reduce_sum3A_4181 = vector.multi_reduction <add>, %mul3A_4179, %reduce_sum3A_4180 [1] : vector<1x128xf32> to vector<1xf32>
    %broadcast_in_dim3A_4182 = vector.shape_cast %reduce_sum3A_4181 : vector<1xf32> to vector<1x1xf32>
    %sub3A_4183 = arith.constant 1.000000e+00 : f32
    %sub3A_4184 = vector.broadcast %sub3A_4183 : f32 to vector<1x1xf32>
    %sub3A_4185 = arith.subf %sub3A_4184, %broadcast_in_dim3A_4182 : vector<1x1xf32>
    %swap3A_4186 = arith.constant 124 : index
    %swap3A_4187 = arith.constant 0 : index
    %swap3A_4188 = vector.load %arg12[%swap3A_4186, %swap3A_4187] : memref<128x1xf32, #tpu.memory_space<vmem>>, vector<1x1xf32>
    tpu.vector_store %arg12[%swap3A_4186, %swap3A_4187], %sub3A_4185 {strides = array<i32>} : memref<128x1xf32, #tpu.memory_space<vmem>>, vector<1x1xf32>,
    %get3A_4189 = arith.constant 124 : index
    %get3A_4190 = arith.constant 0 : index
    %get3A_4191 = vector.load %arg11[%get3A_4189, %get3A_4190] : memref<128x128xf32, #tpu.memory_space<vmem>>, vector<1x128xf32>
    %gt3A_4192 = arith.constant 124 : i32
    %gt3A_4193 = vector.broadcast %gt3A_4192 : i32 to vector<1x128xi32>
    %gt3A_4194 = arith.cmpi sgt, %iota3A, %gt3A_4193 : vector<1x128xi32>
    %jit3A_4195 = arith.constant 1.000000e+00 : f32
    %jit3A_4196 = arith.constant 0.000000e+00 : f32
    %broadcast_in_dim3A_4197 = vector.broadcast %jit3A_4195 : f32 to vector<1x128xf32>
    %broadcast_in_dim3A_4198 = vector.broadcast %jit3A_4196 : f32 to vector<1x128xf32>
    %select_n3A_4199 = arith.select %gt3A_4194, %broadcast_in_dim3A_4197, %broadcast_in_dim3A_4198 : vector<1x128xi1>, vector<1x128xf32>
    %mul3A_4200 = arith.mulf %get3A_4191, %select_n3A_4199 : vector<1x128xf32>
    %mul3A_4201 = vector.broadcast %sub3A_4185 : vector<1x1xf32> to vector<1x128xf32>
    %mul3A_4202 = arith.mulf %mul3A_4200, %mul3A_4201 : vector<1x128xf32>
    %max3A_4203 = arith.maximumf %max3A_4170, %mul3A_4202 : vector<1x128xf32>
    %eq3A_4204 = arith.constant 125 : i32
    %eq3A_4205 = vector.broadcast %eq3A_4204 : i32 to vector<1x128xi32>
    %eq3A_4206 = arith.cmpi eq, %iota3A, %eq3A_4205 : vector<1x128xi32>
    %jit3A_4207 = arith.constant 1.000000e+00 : f32
    %jit3A_4208 = arith.constant 0.000000e+00 : f32
    %broadcast_in_dim3A_4209 = vector.broadcast %jit3A_4207 : f32 to vector<1x128xf32>
    %broadcast_in_dim3A_4210 = vector.broadcast %jit3A_4208 : f32 to vector<1x128xf32>
    %select_n3A_4211 = arith.select %eq3A_4206, %broadcast_in_dim3A_4209, %broadcast_in_dim3A_4210 : vector<1x128xi1>, vector<1x128xf32>
    %mul3A_4212 = arith.mulf %max3A_4203, %select_n3A_4211 : vector<1x128xf32>
    %reduce_sum3A_4213 = arith.constant dense<0.000000e+00> : vector<1xf32>
    %reduce_sum3A_4214 = vector.multi_reduction <add>, %mul3A_4212, %reduce_sum3A_4213 [1] : vector<1x128xf32> to vector<1xf32>
    %broadcast_in_dim3A_4215 = vector.shape_cast %reduce_sum3A_4214 : vector<1xf32> to vector<1x1xf32>
    %sub3A_4216 = arith.constant 1.000000e+00 : f32
    %sub3A_4217 = vector.broadcast %sub3A_4216 : f32 to vector<1x1xf32>
    %sub3A_4218 = arith.subf %sub3A_4217, %broadcast_in_dim3A_4215 : vector<1x1xf32>
    %swap3A_4219 = arith.constant 125 : index
    %swap3A_4220 = arith.constant 0 : index
    %swap3A_4221 = vector.load %arg12[%swap3A_4219, %swap3A_4220] : memref<128x1xf32, #tpu.memory_space<vmem>>, vector<1x1xf32>
    tpu.vector_store %arg12[%swap3A_4219, %swap3A_4220], %sub3A_4218 {strides = array<i32>} : memref<128x1xf32, #tpu.memory_space<vmem>>, vector<1x1xf32>,
    %get3A_4222 = arith.constant 125 : index
    %get3A_4223 = arith.constant 0 : index
    %get3A_4224 = vector.load %arg11[%get3A_4222, %get3A_4223] : memref<128x128xf32, #tpu.memory_space<vmem>>, vector<1x128xf32>
    %gt3A_4225 = arith.constant 125 : i32
    %gt3A_4226 = vector.broadcast %gt3A_4225 : i32 to vector<1x128xi32>
    %gt3A_4227 = arith.cmpi sgt, %iota3A, %gt3A_4226 : vector<1x128xi32>
    %jit3A_4228 = arith.constant 1.000000e+00 : f32
    %jit3A_4229 = arith.constant 0.000000e+00 : f32
    %broadcast_in_dim3A_4230 = vector.broadcast %jit3A_4228 : f32 to vector<1x128xf32>
    %broadcast_in_dim3A_4231 = vector.broadcast %jit3A_4229 : f32 to vector<1x128xf32>
    %select_n3A_4232 = arith.select %gt3A_4227, %broadcast_in_dim3A_4230, %broadcast_in_dim3A_4231 : vector<1x128xi1>, vector<1x128xf32>
    %mul3A_4233 = arith.mulf %get3A_4224, %select_n3A_4232 : vector<1x128xf32>
    %mul3A_4234 = vector.broadcast %sub3A_4218 : vector<1x1xf32> to vector<1x128xf32>
    %mul3A_4235 = arith.mulf %mul3A_4233, %mul3A_4234 : vector<1x128xf32>
    %max3A_4236 = arith.maximumf %max3A_4203, %mul3A_4235 : vector<1x128xf32>
    %eq3A_4237 = arith.constant 126 : i32
    %eq3A_4238 = vector.broadcast %eq3A_4237 : i32 to vector<1x128xi32>
    %eq3A_4239 = arith.cmpi eq, %iota3A, %eq3A_4238 : vector<1x128xi32>
    %jit3A_4240 = arith.constant 1.000000e+00 : f32
    %jit3A_4241 = arith.constant 0.000000e+00 : f32
    %broadcast_in_dim3A_4242 = vector.broadcast %jit3A_4240 : f32 to vector<1x128xf32>
    %broadcast_in_dim3A_4243 = vector.broadcast %jit3A_4241 : f32 to vector<1x128xf32>
    %select_n3A_4244 = arith.select %eq3A_4239, %broadcast_in_dim3A_4242, %broadcast_in_dim3A_4243 : vector<1x128xi1>, vector<1x128xf32>
    %mul3A_4245 = arith.mulf %max3A_4236, %select_n3A_4244 : vector<1x128xf32>
    %reduce_sum3A_4246 = arith.constant dense<0.000000e+00> : vector<1xf32>
    %reduce_sum3A_4247 = vector.multi_reduction <add>, %mul3A_4245, %reduce_sum3A_4246 [1] : vector<1x128xf32> to vector<1xf32>
    %broadcast_in_dim3A_4248 = vector.shape_cast %reduce_sum3A_4247 : vector<1xf32> to vector<1x1xf32>
    %sub3A_4249 = arith.constant 1.000000e+00 : f32
    %sub3A_4250 = vector.broadcast %sub3A_4249 : f32 to vector<1x1xf32>
    %sub3A_4251 = arith.subf %sub3A_4250, %broadcast_in_dim3A_4248 : vector<1x1xf32>
    %swap3A_4252 = arith.constant 126 : index
    %swap3A_4253 = arith.constant 0 : index
    %swap3A_4254 = vector.load %arg12[%swap3A_4252, %swap3A_4253] : memref<128x1xf32, #tpu.memory_space<vmem>>, vector<1x1xf32>
    tpu.vector_store %arg12[%swap3A_4252, %swap3A_4253], %sub3A_4251 {strides = array<i32>} : memref<128x1xf32, #tpu.memory_space<vmem>>, vector<1x1xf32>,
    %get3A_4255 = arith.constant 126 : index
    %get3A_4256 = arith.constant 0 : index
    %get3A_4257 = vector.load %arg11[%get3A_4255, %get3A_4256] : memref<128x128xf32, #tpu.memory_space<vmem>>, vector<1x128xf32>
    %gt3A_4258 = arith.constant 126 : i32
    %gt3A_4259 = vector.broadcast %gt3A_4258 : i32 to vector<1x128xi32>
    %gt3A_4260 = arith.cmpi sgt, %iota3A, %gt3A_4259 : vector<1x128xi32>
    %jit3A_4261 = arith.constant 1.000000e+00 : f32
    %jit3A_4262 = arith.constant 0.000000e+00 : f32
    %broadcast_in_dim3A_4263 = vector.broadcast %jit3A_4261 : f32 to vector<1x128xf32>
    %broadcast_in_dim3A_4264 = vector.broadcast %jit3A_4262 : f32 to vector<1x128xf32>
    %select_n3A_4265 = arith.select %gt3A_4260, %broadcast_in_dim3A_4263, %broadcast_in_dim3A_4264 : vector<1x128xi1>, vector<1x128xf32>
    %mul3A_4266 = arith.mulf %get3A_4257, %select_n3A_4265 : vector<1x128xf32>
    %mul3A_4267 = vector.broadcast %sub3A_4251 : vector<1x1xf32> to vector<1x128xf32>
    %mul3A_4268 = arith.mulf %mul3A_4266, %mul3A_4267 : vector<1x128xf32>
    %max3A_4269 = arith.maximumf %max3A_4236, %mul3A_4268 : vector<1x128xf32>
    %eq3A_4270 = arith.constant 127 : i32
    %eq3A_4271 = vector.broadcast %eq3A_4270 : i32 to vector<1x128xi32>
    %eq3A_4272 = arith.cmpi eq, %iota3A, %eq3A_4271 : vector<1x128xi32>
    %jit3A_4273 = arith.constant 1.000000e+00 : f32
    %jit3A_4274 = arith.constant 0.000000e+00 : f32
    %broadcast_in_dim3A_4275 = vector.broadcast %jit3A_4273 : f32 to vector<1x128xf32>
    %broadcast_in_dim3A_4276 = vector.broadcast %jit3A_4274 : f32 to vector<1x128xf32>
    %select_n3A_4277 = arith.select %eq3A_4272, %broadcast_in_dim3A_4275, %broadcast_in_dim3A_4276 : vector<1x128xi1>, vector<1x128xf32>
    %mul3A_4278 = arith.mulf %max3A_4269, %select_n3A_4277 : vector<1x128xf32>
    %reduce_sum3A_4279 = arith.constant dense<0.000000e+00> : vector<1xf32>
    %reduce_sum3A_4280 = vector.multi_reduction <add>, %mul3A_4278, %reduce_sum3A_4279 [1] : vector<1x128xf32> to vector<1xf32>
    %broadcast_in_dim3A_4281 = vector.shape_cast %reduce_sum3A_4280 : vector<1xf32> to vector<1x1xf32>
    %sub3A_4282 = arith.constant 1.000000e+00 : f32
    %sub3A_4283 = vector.broadcast %sub3A_4282 : f32 to vector<1x1xf32>
    %sub3A_4284 = arith.subf %sub3A_4283, %broadcast_in_dim3A_4281 : vector<1x1xf32>
    %swap3A_4285 = arith.constant 127 : index
    %swap3A_4286 = arith.constant 0 : index
    %swap3A_4287 = vector.load %arg12[%swap3A_4285, %swap3A_4286] : memref<128x1xf32, #tpu.memory_space<vmem>>, vector<1x1xf32>
    tpu.vector_store %arg12[%swap3A_4285, %swap3A_4286], %sub3A_4284 {strides = array<i32>} : memref<128x1xf32, #tpu.memory_space<vmem>>, vector<1x1xf32>,
    %get3A_4288 = arith.constant 127 : index
    %get3A_4289 = arith.constant 0 : index
    %get3A_4290 = vector.load %arg11[%get3A_4288, %get3A_4289] : memref<128x128xf32, #tpu.memory_space<vmem>>, vector<1x128xf32>
    %gt3A_4291 = arith.constant 127 : i32
    %gt3A_4292 = vector.broadcast %gt3A_4291 : i32 to vector<1x128xi32>
    %gt3A_4293 = arith.cmpi sgt, %iota3A, %gt3A_4292 : vector<1x128xi32>
    %jit3A_4294 = arith.constant 1.000000e+00 : f32
    %jit3A_4295 = arith.constant 0.000000e+00 : f32
    %broadcast_in_dim3A_4296 = vector.broadcast %jit3A_4294 : f32 to vector<1x128xf32>
    %broadcast_in_dim3A_4297 = vector.broadcast %jit3A_4295 : f32 to vector<1x128xf32>
    %select_n3A_4298 = arith.select %gt3A_4293, %broadcast_in_dim3A_4296, %broadcast_in_dim3A_4297 : vector<1x128xi1>, vector<1x128xf32>
    %mul3A_4299 = arith.mulf %get3A_4290, %select_n3A_4298 : vector<1x128xf32>
    %mul3A_4300 = vector.broadcast %sub3A_4284 : vector<1x1xf32> to vector<1x128xf32>
    %mul3A_4301 = arith.mulf %mul3A_4299, %mul3A_4300 : vector<1x128xf32>
    %max3A_4302 = arith.maximumf %max3A_4269, %mul3A_4301 : vector<1x128xf32>
    %mul3A_4303 = arith.constant 128 : i32
    %mul3A_4304 = arith.muli %arg0, %mul3A_4303 : i32
    %swap3A_4305 = arith.constant 0 : index
    %swap3A_4306 = arith.index_cast %mul3A_4304 : i32 to index
    %swap3A_4307 = vector.load %arg10[%swap3A_4305, %swap3A_4306] : memref<1x6144xf32, #tpu.memory_space<vmem>>, vector<1x128xf32>
    tpu.vector_store %arg10[%swap3A_4305, %swap3A_4306], %max3A_4302 {strides = array<i32>} : memref<1x6144xf32, #tpu.memory_space<vmem>>, vector<1x128xf32>,
    %get3A_4308 = arith.constant 0 : index
    %get3A_4309 = arith.constant 0 : index
    %get3A_4310 = vector.load %arg12[%get3A_4308, %get3A_4309] : memref<128x1xf32, #tpu.memory_space<vmem>>, vector<128x1xf32>
    %add3A_4311 = arith.constant 1 : i32
    %add3A_4312 = arith.addi %arg0, %add3A_4311 : i32
    %mul3A_4313 = arith.constant 128 : i32
    %mul3A_4314 = arith.muli %add3A_4312, %mul3A_4313 : i32
    %iota3A_4315 = tpu.iota {dimensions = array<i32: 1>} : vector<1x512xi32>
    %add3A_4316 = arith.constant 1 : i32
    %add3A_4317 = arith.addi %arg0, %add3A_4316 : i32
    %mul3A_4318 = arith.constant 128 : i32
    %mul3A_4319 = arith.muli %add3A_4317, %mul3A_4318 : i32
    %jit3A_4320 = arith.constant 512 : i32
    %div3A_4321 = arith.divsi %mul3A_4319, %jit3A_4320 : i32
    %sign3A = arith.constant 0 : i32
    %sign3A_4322 = arith.cmpi sgt, %mul3A_4319, %sign3A : i32
    %sign3A_4323 = arith.extui %sign3A_4322 : i1 to i32
    %sign3A_4324 = arith.constant 0 : i32
    %sign3A_4325 = arith.cmpi slt, %mul3A_4319, %sign3A_4324 : i32
    %sign3A_4326 = arith.extui %sign3A_4325 : i1 to i32
    %sign3A_4327 = arith.subi %sign3A_4323, %sign3A_4326 : i32
    %sign3A_4328 = arith.constant 0 : i32
    %sign3A_4329 = arith.cmpi sgt, %jit3A_4320, %sign3A_4328 : i32
    %sign3A_4330 = arith.extui %sign3A_4329 : i1 to i32
    %sign3A_4331 = arith.constant 0 : i32
    %sign3A_4332 = arith.cmpi slt, %jit3A_4320, %sign3A_4331 : i32
    %sign3A_4333 = arith.extui %sign3A_4332 : i1 to i32
    %sign3A_4334 = arith.subi %sign3A_4330, %sign3A_4333 : i32
    %ne3A = arith.cmpi ne, %sign3A_4327, %sign3A_4334 : i32
    %rem3A = arith.remsi %mul3A_4319, %jit3A_4320 : i32
    %ne3A_4335 = arith.constant 0 : i32
    %ne3A_4336 = arith.cmpi ne, %rem3A, %ne3A_4335 : i32
    %and3A = arith.andi %ne3A, %ne3A_4336 : i1
    %sub3A_4337 = arith.constant 1 : i32
    %sub3A_4338 = arith.subi %div3A_4321, %sub3A_4337 : i32
    %select_n3A_4339 = arith.select %and3A, %sub3A_4338, %div3A_4321 : i32
    %while3A = arith.constant 12 : i32
    %while3A_4340 = arith.constant 0 : i32
    %while3A_4341 = arith.subi %while3A, %select_n3A_4339 : i32
    %while3A_4342 = arith.addi %select_n3A_4339, %while3A_4341 : i32
    %while3A_4343 = arith.constant 1 : i32
    %while3A_4344 = arith.divsi %while3A_4341, %while3A_4343 : i32
    %while3A_4345 = arith.muli %while3A_4344, %while3A_4343 : i32
    %while3A_4346 = arith.addi %select_n3A_4339, %while3A_4345 : i32
    %while3A_4347 = arith.constant 1 : i32
    %while3A_4348 = scf.for %while3A_4356 = %select_n3A_4339 to %while3A_4346 step %while3A_4347 iter_args(%while3A_4357 = %while3A_4340) -> (i32)  : i32 {
      %mul3A_4358 = arith.constant 512 : i32
      %mul3A_4359 = arith.muli %while3A_4356, %mul3A_4358 : i32
      %multiple_of3A = tpu.assume_multiple %mul3A_4359, 512 : i32
      %add3A_4360 = vector.broadcast %multiple_of3A : i32 to vector<1x512xi32>
      %add3A_4361 = arith.addi %add3A_4360, %iota3A_4315 : vector<1x512xi32>
      %ge3A_4362 = vector.broadcast %mul3A_4314 : i32 to vector<1x512xi32>
      %ge3A_4363 = arith.cmpi sge, %add3A_4361, %ge3A_4362 : vector<1x512xi32>
      %jit3A_4364 = arith.constant 1.000000e+00 : f32
      %jit3A_4365 = arith.constant 0.000000e+00 : f32
      %broadcast_in_dim3A_4366 = vector.broadcast %jit3A_4364 : f32 to vector<1x512xf32>
      %broadcast_in_dim3A_4367 = vector.broadcast %jit3A_4365 : f32 to vector<1x512xf32>
      %select_n3A_4368 = arith.select %ge3A_4363, %broadcast_in_dim3A_4366, %broadcast_in_dim3A_4367 : vector<1x512xi1>, vector<1x512xf32>
      %get3A_4369 = arith.constant 0 : index
      %get3A_4370 = arith.index_cast %multiple_of3A : i32 to index
      %get3A_4371 = vector.load %arg1[%get3A_4369, %get3A_4370] : memref<1x6144xf32, #tpu.memory_space<vmem>>, vector<1x512xf32>
      %get3A_4372 = arith.constant 0 : index
      %get3A_4373 = arith.index_cast %multiple_of3A : i32 to index
      %get3A_4374 = vector.load %arg2[%get3A_4372, %get3A_4373] : memref<1x6144xf32, #tpu.memory_space<vmem>>, vector<1x512xf32>
      %get3A_4375 = arith.constant 0 : index
      %get3A_4376 = arith.index_cast %multiple_of3A : i32 to index
      %get3A_4377 = vector.load %arg3[%get3A_4375, %get3A_4376] : memref<1x6144xf32, #tpu.memory_space<vmem>>, vector<1x512xf32>
      %get3A_4378 = arith.constant 0 : index
      %get3A_4379 = arith.index_cast %multiple_of3A : i32 to index
      %get3A_4380 = vector.load %arg4[%get3A_4378, %get3A_4379] : memref<1x6144xf32, #tpu.memory_space<vmem>>, vector<1x512xf32>
      %get3A_4381 = arith.constant 0 : index
      %get3A_4382 = arith.index_cast %multiple_of3A : i32 to index
      %get3A_4383 = vector.load %arg13[%get3A_4381, %get3A_4382] : memref<1x6144xf32, #tpu.memory_space<vmem>>, vector<1x512xf32>
      %min3A_4384 = vector.broadcast %get3A_14 : vector<128x1xf32> to vector<128x512xf32>
      %min3A_4385 = vector.broadcast %get3A_4377 : vector<1x512xf32> to vector<128x512xf32>
      %min3A_4386 = arith.minimumf %min3A_4384, %min3A_4385 : vector<128x512xf32>
      %max3A_4387 = vector.broadcast %get3A_4 : vector<128x1xf32> to vector<128x512xf32>
      %max3A_4388 = vector.broadcast %get3A_4371 : vector<1x512xf32> to vector<128x512xf32>
      %max3A_4389 = arith.maximumf %max3A_4387, %max3A_4388 : vector<128x512xf32>
      %sub3A_4390 = arith.subf %min3A_4386, %max3A_4389 : vector<128x512xf32>
      %max3A_4391 = arith.constant 0.000000e+00 : f32
      %max3A_4392 = vector.broadcast %max3A_4391 : f32 to vector<128x512xf32>
      %max3A_4393 = arith.maximumf %sub3A_4390, %max3A_4392 : vector<128x512xf32>
      %min3A_4394 = vector.broadcast %get3A_19 : vector<128x1xf32> to vector<128x512xf32>
      %min3A_4395 = vector.broadcast %get3A_4380 : vector<1x512xf32> to vector<128x512xf32>
      %min3A_4396 = arith.minimumf %min3A_4394, %min3A_4395 : vector<128x512xf32>
      %max3A_4397 = vector.broadcast %get3A_9 : vector<128x1xf32> to vector<128x512xf32>
      %max3A_4398 = vector.broadcast %get3A_4374 : vector<1x512xf32> to vector<128x512xf32>
      %max3A_4399 = arith.maximumf %max3A_4397, %max3A_4398 : vector<128x512xf32>
      %sub3A_4400 = arith.subf %min3A_4396, %max3A_4399 : vector<128x512xf32>
      %max3A_4401 = arith.constant 0.000000e+00 : f32
      %max3A_4402 = vector.broadcast %max3A_4401 : f32 to vector<128x512xf32>
      %max3A_4403 = arith.maximumf %sub3A_4400, %max3A_4402 : vector<128x512xf32>
      %mul3A_4404 = arith.mulf %max3A_4393, %max3A_4403 : vector<128x512xf32>
      %add3A_4405 = vector.broadcast %mul3A_26 : vector<128x1xf32> to vector<128x512xf32>
      %add3A_4406 = vector.broadcast %get3A_4383 : vector<1x512xf32> to vector<128x512xf32>
      %add3A_4407 = arith.addf %add3A_4405, %add3A_4406 : vector<128x512xf32>
      %sub3A_4408 = arith.subf %add3A_4407, %mul3A_4404 : vector<128x512xf32>
      %add3A_4409 = arith.constant 9.99999971E-10 : f32
      %add3A_4410 = vector.broadcast %add3A_4409 : f32 to vector<128x512xf32>
      %add3A_4411 = arith.addf %sub3A_4408, %add3A_4410 : vector<128x512xf32>
      %div3A_4412 = arith.divf %mul3A_4404, %add3A_4411 : vector<128x512xf32>
      %ge3A_4413 = arith.constant 0.699999988 : f32
      %ge3A_4414 = vector.broadcast %ge3A_4413 : f32 to vector<128x512xf32>
      %ge3A_4415 = arith.cmpf oge, %div3A_4412, %ge3A_4414 : vector<128x512xf32>
      %jit3A_4416 = arith.constant 1.000000e+00 : f32
      %jit3A_4417 = arith.constant 0.000000e+00 : f32
      %broadcast_in_dim3A_4418 = vector.broadcast %jit3A_4416 : f32 to vector<128x512xf32>
      %broadcast_in_dim3A_4419 = vector.broadcast %jit3A_4417 : f32 to vector<128x512xf32>
      %select_n3A_4420 = arith.select %ge3A_4415, %broadcast_in_dim3A_4418, %broadcast_in_dim3A_4419 : vector<128x512xi1>, vector<128x512xf32>
      %mul3A_4421 = vector.broadcast %get3A_4310 : vector<128x1xf32> to vector<128x512xf32>
      %mul3A_4422 = arith.mulf %select_n3A_4420, %mul3A_4421 : vector<128x512xf32>
      %mul3A_4423 = vector.broadcast %select_n3A_4368 : vector<1x512xf32> to vector<128x512xf32>
      %mul3A_4424 = arith.mulf %mul3A_4422, %mul3A_4423 : vector<128x512xf32>
      %reduce_max3A = arith.constant dense<0xFF800000> : vector<512xf32>
      %reduce_max3A_4425 = vector.multi_reduction <maximumf>, %mul3A_4424, %reduce_max3A [0] : vector<128x512xf32> to vector<512xf32>
      %broadcast_in_dim3A_4426 = vector.shape_cast %reduce_max3A_4425 : vector<512xf32> to vector<1x512xf32>
      %get3A_4427 = arith.constant 0 : index
      %get3A_4428 = arith.index_cast %multiple_of3A : i32 to index
      %get3A_4429 = vector.load %arg10[%get3A_4427, %get3A_4428] : memref<1x6144xf32, #tpu.memory_space<vmem>>, vector<1x512xf32>
      %max3A_4430 = arith.maximumf %get3A_4429, %broadcast_in_dim3A_4426 : vector<1x512xf32>
      %swap3A_4431 = arith.constant 0 : index
      %swap3A_4432 = arith.index_cast %multiple_of3A : i32 to index
      %swap3A_4433 = vector.load %arg10[%swap3A_4431, %swap3A_4432] : memref<1x6144xf32, #tpu.memory_space<vmem>>, vector<1x512xf32>
      tpu.vector_store %arg10[%swap3A_4431, %swap3A_4432], %max3A_4430 {strides = array<i32>} : memref<1x6144xf32, #tpu.memory_space<vmem>>, vector<1x512xf32>,
      %while3A_4434 = arith.constant 0 : i32
      scf.yield %while3A_4434 : i32
    }
    %while3A_4349 = arith.constant 1 : i32
    %while3A_4350 = scf.for %while3A_4356 = %while3A_4346 to %while3A_4342 step %while3A_4349 iter_args(%while3A_4357 = %while3A_4348) -> (i32)  : i32 {
      %mul3A_4358 = arith.constant 512 : i32
      %mul3A_4359 = arith.muli %while3A_4356, %mul3A_4358 : i32
      %multiple_of3A = tpu.assume_multiple %mul3A_4359, 512 : i32
      %add3A_4360 = vector.broadcast %multiple_of3A : i32 to vector<1x512xi32>
      %add3A_4361 = arith.addi %add3A_4360, %iota3A_4315 : vector<1x512xi32>
      %ge3A_4362 = vector.broadcast %mul3A_4314 : i32 to vector<1x512xi32>
      %ge3A_4363 = arith.cmpi sge, %add3A_4361, %ge3A_4362 : vector<1x512xi32>
      %jit3A_4364 = arith.constant 1.000000e+00 : f32
      %jit3A_4365 = arith.constant 0.000000e+00 : f32
      %broadcast_in_dim3A_4366 = vector.broadcast %jit3A_4364 : f32 to vector<1x512xf32>
      %broadcast_in_dim3A_4367 = vector.broadcast %jit3A_4365 : f32 to vector<1x512xf32>
      %select_n3A_4368 = arith.select %ge3A_4363, %broadcast_in_dim3A_4366, %broadcast_in_dim3A_4367 : vector<1x512xi1>, vector<1x512xf32>
      %get3A_4369 = arith.constant 0 : index
      %get3A_4370 = arith.index_cast %multiple_of3A : i32 to index
      %get3A_4371 = vector.load %arg1[%get3A_4369, %get3A_4370] : memref<1x6144xf32, #tpu.memory_space<vmem>>, vector<1x512xf32>
      %get3A_4372 = arith.constant 0 : index
      %get3A_4373 = arith.index_cast %multiple_of3A : i32 to index
      %get3A_4374 = vector.load %arg2[%get3A_4372, %get3A_4373] : memref<1x6144xf32, #tpu.memory_space<vmem>>, vector<1x512xf32>
      %get3A_4375 = arith.constant 0 : index
      %get3A_4376 = arith.index_cast %multiple_of3A : i32 to index
      %get3A_4377 = vector.load %arg3[%get3A_4375, %get3A_4376] : memref<1x6144xf32, #tpu.memory_space<vmem>>, vector<1x512xf32>
      %get3A_4378 = arith.constant 0 : index
      %get3A_4379 = arith.index_cast %multiple_of3A : i32 to index
      %get3A_4380 = vector.load %arg4[%get3A_4378, %get3A_4379] : memref<1x6144xf32, #tpu.memory_space<vmem>>, vector<1x512xf32>
      %get3A_4381 = arith.constant 0 : index
      %get3A_4382 = arith.index_cast %multiple_of3A : i32 to index
      %get3A_4383 = vector.load %arg13[%get3A_4381, %get3A_4382] : memref<1x6144xf32, #tpu.memory_space<vmem>>, vector<1x512xf32>
      %min3A_4384 = vector.broadcast %get3A_14 : vector<128x1xf32> to vector<128x512xf32>
      %min3A_4385 = vector.broadcast %get3A_4377 : vector<1x512xf32> to vector<128x512xf32>
      %min3A_4386 = arith.minimumf %min3A_4384, %min3A_4385 : vector<128x512xf32>
      %max3A_4387 = vector.broadcast %get3A_4 : vector<128x1xf32> to vector<128x512xf32>
      %max3A_4388 = vector.broadcast %get3A_4371 : vector<1x512xf32> to vector<128x512xf32>
      %max3A_4389 = arith.maximumf %max3A_4387, %max3A_4388 : vector<128x512xf32>
      %sub3A_4390 = arith.subf %min3A_4386, %max3A_4389 : vector<128x512xf32>
      %max3A_4391 = arith.constant 0.000000e+00 : f32
      %max3A_4392 = vector.broadcast %max3A_4391 : f32 to vector<128x512xf32>
      %max3A_4393 = arith.maximumf %sub3A_4390, %max3A_4392 : vector<128x512xf32>
      %min3A_4394 = vector.broadcast %get3A_19 : vector<128x1xf32> to vector<128x512xf32>
      %min3A_4395 = vector.broadcast %get3A_4380 : vector<1x512xf32> to vector<128x512xf32>
      %min3A_4396 = arith.minimumf %min3A_4394, %min3A_4395 : vector<128x512xf32>
      %max3A_4397 = vector.broadcast %get3A_9 : vector<128x1xf32> to vector<128x512xf32>
      %max3A_4398 = vector.broadcast %get3A_4374 : vector<1x512xf32> to vector<128x512xf32>
      %max3A_4399 = arith.maximumf %max3A_4397, %max3A_4398 : vector<128x512xf32>
      %sub3A_4400 = arith.subf %min3A_4396, %max3A_4399 : vector<128x512xf32>
      %max3A_4401 = arith.constant 0.000000e+00 : f32
      %max3A_4402 = vector.broadcast %max3A_4401 : f32 to vector<128x512xf32>
      %max3A_4403 = arith.maximumf %sub3A_4400, %max3A_4402 : vector<128x512xf32>
      %mul3A_4404 = arith.mulf %max3A_4393, %max3A_4403 : vector<128x512xf32>
      %add3A_4405 = vector.broadcast %mul3A_26 : vector<128x1xf32> to vector<128x512xf32>
      %add3A_4406 = vector.broadcast %get3A_4383 : vector<1x512xf32> to vector<128x512xf32>
      %add3A_4407 = arith.addf %add3A_4405, %add3A_4406 : vector<128x512xf32>
      %sub3A_4408 = arith.subf %add3A_4407, %mul3A_4404 : vector<128x512xf32>
      %add3A_4409 = arith.constant 9.99999971E-10 : f32
      %add3A_4410 = vector.broadcast %add3A_4409 : f32 to vector<128x512xf32>
      %add3A_4411 = arith.addf %sub3A_4408, %add3A_4410 : vector<128x512xf32>
      %div3A_4412 = arith.divf %mul3A_4404, %add3A_4411 : vector<128x512xf32>
      %ge3A_4413 = arith.constant 0.699999988 : f32
      %ge3A_4414 = vector.broadcast %ge3A_4413 : f32 to vector<128x512xf32>
      %ge3A_4415 = arith.cmpf oge, %div3A_4412, %ge3A_4414 : vector<128x512xf32>
      %jit3A_4416 = arith.constant 1.000000e+00 : f32
      %jit3A_4417 = arith.constant 0.000000e+00 : f32
      %broadcast_in_dim3A_4418 = vector.broadcast %jit3A_4416 : f32 to vector<128x512xf32>
      %broadcast_in_dim3A_4419 = vector.broadcast %jit3A_4417 : f32 to vector<128x512xf32>
      %select_n3A_4420 = arith.select %ge3A_4415, %broadcast_in_dim3A_4418, %broadcast_in_dim3A_4419 : vector<128x512xi1>, vector<128x512xf32>
      %mul3A_4421 = vector.broadcast %get3A_4310 : vector<128x1xf32> to vector<128x512xf32>
      %mul3A_4422 = arith.mulf %select_n3A_4420, %mul3A_4421 : vector<128x512xf32>
      %mul3A_4423 = vector.broadcast %select_n3A_4368 : vector<1x512xf32> to vector<128x512xf32>
      %mul3A_4424 = arith.mulf %mul3A_4422, %mul3A_4423 : vector<128x512xf32>
      %reduce_max3A = arith.constant dense<0xFF800000> : vector<512xf32>
      %reduce_max3A_4425 = vector.multi_reduction <maximumf>, %mul3A_4424, %reduce_max3A [0] : vector<128x512xf32> to vector<512xf32>
      %broadcast_in_dim3A_4426 = vector.shape_cast %reduce_max3A_4425 : vector<512xf32> to vector<1x512xf32>
      %get3A_4427 = arith.constant 0 : index
      %get3A_4428 = arith.index_cast %multiple_of3A : i32 to index
      %get3A_4429 = vector.load %arg10[%get3A_4427, %get3A_4428] : memref<1x6144xf32, #tpu.memory_space<vmem>>, vector<1x512xf32>
      %max3A_4430 = arith.maximumf %get3A_4429, %broadcast_in_dim3A_4426 : vector<1x512xf32>
      %swap3A_4431 = arith.constant 0 : index
      %swap3A_4432 = arith.index_cast %multiple_of3A : i32 to index
      %swap3A_4433 = vector.load %arg10[%swap3A_4431, %swap3A_4432] : memref<1x6144xf32, #tpu.memory_space<vmem>>, vector<1x512xf32>
      tpu.vector_store %arg10[%swap3A_4431, %swap3A_4432], %max3A_4430 {strides = array<i32>} : memref<1x6144xf32, #tpu.memory_space<vmem>>, vector<1x512xf32>,
      %while3A_4434 = arith.constant 0 : i32
      scf.yield %while3A_4434 : i32
    }
    %eq3A_4351 = arith.constant 47 : i32
    %eq3A_4352 = arith.cmpi eq, %arg0, %eq3A_4351 : i32
    %convert_element_type3A_4353 = arith.extui %eq3A_4352 : i1 to i32
    %cond3A_4354 = arith.constant 0 : i32
    %cond3A_4355 = arith.cmpi ne, %convert_element_type3A_4353, %cond3A_4354 : i32
    scf.if %cond3A_4355 {
      %get3A_4356 = arith.constant 0 : index
      %get3A_4357 = arith.constant 0 : index
      %get3A_4358 = vector.load %arg10[%get3A_4356, %get3A_4357] : memref<1x6144xf32, #tpu.memory_space<vmem>>, vector<1x6144xf32>
      %swap3A_4359 = arith.constant 0 : index
      %swap3A_4360 = arith.constant 0 : index
      %swap3A_4361 = vector.load %arg9[%swap3A_4359, %swap3A_4360] : memref<1x6144xf32, #tpu.memory_space<vmem>>, vector<1x6144xf32>
      tpu.vector_store %arg9[%swap3A_4359, %swap3A_4360], %get3A_4358 {strides = array<i32>} : memref<1x6144xf32, #tpu.memory_space<vmem>>, vector<1x6144xf32>,
    } else {
    }
    return
  }
  func.func @transform_0(%arg0: i32) -> (i32, i32) {
    %c0_i32 = arith.constant 0 : i32
    %c0_i32_0 = arith.constant 0 : i32
    %c0_i32_1 = arith.constant 0 : i32
    return %c0_i32, %c0_i32_0 : i32, i32
  }
  func.func @transform_1(%arg0: i32) -> (i32, i32) {
    %c0_i32 = arith.constant 0 : i32
    %c0_i32_0 = arith.constant 0 : i32
    %c0_i32_1 = arith.constant 0 : i32
    return %c0_i32, %c0_i32_0 : i32, i32
  }
  func.func @transform_2(%arg0: i32) -> (i32, i32) {
    %c0_i32 = arith.constant 0 : i32
    %c0_i32_0 = arith.constant 0 : i32
    %c0_i32_1 = arith.constant 0 : i32
    return %c0_i32, %c0_i32_0 : i32, i32
  }
  func.func @transform_3(%arg0: i32) -> (i32, i32) {
    %c0_i32 = arith.constant 0 : i32
    %c0_i32_0 = arith.constant 0 : i32
    %c0_i32_1 = arith.constant 0 : i32
    return %c0_i32, %c0_i32_0 : i32, i32
  }
  func.func @transform_4(%arg0: i32) -> (i32, i32) {
    %c0_i32 = arith.constant 0 : i32
    %c0_i32_0 = arith.constant 0 : i32
    %c0_i32_1 = arith.constant 0 : i32
    return %c0_i32, %c0_i32_0 : i32, i32
  }
  func.func @transform_5(%arg0: i32) -> (i32, i32) {
    %c0_i32 = arith.constant 0 : i32
    %c0_i32_0 = arith.constant 0 : i32
    %c0_i32_1 = arith.constant 0 : i32
    return %c0_i32, %c0_i32_0 : i32, i32
  }
  func.func @transform_6(%arg0: i32) -> (i32, i32) {
    %c0_i32 = arith.constant 0 : i32
    %c0_i32_0 = arith.constant 0 : i32
    %c0_i32_1 = arith.constant 0 : i32
    return %c0_i32, %c0_i32_0 : i32, i32
  }
  func.func @transform_7(%arg0: i32) -> (i32, i32) {
    %c0_i32 = arith.constant 0 : i32
    %c0_i32_0 = arith.constant 0 : i32
    %c0_i32_1 = arith.constant 0 : i32
    return %c0_i32, %c0_i32_0 : i32, i32
  }
  func.func @transform_8(%arg0: i32) -> (i32, i32) {
    %c0_i32 = arith.constant 0 : i32
    %c0_i32_0 = arith.constant 0 : i32
    %c0_i32_1 = arith.constant 0 : i32
    return %c0_i32, %c0_i32_0 : i32, i32
  }
}

module attributes {stable_mosaic.version = 14 : i64} {
  func.func @_select_body(%arg0: memref<1x6144xf32, #tpu.memory_space<vmem>>, %arg1: memref<6144x1xf32, #tpu.memory_space<vmem>>, %arg2: memref<6144x1xf32, #tpu.memory_space<vmem>>, %arg3: memref<6144x1xf32, #tpu.memory_space<vmem>>, %arg4: memref<6144x1xf32, #tpu.memory_space<vmem>>, %arg5: memref<304x4xf32, #tpu.memory_space<vmem>>) attributes {dimension_semantics = [], scalar_prefetch = 0 : i64, scratch_operands = 0 : i64, tpu.core_type = #tpu.core_type<tc>} {
    %iota3A = tpu.iota {dimensions = array<i32: 1>} : vector<1x6144xi32>
    %get3A = arith.constant 0 : index
    %get3A_0 = arith.constant 0 : index
    %get3A_1 = vector.load %arg0[%get3A, %get3A_0] : memref<1x6144xf32, #tpu.memory_space<vmem>>, vector<1x6144xf32>
    %lt3A = arith.constant 5.000000e-01 : f32
    %lt3A_2 = vector.broadcast %lt3A : f32 to vector<1x6144xf32>
    %lt3A_3 = arith.cmpf olt, %get3A_1, %lt3A_2 : vector<1x6144xf32>
    %lt3A_4 = arith.constant 6000 : i32
    %lt3A_5 = vector.broadcast %lt3A_4 : i32 to vector<1x6144xi32>
    %lt3A_6 = arith.cmpi slt, %iota3A, %lt3A_5 : vector<1x6144xi32>
    %and3A = arith.andi %lt3A_3, %lt3A_6 : vector<1x6144xi1>
    %jit3A = arith.constant 1.000000e+00 : f32
    %jit3A_7 = arith.constant 0.000000e+00 : f32
    %broadcast_in_dim3A = vector.broadcast %jit3A : f32 to vector<1x6144xf32>
    %broadcast_in_dim3A_8 = vector.broadcast %jit3A_7 : f32 to vector<1x6144xf32>
    %select_n3A = arith.select %and3A, %broadcast_in_dim3A, %broadcast_in_dim3A_8 : vector<1x6144xi1>, vector<1x6144xf32>
    %broadcast_in_dim3A_9 = arith.constant 0.000000e+00 : f32
    %broadcast_in_dim3A_10 = vector.broadcast %broadcast_in_dim3A_9 : f32 to vector<1x1xf32>
    %slice3A = vector.extract_strided_slice %select_n3A {offsets = [0, 0], sizes = [1, 6143], strides = [1, 1]} : vector<1x6144xf32> to vector<1x6143xf32>
    %concatenate3A = tpu.concatenate %broadcast_in_dim3A_10, %slice3A in 1 : vector<1x1xf32>, vector<1x6143xf32> -> vector<1x6144xf32>
    %add3A = arith.addf %select_n3A, %concatenate3A : vector<1x6144xf32>
    %broadcast_in_dim3A_11 = arith.constant 0.000000e+00 : f32
    %broadcast_in_dim3A_12 = vector.broadcast %broadcast_in_dim3A_11 : f32 to vector<1x2xf32>
    %slice3A_13 = vector.extract_strided_slice %add3A {offsets = [0, 0], sizes = [1, 6142], strides = [1, 1]} : vector<1x6144xf32> to vector<1x6142xf32>
    %concatenate3A_14 = tpu.concatenate %broadcast_in_dim3A_12, %slice3A_13 in 1 : vector<1x2xf32>, vector<1x6142xf32> -> vector<1x6144xf32>
    %add3A_15 = arith.addf %add3A, %concatenate3A_14 : vector<1x6144xf32>
    %broadcast_in_dim3A_16 = arith.constant 0.000000e+00 : f32
    %broadcast_in_dim3A_17 = vector.broadcast %broadcast_in_dim3A_16 : f32 to vector<1x4xf32>
    %slice3A_18 = vector.extract_strided_slice %add3A_15 {offsets = [0, 0], sizes = [1, 6140], strides = [1, 1]} : vector<1x6144xf32> to vector<1x6140xf32>
    %concatenate3A_19 = tpu.concatenate %broadcast_in_dim3A_17, %slice3A_18 in 1 : vector<1x4xf32>, vector<1x6140xf32> -> vector<1x6144xf32>
    %add3A_20 = arith.addf %add3A_15, %concatenate3A_19 : vector<1x6144xf32>
    %broadcast_in_dim3A_21 = arith.constant 0.000000e+00 : f32
    %broadcast_in_dim3A_22 = vector.broadcast %broadcast_in_dim3A_21 : f32 to vector<1x8xf32>
    %slice3A_23 = vector.extract_strided_slice %add3A_20 {offsets = [0, 0], sizes = [1, 6136], strides = [1, 1]} : vector<1x6144xf32> to vector<1x6136xf32>
    %concatenate3A_24 = tpu.concatenate %broadcast_in_dim3A_22, %slice3A_23 in 1 : vector<1x8xf32>, vector<1x6136xf32> -> vector<1x6144xf32>
    %add3A_25 = arith.addf %add3A_20, %concatenate3A_24 : vector<1x6144xf32>
    %broadcast_in_dim3A_26 = arith.constant 0.000000e+00 : f32
    %broadcast_in_dim3A_27 = vector.broadcast %broadcast_in_dim3A_26 : f32 to vector<1x16xf32>
    %slice3A_28 = vector.extract_strided_slice %add3A_25 {offsets = [0, 0], sizes = [1, 6128], strides = [1, 1]} : vector<1x6144xf32> to vector<1x6128xf32>
    %concatenate3A_29 = tpu.concatenate %broadcast_in_dim3A_27, %slice3A_28 in 1 : vector<1x16xf32>, vector<1x6128xf32> -> vector<1x6144xf32>
    %add3A_30 = arith.addf %add3A_25, %concatenate3A_29 : vector<1x6144xf32>
    %broadcast_in_dim3A_31 = arith.constant 0.000000e+00 : f32
    %broadcast_in_dim3A_32 = vector.broadcast %broadcast_in_dim3A_31 : f32 to vector<1x32xf32>
    %slice3A_33 = vector.extract_strided_slice %add3A_30 {offsets = [0, 0], sizes = [1, 6112], strides = [1, 1]} : vector<1x6144xf32> to vector<1x6112xf32>
    %concatenate3A_34 = tpu.concatenate %broadcast_in_dim3A_32, %slice3A_33 in 1 : vector<1x32xf32>, vector<1x6112xf32> -> vector<1x6144xf32>
    %add3A_35 = arith.addf %add3A_30, %concatenate3A_34 : vector<1x6144xf32>
    %broadcast_in_dim3A_36 = arith.constant 0.000000e+00 : f32
    %broadcast_in_dim3A_37 = vector.broadcast %broadcast_in_dim3A_36 : f32 to vector<1x64xf32>
    %slice3A_38 = vector.extract_strided_slice %add3A_35 {offsets = [0, 0], sizes = [1, 6080], strides = [1, 1]} : vector<1x6144xf32> to vector<1x6080xf32>
    %concatenate3A_39 = tpu.concatenate %broadcast_in_dim3A_37, %slice3A_38 in 1 : vector<1x64xf32>, vector<1x6080xf32> -> vector<1x6144xf32>
    %add3A_40 = arith.addf %add3A_35, %concatenate3A_39 : vector<1x6144xf32>
    %broadcast_in_dim3A_41 = arith.constant 0.000000e+00 : f32
    %broadcast_in_dim3A_42 = vector.broadcast %broadcast_in_dim3A_41 : f32 to vector<1x128xf32>
    %slice3A_43 = vector.extract_strided_slice %add3A_40 {offsets = [0, 0], sizes = [1, 6016], strides = [1, 1]} : vector<1x6144xf32> to vector<1x6016xf32>
    %concatenate3A_44 = tpu.concatenate %broadcast_in_dim3A_42, %slice3A_43 in 1 : vector<1x128xf32>, vector<1x6016xf32> -> vector<1x6144xf32>
    %add3A_45 = arith.addf %add3A_40, %concatenate3A_44 : vector<1x6144xf32>
    %broadcast_in_dim3A_46 = arith.constant 0.000000e+00 : f32
    %broadcast_in_dim3A_47 = vector.broadcast %broadcast_in_dim3A_46 : f32 to vector<1x256xf32>
    %slice3A_48 = vector.extract_strided_slice %add3A_45 {offsets = [0, 0], sizes = [1, 5888], strides = [1, 1]} : vector<1x6144xf32> to vector<1x5888xf32>
    %concatenate3A_49 = tpu.concatenate %broadcast_in_dim3A_47, %slice3A_48 in 1 : vector<1x256xf32>, vector<1x5888xf32> -> vector<1x6144xf32>
    %add3A_50 = arith.addf %add3A_45, %concatenate3A_49 : vector<1x6144xf32>
    %broadcast_in_dim3A_51 = arith.constant 0.000000e+00 : f32
    %broadcast_in_dim3A_52 = vector.broadcast %broadcast_in_dim3A_51 : f32 to vector<1x512xf32>
    %slice3A_53 = vector.extract_strided_slice %add3A_50 {offsets = [0, 0], sizes = [1, 5632], strides = [1, 1]} : vector<1x6144xf32> to vector<1x5632xf32>
    %concatenate3A_54 = tpu.concatenate %broadcast_in_dim3A_52, %slice3A_53 in 1 : vector<1x512xf32>, vector<1x5632xf32> -> vector<1x6144xf32>
    %add3A_55 = arith.addf %add3A_50, %concatenate3A_54 : vector<1x6144xf32>
    %broadcast_in_dim3A_56 = arith.constant 0.000000e+00 : f32
    %broadcast_in_dim3A_57 = vector.broadcast %broadcast_in_dim3A_56 : f32 to vector<1x1024xf32>
    %slice3A_58 = vector.extract_strided_slice %add3A_55 {offsets = [0, 0], sizes = [1, 5120], strides = [1, 1]} : vector<1x6144xf32> to vector<1x5120xf32>
    %concatenate3A_59 = tpu.concatenate %broadcast_in_dim3A_57, %slice3A_58 in 1 : vector<1x1024xf32>, vector<1x5120xf32> -> vector<1x6144xf32>
    %add3A_60 = arith.addf %add3A_55, %concatenate3A_59 : vector<1x6144xf32>
    %broadcast_in_dim3A_61 = arith.constant 0.000000e+00 : f32
    %broadcast_in_dim3A_62 = vector.broadcast %broadcast_in_dim3A_61 : f32 to vector<1x2048xf32>
    %slice3A_63 = vector.extract_strided_slice %add3A_60 {offsets = [0, 0], sizes = [1, 4096], strides = [1, 1]} : vector<1x6144xf32> to vector<1x4096xf32>
    %concatenate3A_64 = tpu.concatenate %broadcast_in_dim3A_62, %slice3A_63 in 1 : vector<1x2048xf32>, vector<1x4096xf32> -> vector<1x6144xf32>
    %add3A_65 = arith.addf %add3A_60, %concatenate3A_64 : vector<1x6144xf32>
    %broadcast_in_dim3A_66 = arith.constant 0.000000e+00 : f32
    %broadcast_in_dim3A_67 = vector.broadcast %broadcast_in_dim3A_66 : f32 to vector<1x4096xf32>
    %slice3A_68 = vector.extract_strided_slice %add3A_65 {offsets = [0, 0], sizes = [1, 2048], strides = [1, 1]} : vector<1x6144xf32> to vector<1x2048xf32>
    %concatenate3A_69 = tpu.concatenate %broadcast_in_dim3A_67, %slice3A_68 in 1 : vector<1x4096xf32>, vector<1x2048xf32> -> vector<1x6144xf32>
    %add3A_70 = arith.addf %add3A_65, %concatenate3A_69 : vector<1x6144xf32>
    %reduce_max3A = vector.shape_cast %add3A_70 : vector<1x6144xf32> to vector<1x1x6144xf32>
    %reduce_max3A_71 = arith.constant dense<0xFF800000> : vector<1xf32>
    %reduce_max3A_72 = vector.multi_reduction <maximumf>, %reduce_max3A, %reduce_max3A_71 [1, 2] : vector<1x1x6144xf32> to vector<1xf32>
    %reduce_max3A_73 = vector.shape_cast %reduce_max3A_72 : vector<1xf32> to vector<1x1x1xf32>
    %reduce_max3A_74 = vector.extract %reduce_max3A_73[0, 0, 0] : f32 from vector<1x1x1xf32>
    %convert_element_type3A = arith.sitofp %iota3A : vector<1x6144xi32> to vector<1x6144xf32>
    %gt3A = arith.constant 5.000000e-01 : f32
    %gt3A_75 = vector.broadcast %gt3A : f32 to vector<1x6144xf32>
    %gt3A_76 = arith.cmpf ogt, %select_n3A, %gt3A_75 : vector<1x6144xf32>
    %sub3A = arith.constant 1.000000e+00 : f32
    %sub3A_77 = vector.broadcast %sub3A : f32 to vector<1x6144xf32>
    %sub3A_78 = arith.subf %add3A_70, %sub3A_77 : vector<1x6144xf32>
    %add3A_79 = vector.broadcast %reduce_max3A_74 : f32 to vector<1x6144xf32>
    %add3A_80 = arith.addf %add3A_79, %convert_element_type3A : vector<1x6144xf32>
    %sub3A_81 = arith.subf %add3A_80, %add3A_70 : vector<1x6144xf32>
    %select_n3A_82 = arith.select %gt3A_76, %sub3A_78, %sub3A_81 : vector<1x6144xi1>, vector<1x6144xf32>
    %convert_element_type3A_83 = arith.fptosi %select_n3A_82 : vector<1x6144xf32> to vector<1x6144xi32>
    %iota3A_84 = tpu.iota {dimensions = array<i32: 0>} : vector<304x1xi32>
    %eq3A = vector.broadcast %iota3A_84 : vector<304x1xi32> to vector<304x6144xi32>
    %eq3A_85 = vector.broadcast %convert_element_type3A_83 : vector<1x6144xi32> to vector<304x6144xi32>
    %eq3A_86 = arith.cmpi eq, %eq3A, %eq3A_85 : vector<304x6144xi32>
    %jit3A_87 = arith.constant 1.000000e+00 : f32
    %jit3A_88 = arith.constant 0.000000e+00 : f32
    %broadcast_in_dim3A_89 = vector.broadcast %jit3A_87 : f32 to vector<304x6144xf32>
    %broadcast_in_dim3A_90 = vector.broadcast %jit3A_88 : f32 to vector<304x6144xf32>
    %select_n3A_91 = arith.select %eq3A_86, %broadcast_in_dim3A_89, %broadcast_in_dim3A_90 : vector<304x6144xi1>, vector<304x6144xf32>
    %get3A_92 = arith.constant 0 : index
    %get3A_93 = arith.constant 0 : index
    %get3A_94 = vector.load %arg1[%get3A_92, %get3A_93] : memref<6144x1xf32, #tpu.memory_space<vmem>>, vector<6144x1xf32>
    %get3A_95 = arith.constant 0 : index
    %get3A_96 = arith.constant 0 : index
    %get3A_97 = vector.load %arg2[%get3A_95, %get3A_96] : memref<6144x1xf32, #tpu.memory_space<vmem>>, vector<6144x1xf32>
    %get3A_98 = arith.constant 0 : index
    %get3A_99 = arith.constant 0 : index
    %get3A_100 = vector.load %arg3[%get3A_98, %get3A_99] : memref<6144x1xf32, #tpu.memory_space<vmem>>, vector<6144x1xf32>
    %get3A_101 = arith.constant 0 : index
    %get3A_102 = arith.constant 0 : index
    %get3A_103 = vector.load %arg4[%get3A_101, %get3A_102] : memref<6144x1xf32, #tpu.memory_space<vmem>>, vector<6144x1xf32>
    %concatenate3A_104 = tpu.concatenate %get3A_94, %get3A_97, %get3A_100, %get3A_103 in 1 : vector<6144x1xf32>, vector<6144x1xf32>, vector<6144x1xf32>, vector<6144x1xf32> -> vector<6144x4xf32>
    %dot_general3A = arith.constant dense<0.000000e+00> : vector<304x4xf32>
    %dot_general3A_105 = tpu.matmul %select_n3A_91, %concatenate3A_104, %dot_general3A {dimension_numbers = #tpu.dot_dimension_numbers<[1], [0], [0], [1], [0, 0, 1, 1], [], []>, precision = #tpu.contract_precision<fp32>, transpose_lhs_hint = false} : vector<304x6144xf32>, vector<6144x4xf32>, vector<304x4xf32> -> vector<304x4xf32>
    %swap3A = arith.constant 0 : index
    %swap3A_106 = arith.constant 0 : index
    %swap3A_107 = vector.load %arg5[%swap3A, %swap3A_106] : memref<304x4xf32, #tpu.memory_space<vmem>>, vector<304x4xf32>
    tpu.vector_store %arg5[%swap3A, %swap3A_106], %dot_general3A_105 {strides = array<i32>} : memref<304x4xf32, #tpu.memory_space<vmem>>, vector<304x4xf32>,
    return
  }
}

</mosaic_0001>

<sc_bundles>
// kernel: gather_offload_async_start.1
scs
__scs_entry_jumppad:
0x0: {  	(pc) =	sbr.rel $0x88, $3  }
0x1: {  	(tag) =	ssettag $0x0;
	lr =	simm.s32 $0x1  }
0x2: {  	[smem:$0x3F9A] =	sst lr;
	_ =	strace $0xD0000000  }
0x3: {  	_ = 	snop  }
0x4: {  	_ = 	snop  }
0x5: {  	_ = 	snop  }
0x6: {  	_ = 	snop  }
0x7: {  	_ = 	snop  }
__scs_overlays_trampoline_lowered:
0x8: {  	[smem:$0x3FA9] =	sst s0  }
0x9: {  	[smem:$0x3FAA] =	sst s1  }
0xa: {  	[smem:$0x3FAB] =	sst s2  }
0xb: {  	[smem:$0x3FAC] =	sst s3  }
0xc: {  	[smem:$0x3FAD] =	sst s4  }
0xd: {  	[smem:$0x3FAE] =	sst s5  }
0xe: {  	[smem:$0x3FAF] =	sst s6  }
0xf: {  	[smem:$0x3FB0] =	sst s7  }
0x10: {  	[smem:$0x3FB1] =	sst s8  }
0x11: {  	[smem:$0x3FB2] =	sst s9;
	s0 =	simm.s32 @!p0 $0x0  }
0x12: {  	s1 =	sld [smem:$0x3F98];
	s0 =	simm.s32 @p0 $0x1  }
0x13: {  	[smem:$0x3FB3] =	sst s0;
	s0 =	simm.s32 @!p1 $0x0  }
0x14: {  	s2 =	sld [smem:$0x3F97];
	s0 =	simm.s32 @p1 $0x1  }
0x15: {  	[smem:$0x3FB4] =	sst s0;
	s0 =	simm.s32 @!p2 $0x0  }
0x16: {  	s3 =	sld [smem:$0x3FDB];
	s0 =	simm.s32 @p2 $0x1  }
0x17: {  	s4 =	simm.s32 $0x1BF5;
	[smem:$0x3FB6] =	sst s0  }
0x18: {  	s0 =	sld [smem:$0x3F99];
	_ =	swait.ge [sflag:s4], $0x0  }
0x19: {  	s7 =	sld [smem:$0x3F9A]  }
0x1a: {  	s8 =	sadd.s32 $0xFFFFE003, lr  }
0x1b: {  	s9 =	sadd.s32 $0xFFFFFEF7, lr;
	s5 =	simm.s32 $0xFFFFFFFF;
	p2 =	slt.u32 s8, $0xFFFFF086  }
0x1c: {  	p1 =	slt.u32 s9, $0xF7A;
	s5 =	simm.s32 @!p2 $0x0  }
0x1d: {  	s5 =	simm.s32 @p1 $0x1;
	p0 =	seq.s32 s7, s2  }
0x1e: {  	s7 =	smul.u32 @!p0 $0xF7A, s2;
	p2 =	seq.s32 @!p0 s5, $0x0  }
0x1f: {  	s9 =	smul.u32 $0xF7A, s1;
	s8 =	simm.s32 @!p0 $0x1BF5;
	p2 =	por !p2, p0  }
0x20: {  	[sflag:s8] =	ssyncset.s32 @!p0 $0xFFFFF086;
	s6 =	sadd.s32 @!p0 s3, s7;
	s7 =	simm.s32 @!p0 $0x108  }
0x21: {  	s3 =	sadd.s32 s3, s9;
	s6 =	sadd.s32 @!p0 $0x88, s6;
	s7 =	simm.s32 @p2 $0x1082  }
0x22: {  	[simem:s7], [sflag:s8] =	dma.local @!p0 [hbm:s6], $0xF7A  }
0x23: {  	s9 =	sor.u32 $0xD0000000, s2;
	s6 =	simm.s32 $0x108;
	_ =	swait.ge @!p0 [sflag:s8], $0x0  }
0x24: {  	s3 =	sadd.s32 $0x88, s3;
	s6 =	simm.s32 @!p1 $0x1082;
	[sflag:s4] =	ssyncset.s32 $0xFFFFF086  }
0x25: {  	[simem:s6], [sflag:s4] =	dma.local [hbm:s3], $0xF7A  }
0x26: {  	[smem:$0x3F9A] =	sst s1;
	(tag) =	ssettag s2;
	_ =	strace s9  }
0x27: {  	s1 =	sld [smem:$0x3FAA]  }
0x28: {  	s2 =	sld [smem:$0x3FAB]  }
0x29: {  	s4 =	sld [smem:$0x3FAD]  }
0x2a: {  	p0 =	seq.s32 s5, $0x0;
	s5 =	sld [smem:$0x3FAE]  }
0x2b: {  	s6 =	sld [smem:$0x3FAF]  }
0x2c: {  	s7 =	sld [smem:$0x3FB0]  }
0x2d: {  	s3 =	simm.s32 $0x108;
	s8 =	sld [smem:$0x3FB1]  }
0x2e: {  	s3 =	simm.s32 @!p0 $0x1082;
	s9 =	sld [smem:$0x3FB2]  }
0x2f: {  	lr =	sadd.s32 s0, s3;
	s0 =	sld [smem:$0x3FA9]  }
0x30: {  	s3 =	sld [smem:$0x3FAC]  }
0x31: {  	[smem:$0x3FB5] =	sst s10  }
0x32: {  	s10 =	sld [smem:$0x3FB3];
	_ =	sdelay $0x3  }
0x33: {  	p0 =	seq.s32 s10, $0x1;
	s10 =	sld [smem:$0x3FB5];
	_ =	sdelay $0x3  }
0x34: {  	[smem:$0x3FB5] =	sst s10  }
0x35: {  	s10 =	sld [smem:$0x3FB4];
	_ =	sdelay $0x3  }
0x36: {  	p1 =	seq.s32 s10, $0x1;
	s10 =	sld [smem:$0x3FB5];
	_ =	sdelay $0x3  }
0x37: {  	[smem:$0x3FB5] =	sst s10  }
0x38: {  	s10 =	sld [smem:$0x3FB6]  }
0x39: {  	_ = 	snop;
	(pc) =	sbr.ind lr, $3  }
0x3a: {  	_ = 	snop  }
0x3b: {  	_ = 	snop  }
0x3c: {  	p2 =	seq.s32 s10, $0x1;
	s10 =	sld [smem:$0x3FB5]  }
0x3d: {  	_ =	shalt  }
0x3e: {  	_ =	shalt  }
0x3f: {  	_ =	shalt  }
0x40: {  	_ =	shalt  }
0x41: {  	_ =	shalt  }
0x42: {  	_ =	shalt  }
0x43: {  	_ =	shalt  }
0x44: {  	_ =	shalt  }
0x45: {  	_ =	shalt  }
0x46: {  	_ =	shalt  }
0x47: {  	_ =	shalt  }
0x48: {  	_ =	shalt  }
0x49: {  	_ =	shalt  }
0x4a: {  	_ =	shalt  }
0x4b: {  	_ =	shalt  }
0x4c: {  	_ =	shalt  }
0x4d: {  	_ =	shalt  }
0x4e: {  	_ =	shalt  }
0x4f: {  	_ =	shalt  }
0x50: {  	_ =	shalt  }
0x51: {  	_ =	shalt  }
0x52: {  	_ =	shalt  }
0x53: {  	_ =	shalt  }
0x54: {  	_ =	shalt  }
0x55: {  	_ =	shalt  }
0x56: {  	_ =	shalt  }
0x57: {  	_ =	shalt  }
0x58: {  	_ =	shalt  }
0x59: {  	_ =	shalt  }
0x5a: {  	_ =	shalt  }
0x5b: {  	_ =	shalt  }
0x5c: {  	_ =	shalt  }
0x5d: {  	_ =	shalt  }
0x5e: {  	_ =	shalt  }
0x5f: {  	_ =	shalt  }
0x60: {  	_ =	shalt  }
0x61: {  	_ =	shalt  }
0x62: {  	_ =	shalt  }
0x63: {  	_ =	shalt  }
0x64: {  	_ =	shalt  }
0x65: {  	_ =	shalt  }
0x66: {  	_ =	shalt  }
0x67: {  	_ =	shalt  }
0x68: {  	_ =	shalt  }
0x69: {  	_ =	shalt  }
0x6a: {  	_ =	shalt  }
0x6b: {  	_ =	shalt  }
0x6c: {  	_ =	shalt  }
0x6d: {  	_ =	shalt  }
0x6e: {  	_ =	shalt  }
0x6f: {  	_ =	shalt  }
0x70: {  	_ =	shalt  }
0x71: {  	_ =	shalt  }
0x72: {  	_ =	shalt  }
0x73: {  	_ =	shalt  }
0x74: {  	_ =	shalt  }
0x75: {  	_ =	shalt  }
0x76: {  	_ =	shalt  }
0x77: {  	_ =	shalt  }
0x78: {  	_ =	shalt  }
0x79: {  	_ =	shalt  }
0x7a: {  	_ =	shalt  }
0x7b: {  	_ =	shalt  }
0x7c: {  	_ =	shalt  }
0x7d: {  	_ =	shalt  }
0x7e: {  	_ =	shalt  }
0x7f: {  	_ =	shalt  }
0x80: {  	_ =	shalt  }
0x81: {  	_ =	shalt  }
0x82: {  	_ =	shalt  }
0x83: {  	_ =	shalt  }
0x84: {  	_ =	shalt  }
0x85: {  	_ =	shalt  }
0x86: {  	_ =	shalt  }
0x87: {  	_ =	shalt  }
.Lfunc_end0:
.L_simem_size_0:
called_computation.1_lowered:
.L_overlay_start_0:
0x88: {  	s0 =	sld [smem:$0x3FD9]  }
0x89: {  	s1 =	sld [smem:$0x3FFE];
	_ =	sdelay $0x3  }
0x8a: {  	s0 =	sadd.s32 s1, s0  }
0x8b: {  	[smem:$0x3FC1] =	sst s0  }
0x8c: {  	_ = 	snop  }
0x8d: {  	s0 =	sld [smem:$0x3FD0];
	_ =	sdelay $0x2  }
0x8e: {  	s13 =	simm.s32 $0xA;
	s2 =	simm.s32 $0x10  }
0x8f: {  	[smem:s2], [sflag:s13] =	dma.local [hbm:s0], $0x1  }
0x90: {  	_ =	swait.eq [sflag:s13], $0x1  }
0x91: {  	[sflag:s13] =	ssyncset.done $0x0  }
0x92: {  	[sflag:s13] =	ssyncadd.s32 $0xFFFFFFFF  }
0x93: {  	s14 =	sld [smem:$0x14];
	(tm) =	ssettm $0x1  }
0x94: {  	s15 =	sld [smem:$0x3FFB];
	_ =	sdelay $0x3  }
0x95: {  	_ =	strace s15  }
0x96: {  	s1 =	sld [smem:$0x3FFC];
	_ =	sdelay $0x3  }
0x97: {  	_ =	strace s1  }
0x98: {  	s1 =	sld [smem:$0x3FFD];
	_ =	sdelay $0x3  }
0x99: {  	_ =	strace s1  }
0x9a: {  	_ =	strace $0x8FFFFFFF  }
0x9b: {  	s16 =	sld [smem:$0x3FDB];
	_ =	sdelay $0x1  }
0x9c: {  	s17 =	simm.s32 $_scs_section_size  }
0x9d: {  	s3 =	simm.s32 $_size__tile_overlayer_lowered;
	s4 =	simm.s32 $_tile_overlayer_lowered  }
0x9e: {  	s20 =	simm.s32 $0x1BFF;
	s19 =	sshll.u32 s4, $0x1;
	s1 =	sadd.s32 s17, s16  }
0x9f: {  	s5 =	simm.s32 $0x0;
	s18 =	sshll.u32 s3, $0x1;
	s3 =	sadd.s32 s19, s1  }
0xa0: {  	[timem:s5], [sflag:s20] =	dma.local [hbm:s3], s18  }
0xa1: {  	_ =	swait.ge [sflag:s20], s18  }
0xa2: {  	s2 =	ssub.s32 $0x0, s18;
	[sflag:s20] =	ssyncset.done $0x0  }
0xa3: {  	[sflag:s20] =	ssyncadd.s32 s2;
	_ =	sdelay $0x1  }
0xa4: {  	s21 =	simm.s32 $0x1B8B  }
0xa5: {  	_ =	swait.ge [sflag:s21], $0x1  }
0xa6: {  	[sflag:s21] =	ssyncset.done $0x0  }
0xa7: {  	s23 =	simm.s32 $0x1B8E;
	s22 =	sld [smem:$0x3FFE];
	[sflag:s21] =	ssyncadd.s32 $0xFFFFFFFF  }
0xa8: {  	s24 =	simm.s32 $execute0_lowered;
	[smem:$0x3FD2] =	sst s23  }
0xa9: {  	s3 =	sshll.u32 s24, $0x1;
	_ =	strace $0x80000049;
	[dreg:$0x1] =	wrdreg $0xFFFFFFFF  }
0xaa: {  	s25 =	simm.s32 $_size_execute0_lowered;
	s1 =	sadd.s32 s1, s3;
	[dreg:$0x0] =	wrdreg $0x0  }
0xab: {  	s3 =	sshll.u32 s25, $0x1;
	[dreg:$0x2] =	wrdreg s1  }
0xac: {  	[dreg:$0x3] =	wrdreg s3  }
0xad: {  	[dreg:$0x4] =	wrdreg $0xC0  }
0xae: {  	_ =	task [dreg:s5], $0x5FFFF  }
0xaf: {  	[dreg:$0x1] =	wrdreg $0xFFFFFFFF  }
0xb0: {  	[dreg:$0x0] =	wrdreg $0x60  }
0xb1: {  	[dreg:$0x2] =	wrdreg s22  }
0xb2: {  	[dreg:$0x3] =	wrdreg s14  }
0xb3: {  	[dreg:$0x4] =	wrdreg $0x9  }
0xb4: {  	_ =	task.clear_ibuf [dreg:s5], $0x5FFFF;
	_ =	strace $0x90000049  }
0xb5: {  	s26 =	simm.s32 $0x9;
	_ =	strace $0x8000004B  }
0xb6: {  	_ =	swait.ge [sflag:s26], $0x1  }
0xb7: {  	[sflag:s26] =	ssyncadd.s32 $0xFFFFFFFF  }
0xb8: {  	_ =	strace $0x9000004B  }
0xb9: {  	_ =	sfence  }
0xba: {  	s28 =	sld [smem:$0x0];
	_ =	sdelay $0x1  }
0xbb: {  	s29 =	srdreg.scid  }
0xbc: {  	s30 =	sshll.u32 s29, $0xD;
	s31 =	sshrl.u32 s29, $0x2  }
0xbd: {  	s2 =	sand.u32 $0x4000, s30;
	s1 =	sand.u32 $0x1, s29;
	s0 =	sadd.s32 s31, s28  }
0xbe: {  	s1 =	sor.u32 s2, s1;
	s0 =	sshll.u32 s0, $0x11  }
0xbf: {  	s0 =	sor.u32 s0, s1  }
0xc0: {  	s0 =	sadd.s32 $0x8F2B, s0  }
0xc1: {  	[sflag:s0] =	ssyncadd.remote.s32 $0x1  }
0xc2: {  	_ =	sfence.sel $0xFFFF  }
0xc3: {  	[dreg:$0x0] =	wrdreg $0xFFFFFFFF;
	(pc) =	sbr.abs _section_cstart, $3  }
0xc4: {  	[dreg:$0x1] =	wrdreg $0xFFFFFFFF  }
0xc5: {  	_ =	task.clear_ibuf [dreg:s5], $0x2FFFF;
	_ =	strace $0x9FFFFFFF  }
0xc6: {  	(tm) =	ssettm $0x7FFFFFFF  }
0xc7: {  	_ =	shalt  }
tec
execute0_lowered:
.L_overlay_start_1:
0x0: {  	(tag) =	ssettag $0x1  }
0x1: {  	s2 =	rddreg [dreg:$0x0]  }
0x2: {  	s3 =	rddreg [dreg:$0x1]  }
0x3: {  	s0 =	rddreg [dreg:$0x2];
	_ =	strace $0x8000004A;
	s4 =	simm.s32 $0x1  }
0x4: {  	s1 =	stileid.u32;
	s7 =	simm.s32 $0x1;
	s8 =	simm.s32 $0x1  }
0x5: {  	s6 =	simm.s32 $0x2;
	s9 =	simm.s32 $0x3;
	s10 =	simm.s32 $0x0  }
.Ltmp0:
0x6: {  	s13 =	simm.s32 $0x0;
	p0 =	slt.u32 s1, $0xA;
	(pc) =	sbr.rel .LBB2_1-.Ltmp0, $4  }
0x7: {  	[sflag:s4] =	ssyncpa.u1 $0x0;
	s7 =	simm.s32 @!p0 $0x0;
	p0 =	sne.s32 s1, $0x9  }
0x8: {  	s5 =	smul.u32 $0xF0, s1;
	[sflag:s6] =	ssyncpa.u1 $0x0;
	s8 =	simm.s32 @!p0 $0x0  }
0x9: {  	s12 =	simm.s32 $0x0;
	[sflag:s9] =	ssyncpa.u1 $0x0;
	s7 =	sadd.s32 s8, s7  }
0xa: {  	vm0 =	vmmov $0xffff;
	s11 =	smov.u32 s5;
	s8 =	sadd.s32 $0x400, s2;
	s9 =	sadd.s32 $0x1, s7  }
.LBB2_4:
0xb: {  	v2 =	vnsel vm1, $0x0, v2  }
0xc: {  	vm1 =	vgt.s32 v0, $0x0;
	v2 =	vmin.u32 v2, $0x57FF  }
0xd: {  	v0 =	vnsel vm1, $0x0, v0  }
0xe: {  	v0 =	vmin.u32 v0, $0x57FF  }
0xf: {  	[tilespmem:s18], [sflag:$0x1] =	stream.indirect_vreg.gather [hbm4b:s8+s10], $0x1, v1, vm0, $0x4038;
	[tilespmem:$0x3C0] =	vst v63  }
0x10: {  	(ifvalue) =	ssetifvalue $0x7FFFFFFF  }
0x11: {  	[tilespmem:s15], [sflag:$0x1] =	stream.indirect_vreg.gather [hbm4b:s8+s10], $0x1, v2, vm0, $0x4038;
	[tilespmem:$0x3C0] =	vst v63  }
0x12: {  	s29 =	sadd.s32 $0x10, s15;
	(ifvalue) =	ssetifvalue $0x7FFFFFFF  }
0x13: {  	[tilespmem:s29], [sflag:$0x1] =	stream.indirect_vreg.gather [hbm4b:s8+s10], $0x1, v0, vm0, $0x4038;
	[tilespmem:$0x3C0] =	vst v63  }
0x14: {  	_ =	swait.ge [sflag:s4], $0xF0  }
0x15: {  	s30 =	sshrl.u32 s13, $0x3;
	[sflag:s4] =	ssyncset.done $0x0  }
0x16: {  	s31 =	sand.u32 $0x7, s13;
	s15 =	sadd.s32 s3, s30;
	[sflag:s4] =	ssyncadd.s32 $0xFFFFFF10  }
0x17: {  	[hbm4b:s15+s31] =	stream.linear.scatter [tilespmem:s14], [sflag:$0x3], $0xF0, $0x38;
	[tilespmem:$0x3C0] =	vst v63  }
.LBB2_5:
0x18: {  	s15 =	sadd.s32 $0xF00, s11  }
0x19: {  	p1 =	sgt.s32 s15, $0x176F  }
0x1a: {  	s15 =	smov.u32 @p1 s5;
	p1 =	sne.s32 s12, s9  }
.Ltmp1:
0x1b: {  	p0 =	slt.u32 s12, $0x2;
	(pc) =	sbr.rel @!p1 .LBB2_6-.Ltmp1, $4  }
0x1c: {  	s14 =	simm.s32 @!p0 $0x3  }
0x1d: {  	_ =	swait.ge @!p0 [sflag:s14], $0xF0  }
0x1e: {  	s16 =	sadd.s32 $0x1, s12;
	s13 =	smov.u32 s11;
	[sflag:s14] =	ssyncset.done @!p0 $0x0  }
0x1f: {  	s12 =	smov.u32 s16;
	s11 =	smov.u32 s15;
	[sflag:s14] =	ssyncadd.s32 @!p0 $0xFFFFFF10  }
.LBB2_1:
0x20: {  	p0 =	sge.u32 s12, s7  }
0x21: {  	s14 =	sxor.u32 @!p0 $0x1, s12  }
0x22: {  	s14 =	smul.u32 @!p0 $0x3C0, s14  }
0x23: {  	s31 =	sadd.s32 $0xFFFFFFFF, s12;
	s15 =	sshrl.u32 @!p0 s11, $0x3  }
0x24: {  	s16 =	sand.u32 @!p0 $0x7, s11;
	s15 =	sadd.s32 @!p0 s2, s15;
	s14 =	sshra.s32 @!p0 s14, $0x2  }
0x25: {  	[tilespmem:s14], [sflag:$0x2] =	stream.linear.gather @!p0 [hbm4b:s15+s16], $0xF0, $0x38;
	[tilespmem:$0x3C0] =	vst v63  }
0x26: {  	p0 =	sge.u32 s31, s7  }
.Ltmp2:
0x27: {  	_ = 	snop;
	(pc) =	sbr.rel @p0 .LBB2_5-.Ltmp2, $1  }
0x28: {  	_ =	sdelay $0x3  }
0x29: {  	s14 =	sand.u32 $0x1, s12  }
0x2a: {  	_ =	swait.ge [sflag:s6], $0xF0;
	p0 =	seq.s32 s14, $0x1;
	s14 =	simm.s32 $0xF0  }
0x2b: {  	[sflag:s6] =	ssyncset.done $0x0;
	s14 =	simm.s32 @!p0 $0x0  }
0x2c: {  	[sflag:s6] =	ssyncadd.s32 $0xFFFFFF10;
	(ifvalue) =	ssetifvalue $0x7FFFFFFF;
	v0 =	vld.msk [tilespmem:s14+$0x0 ss:$0x1], $0xffff;
	_ =	sdelay $0x4  }
0x2d: {  	s15 =	sadd.s32 $0x10, s14;
	vm1 =	vgt.s32 v0, $0x0  }
0x2e: {  	v2 =	vld.msk [tilespmem:s15+$0x0 ss:$0x1], $0xffff;
	v1 =	vnsel vm1, $0x0, v0  }
0x2f: {  	v1 =	vmin.u32 v1, $0x57FF;
	_ =	sdelay $0x2  }
0x30: {  	s17 =	simm.s32 $0x20;
	s14 =	sadd.s32 $0x1E0, s14;
	s16 =	sadd.s32 $0x10, s15  }
0x31: {  	s15 =	sadd.s32 $0x10, s14;
	s18 =	smov.u32 s14;
	v0 =	vld.msk [tilespmem:s16+$0x0 ss:$0x1], $0xffff;
	vm1 =	vgt.s32 v2, $0x0;
	(ifvalue) =	ssetifvalue $0x7FFFFFFF  }
.LBB2_3:
0x32: {  	[tilespmem:s18], [sflag:$0x1] =	stream.indirect_vreg.gather [hbm4b:s8+s10], $0x1, v1, vm0, $0x4038;
	[tilespmem:$0x3C0] =	vst v63  }
0x33: {  	s17 =	sadd.s32 $0x10, s17  }
0x34: {  	v2 =	vnsel vm1, $0x0, v2;
	p0 =	slt.u32 s17, $0xE0  }
.Ltmp3:
0x35: {  	s18 =	smov.u32 s15;
	v1 =	vmin.u32 v2, $0x57FF;
	(pc) =	sbr.rel @p0 .LBB2_3-.Ltmp3, $3  }
0x36: {  	_ =	sdelay $0x1  }
0x37: {  	s16 =	sadd.s32 $0x10, s16  }
0x38: {  	vm1 =	vgt.s32 v0, $0x0;
	s15 =	sadd.s32 $0x10, s15;
	v2 =	vmov v0;
	(ifvalue) =	ssetifvalue $0x7FFFFFFF;
	v0 =	vld.msk [tilespmem:s16+$0x0 ss:$0x1], $0xffff  }
.Ltmp4:
0x39: {  	_ = 	snop;
	(pc) =	sbr.rel .LBB2_4-.Ltmp4, $1  }
0x3a: {  	_ =	sdelay $0x3  }
.LBB2_6:
0x3b: {  	_ =	sfence.sel $0x180000  }
0x3c: {  	s2 =	simm.s32 $0x2;
	[bflag:$0x0] =	sbarrier.arrive $0xFFFF  }
0x3d: {  	s30 =	simm.s32 $0x3;
	[sflag:s2] =	ssyncpa.u1 $0x1  }
0x3e: {  	s31 =	simm.s32 $0x1;
	[sflag:s30] =	ssyncpa.u1 $0x1  }
0x3f: {  	[sflag:s31] =	ssyncpa.u1 $0x1  }
0x40: {  	p0 =	sne.s32 s1, $0x0;
	_ =	strace $0x9000004A  }
0x41: {  	s0 =	sadd.s32 @!p0 $0x100000, s0;
	[bflag:$0x2] =	sbarrier.arrive $0xFFFF  }
0x42: {  	[sflag:s0] =	ssyncadd.tile.s32 @!p0 $0x1;
	_ =	shalt  }
.Lfunc_end2:
_tile_overlayer_lowered:
.L_overlay_start_2:
0x43: {  	(tag) =	ssettag $0x2  }
0x44: {  	s0 =	rddreg [dreg:$0x0];
	s2 =	stileid.u32  }
0x45: {  	s1 =	rddreg [dreg:$0x1];
	p0 =	sne.s32 s2, $0x0  }
0x46: {  	s3 =	rddreg [dreg:$0x2];
	[bflag:$0x3] =	sbarrier.arrive $0xFFFF;
	s2 =	simm.s32 @!p0 $0x1C01  }
0x47: {  	[timem:s3], [sflag:s2] =	dma.local @!p0 [hbm:s0], s1  }
0x48: {  	s0 =	simm.s32 @!p0 $0x1  }
0x49: {  	_ =	swait.ge @!p0 [sflag:s0], s1  }
0x4a: {  	s1 =	ssub.s32 @!p0 $0x0, s1;
	[sflag:s0] =	ssyncset.done @!p0 $0x0  }
0x4b: {  	[sflag:s0] =	ssyncadd.s32 @!p0 s1  }
0x4c: {  	[bflag:$0x3] =	sbarrier.arrive $0xFFFF  }
0x4d: {  	_ =	shalt  }

// kernel: gather_offload_async_start.2
scs
__scs_entry_jumppad:
0x0: {  	(pc) =	sbr.rel $0x88, $3  }
0x1: {  	(tag) =	ssettag $0x0;
	lr =	simm.s32 $0x1  }
0x2: {  	[smem:$0x3F9A] =	sst lr;
	_ =	strace $0xD0000000  }
0x3: {  	_ = 	snop  }
0x4: {  	_ = 	snop  }
0x5: {  	_ = 	snop  }
0x6: {  	_ = 	snop  }
0x7: {  	_ = 	snop  }
__scs_overlays_trampoline_lowered:
0x8: {  	[smem:$0x3FA9] =	sst s0  }
0x9: {  	[smem:$0x3FAA] =	sst s1  }
0xa: {  	[smem:$0x3FAB] =	sst s2  }
0xb: {  	[smem:$0x3FAC] =	sst s3  }
0xc: {  	[smem:$0x3FAD] =	sst s4  }
0xd: {  	[smem:$0x3FAE] =	sst s5  }
0xe: {  	[smem:$0x3FAF] =	sst s6  }
0xf: {  	[smem:$0x3FB0] =	sst s7  }
0x10: {  	[smem:$0x3FB1] =	sst s8  }
0x11: {  	[smem:$0x3FB2] =	sst s9;
	s0 =	simm.s32 @!p0 $0x0  }
0x12: {  	s1 =	sld [smem:$0x3F98];
	s0 =	simm.s32 @p0 $0x1  }
0x13: {  	[smem:$0x3FB3] =	sst s0;
	s0 =	simm.s32 @!p1 $0x0  }
0x14: {  	s2 =	sld [smem:$0x3F97];
	s0 =	simm.s32 @p1 $0x1  }
0x15: {  	[smem:$0x3FB4] =	sst s0;
	s0 =	simm.s32 @!p2 $0x0  }
0x16: {  	s3 =	sld [smem:$0x3FDB];
	s0 =	simm.s32 @p2 $0x1  }
0x17: {  	s4 =	simm.s32 $0x1BF5;
	[smem:$0x3FB6] =	sst s0  }
0x18: {  	s0 =	sld [smem:$0x3F99];
	_ =	swait.ge [sflag:s4], $0x0  }
0x19: {  	s7 =	sld [smem:$0x3F9A]  }
0x1a: {  	s8 =	sadd.s32 $0xFFFFE003, lr  }
0x1b: {  	s9 =	sadd.s32 $0xFFFFFEF7, lr;
	s5 =	simm.s32 $0xFFFFFFFF;
	p2 =	slt.u32 s8, $0xFFFFF086  }
0x1c: {  	p1 =	slt.u32 s9, $0xF7A;
	s5 =	simm.s32 @!p2 $0x0  }
0x1d: {  	s5 =	simm.s32 @p1 $0x1;
	p0 =	seq.s32 s7, s2  }
0x1e: {  	s7 =	smul.u32 @!p0 $0xF7A, s2;
	p2 =	seq.s32 @!p0 s5, $0x0  }
0x1f: {  	s9 =	smul.u32 $0xF7A, s1;
	s8 =	simm.s32 @!p0 $0x1BF5;
	p2 =	por !p2, p0  }
0x20: {  	[sflag:s8] =	ssyncset.s32 @!p0 $0xFFFFF086;
	s6 =	sadd.s32 @!p0 s3, s7;
	s7 =	simm.s32 @!p0 $0x108  }
0x21: {  	s3 =	sadd.s32 s3, s9;
	s6 =	sadd.s32 @!p0 $0x88, s6;
	s7 =	simm.s32 @p2 $0x1082  }
0x22: {  	[simem:s7], [sflag:s8] =	dma.local @!p0 [hbm:s6], $0xF7A  }
0x23: {  	s9 =	sor.u32 $0xD0000000, s2;
	s6 =	simm.s32 $0x108;
	_ =	swait.ge @!p0 [sflag:s8], $0x0  }
0x24: {  	s3 =	sadd.s32 $0x88, s3;
	s6 =	simm.s32 @!p1 $0x1082;
	[sflag:s4] =	ssyncset.s32 $0xFFFFF086  }
0x25: {  	[simem:s6], [sflag:s4] =	dma.local [hbm:s3], $0xF7A  }
0x26: {  	[smem:$0x3F9A] =	sst s1;
	(tag) =	ssettag s2;
	_ =	strace s9  }
0x27: {  	s1 =	sld [smem:$0x3FAA]  }
0x28: {  	s2 =	sld [smem:$0x3FAB]  }
0x29: {  	s4 =	sld [smem:$0x3FAD]  }
0x2a: {  	p0 =	seq.s32 s5, $0x0;
	s5 =	sld [smem:$0x3FAE]  }
0x2b: {  	s6 =	sld [smem:$0x3FAF]  }
0x2c: {  	s7 =	sld [smem:$0x3FB0]  }
0x2d: {  	s3 =	simm.s32 $0x108;
	s8 =	sld [smem:$0x3FB1]  }
0x2e: {  	s3 =	simm.s32 @!p0 $0x1082;
	s9 =	sld [smem:$0x3FB2]  }
0x2f: {  	lr =	sadd.s32 s0, s3;
	s0 =	sld [smem:$0x3FA9]  }
0x30: {  	s3 =	sld [smem:$0x3FAC]  }
0x31: {  	[smem:$0x3FB5] =	sst s10  }
0x32: {  	s10 =	sld [smem:$0x3FB3];
	_ =	sdelay $0x3  }
0x33: {  	p0 =	seq.s32 s10, $0x1;
	s10 =	sld [smem:$0x3FB5];
	_ =	sdelay $0x3  }
0x34: {  	[smem:$0x3FB5] =	sst s10  }
0x35: {  	s10 =	sld [smem:$0x3FB4];
	_ =	sdelay $0x3  }
0x36: {  	p1 =	seq.s32 s10, $0x1;
	s10 =	sld [smem:$0x3FB5];
	_ =	sdelay $0x3  }
0x37: {  	[smem:$0x3FB5] =	sst s10  }
0x38: {  	s10 =	sld [smem:$0x3FB6]  }
0x39: {  	_ = 	snop;
	(pc) =	sbr.ind lr, $3  }
0x3a: {  	_ = 	snop  }
0x3b: {  	_ = 	snop  }
0x3c: {  	p2 =	seq.s32 s10, $0x1;
	s10 =	sld [smem:$0x3FB5]  }
0x3d: {  	_ =	shalt  }
0x3e: {  	_ =	shalt  }
0x3f: {  	_ =	shalt  }
0x40: {  	_ =	shalt  }
0x41: {  	_ =	shalt  }
0x42: {  	_ =	shalt  }
0x43: {  	_ =	shalt  }
0x44: {  	_ =	shalt  }
0x45: {  	_ =	shalt  }
0x46: {  	_ =	shalt  }
0x47: {  	_ =	shalt  }
0x48: {  	_ =	shalt  }
0x49: {  	_ =	shalt  }
0x4a: {  	_ =	shalt  }
0x4b: {  	_ =	shalt  }
0x4c: {  	_ =	shalt  }
0x4d: {  	_ =	shalt  }
0x4e: {  	_ =	shalt  }
0x4f: {  	_ =	shalt  }
0x50: {  	_ =	shalt  }
0x51: {  	_ =	shalt  }
0x52: {  	_ =	shalt  }
0x53: {  	_ =	shalt  }
0x54: {  	_ =	shalt  }
0x55: {  	_ =	shalt  }
0x56: {  	_ =	shalt  }
0x57: {  	_ =	shalt  }
0x58: {  	_ =	shalt  }
0x59: {  	_ =	shalt  }
0x5a: {  	_ =	shalt  }
0x5b: {  	_ =	shalt  }
0x5c: {  	_ =	shalt  }
0x5d: {  	_ =	shalt  }
0x5e: {  	_ =	shalt  }
0x5f: {  	_ =	shalt  }
0x60: {  	_ =	shalt  }
0x61: {  	_ =	shalt  }
0x62: {  	_ =	shalt  }
0x63: {  	_ =	shalt  }
0x64: {  	_ =	shalt  }
0x65: {  	_ =	shalt  }
0x66: {  	_ =	shalt  }
0x67: {  	_ =	shalt  }
0x68: {  	_ =	shalt  }
0x69: {  	_ =	shalt  }
0x6a: {  	_ =	shalt  }
0x6b: {  	_ =	shalt  }
0x6c: {  	_ =	shalt  }
0x6d: {  	_ =	shalt  }
0x6e: {  	_ =	shalt  }
0x6f: {  	_ =	shalt  }
0x70: {  	_ =	shalt  }
0x71: {  	_ =	shalt  }
0x72: {  	_ =	shalt  }
0x73: {  	_ =	shalt  }
0x74: {  	_ =	shalt  }
0x75: {  	_ =	shalt  }
0x76: {  	_ =	shalt  }
0x77: {  	_ =	shalt  }
0x78: {  	_ =	shalt  }
0x79: {  	_ =	shalt  }
0x7a: {  	_ =	shalt  }
0x7b: {  	_ =	shalt  }
0x7c: {  	_ =	shalt  }
0x7d: {  	_ =	shalt  }
0x7e: {  	_ =	shalt  }
0x7f: {  	_ =	shalt  }
0x80: {  	_ =	shalt  }
0x81: {  	_ =	shalt  }
0x82: {  	_ =	shalt  }
0x83: {  	_ =	shalt  }
0x84: {  	_ =	shalt  }
0x85: {  	_ =	shalt  }
0x86: {  	_ =	shalt  }
0x87: {  	_ =	shalt  }
.Lfunc_end0:
.L_simem_size_0:
called_computation.2_lowered:
.L_overlay_start_0:
0x88: {  	s0 =	sld [smem:$0x3FD9]  }
0x89: {  	s1 =	sld [smem:$0x3FFE];
	_ =	sdelay $0x3  }
0x8a: {  	s0 =	sadd.s32 s1, s0  }
0x8b: {  	[smem:$0x3FC1] =	sst s0  }
0x8c: {  	_ = 	snop  }
0x8d: {  	s0 =	sld [smem:$0x3FD0];
	_ =	sdelay $0x2  }
0x8e: {  	s13 =	simm.s32 $0xA;
	s2 =	simm.s32 $0x10  }
0x8f: {  	[smem:s2], [sflag:s13] =	dma.local [hbm:s0], $0x1  }
0x90: {  	_ =	swait.eq [sflag:s13], $0x1  }
0x91: {  	[sflag:s13] =	ssyncset.done $0x0  }
0x92: {  	[sflag:s13] =	ssyncadd.s32 $0xFFFFFFFF  }
0x93: {  	s14 =	sld [smem:$0x14];
	(tm) =	ssettm $0x1  }
0x94: {  	s15 =	sld [smem:$0x3FFB];
	_ =	sdelay $0x3  }
0x95: {  	_ =	strace s15  }
0x96: {  	s1 =	sld [smem:$0x3FFC];
	_ =	sdelay $0x3  }
0x97: {  	_ =	strace s1  }
0x98: {  	s1 =	sld [smem:$0x3FFD];
	_ =	sdelay $0x3  }
0x99: {  	_ =	strace s1  }
0x9a: {  	_ =	strace $0x8FFFFFFF  }
0x9b: {  	s16 =	sld [smem:$0x3FDB];
	_ =	sdelay $0x1  }
0x9c: {  	s17 =	simm.s32 $_scs_section_size  }
0x9d: {  	s3 =	simm.s32 $_size__tile_overlayer_lowered;
	s4 =	simm.s32 $_tile_overlayer_lowered  }
0x9e: {  	s20 =	simm.s32 $0x1BFF;
	s19 =	sshll.u32 s4, $0x1;
	s1 =	sadd.s32 s17, s16  }
0x9f: {  	s5 =	simm.s32 $0x0;
	s18 =	sshll.u32 s3, $0x1;
	s3 =	sadd.s32 s19, s1  }
0xa0: {  	[timem:s5], [sflag:s20] =	dma.local [hbm:s3], s18  }
0xa1: {  	_ =	swait.ge [sflag:s20], s18  }
0xa2: {  	s2 =	ssub.s32 $0x0, s18;
	[sflag:s20] =	ssyncset.done $0x0  }
0xa3: {  	[sflag:s20] =	ssyncadd.s32 s2;
	_ =	sdelay $0x1  }
0xa4: {  	s21 =	simm.s32 $0x1B8B  }
0xa5: {  	_ =	swait.ge [sflag:s21], $0x1  }
0xa6: {  	[sflag:s21] =	ssyncset.done $0x0  }
0xa7: {  	s23 =	simm.s32 $0x1B8E;
	s22 =	sld [smem:$0x3FFE];
	[sflag:s21] =	ssyncadd.s32 $0xFFFFFFFF  }
0xa8: {  	s24 =	simm.s32 $execute0_lowered;
	[smem:$0x3FD2] =	sst s23  }
0xa9: {  	s3 =	sshll.u32 s24, $0x1;
	_ =	strace $0x8000004C;
	[dreg:$0x1] =	wrdreg $0xFFFFFFFF  }
0xaa: {  	s25 =	simm.s32 $_size_execute0_lowered;
	s1 =	sadd.s32 s1, s3;
	[dreg:$0x0] =	wrdreg $0x0  }
0xab: {  	s3 =	sshll.u32 s25, $0x1;
	[dreg:$0x2] =	wrdreg s1  }
0xac: {  	[dreg:$0x3] =	wrdreg s3  }
0xad: {  	[dreg:$0x4] =	wrdreg $0xC0  }
0xae: {  	_ =	task [dreg:s5], $0x5FFFF  }
0xaf: {  	[dreg:$0x1] =	wrdreg $0xFFFFFFFF  }
0xb0: {  	[dreg:$0x0] =	wrdreg $0x60  }
0xb1: {  	[dreg:$0x2] =	wrdreg s22  }
0xb2: {  	[dreg:$0x3] =	wrdreg s14  }
0xb3: {  	[dreg:$0x4] =	wrdreg $0x9  }
0xb4: {  	_ =	task.clear_ibuf [dreg:s5], $0x5FFFF;
	_ =	strace $0x9000004C  }
0xb5: {  	s26 =	simm.s32 $0x9;
	_ =	strace $0x8000004E  }
0xb6: {  	_ =	swait.ge [sflag:s26], $0x1  }
0xb7: {  	[sflag:s26] =	ssyncadd.s32 $0xFFFFFFFF  }
0xb8: {  	_ =	strace $0x9000004E  }
0xb9: {  	_ =	sfence  }
0xba: {  	s28 =	sld [smem:$0x0];
	_ =	sdelay $0x1  }
0xbb: {  	s29 =	srdreg.scid  }
0xbc: {  	s30 =	sshll.u32 s29, $0xD;
	s31 =	sshrl.u32 s29, $0x2  }
0xbd: {  	s2 =	sand.u32 $0x4000, s30;
	s1 =	sand.u32 $0x1, s29;
	s0 =	sadd.s32 s31, s28  }
0xbe: {  	s1 =	sor.u32 s2, s1;
	s0 =	sshll.u32 s0, $0x11  }
0xbf: {  	s0 =	sor.u32 s0, s1  }
0xc0: {  	s0 =	sadd.s32 $0x8F2B, s0  }
0xc1: {  	[sflag:s0] =	ssyncadd.remote.s32 $0x1  }
0xc2: {  	_ =	sfence.sel $0xFFFF  }
0xc3: {  	[dreg:$0x0] =	wrdreg $0xFFFFFFFF;
	(pc) =	sbr.abs _section_cstart, $3  }
0xc4: {  	[dreg:$0x1] =	wrdreg $0xFFFFFFFF  }
0xc5: {  	_ =	task.clear_ibuf [dreg:s5], $0x2FFFF;
	_ =	strace $0x9FFFFFFF  }
0xc6: {  	(tm) =	ssettm $0x7FFFFFFF  }
0xc7: {  	_ =	shalt  }
tec
execute0_lowered:
.L_overlay_start_1:
0x0: {  	(tag) =	ssettag $0x1  }
0x1: {  	s2 =	rddreg [dreg:$0x0]  }
0x2: {  	s3 =	rddreg [dreg:$0x1]  }
0x3: {  	s0 =	rddreg [dreg:$0x2];
	_ =	strace $0x8000004D;
	s4 =	simm.s32 $0x1  }
0x4: {  	s1 =	stileid.u32;
	s7 =	simm.s32 $0x1;
	s8 =	simm.s32 $0x1  }
0x5: {  	s6 =	simm.s32 $0x2;
	s9 =	simm.s32 $0x3;
	s10 =	simm.s32 $0x0  }
.Ltmp0:
0x6: {  	s13 =	simm.s32 $0x0;
	p0 =	slt.u32 s1, $0xA;
	(pc) =	sbr.rel .LBB2_1-.Ltmp0, $4  }
0x7: {  	[sflag:s4] =	ssyncpa.u1 $0x0;
	s7 =	simm.s32 @!p0 $0x0;
	p0 =	sne.s32 s1, $0x9  }
0x8: {  	s5 =	smul.u32 $0xF0, s1;
	[sflag:s6] =	ssyncpa.u1 $0x0;
	s8 =	simm.s32 @!p0 $0x0  }
0x9: {  	s12 =	simm.s32 $0x0;
	[sflag:s9] =	ssyncpa.u1 $0x0;
	s7 =	sadd.s32 s8, s7  }
0xa: {  	vm0 =	vmmov $0xffff;
	s11 =	smov.u32 s5;
	s8 =	sadd.s32 $0x1000, s2;
	s9 =	sadd.s32 $0x1, s7  }
.LBB2_4:
0xb: {  	v2 =	vnsel vm1, $0x0, v2  }
0xc: {  	vm1 =	vgt.s32 v0, $0x0;
	v2 =	vmin.u32 v2, $0x57FF  }
0xd: {  	v0 =	vnsel vm1, $0x0, v0  }
0xe: {  	v0 =	vmin.u32 v0, $0x57FF  }
0xf: {  	[tilespmem:s18], [sflag:$0x1] =	stream.indirect_vreg.gather [hbm4b:s8+s10], $0x1, v1, vm0, $0x4038;
	[tilespmem:$0x3C0] =	vst v63  }
0x10: {  	(ifvalue) =	ssetifvalue $0x7FFFFFFF  }
0x11: {  	[tilespmem:s15], [sflag:$0x1] =	stream.indirect_vreg.gather [hbm4b:s8+s10], $0x1, v2, vm0, $0x4038;
	[tilespmem:$0x3C0] =	vst v63  }
0x12: {  	s29 =	sadd.s32 $0x10, s15;
	(ifvalue) =	ssetifvalue $0x7FFFFFFF  }
0x13: {  	[tilespmem:s29], [sflag:$0x1] =	stream.indirect_vreg.gather [hbm4b:s8+s10], $0x1, v0, vm0, $0x4038;
	[tilespmem:$0x3C0] =	vst v63  }
0x14: {  	_ =	swait.ge [sflag:s4], $0xF0  }
0x15: {  	s30 =	sshrl.u32 s13, $0x3;
	[sflag:s4] =	ssyncset.done $0x0  }
0x16: {  	s31 =	sand.u32 $0x7, s13;
	s15 =	sadd.s32 s3, s30;
	[sflag:s4] =	ssyncadd.s32 $0xFFFFFF10  }
0x17: {  	[hbm4b:s15+s31] =	stream.linear.scatter [tilespmem:s14], [sflag:$0x3], $0xF0, $0x38;
	[tilespmem:$0x3C0] =	vst v63  }
.LBB2_5:
0x18: {  	s15 =	sadd.s32 $0xF00, s11  }
0x19: {  	p1 =	sgt.s32 s15, $0x176F  }
0x1a: {  	s15 =	smov.u32 @p1 s5;
	p1 =	sne.s32 s12, s9  }
.Ltmp1:
0x1b: {  	p0 =	slt.u32 s12, $0x2;
	(pc) =	sbr.rel @!p1 .LBB2_6-.Ltmp1, $4  }
0x1c: {  	s14 =	simm.s32 @!p0 $0x3  }
0x1d: {  	_ =	swait.ge @!p0 [sflag:s14], $0xF0  }
0x1e: {  	s16 =	sadd.s32 $0x1, s12;
	s13 =	smov.u32 s11;
	[sflag:s14] =	ssyncset.done @!p0 $0x0  }
0x1f: {  	s12 =	smov.u32 s16;
	s11 =	smov.u32 s15;
	[sflag:s14] =	ssyncadd.s32 @!p0 $0xFFFFFF10  }
.LBB2_1:
0x20: {  	p0 =	sge.u32 s12, s7  }
0x21: {  	s14 =	sxor.u32 @!p0 $0x1, s12  }
0x22: {  	s14 =	smul.u32 @!p0 $0x3C0, s14  }
0x23: {  	s31 =	sadd.s32 $0xFFFFFFFF, s12;
	s15 =	sshrl.u32 @!p0 s11, $0x3  }
0x24: {  	s16 =	sand.u32 @!p0 $0x7, s11;
	s15 =	sadd.s32 @!p0 s2, s15;
	s14 =	sshra.s32 @!p0 s14, $0x2  }
0x25: {  	[tilespmem:s14], [sflag:$0x2] =	stream.linear.gather @!p0 [hbm4b:s15+s16], $0xF0, $0x38;
	[tilespmem:$0x3C0] =	vst v63  }
0x26: {  	p0 =	sge.u32 s31, s7  }
.Ltmp2:
0x27: {  	_ = 	snop;
	(pc) =	sbr.rel @p0 .LBB2_5-.Ltmp2, $1  }
0x28: {  	_ =	sdelay $0x3  }
0x29: {  	s14 =	sand.u32 $0x1, s12  }
0x2a: {  	_ =	swait.ge [sflag:s6], $0xF0;
	p0 =	seq.s32 s14, $0x1;
	s14 =	simm.s32 $0xF0  }
0x2b: {  	[sflag:s6] =	ssyncset.done $0x0;
	s14 =	simm.s32 @!p0 $0x0  }
0x2c: {  	[sflag:s6] =	ssyncadd.s32 $0xFFFFFF10;
	(ifvalue) =	ssetifvalue $0x7FFFFFFF;
	v0 =	vld.msk [tilespmem:s14+$0x0 ss:$0x1], $0xffff;
	_ =	sdelay $0x4  }
0x2d: {  	s15 =	sadd.s32 $0x10, s14;
	vm1 =	vgt.s32 v0, $0x0  }
0x2e: {  	v2 =	vld.msk [tilespmem:s15+$0x0 ss:$0x1], $0xffff;
	v1 =	vnsel vm1, $0x0, v0  }
0x2f: {  	v1 =	vmin.u32 v1, $0x57FF;
	_ =	sdelay $0x2  }
0x30: {  	s17 =	simm.s32 $0x20;
	s14 =	sadd.s32 $0x1E0, s14;
	s16 =	sadd.s32 $0x10, s15  }
0x31: {  	s15 =	sadd.s32 $0x10, s14;
	s18 =	smov.u32 s14;
	v0 =	vld.msk [tilespmem:s16+$0x0 ss:$0x1], $0xffff;
	vm1 =	vgt.s32 v2, $0x0;
	(ifvalue) =	ssetifvalue $0x7FFFFFFF  }
.LBB2_3:
0x32: {  	[tilespmem:s18], [sflag:$0x1] =	stream.indirect_vreg.gather [hbm4b:s8+s10], $0x1, v1, vm0, $0x4038;
	[tilespmem:$0x3C0] =	vst v63  }
0x33: {  	s17 =	sadd.s32 $0x10, s17  }
0x34: {  	v2 =	vnsel vm1, $0x0, v2;
	p0 =	slt.u32 s17, $0xE0  }
.Ltmp3:
0x35: {  	s18 =	smov.u32 s15;
	v1 =	vmin.u32 v2, $0x57FF;
	(pc) =	sbr.rel @p0 .LBB2_3-.Ltmp3, $3  }
0x36: {  	_ =	sdelay $0x1  }
0x37: {  	s16 =	sadd.s32 $0x10, s16  }
0x38: {  	vm1 =	vgt.s32 v0, $0x0;
	s15 =	sadd.s32 $0x10, s15;
	v2 =	vmov v0;
	(ifvalue) =	ssetifvalue $0x7FFFFFFF;
	v0 =	vld.msk [tilespmem:s16+$0x0 ss:$0x1], $0xffff  }
.Ltmp4:
0x39: {  	_ = 	snop;
	(pc) =	sbr.rel .LBB2_4-.Ltmp4, $1  }
0x3a: {  	_ =	sdelay $0x3  }
.LBB2_6:
0x3b: {  	_ =	sfence.sel $0x180000  }
0x3c: {  	s2 =	simm.s32 $0x2;
	[bflag:$0x0] =	sbarrier.arrive $0xFFFF  }
0x3d: {  	s30 =	simm.s32 $0x3;
	[sflag:s2] =	ssyncpa.u1 $0x1  }
0x3e: {  	s31 =	simm.s32 $0x1;
	[sflag:s30] =	ssyncpa.u1 $0x1  }
0x3f: {  	[sflag:s31] =	ssyncpa.u1 $0x1  }
0x40: {  	p0 =	sne.s32 s1, $0x0;
	_ =	strace $0x9000004D  }
0x41: {  	s0 =	sadd.s32 @!p0 $0x100000, s0;
	[bflag:$0x2] =	sbarrier.arrive $0xFFFF  }
0x42: {  	[sflag:s0] =	ssyncadd.tile.s32 @!p0 $0x1;
	_ =	shalt  }
.Lfunc_end2:
_tile_overlayer_lowered:
.L_overlay_start_2:
0x43: {  	(tag) =	ssettag $0x2  }
0x44: {  	s0 =	rddreg [dreg:$0x0];
	s2 =	stileid.u32  }
0x45: {  	s1 =	rddreg [dreg:$0x1];
	p0 =	sne.s32 s2, $0x0  }
0x46: {  	s3 =	rddreg [dreg:$0x2];
	[bflag:$0x3] =	sbarrier.arrive $0xFFFF;
	s2 =	simm.s32 @!p0 $0x1C01  }
0x47: {  	[timem:s3], [sflag:s2] =	dma.local @!p0 [hbm:s0], s1  }
0x48: {  	s0 =	simm.s32 @!p0 $0x1  }
0x49: {  	_ =	swait.ge @!p0 [sflag:s0], s1  }
0x4a: {  	s1 =	ssub.s32 @!p0 $0x0, s1;
	[sflag:s0] =	ssyncset.done @!p0 $0x0  }
0x4b: {  	[sflag:s0] =	ssyncadd.s32 @!p0 s1  }
0x4c: {  	[bflag:$0x3] =	sbarrier.arrive $0xFFFF  }
0x4d: {  	_ =	shalt  }

// kernel: gather_offload_async_start.3
scs
__scs_entry_jumppad:
0x0: {  	(pc) =	sbr.rel $0x88, $3  }
0x1: {  	(tag) =	ssettag $0x0;
	lr =	simm.s32 $0x1  }
0x2: {  	[smem:$0x3F9A] =	sst lr;
	_ =	strace $0xD0000000  }
0x3: {  	_ = 	snop  }
0x4: {  	_ = 	snop  }
0x5: {  	_ = 	snop  }
0x6: {  	_ = 	snop  }
0x7: {  	_ = 	snop  }
__scs_overlays_trampoline_lowered:
0x8: {  	[smem:$0x3FA9] =	sst s0  }
0x9: {  	[smem:$0x3FAA] =	sst s1  }
0xa: {  	[smem:$0x3FAB] =	sst s2  }
0xb: {  	[smem:$0x3FAC] =	sst s3  }
0xc: {  	[smem:$0x3FAD] =	sst s4  }
0xd: {  	[smem:$0x3FAE] =	sst s5  }
0xe: {  	[smem:$0x3FAF] =	sst s6  }
0xf: {  	[smem:$0x3FB0] =	sst s7  }
0x10: {  	[smem:$0x3FB1] =	sst s8  }
0x11: {  	[smem:$0x3FB2] =	sst s9;
	s0 =	simm.s32 @!p0 $0x0  }
0x12: {  	s1 =	sld [smem:$0x3F98];
	s0 =	simm.s32 @p0 $0x1  }
0x13: {  	[smem:$0x3FB3] =	sst s0;
	s0 =	simm.s32 @!p1 $0x0  }
0x14: {  	s2 =	sld [smem:$0x3F97];
	s0 =	simm.s32 @p1 $0x1  }
0x15: {  	[smem:$0x3FB4] =	sst s0;
	s0 =	simm.s32 @!p2 $0x0  }
0x16: {  	s3 =	sld [smem:$0x3FDB];
	s0 =	simm.s32 @p2 $0x1  }
0x17: {  	s4 =	simm.s32 $0x1BF5;
	[smem:$0x3FB6] =	sst s0  }
0x18: {  	s0 =	sld [smem:$0x3F99];
	_ =	swait.ge [sflag:s4], $0x0  }
0x19: {  	s7 =	sld [smem:$0x3F9A]  }
0x1a: {  	s8 =	sadd.s32 $0xFFFFE003, lr  }
0x1b: {  	s9 =	sadd.s32 $0xFFFFFEF7, lr;
	s5 =	simm.s32 $0xFFFFFFFF;
	p2 =	slt.u32 s8, $0xFFFFF086  }
0x1c: {  	p1 =	slt.u32 s9, $0xF7A;
	s5 =	simm.s32 @!p2 $0x0  }
0x1d: {  	s5 =	simm.s32 @p1 $0x1;
	p0 =	seq.s32 s7, s2  }
0x1e: {  	s7 =	smul.u32 @!p0 $0xF7A, s2;
	p2 =	seq.s32 @!p0 s5, $0x0  }
0x1f: {  	s9 =	smul.u32 $0xF7A, s1;
	s8 =	simm.s32 @!p0 $0x1BF5;
	p2 =	por !p2, p0  }
0x20: {  	[sflag:s8] =	ssyncset.s32 @!p0 $0xFFFFF086;
	s6 =	sadd.s32 @!p0 s3, s7;
	s7 =	simm.s32 @!p0 $0x108  }
0x21: {  	s3 =	sadd.s32 s3, s9;
	s6 =	sadd.s32 @!p0 $0x88, s6;
	s7 =	simm.s32 @p2 $0x1082  }
0x22: {  	[simem:s7], [sflag:s8] =	dma.local @!p0 [hbm:s6], $0xF7A  }
0x23: {  	s9 =	sor.u32 $0xD0000000, s2;
	s6 =	simm.s32 $0x108;
	_ =	swait.ge @!p0 [sflag:s8], $0x0  }
0x24: {  	s3 =	sadd.s32 $0x88, s3;
	s6 =	simm.s32 @!p1 $0x1082;
	[sflag:s4] =	ssyncset.s32 $0xFFFFF086  }
0x25: {  	[simem:s6], [sflag:s4] =	dma.local [hbm:s3], $0xF7A  }
0x26: {  	[smem:$0x3F9A] =	sst s1;
	(tag) =	ssettag s2;
	_ =	strace s9  }
0x27: {  	s1 =	sld [smem:$0x3FAA]  }
0x28: {  	s2 =	sld [smem:$0x3FAB]  }
0x29: {  	s4 =	sld [smem:$0x3FAD]  }
0x2a: {  	p0 =	seq.s32 s5, $0x0;
	s5 =	sld [smem:$0x3FAE]  }
0x2b: {  	s6 =	sld [smem:$0x3FAF]  }
0x2c: {  	s7 =	sld [smem:$0x3FB0]  }
0x2d: {  	s3 =	simm.s32 $0x108;
	s8 =	sld [smem:$0x3FB1]  }
0x2e: {  	s3 =	simm.s32 @!p0 $0x1082;
	s9 =	sld [smem:$0x3FB2]  }
0x2f: {  	lr =	sadd.s32 s0, s3;
	s0 =	sld [smem:$0x3FA9]  }
0x30: {  	s3 =	sld [smem:$0x3FAC]  }
0x31: {  	[smem:$0x3FB5] =	sst s10  }
0x32: {  	s10 =	sld [smem:$0x3FB3];
	_ =	sdelay $0x3  }
0x33: {  	p0 =	seq.s32 s10, $0x1;
	s10 =	sld [smem:$0x3FB5];
	_ =	sdelay $0x3  }
0x34: {  	[smem:$0x3FB5] =	sst s10  }
0x35: {  	s10 =	sld [smem:$0x3FB4];
	_ =	sdelay $0x3  }
0x36: {  	p1 =	seq.s32 s10, $0x1;
	s10 =	sld [smem:$0x3FB5];
	_ =	sdelay $0x3  }
0x37: {  	[smem:$0x3FB5] =	sst s10  }
0x38: {  	s10 =	sld [smem:$0x3FB6]  }
0x39: {  	_ = 	snop;
	(pc) =	sbr.ind lr, $3  }
0x3a: {  	_ = 	snop  }
0x3b: {  	_ = 	snop  }
0x3c: {  	p2 =	seq.s32 s10, $0x1;
	s10 =	sld [smem:$0x3FB5]  }
0x3d: {  	_ =	shalt  }
0x3e: {  	_ =	shalt  }
0x3f: {  	_ =	shalt  }
0x40: {  	_ =	shalt  }
0x41: {  	_ =	shalt  }
0x42: {  	_ =	shalt  }
0x43: {  	_ =	shalt  }
0x44: {  	_ =	shalt  }
0x45: {  	_ =	shalt  }
0x46: {  	_ =	shalt  }
0x47: {  	_ =	shalt  }
0x48: {  	_ =	shalt  }
0x49: {  	_ =	shalt  }
0x4a: {  	_ =	shalt  }
0x4b: {  	_ =	shalt  }
0x4c: {  	_ =	shalt  }
0x4d: {  	_ =	shalt  }
0x4e: {  	_ =	shalt  }
0x4f: {  	_ =	shalt  }
0x50: {  	_ =	shalt  }
0x51: {  	_ =	shalt  }
0x52: {  	_ =	shalt  }
0x53: {  	_ =	shalt  }
0x54: {  	_ =	shalt  }
0x55: {  	_ =	shalt  }
0x56: {  	_ =	shalt  }
0x57: {  	_ =	shalt  }
0x58: {  	_ =	shalt  }
0x59: {  	_ =	shalt  }
0x5a: {  	_ =	shalt  }
0x5b: {  	_ =	shalt  }
0x5c: {  	_ =	shalt  }
0x5d: {  	_ =	shalt  }
0x5e: {  	_ =	shalt  }
0x5f: {  	_ =	shalt  }
0x60: {  	_ =	shalt  }
0x61: {  	_ =	shalt  }
0x62: {  	_ =	shalt  }
0x63: {  	_ =	shalt  }
0x64: {  	_ =	shalt  }
0x65: {  	_ =	shalt  }
0x66: {  	_ =	shalt  }
0x67: {  	_ =	shalt  }
0x68: {  	_ =	shalt  }
0x69: {  	_ =	shalt  }
0x6a: {  	_ =	shalt  }
0x6b: {  	_ =	shalt  }
0x6c: {  	_ =	shalt  }
0x6d: {  	_ =	shalt  }
0x6e: {  	_ =	shalt  }
0x6f: {  	_ =	shalt  }
0x70: {  	_ =	shalt  }
0x71: {  	_ =	shalt  }
0x72: {  	_ =	shalt  }
0x73: {  	_ =	shalt  }
0x74: {  	_ =	shalt  }
0x75: {  	_ =	shalt  }
0x76: {  	_ =	shalt  }
0x77: {  	_ =	shalt  }
0x78: {  	_ =	shalt  }
0x79: {  	_ =	shalt  }
0x7a: {  	_ =	shalt  }
0x7b: {  	_ =	shalt  }
0x7c: {  	_ =	shalt  }
0x7d: {  	_ =	shalt  }
0x7e: {  	_ =	shalt  }
0x7f: {  	_ =	shalt  }
0x80: {  	_ =	shalt  }
0x81: {  	_ =	shalt  }
0x82: {  	_ =	shalt  }
0x83: {  	_ =	shalt  }
0x84: {  	_ =	shalt  }
0x85: {  	_ =	shalt  }
0x86: {  	_ =	shalt  }
0x87: {  	_ =	shalt  }
.Lfunc_end0:
.L_simem_size_0:
called_computation.3_lowered:
.L_overlay_start_0:
0x88: {  	s0 =	sld [smem:$0x3FD9]  }
0x89: {  	s1 =	sld [smem:$0x3FFE];
	_ =	sdelay $0x3  }
0x8a: {  	s0 =	sadd.s32 s1, s0  }
0x8b: {  	[smem:$0x3FC1] =	sst s0  }
0x8c: {  	_ = 	snop  }
0x8d: {  	s0 =	sld [smem:$0x3FD0];
	_ =	sdelay $0x2  }
0x8e: {  	s13 =	simm.s32 $0xA;
	s2 =	simm.s32 $0x10  }
0x8f: {  	[smem:s2], [sflag:s13] =	dma.local [hbm:s0], $0x1  }
0x90: {  	_ =	swait.eq [sflag:s13], $0x1  }
0x91: {  	[sflag:s13] =	ssyncset.done $0x0  }
0x92: {  	[sflag:s13] =	ssyncadd.s32 $0xFFFFFFFF  }
0x93: {  	s14 =	sld [smem:$0x14];
	(tm) =	ssettm $0x1  }
0x94: {  	s15 =	sld [smem:$0x3FFB];
	_ =	sdelay $0x3  }
0x95: {  	_ =	strace s15  }
0x96: {  	s1 =	sld [smem:$0x3FFC];
	_ =	sdelay $0x3  }
0x97: {  	_ =	strace s1  }
0x98: {  	s1 =	sld [smem:$0x3FFD];
	_ =	sdelay $0x3  }
0x99: {  	_ =	strace s1  }
0x9a: {  	_ =	strace $0x8FFFFFFF  }
0x9b: {  	s16 =	sld [smem:$0x3FDB];
	_ =	sdelay $0x1  }
0x9c: {  	s17 =	simm.s32 $_scs_section_size  }
0x9d: {  	s3 =	simm.s32 $_size__tile_overlayer_lowered;
	s4 =	simm.s32 $_tile_overlayer_lowered  }
0x9e: {  	s20 =	simm.s32 $0x1BFF;
	s19 =	sshll.u32 s4, $0x1;
	s1 =	sadd.s32 s17, s16  }
0x9f: {  	s5 =	simm.s32 $0x0;
	s18 =	sshll.u32 s3, $0x1;
	s3 =	sadd.s32 s19, s1  }
0xa0: {  	[timem:s5], [sflag:s20] =	dma.local [hbm:s3], s18  }
0xa1: {  	_ =	swait.ge [sflag:s20], s18  }
0xa2: {  	s2 =	ssub.s32 $0x0, s18;
	[sflag:s20] =	ssyncset.done $0x0  }
0xa3: {  	[sflag:s20] =	ssyncadd.s32 s2;
	_ =	sdelay $0x1  }
0xa4: {  	s21 =	simm.s32 $0x1B8B  }
0xa5: {  	_ =	swait.ge [sflag:s21], $0x1  }
0xa6: {  	[sflag:s21] =	ssyncset.done $0x0  }
0xa7: {  	s23 =	simm.s32 $0x1B8E;
	s22 =	sld [smem:$0x3FFE];
	[sflag:s21] =	ssyncadd.s32 $0xFFFFFFFF  }
0xa8: {  	s24 =	simm.s32 $execute0_lowered;
	[smem:$0x3FD2] =	sst s23  }
0xa9: {  	s3 =	sshll.u32 s24, $0x1;
	_ =	strace $0x8000004F;
	[dreg:$0x1] =	wrdreg $0xFFFFFFFF  }
0xaa: {  	s25 =	simm.s32 $_size_execute0_lowered;
	s1 =	sadd.s32 s1, s3;
	[dreg:$0x0] =	wrdreg $0x0  }
0xab: {  	s3 =	sshll.u32 s25, $0x1;
	[dreg:$0x2] =	wrdreg s1  }
0xac: {  	[dreg:$0x3] =	wrdreg s3  }
0xad: {  	[dreg:$0x4] =	wrdreg $0xC0  }
0xae: {  	_ =	task [dreg:s5], $0x5FFFF  }
0xaf: {  	[dreg:$0x1] =	wrdreg $0xFFFFFFFF  }
0xb0: {  	[dreg:$0x0] =	wrdreg $0x60  }
0xb1: {  	[dreg:$0x2] =	wrdreg s22  }
0xb2: {  	[dreg:$0x3] =	wrdreg s14  }
0xb3: {  	[dreg:$0x4] =	wrdreg $0x9  }
0xb4: {  	_ =	task.clear_ibuf [dreg:s5], $0x5FFFF;
	_ =	strace $0x9000004F  }
0xb5: {  	s26 =	simm.s32 $0x9;
	_ =	strace $0x80000051  }
0xb6: {  	_ =	swait.ge [sflag:s26], $0x1  }
0xb7: {  	[sflag:s26] =	ssyncadd.s32 $0xFFFFFFFF  }
0xb8: {  	_ =	strace $0x90000051  }
0xb9: {  	_ =	sfence  }
0xba: {  	s28 =	sld [smem:$0x0];
	_ =	sdelay $0x1  }
0xbb: {  	s29 =	srdreg.scid  }
0xbc: {  	s30 =	sshll.u32 s29, $0xD;
	s31 =	sshrl.u32 s29, $0x2  }
0xbd: {  	s2 =	sand.u32 $0x4000, s30;
	s1 =	sand.u32 $0x1, s29;
	s0 =	sadd.s32 s31, s28  }
0xbe: {  	s1 =	sor.u32 s2, s1;
	s0 =	sshll.u32 s0, $0x11  }
0xbf: {  	s0 =	sor.u32 s0, s1  }
0xc0: {  	s0 =	sadd.s32 $0x8F2B, s0  }
0xc1: {  	[sflag:s0] =	ssyncadd.remote.s32 $0x1  }
0xc2: {  	_ =	sfence.sel $0xFFFF  }
0xc3: {  	[dreg:$0x0] =	wrdreg $0xFFFFFFFF;
	(pc) =	sbr.abs _section_cstart, $3  }
0xc4: {  	[dreg:$0x1] =	wrdreg $0xFFFFFFFF  }
0xc5: {  	_ =	task.clear_ibuf [dreg:s5], $0x2FFFF;
	_ =	strace $0x9FFFFFFF  }
0xc6: {  	(tm) =	ssettm $0x7FFFFFFF  }
0xc7: {  	_ =	shalt  }
tec
execute0_lowered:
.L_overlay_start_1:
0x0: {  	(tag) =	ssettag $0x1  }
0x1: {  	s2 =	rddreg [dreg:$0x0]  }
0x2: {  	s3 =	rddreg [dreg:$0x1]  }
0x3: {  	s0 =	rddreg [dreg:$0x2];
	_ =	strace $0x80000050;
	s4 =	simm.s32 $0x1  }
0x4: {  	s1 =	stileid.u32;
	s7 =	simm.s32 $0x1;
	s8 =	simm.s32 $0x1  }
0x5: {  	s6 =	simm.s32 $0x2;
	s9 =	simm.s32 $0x3;
	s10 =	simm.s32 $0x0  }
.Ltmp0:
0x6: {  	s13 =	simm.s32 $0x0;
	p0 =	slt.u32 s1, $0xA;
	(pc) =	sbr.rel .LBB2_1-.Ltmp0, $4  }
0x7: {  	[sflag:s4] =	ssyncpa.u1 $0x0;
	s7 =	simm.s32 @!p0 $0x0;
	p0 =	sne.s32 s1, $0x9  }
0x8: {  	s5 =	smul.u32 $0xF0, s1;
	[sflag:s6] =	ssyncpa.u1 $0x0;
	s8 =	simm.s32 @!p0 $0x0  }
0x9: {  	s12 =	simm.s32 $0x0;
	[sflag:s9] =	ssyncpa.u1 $0x0;
	s7 =	sadd.s32 s8, s7  }
0xa: {  	vm0 =	vmmov $0xffff;
	s11 =	smov.u32 s5;
	s8 =	sadd.s32 $0x1C00, s2;
	s9 =	sadd.s32 $0x1, s7  }
.LBB2_4:
0xb: {  	v2 =	vnsel vm1, $0x0, v2  }
0xc: {  	vm1 =	vgt.s32 v0, $0x0;
	v2 =	vmin.u32 v2, $0x57FF  }
0xd: {  	v0 =	vnsel vm1, $0x0, v0  }
0xe: {  	v0 =	vmin.u32 v0, $0x57FF  }
0xf: {  	[tilespmem:s18], [sflag:$0x1] =	stream.indirect_vreg.gather [hbm4b:s8+s10], $0x1, v1, vm0, $0x4038;
	[tilespmem:$0x3C0] =	vst v63  }
0x10: {  	(ifvalue) =	ssetifvalue $0x7FFFFFFF  }
0x11: {  	[tilespmem:s15], [sflag:$0x1] =	stream.indirect_vreg.gather [hbm4b:s8+s10], $0x1, v2, vm0, $0x4038;
	[tilespmem:$0x3C0] =	vst v63  }
0x12: {  	s29 =	sadd.s32 $0x10, s15;
	(ifvalue) =	ssetifvalue $0x7FFFFFFF  }
0x13: {  	[tilespmem:s29], [sflag:$0x1] =	stream.indirect_vreg.gather [hbm4b:s8+s10], $0x1, v0, vm0, $0x4038;
	[tilespmem:$0x3C0] =	vst v63  }
0x14: {  	_ =	swait.ge [sflag:s4], $0xF0  }
0x15: {  	s30 =	sshrl.u32 s13, $0x3;
	[sflag:s4] =	ssyncset.done $0x0  }
0x16: {  	s31 =	sand.u32 $0x7, s13;
	s15 =	sadd.s32 s3, s30;
	[sflag:s4] =	ssyncadd.s32 $0xFFFFFF10  }
0x17: {  	[hbm4b:s15+s31] =	stream.linear.scatter [tilespmem:s14], [sflag:$0x3], $0xF0, $0x38;
	[tilespmem:$0x3C0] =	vst v63  }
.LBB2_5:
0x18: {  	s15 =	sadd.s32 $0xF00, s11  }
0x19: {  	p1 =	sgt.s32 s15, $0x176F  }
0x1a: {  	s15 =	smov.u32 @p1 s5;
	p1 =	sne.s32 s12, s9  }
.Ltmp1:
0x1b: {  	p0 =	slt.u32 s12, $0x2;
	(pc) =	sbr.rel @!p1 .LBB2_6-.Ltmp1, $4  }
0x1c: {  	s14 =	simm.s32 @!p0 $0x3  }
0x1d: {  	_ =	swait.ge @!p0 [sflag:s14], $0xF0  }
0x1e: {  	s16 =	sadd.s32 $0x1, s12;
	s13 =	smov.u32 s11;
	[sflag:s14] =	ssyncset.done @!p0 $0x0  }
0x1f: {  	s12 =	smov.u32 s16;
	s11 =	smov.u32 s15;
	[sflag:s14] =	ssyncadd.s32 @!p0 $0xFFFFFF10  }
.LBB2_1:
0x20: {  	p0 =	sge.u32 s12, s7  }
0x21: {  	s14 =	sxor.u32 @!p0 $0x1, s12  }
0x22: {  	s14 =	smul.u32 @!p0 $0x3C0, s14  }
0x23: {  	s31 =	sadd.s32 $0xFFFFFFFF, s12;
	s15 =	sshrl.u32 @!p0 s11, $0x3  }
0x24: {  	s16 =	sand.u32 @!p0 $0x7, s11;
	s15 =	sadd.s32 @!p0 s2, s15;
	s14 =	sshra.s32 @!p0 s14, $0x2  }
0x25: {  	[tilespmem:s14], [sflag:$0x2] =	stream.linear.gather @!p0 [hbm4b:s15+s16], $0xF0, $0x38;
	[tilespmem:$0x3C0] =	vst v63  }
0x26: {  	p0 =	sge.u32 s31, s7  }
.Ltmp2:
0x27: {  	_ = 	snop;
	(pc) =	sbr.rel @p0 .LBB2_5-.Ltmp2, $1  }
0x28: {  	_ =	sdelay $0x3  }
0x29: {  	s14 =	sand.u32 $0x1, s12  }
0x2a: {  	_ =	swait.ge [sflag:s6], $0xF0;
	p0 =	seq.s32 s14, $0x1;
	s14 =	simm.s32 $0xF0  }
0x2b: {  	[sflag:s6] =	ssyncset.done $0x0;
	s14 =	simm.s32 @!p0 $0x0  }
0x2c: {  	[sflag:s6] =	ssyncadd.s32 $0xFFFFFF10;
	(ifvalue) =	ssetifvalue $0x7FFFFFFF;
	v0 =	vld.msk [tilespmem:s14+$0x0 ss:$0x1], $0xffff;
	_ =	sdelay $0x4  }
0x2d: {  	s15 =	sadd.s32 $0x10, s14;
	vm1 =	vgt.s32 v0, $0x0  }
0x2e: {  	v2 =	vld.msk [tilespmem:s15+$0x0 ss:$0x1], $0xffff;
	v1 =	vnsel vm1, $0x0, v0  }
0x2f: {  	v1 =	vmin.u32 v1, $0x57FF;
	_ =	sdelay $0x2  }
0x30: {  	s17 =	simm.s32 $0x20;
	s14 =	sadd.s32 $0x1E0, s14;
	s16 =	sadd.s32 $0x10, s15  }
0x31: {  	s15 =	sadd.s32 $0x10, s14;
	s18 =	smov.u32 s14;
	v0 =	vld.msk [tilespmem:s16+$0x0 ss:$0x1], $0xffff;
	vm1 =	vgt.s32 v2, $0x0;
	(ifvalue) =	ssetifvalue $0x7FFFFFFF  }
.LBB2_3:
0x32: {  	[tilespmem:s18], [sflag:$0x1] =	stream.indirect_vreg.gather [hbm4b:s8+s10], $0x1, v1, vm0, $0x4038;
	[tilespmem:$0x3C0] =	vst v63  }
0x33: {  	s17 =	sadd.s32 $0x10, s17  }
0x34: {  	v2 =	vnsel vm1, $0x0, v2;
	p0 =	slt.u32 s17, $0xE0  }
.Ltmp3:
0x35: {  	s18 =	smov.u32 s15;
	v1 =	vmin.u32 v2, $0x57FF;
	(pc) =	sbr.rel @p0 .LBB2_3-.Ltmp3, $3  }
0x36: {  	_ =	sdelay $0x1  }
0x37: {  	s16 =	sadd.s32 $0x10, s16  }
0x38: {  	vm1 =	vgt.s32 v0, $0x0;
	s15 =	sadd.s32 $0x10, s15;
	v2 =	vmov v0;
	(ifvalue) =	ssetifvalue $0x7FFFFFFF;
	v0 =	vld.msk [tilespmem:s16+$0x0 ss:$0x1], $0xffff  }
.Ltmp4:
0x39: {  	_ = 	snop;
	(pc) =	sbr.rel .LBB2_4-.Ltmp4, $1  }
0x3a: {  	_ =	sdelay $0x3  }
.LBB2_6:
0x3b: {  	_ =	sfence.sel $0x180000  }
0x3c: {  	s2 =	simm.s32 $0x2;
	[bflag:$0x0] =	sbarrier.arrive $0xFFFF  }
0x3d: {  	s30 =	simm.s32 $0x3;
	[sflag:s2] =	ssyncpa.u1 $0x1  }
0x3e: {  	s31 =	simm.s32 $0x1;
	[sflag:s30] =	ssyncpa.u1 $0x1  }
0x3f: {  	[sflag:s31] =	ssyncpa.u1 $0x1  }
0x40: {  	p0 =	sne.s32 s1, $0x0;
	_ =	strace $0x90000050  }
0x41: {  	s0 =	sadd.s32 @!p0 $0x100000, s0;
	[bflag:$0x2] =	sbarrier.arrive $0xFFFF  }
0x42: {  	[sflag:s0] =	ssyncadd.tile.s32 @!p0 $0x1;
	_ =	shalt  }
.Lfunc_end2:
_tile_overlayer_lowered:
.L_overlay_start_2:
0x43: {  	(tag) =	ssettag $0x2  }
0x44: {  	s0 =	rddreg [dreg:$0x0];
	s2 =	stileid.u32  }
0x45: {  	s1 =	rddreg [dreg:$0x1];
	p0 =	sne.s32 s2, $0x0  }
0x46: {  	s3 =	rddreg [dreg:$0x2];
	[bflag:$0x3] =	sbarrier.arrive $0xFFFF;
	s2 =	simm.s32 @!p0 $0x1C01  }
0x47: {  	[timem:s3], [sflag:s2] =	dma.local @!p0 [hbm:s0], s1  }
0x48: {  	s0 =	simm.s32 @!p0 $0x1  }
0x49: {  	_ =	swait.ge @!p0 [sflag:s0], s1  }
0x4a: {  	s1 =	ssub.s32 @!p0 $0x0, s1;
	[sflag:s0] =	ssyncset.done @!p0 $0x0  }
0x4b: {  	[sflag:s0] =	ssyncadd.s32 @!p0 s1  }
0x4c: {  	[bflag:$0x3] =	sbarrier.arrive $0xFFFF  }
0x4d: {  	_ =	shalt  }

// kernel: gather_offload_async_start
scs
__scs_entry_jumppad:
0x0: {  	(pc) =	sbr.rel $0x88, $3  }
0x1: {  	(tag) =	ssettag $0x0;
	lr =	simm.s32 $0x1  }
0x2: {  	[smem:$0x3F9A] =	sst lr;
	_ =	strace $0xD0000000  }
0x3: {  	_ = 	snop  }
0x4: {  	_ = 	snop  }
0x5: {  	_ = 	snop  }
0x6: {  	_ = 	snop  }
0x7: {  	_ = 	snop  }
__scs_overlays_trampoline_lowered:
0x8: {  	[smem:$0x3FA9] =	sst s0  }
0x9: {  	[smem:$0x3FAA] =	sst s1  }
0xa: {  	[smem:$0x3FAB] =	sst s2  }
0xb: {  	[smem:$0x3FAC] =	sst s3  }
0xc: {  	[smem:$0x3FAD] =	sst s4  }
0xd: {  	[smem:$0x3FAE] =	sst s5  }
0xe: {  	[smem:$0x3FAF] =	sst s6  }
0xf: {  	[smem:$0x3FB0] =	sst s7  }
0x10: {  	[smem:$0x3FB1] =	sst s8  }
0x11: {  	[smem:$0x3FB2] =	sst s9;
	s0 =	simm.s32 @!p0 $0x0  }
0x12: {  	s1 =	sld [smem:$0x3F98];
	s0 =	simm.s32 @p0 $0x1  }
0x13: {  	[smem:$0x3FB3] =	sst s0;
	s0 =	simm.s32 @!p1 $0x0  }
0x14: {  	s2 =	sld [smem:$0x3F97];
	s0 =	simm.s32 @p1 $0x1  }
0x15: {  	[smem:$0x3FB4] =	sst s0;
	s0 =	simm.s32 @!p2 $0x0  }
0x16: {  	s3 =	sld [smem:$0x3FDB];
	s0 =	simm.s32 @p2 $0x1  }
0x17: {  	s4 =	simm.s32 $0x1BF5;
	[smem:$0x3FB6] =	sst s0  }
0x18: {  	s0 =	sld [smem:$0x3F99];
	_ =	swait.ge [sflag:s4], $0x0  }
0x19: {  	s7 =	sld [smem:$0x3F9A]  }
0x1a: {  	s8 =	sadd.s32 $0xFFFFE003, lr  }
0x1b: {  	s9 =	sadd.s32 $0xFFFFFEF7, lr;
	s5 =	simm.s32 $0xFFFFFFFF;
	p2 =	slt.u32 s8, $0xFFFFF086  }
0x1c: {  	p1 =	slt.u32 s9, $0xF7A;
	s5 =	simm.s32 @!p2 $0x0  }
0x1d: {  	s5 =	simm.s32 @p1 $0x1;
	p0 =	seq.s32 s7, s2  }
0x1e: {  	s7 =	smul.u32 @!p0 $0xF7A, s2;
	p2 =	seq.s32 @!p0 s5, $0x0  }
0x1f: {  	s9 =	smul.u32 $0xF7A, s1;
	s8 =	simm.s32 @!p0 $0x1BF5;
	p2 =	por !p2, p0  }
0x20: {  	[sflag:s8] =	ssyncset.s32 @!p0 $0xFFFFF086;
	s6 =	sadd.s32 @!p0 s3, s7;
	s7 =	simm.s32 @!p0 $0x108  }
0x21: {  	s3 =	sadd.s32 s3, s9;
	s6 =	sadd.s32 @!p0 $0x88, s6;
	s7 =	simm.s32 @p2 $0x1082  }
0x22: {  	[simem:s7], [sflag:s8] =	dma.local @!p0 [hbm:s6], $0xF7A  }
0x23: {  	s9 =	sor.u32 $0xD0000000, s2;
	s6 =	simm.s32 $0x108;
	_ =	swait.ge @!p0 [sflag:s8], $0x0  }
0x24: {  	s3 =	sadd.s32 $0x88, s3;
	s6 =	simm.s32 @!p1 $0x1082;
	[sflag:s4] =	ssyncset.s32 $0xFFFFF086  }
0x25: {  	[simem:s6], [sflag:s4] =	dma.local [hbm:s3], $0xF7A  }
0x26: {  	[smem:$0x3F9A] =	sst s1;
	(tag) =	ssettag s2;
	_ =	strace s9  }
0x27: {  	s1 =	sld [smem:$0x3FAA]  }
0x28: {  	s2 =	sld [smem:$0x3FAB]  }
0x29: {  	s4 =	sld [smem:$0x3FAD]  }
0x2a: {  	p0 =	seq.s32 s5, $0x0;
	s5 =	sld [smem:$0x3FAE]  }
0x2b: {  	s6 =	sld [smem:$0x3FAF]  }
0x2c: {  	s7 =	sld [smem:$0x3FB0]  }
0x2d: {  	s3 =	simm.s32 $0x108;
	s8 =	sld [smem:$0x3FB1]  }
0x2e: {  	s3 =	simm.s32 @!p0 $0x1082;
	s9 =	sld [smem:$0x3FB2]  }
0x2f: {  	lr =	sadd.s32 s0, s3;
	s0 =	sld [smem:$0x3FA9]  }
0x30: {  	s3 =	sld [smem:$0x3FAC]  }
0x31: {  	[smem:$0x3FB5] =	sst s10  }
0x32: {  	s10 =	sld [smem:$0x3FB3];
	_ =	sdelay $0x3  }
0x33: {  	p0 =	seq.s32 s10, $0x1;
	s10 =	sld [smem:$0x3FB5];
	_ =	sdelay $0x3  }
0x34: {  	[smem:$0x3FB5] =	sst s10  }
0x35: {  	s10 =	sld [smem:$0x3FB4];
	_ =	sdelay $0x3  }
0x36: {  	p1 =	seq.s32 s10, $0x1;
	s10 =	sld [smem:$0x3FB5];
	_ =	sdelay $0x3  }
0x37: {  	[smem:$0x3FB5] =	sst s10  }
0x38: {  	s10 =	sld [smem:$0x3FB6]  }
0x39: {  	_ = 	snop;
	(pc) =	sbr.ind lr, $3  }
0x3a: {  	_ = 	snop  }
0x3b: {  	_ = 	snop  }
0x3c: {  	p2 =	seq.s32 s10, $0x1;
	s10 =	sld [smem:$0x3FB5]  }
0x3d: {  	_ =	shalt  }
0x3e: {  	_ =	shalt  }
0x3f: {  	_ =	shalt  }
0x40: {  	_ =	shalt  }
0x41: {  	_ =	shalt  }
0x42: {  	_ =	shalt  }
0x43: {  	_ =	shalt  }
0x44: {  	_ =	shalt  }
0x45: {  	_ =	shalt  }
0x46: {  	_ =	shalt  }
0x47: {  	_ =	shalt  }
0x48: {  	_ =	shalt  }
0x49: {  	_ =	shalt  }
0x4a: {  	_ =	shalt  }
0x4b: {  	_ =	shalt  }
0x4c: {  	_ =	shalt  }
0x4d: {  	_ =	shalt  }
0x4e: {  	_ =	shalt  }
0x4f: {  	_ =	shalt  }
0x50: {  	_ =	shalt  }
0x51: {  	_ =	shalt  }
0x52: {  	_ =	shalt  }
0x53: {  	_ =	shalt  }
0x54: {  	_ =	shalt  }
0x55: {  	_ =	shalt  }
0x56: {  	_ =	shalt  }
0x57: {  	_ =	shalt  }
0x58: {  	_ =	shalt  }
0x59: {  	_ =	shalt  }
0x5a: {  	_ =	shalt  }
0x5b: {  	_ =	shalt  }
0x5c: {  	_ =	shalt  }
0x5d: {  	_ =	shalt  }
0x5e: {  	_ =	shalt  }
0x5f: {  	_ =	shalt  }
0x60: {  	_ =	shalt  }
0x61: {  	_ =	shalt  }
0x62: {  	_ =	shalt  }
0x63: {  	_ =	shalt  }
0x64: {  	_ =	shalt  }
0x65: {  	_ =	shalt  }
0x66: {  	_ =	shalt  }
0x67: {  	_ =	shalt  }
0x68: {  	_ =	shalt  }
0x69: {  	_ =	shalt  }
0x6a: {  	_ =	shalt  }
0x6b: {  	_ =	shalt  }
0x6c: {  	_ =	shalt  }
0x6d: {  	_ =	shalt  }
0x6e: {  	_ =	shalt  }
0x6f: {  	_ =	shalt  }
0x70: {  	_ =	shalt  }
0x71: {  	_ =	shalt  }
0x72: {  	_ =	shalt  }
0x73: {  	_ =	shalt  }
0x74: {  	_ =	shalt  }
0x75: {  	_ =	shalt  }
0x76: {  	_ =	shalt  }
0x77: {  	_ =	shalt  }
0x78: {  	_ =	shalt  }
0x79: {  	_ =	shalt  }
0x7a: {  	_ =	shalt  }
0x7b: {  	_ =	shalt  }
0x7c: {  	_ =	shalt  }
0x7d: {  	_ =	shalt  }
0x7e: {  	_ =	shalt  }
0x7f: {  	_ =	shalt  }
0x80: {  	_ =	shalt  }
0x81: {  	_ =	shalt  }
0x82: {  	_ =	shalt  }
0x83: {  	_ =	shalt  }
0x84: {  	_ =	shalt  }
0x85: {  	_ =	shalt  }
0x86: {  	_ =	shalt  }
0x87: {  	_ =	shalt  }
.Lfunc_end0:
.L_simem_size_0:
called_computation_lowered:
.L_overlay_start_0:
0x88: {  	s0 =	sld [smem:$0x3FD9]  }
0x89: {  	s1 =	sld [smem:$0x3FFE];
	_ =	sdelay $0x3  }
0x8a: {  	s0 =	sadd.s32 s1, s0  }
0x8b: {  	[smem:$0x3FC1] =	sst s0  }
0x8c: {  	_ = 	snop  }
0x8d: {  	s0 =	sld [smem:$0x3FD0];
	_ =	sdelay $0x2  }
0x8e: {  	s13 =	simm.s32 $0xA;
	s2 =	simm.s32 $0x10  }
0x8f: {  	[smem:s2], [sflag:s13] =	dma.local [hbm:s0], $0x1  }
0x90: {  	_ =	swait.eq [sflag:s13], $0x1  }
0x91: {  	[sflag:s13] =	ssyncset.done $0x0  }
0x92: {  	[sflag:s13] =	ssyncadd.s32 $0xFFFFFFFF  }
0x93: {  	s14 =	sld [smem:$0x14];
	(tm) =	ssettm $0x1  }
0x94: {  	s15 =	sld [smem:$0x3FFB];
	_ =	sdelay $0x3  }
0x95: {  	_ =	strace s15  }
0x96: {  	s1 =	sld [smem:$0x3FFC];
	_ =	sdelay $0x3  }
0x97: {  	_ =	strace s1  }
0x98: {  	s1 =	sld [smem:$0x3FFD];
	_ =	sdelay $0x3  }
0x99: {  	_ =	strace s1  }
0x9a: {  	_ =	strace $0x8FFFFFFF  }
0x9b: {  	s16 =	sld [smem:$0x3FDB];
	_ =	sdelay $0x1  }
0x9c: {  	s17 =	simm.s32 $_scs_section_size  }
0x9d: {  	s3 =	simm.s32 $_size__tile_overlayer_lowered;
	s4 =	simm.s32 $_tile_overlayer_lowered  }
0x9e: {  	s20 =	simm.s32 $0x1BFF;
	s19 =	sshll.u32 s4, $0x1;
	s1 =	sadd.s32 s17, s16  }
0x9f: {  	s5 =	simm.s32 $0x0;
	s18 =	sshll.u32 s3, $0x1;
	s3 =	sadd.s32 s19, s1  }
0xa0: {  	[timem:s5], [sflag:s20] =	dma.local [hbm:s3], s18  }
0xa1: {  	_ =	swait.ge [sflag:s20], s18  }
0xa2: {  	s2 =	ssub.s32 $0x0, s18;
	[sflag:s20] =	ssyncset.done $0x0  }
0xa3: {  	[sflag:s20] =	ssyncadd.s32 s2;
	_ =	sdelay $0x1  }
0xa4: {  	s21 =	simm.s32 $0x1B8B  }
0xa5: {  	_ =	swait.ge [sflag:s21], $0x1  }
0xa6: {  	[sflag:s21] =	ssyncset.done $0x0  }
0xa7: {  	s23 =	simm.s32 $0x1B8E;
	s22 =	sld [smem:$0x3FFE];
	[sflag:s21] =	ssyncadd.s32 $0xFFFFFFFF  }
0xa8: {  	s24 =	simm.s32 $execute0_lowered;
	[smem:$0x3FD2] =	sst s23  }
0xa9: {  	s3 =	sshll.u32 s24, $0x1;
	_ =	strace $0x80000046;
	[dreg:$0x1] =	wrdreg $0xFFFFFFFF  }
0xaa: {  	s25 =	simm.s32 $_size_execute0_lowered;
	s1 =	sadd.s32 s1, s3;
	[dreg:$0x0] =	wrdreg $0x0  }
0xab: {  	s3 =	sshll.u32 s25, $0x1;
	[dreg:$0x2] =	wrdreg s1  }
0xac: {  	[dreg:$0x3] =	wrdreg s3  }
0xad: {  	[dreg:$0x4] =	wrdreg $0xC0  }
0xae: {  	_ =	task [dreg:s5], $0x5FFFF  }
0xaf: {  	[dreg:$0x1] =	wrdreg $0xFFFFFFFF  }
0xb0: {  	[dreg:$0x0] =	wrdreg $0x60  }
0xb1: {  	[dreg:$0x2] =	wrdreg s14  }
0xb2: {  	[dreg:$0x3] =	wrdreg s22  }
0xb3: {  	[dreg:$0x4] =	wrdreg $0x9  }
0xb4: {  	_ =	task.clear_ibuf [dreg:s5], $0x5FFFF;
	_ =	strace $0x90000046  }
0xb5: {  	s26 =	simm.s32 $0x9;
	_ =	strace $0x80000048  }
0xb6: {  	_ =	swait.ge [sflag:s26], $0x1  }
0xb7: {  	[sflag:s26] =	ssyncadd.s32 $0xFFFFFFFF  }
0xb8: {  	_ =	strace $0x90000048  }
0xb9: {  	_ =	sfence  }
0xba: {  	s28 =	sld [smem:$0x0];
	_ =	sdelay $0x1  }
0xbb: {  	s29 =	srdreg.scid  }
0xbc: {  	s30 =	sshll.u32 s29, $0xD;
	s31 =	sshrl.u32 s29, $0x2  }
0xbd: {  	s2 =	sand.u32 $0x4000, s30;
	s1 =	sand.u32 $0x1, s29;
	s0 =	sadd.s32 s31, s28  }
0xbe: {  	s1 =	sor.u32 s2, s1;
	s0 =	sshll.u32 s0, $0x11  }
0xbf: {  	s0 =	sor.u32 s0, s1  }
0xc0: {  	s0 =	sadd.s32 $0x8F2B, s0  }
0xc1: {  	[sflag:s0] =	ssyncadd.remote.s32 $0x1  }
0xc2: {  	_ =	sfence.sel $0xFFFF  }
0xc3: {  	[dreg:$0x0] =	wrdreg $0xFFFFFFFF;
	(pc) =	sbr.abs _section_cstart, $3  }
0xc4: {  	[dreg:$0x1] =	wrdreg $0xFFFFFFFF  }
0xc5: {  	_ =	task.clear_ibuf [dreg:s5], $0x2FFFF;
	_ =	strace $0x9FFFFFFF  }
0xc6: {  	(tm) =	ssettm $0x7FFFFFFF  }
0xc7: {  	_ =	shalt  }
tec
execute0_lowered:
.L_overlay_start_1:
0x0: {  	(tag) =	ssettag $0x1  }
0x1: {  	s2 =	rddreg [dreg:$0x0]  }
0x2: {  	s3 =	rddreg [dreg:$0x1]  }
0x3: {  	s0 =	rddreg [dreg:$0x2];
	_ =	strace $0x80000047;
	s4 =	simm.s32 $0x1  }
0x4: {  	s1 =	stileid.u32;
	s7 =	simm.s32 $0x1;
	s8 =	simm.s32 $0x1  }
0x5: {  	s6 =	simm.s32 $0x2;
	s9 =	simm.s32 $0x3;
	s10 =	simm.s32 $0x0  }
.Ltmp0:
0x6: {  	s13 =	simm.s32 $0x0;
	p0 =	slt.u32 s1, $0xA;
	(pc) =	sbr.rel .LBB2_1-.Ltmp0, $4  }
0x7: {  	[sflag:s4] =	ssyncpa.u1 $0x0;
	s7 =	simm.s32 @!p0 $0x0;
	p0 =	sne.s32 s1, $0x9  }
0x8: {  	s5 =	smul.u32 $0xF0, s1;
	[sflag:s6] =	ssyncpa.u1 $0x0;
	s8 =	simm.s32 @!p0 $0x0  }
0x9: {  	s12 =	simm.s32 $0x0;
	[sflag:s9] =	ssyncpa.u1 $0x0;
	s7 =	sadd.s32 s8, s7  }
0xa: {  	vm0 =	vmmov $0xffff;
	s11 =	smov.u32 s5;
	s8 =	sadd.s32 $0x2800, s3;
	s9 =	sadd.s32 $0x1, s7  }
.LBB2_4:
0xb: {  	v2 =	vnsel vm1, $0x0, v2  }
0xc: {  	vm1 =	vgt.s32 v0, $0x0;
	v2 =	vmin.u32 v2, $0x57FF  }
0xd: {  	v0 =	vnsel vm1, $0x0, v0  }
0xe: {  	v0 =	vmin.u32 v0, $0x57FF  }
0xf: {  	[tilespmem:s18], [sflag:$0x1] =	stream.indirect_vreg.gather [hbm4b:s2+s10], $0x1, v1, vm0, $0x4038;
	[tilespmem:$0x3C0] =	vst v63  }
0x10: {  	(ifvalue) =	ssetifvalue $0x7FFFFFFF  }
0x11: {  	[tilespmem:s15], [sflag:$0x1] =	stream.indirect_vreg.gather [hbm4b:s2+s10], $0x1, v2, vm0, $0x4038;
	[tilespmem:$0x3C0] =	vst v63  }
0x12: {  	s29 =	sadd.s32 $0x10, s15;
	(ifvalue) =	ssetifvalue $0x7FFFFFFF  }
0x13: {  	[tilespmem:s29], [sflag:$0x1] =	stream.indirect_vreg.gather [hbm4b:s2+s10], $0x1, v0, vm0, $0x4038;
	[tilespmem:$0x3C0] =	vst v63  }
0x14: {  	_ =	swait.ge [sflag:s4], $0xF0  }
0x15: {  	s30 =	sshrl.u32 s13, $0x3;
	[sflag:s4] =	ssyncset.done $0x0  }
0x16: {  	s31 =	sand.u32 $0x7, s13;
	s15 =	sadd.s32 s8, s30;
	[sflag:s4] =	ssyncadd.s32 $0xFFFFFF10  }
0x17: {  	[hbm4b:s15+s31] =	stream.linear.scatter [tilespmem:s14], [sflag:$0x3], $0xF0, $0x38;
	[tilespmem:$0x3C0] =	vst v63  }
.LBB2_5:
0x18: {  	s15 =	sadd.s32 $0xF00, s11  }
0x19: {  	p1 =	sgt.s32 s15, $0x176F  }
0x1a: {  	s15 =	smov.u32 @p1 s5;
	p1 =	sne.s32 s12, s9  }
.Ltmp1:
0x1b: {  	p0 =	slt.u32 s12, $0x2;
	(pc) =	sbr.rel @!p1 .LBB2_6-.Ltmp1, $4  }
0x1c: {  	s14 =	simm.s32 @!p0 $0x3  }
0x1d: {  	_ =	swait.ge @!p0 [sflag:s14], $0xF0  }
0x1e: {  	s16 =	sadd.s32 $0x1, s12;
	s13 =	smov.u32 s11;
	[sflag:s14] =	ssyncset.done @!p0 $0x0  }
0x1f: {  	s12 =	smov.u32 s16;
	s11 =	smov.u32 s15;
	[sflag:s14] =	ssyncadd.s32 @!p0 $0xFFFFFF10  }
.LBB2_1:
0x20: {  	p0 =	sge.u32 s12, s7  }
0x21: {  	s14 =	sxor.u32 @!p0 $0x1, s12  }
0x22: {  	s14 =	smul.u32 @!p0 $0x3C0, s14  }
0x23: {  	s31 =	sadd.s32 $0xFFFFFFFF, s12;
	s15 =	sshrl.u32 @!p0 s11, $0x3  }
0x24: {  	s16 =	sand.u32 @!p0 $0x7, s11;
	s15 =	sadd.s32 @!p0 s3, s15;
	s14 =	sshra.s32 @!p0 s14, $0x2  }
0x25: {  	[tilespmem:s14], [sflag:$0x2] =	stream.linear.gather @!p0 [hbm4b:s15+s16], $0xF0, $0x38;
	[tilespmem:$0x3C0] =	vst v63  }
0x26: {  	p0 =	sge.u32 s31, s7  }
.Ltmp2:
0x27: {  	_ = 	snop;
	(pc) =	sbr.rel @p0 .LBB2_5-.Ltmp2, $1  }
0x28: {  	_ =	sdelay $0x3  }
0x29: {  	s14 =	sand.u32 $0x1, s12  }
0x2a: {  	_ =	swait.ge [sflag:s6], $0xF0;
	p0 =	seq.s32 s14, $0x1;
	s14 =	simm.s32 $0xF0  }
0x2b: {  	[sflag:s6] =	ssyncset.done $0x0;
	s14 =	simm.s32 @!p0 $0x0  }
0x2c: {  	[sflag:s6] =	ssyncadd.s32 $0xFFFFFF10;
	(ifvalue) =	ssetifvalue $0x7FFFFFFF;
	v0 =	vld.msk [tilespmem:s14+$0x0 ss:$0x1], $0xffff;
	_ =	sdelay $0x4  }
0x2d: {  	s15 =	sadd.s32 $0x10, s14;
	vm1 =	vgt.s32 v0, $0x0  }
0x2e: {  	v2 =	vld.msk [tilespmem:s15+$0x0 ss:$0x1], $0xffff;
	v1 =	vnsel vm1, $0x0, v0  }
0x2f: {  	v1 =	vmin.u32 v1, $0x57FF;
	_ =	sdelay $0x2  }
0x30: {  	s17 =	simm.s32 $0x20;
	s14 =	sadd.s32 $0x1E0, s14;
	s16 =	sadd.s32 $0x10, s15  }
0x31: {  	s15 =	sadd.s32 $0x10, s14;
	s18 =	smov.u32 s14;
	v0 =	vld.msk [tilespmem:s16+$0x0 ss:$0x1], $0xffff;
	vm1 =	vgt.s32 v2, $0x0;
	(ifvalue) =	ssetifvalue $0x7FFFFFFF  }
.LBB2_3:
0x32: {  	[tilespmem:s18], [sflag:$0x1] =	stream.indirect_vreg.gather [hbm4b:s2+s10], $0x1, v1, vm0, $0x4038;
	[tilespmem:$0x3C0] =	vst v63  }
0x33: {  	s17 =	sadd.s32 $0x10, s17  }
0x34: {  	v2 =	vnsel vm1, $0x0, v2;
	p0 =	slt.u32 s17, $0xE0  }
.Ltmp3:
0x35: {  	s18 =	smov.u32 s15;
	v1 =	vmin.u32 v2, $0x57FF;
	(pc) =	sbr.rel @p0 .LBB2_3-.Ltmp3, $3  }
0x36: {  	_ =	sdelay $0x1  }
0x37: {  	s16 =	sadd.s32 $0x10, s16  }
0x38: {  	vm1 =	vgt.s32 v0, $0x0;
	s15 =	sadd.s32 $0x10, s15;
	v2 =	vmov v0;
	(ifvalue) =	ssetifvalue $0x7FFFFFFF;
	v0 =	vld.msk [tilespmem:s16+$0x0 ss:$0x1], $0xffff  }
.Ltmp4:
0x39: {  	_ = 	snop;
	(pc) =	sbr.rel .LBB2_4-.Ltmp4, $1  }
0x3a: {  	_ =	sdelay $0x3  }
.LBB2_6:
0x3b: {  	_ =	sfence.sel $0x180000  }
0x3c: {  	s2 =	simm.s32 $0x2;
	[bflag:$0x0] =	sbarrier.arrive $0xFFFF  }
0x3d: {  	s30 =	simm.s32 $0x3;
	[sflag:s2] =	ssyncpa.u1 $0x1  }
0x3e: {  	s31 =	simm.s32 $0x1;
	[sflag:s30] =	ssyncpa.u1 $0x1  }
0x3f: {  	[sflag:s31] =	ssyncpa.u1 $0x1  }
0x40: {  	p0 =	sne.s32 s1, $0x0;
	_ =	strace $0x90000047  }
0x41: {  	s0 =	sadd.s32 @!p0 $0x100000, s0;
	[bflag:$0x2] =	sbarrier.arrive $0xFFFF  }
0x42: {  	[sflag:s0] =	ssyncadd.tile.s32 @!p0 $0x1;
	_ =	shalt  }
.Lfunc_end2:
_tile_overlayer_lowered:
.L_overlay_start_2:
0x43: {  	(tag) =	ssettag $0x2  }
0x44: {  	s0 =	rddreg [dreg:$0x0];
	s2 =	stileid.u32  }
0x45: {  	s1 =	rddreg [dreg:$0x1];
	p0 =	sne.s32 s2, $0x0  }
0x46: {  	s3 =	rddreg [dreg:$0x2];
	[bflag:$0x3] =	sbarrier.arrive $0xFFFF;
	s2 =	simm.s32 @!p0 $0x1C01  }
0x47: {  	[timem:s3], [sflag:s2] =	dma.local @!p0 [hbm:s0], s1  }
0x48: {  	s0 =	simm.s32 @!p0 $0x1  }
0x49: {  	_ =	swait.ge @!p0 [sflag:s0], s1  }
0x4a: {  	s1 =	ssub.s32 @!p0 $0x0, s1;
	[sflag:s0] =	ssyncset.done @!p0 $0x0  }
0x4b: {  	[sflag:s0] =	ssyncadd.s32 @!p0 s1  }
0x4c: {  	[bflag:$0x3] =	sbarrier.arrive $0xFFFF  }
0x4d: {  	_ =	shalt  }

</sc_bundles>
